<compile_context>
chip_gen: v7x
topology: tpu7x:2x2x1
jax: 0.10.2.dev20260603
libtpu: 0.0.44.dev20260713+nightly
codegen_flags: <defaults>
</compile_context>

<pallas_src>
import functools

import jax
import jax.numpy as jnp
from jax import lax
from jax.experimental import pallas as pl
from jax.experimental.pallas import tpu as pltpu
from jax.experimental.pallas import tpu_sc as plsc

_H, _W, _C = 1080, 2160, 20
_PLANE = _H * _W
_B = 16384
_NC, _NS, _L = 2, 16, 16
_NW = _NC * _NS
_BPW = _B // _NW
_NG = _BPW // _L
_NB = 32
_NBATCH = _BPW // _NB
_CPB = 4 * _NB


def _floor_parts(v):
    i = v.astype(jnp.int32)
    f = i.astype(jnp.float32)
    adj = f > v
    return jnp.where(adj, i - 1, i), jnp.where(adj, f - 1.0, f)


def _sc_body(lon_hbm, lat_hbm, tab_hbm, out_hbm,
             lon_v, lat_v, idx_v, w_v, cols0, cols1, out_v, sem0, sem1):
    wid = lax.axis_index("s") * _NC + lax.axis_index("c")
    base = wid * _BPW

    pltpu.sync_copy(lon_hbm.at[pl.ds(base, _BPW)], lon_v)
    pltpu.sync_copy(lat_hbm.at[pl.ds(base, _BPW)], lat_v)

    def phase1(i, carry):
        lonv = lon_v[pl.ds(i * _L, _L)]
        latv = lat_v[pl.ds(i * _L, _L)]
        lonn = ((lonv + 180.0) / 360.0) * 2.0 - 1.0
        latn = ((latv + 90.0) / 180.0) * 2.0 - 1.0
        xh = (lonn + 1.0) / 2.0
        yh = 1.0 - (latn + 1.0) / 2.0
        xs = xh * float(_W) - 1.0
        ys = yh * float(_H) - 1.0
        xi, xf = _floor_parts(xs)
        yi, yf = _floor_parts(ys)
        dx = xs - xf
        dy = ys - yf
        xxp = jnp.minimum(xi + 1, _W - 1)
        yyp = jnp.minimum(yi + 1, _H - 1)
        xx = jnp.where(xi < 0, xi + _W, xi)
        yy = jnp.where(yi < 0, yi + _H, yi)
        r0 = yy * _W
        r1 = yyp * _W
        flats = (r0 + xx, r0 + xxp, r1 + xx, r1 + xxp)
        omdx = 1.0 - dx
        omdy = 1.0 - dy
        ws = (omdx * omdy, dx * omdy, omdx * dy, dx * dy)
        n = i // 2
        half = (i % 2) * _L
        for k in range(4):
            idx_v[n, pl.ds(k * _NB + half, _L)] = flats[k]
            w_v[pl.ds(n * _CPB + k * _NB + half, _L)] = ws[k]
        return carry

    lax.fori_loop(0, _NG, phase1, 0)

    def issue(n, buf, sem):
        idx = idx_v.at[n]
        for c in range(_C):
            pltpu.async_copy(tab_hbm.at[pl.ds(c * _PLANE, _PLANE)].at[idx],
                             buf.at[c], sem)

    def drain(buf, sem):
        pltpu.make_async_copy(out_hbm.at[:, pl.ds(0, _CPB)], buf, sem).wait()

    def compute(n, buf):
        wvecs = [[w_v[pl.ds(n * _CPB + k * _NB + h * _L, _L)]
                  for h in range(2)] for k in range(4)]
        for c in range(_C):
            for h in range(2):
                acc = wvecs[0][h] * buf[c, pl.ds(h * _L, _L)]
                for k in range(1, 4):
                    acc = acc + wvecs[k][h] * buf[c, pl.ds(k * _NB + h * _L, _L)]
                out_v[c, pl.ds(n * _NB + h * _L, _L)] = acc

    issue(0, cols0, sem0)
    issue(1, cols1, sem1)

    def pair(m, carry):
        for p in range(2):
            n = 2 * m + p
            buf = cols0 if p == 0 else cols1
            sem = sem0 if p == 0 else sem1
            drain(buf, sem)
            compute(n, buf)

            @pl.when(n + 2 < _NBATCH)
            def _():
                issue(n + 2, buf, sem)
        return carry

    lax.fori_loop(0, _NBATCH // 2, pair, 0)

    pltpu.sync_copy(out_v, out_hbm.at[:, pl.ds(base, _BPW)])


@jax.jit
def _sc_bilinear(lon, lat, table):
    mesh = plsc.VectorSubcoreMesh(core_axis_name="c", subcore_axis_name="s")
    fn = functools.partial(
        pl.kernel,
        mesh=mesh,
        out_type=jax.ShapeDtypeStruct((_C, _B), jnp.float32),
        scratch_types=[
            pltpu.VMEM((_BPW,), jnp.float32),
            pltpu.VMEM((_BPW,), jnp.float32),
            pltpu.VMEM((_NBATCH, _CPB), jnp.int32),
            pltpu.VMEM((4 * _BPW,), jnp.float32),
            pltpu.VMEM((_C, _CPB), jnp.float32),
            pltpu.VMEM((_C, _CPB), jnp.float32),
            pltpu.VMEM((_C, _BPW), jnp.float32),
            pltpu.SemaphoreType.DMA,
            pltpu.SemaphoreType.DMA,
        ],
    )(_sc_body)
    return fn(lon, lat, table)


def kernel(locs, raster):
    lon = locs[:, 0]
    lat = locs[:, 1]
    table = jnp.transpose(raster, (2, 0, 1)).reshape(-1)
    out_t = _sc_bilinear(lon, lat, table)
    return out_t.T

# --- scband reference (transcript-rebuilt; emitter-appended) ---
"""Pipeline reference for scband-bioclim-loc-enc-41214506172999 (READ-ONLY COPY).

The authoritative reference and input builder live on the scoring server;
editing this copy changes nothing except your own understanding.
"""

import jax, jax.numpy as jnp
import numpy as np

H, W, C = 1080, 2160, 20
B = 16384


def setup_inputs(seed: int = 0):
    key = jax.random.key(seed)
    k1, k2 = jax.random.split(key)
    u = jax.random.uniform(k1, (B, 2), dtype=jnp.float32)
    lon = u[:, 0] * 360.0 - 180.0   # degrees in [-180, 180)
    lat = u[:, 1] * 180.0 - 90.0    # degrees in [-90, 90)
    locs = jnp.stack([lon, lat], axis=1)
    raster = jax.random.normal(k2, (H, W, C), dtype=jnp.float32)
    return {"locs": locs, "raster": raster}


def _bilinear_interpolate(loc_ip, data):
    # loc_ip: [N, 2] in [-1, 1] as (x=lon, y=lat); data: [H, W, C]
    h, w, c = data.shape
    loc = (loc_ip + 1.0) / 2.0
    # latitude axis is flipped (+90 at top of raster)
    loc = loc.at[:, 1].set(1.0 - loc[:, 1])
    scale = jnp.array([w, h], dtype=loc.dtype)
    loc = loc * scale - 1.0
    loc_floor = jnp.floor(loc)
    loc_int = loc_floor.astype(jnp.int32)
    xx = loc_int[:, 0]
    yy = loc_int[:, 1]
    xx_plus = jnp.minimum(xx + 1, w - 1)
    yy_plus = jnp.minimum(yy + 1, h - 1)
    loc_delta = loc - loc_floor
    dx = loc_delta[:, 0:1]
    dy = loc_delta[:, 1:2]
    interp_val = (data[yy, xx, :] * (1.0 - dx) * (1.0 - dy)
                  + data[yy, xx_plus, :] * dx * (1.0 - dy)
                  + data[yy_plus, xx, :] * (1.0 - dx) * dy
                  + data[yy_plus, xx_plus, :] * dx * dy)
    return interp_val


def reference(locs, raster):
    # normalize degrees -> [-1, 1] (functional equivalent of the in-place ops)
    lat = (locs[:, 1] + 90.0) / 180.0
    lon = (locs[:, 0] + 180.0) / 360.0
    lon = lon * 2.0 - 1.0
    lat = lat * 2.0 - 1.0
    locs_n = jnp.stack([lon, lat], axis=1)
    return _bilinear_interpolate(locs_n, raster)

if __name__ == "__main__":
    import jax
    _d = setup_inputs()
    print(jax.jit(kernel)(*tuple(_d.values())))

</pallas_src>

<mosaic_0001>
#map = affine_map<(d0, d1) -> (0)>
#map1 = affine_map<(d0, d1) -> (0, 0)>
module attributes {stable_mosaic.version = 14 : i64} {
  func.func @_sc_body(%arg0: i32, %arg1: i32, %arg2: memref<16384xf32, #tpu.memory_space<hbm>>, %arg3: memref<16384xf32, #tpu.memory_space<hbm>>, %arg4: memref<46656000xf32, #tpu.memory_space<hbm>>, %arg5: memref<20x16384xf32, #tpu.memory_space<hbm>>, %arg6: memref<512xf32, #tpu.memory_space<vmem>>, %arg7: memref<512xf32, #tpu.memory_space<vmem>>, %arg8: memref<16x128xi32, #tpu.memory_space<vmem>>, %arg9: memref<2048xf32, #tpu.memory_space<vmem>>, %arg10: memref<20x128xf32, #tpu.memory_space<vmem>>, %arg11: memref<20x128xf32, #tpu.memory_space<vmem>>, %arg12: memref<20x512xf32, #tpu.memory_space<vmem>>, %arg13: memref<!tpu.dma_semaphore, #tpu.memory_space<semaphore_mem>>, %arg14: memref<!tpu.dma_semaphore, #tpu.memory_space<semaphore_mem>>) attributes {dimension_semantics = [#tpu.dimension_semantics<core_parallel>, #tpu.dimension_semantics<subcore_parallel>], iteration_bounds = array<i64: 2, 16>, scalar_prefetch = 0 : i64, scratch_operands = 9 : i64, tpu.core_type = #tpu.core_type<sc_vector_subcore>, window_params = [{transform_indices = #map}, {transform_indices = #map}, {transform_indices = #map}, {transform_indices = #map1}]} {
    %mul3A = arith.constant 2 : i32
    %mul3A_0 = arith.muli %arg1, %mul3A : i32
    %add3A = arith.addi %mul3A_0, %arg0 : i32
    %mul3A_1 = arith.constant 512 : i32
    %mul3A_2 = arith.muli %add3A, %mul3A_1 : i32
    "tpu.region"() ({
      %run_scoped3A = tpu.sem_alloc : memref<!tpu.dma_semaphore, #tpu.memory_space<semaphore_mem>>
      %dma_start3A_493 = tpu.memref_slice %arg2[%mul3A_2] : memref<16384xf32, #tpu.memory_space<hbm>> -> memref<512xf32, #tpu.memory_space<hbm>>
      %dma_start3A_494 = tpu.memref_slice %arg2[%mul3A_2] : memref<16384xf32, #tpu.memory_space<hbm>> -> memref<512xf32, #tpu.memory_space<hbm>>
      tpu.enqueue_dma source(%dma_start3A_494 : memref<512xf32, #tpu.memory_space<hbm>>) target(%arg6 : memref<512xf32, #tpu.memory_space<vmem>>) target_semaphore(%run_scoped3A : memref<!tpu.dma_semaphore, #tpu.memory_space<semaphore_mem>>)
      %dma_wait3A = tpu.memref_slice %arg2[%mul3A_2] : memref<16384xf32, #tpu.memory_space<hbm>> -> memref<512xf32, #tpu.memory_space<hbm>>
      %dma_wait3A_495 = tpu.memref_slice %arg2[%mul3A_2] : memref<16384xf32, #tpu.memory_space<hbm>> -> memref<512xf32, #tpu.memory_space<hbm>>
      tpu.wait_dma2 semaphore(%run_scoped3A : memref<!tpu.dma_semaphore, #tpu.memory_space<semaphore_mem>>) src(%dma_wait3A_495 : memref<512xf32, #tpu.memory_space<hbm>>) dst(%arg6 : memref<512xf32, #tpu.memory_space<vmem>>)
      tpu.yield
    }) : () -> ()
    "tpu.region"() ({
      %run_scoped3A = tpu.sem_alloc : memref<!tpu.dma_semaphore, #tpu.memory_space<semaphore_mem>>
      %dma_start3A_493 = tpu.memref_slice %arg3[%mul3A_2] : memref<16384xf32, #tpu.memory_space<hbm>> -> memref<512xf32, #tpu.memory_space<hbm>>
      %dma_start3A_494 = tpu.memref_slice %arg3[%mul3A_2] : memref<16384xf32, #tpu.memory_space<hbm>> -> memref<512xf32, #tpu.memory_space<hbm>>
      tpu.enqueue_dma source(%dma_start3A_494 : memref<512xf32, #tpu.memory_space<hbm>>) target(%arg7 : memref<512xf32, #tpu.memory_space<vmem>>) target_semaphore(%run_scoped3A : memref<!tpu.dma_semaphore, #tpu.memory_space<semaphore_mem>>)
      %dma_wait3A = tpu.memref_slice %arg3[%mul3A_2] : memref<16384xf32, #tpu.memory_space<hbm>> -> memref<512xf32, #tpu.memory_space<hbm>>
      %dma_wait3A_495 = tpu.memref_slice %arg3[%mul3A_2] : memref<16384xf32, #tpu.memory_space<hbm>> -> memref<512xf32, #tpu.memory_space<hbm>>
      tpu.wait_dma2 semaphore(%run_scoped3A : memref<!tpu.dma_semaphore, #tpu.memory_space<semaphore_mem>>) src(%dma_wait3A_495 : memref<512xf32, #tpu.memory_space<hbm>>) dst(%arg7 : memref<512xf32, #tpu.memory_space<vmem>>)
      tpu.yield
    }) : () -> ()
    %scan3A = arith.constant 0 : i32
    %scan3A_3 = arith.constant 0 : i32
    %scan3A_4 = arith.constant 32 : i32
    %scan3A_5 = arith.addi %scan3A_3, %scan3A_4 : i32
    %scan3A_6 = arith.constant 1 : i32
    scf.for %scan3A_493 = %scan3A_3 to %scan3A_5 step %scan3A_6  : i32 {
      %mul3A_494 = arith.constant 16 : i32
      %mul3A_495 = arith.muli %scan3A_493, %mul3A_494 : i32
      %get3A = arith.index_cast %mul3A_495 : i32 to index
      %get3A_496 = tpu.vector_load %arg6[%get3A] {strides = array<i32>} : memref<512xf32, #tpu.memory_space<vmem>>, vector<16xf32>,
      %get3A_497 = vector.shape_cast %get3A_496 : vector<16xf32> to vector<16xf32>
      %mul3A_498 = arith.constant 16 : i32
      %mul3A_499 = arith.muli %scan3A_493, %mul3A_498 : i32
      %get3A_500 = arith.index_cast %mul3A_499 : i32 to index
      %get3A_501 = tpu.vector_load %arg7[%get3A_500] {strides = array<i32>} : memref<512xf32, #tpu.memory_space<vmem>>, vector<16xf32>,
      %get3A_502 = vector.shape_cast %get3A_501 : vector<16xf32> to vector<16xf32>
      %add3A_503 = arith.constant 1.800000e+02 : f32
      %add3A_504 = vector.broadcast %add3A_503 : f32 to vector<16xf32>
      %add3A_505 = arith.addf %get3A_497, %add3A_504 : vector<16xf32>
      %div3A = arith.constant 3.600000e+02 : f32
      %div3A_506 = vector.broadcast %div3A : f32 to vector<16xf32>
      %div3A_507 = arith.divf %add3A_505, %div3A_506 : vector<16xf32>
      %mul3A_508 = arith.constant 2.000000e+00 : f32
      %mul3A_509 = vector.broadcast %mul3A_508 : f32 to vector<16xf32>
      %mul3A_510 = arith.mulf %div3A_507, %mul3A_509 : vector<16xf32>
      %sub3A = arith.constant 1.000000e+00 : f32
      %sub3A_511 = vector.broadcast %sub3A : f32 to vector<16xf32>
      %sub3A_512 = arith.subf %mul3A_510, %sub3A_511 : vector<16xf32>
      %add3A_513 = arith.constant 9.000000e+01 : f32
      %add3A_514 = vector.broadcast %add3A_513 : f32 to vector<16xf32>
      %add3A_515 = arith.addf %get3A_502, %add3A_514 : vector<16xf32>
      %div3A_516 = arith.constant 1.800000e+02 : f32
      %div3A_517 = vector.broadcast %div3A_516 : f32 to vector<16xf32>
      %div3A_518 = arith.divf %add3A_515, %div3A_517 : vector<16xf32>
      %mul3A_519 = arith.constant 2.000000e+00 : f32
      %mul3A_520 = vector.broadcast %mul3A_519 : f32 to vector<16xf32>
      %mul3A_521 = arith.mulf %div3A_518, %mul3A_520 : vector<16xf32>
      %sub3A_522 = arith.constant 1.000000e+00 : f32
      %sub3A_523 = vector.broadcast %sub3A_522 : f32 to vector<16xf32>
      %sub3A_524 = arith.subf %mul3A_521, %sub3A_523 : vector<16xf32>
      %add3A_525 = arith.constant 1.000000e+00 : f32
      %add3A_526 = vector.broadcast %add3A_525 : f32 to vector<16xf32>
      %add3A_527 = arith.addf %sub3A_512, %add3A_526 : vector<16xf32>
      %div3A_528 = arith.constant 2.000000e+00 : f32
      %div3A_529 = vector.broadcast %div3A_528 : f32 to vector<16xf32>
      %div3A_530 = arith.divf %add3A_527, %div3A_529 : vector<16xf32>
      %add3A_531 = arith.constant 1.000000e+00 : f32
      %add3A_532 = vector.broadcast %add3A_531 : f32 to vector<16xf32>
      %add3A_533 = arith.addf %sub3A_524, %add3A_532 : vector<16xf32>
      %div3A_534 = arith.constant 2.000000e+00 : f32
      %div3A_535 = vector.broadcast %div3A_534 : f32 to vector<16xf32>
      %div3A_536 = arith.divf %add3A_533, %div3A_535 : vector<16xf32>
      %sub3A_537 = arith.constant 1.000000e+00 : f32
      %sub3A_538 = vector.broadcast %sub3A_537 : f32 to vector<16xf32>
      %sub3A_539 = arith.subf %sub3A_538, %div3A_536 : vector<16xf32>
      %mul3A_540 = arith.constant 2.160000e+03 : f32
      %mul3A_541 = vector.broadcast %mul3A_540 : f32 to vector<16xf32>
      %mul3A_542 = arith.mulf %div3A_530, %mul3A_541 : vector<16xf32>
      %sub3A_543 = arith.constant 1.000000e+00 : f32
      %sub3A_544 = vector.broadcast %sub3A_543 : f32 to vector<16xf32>
      %sub3A_545 = arith.subf %mul3A_542, %sub3A_544 : vector<16xf32>
      %mul3A_546 = arith.constant 1.080000e+03 : f32
      %mul3A_547 = vector.broadcast %mul3A_546 : f32 to vector<16xf32>
      %mul3A_548 = arith.mulf %sub3A_539, %mul3A_547 : vector<16xf32>
      %sub3A_549 = arith.constant 1.000000e+00 : f32
      %sub3A_550 = vector.broadcast %sub3A_549 : f32 to vector<16xf32>
      %sub3A_551 = arith.subf %mul3A_548, %sub3A_550 : vector<16xf32>
      %convert_element_type3A = arith.fptosi %sub3A_545 : vector<16xf32> to vector<16xi32>
      %convert_element_type3A_552 = arith.sitofp %convert_element_type3A : vector<16xi32> to vector<16xf32>
      %gt3A = arith.cmpf ogt, %convert_element_type3A_552, %sub3A_545 : vector<16xf32>
      %sub3A_553 = arith.constant 1 : i32
      %sub3A_554 = vector.broadcast %sub3A_553 : i32 to vector<16xi32>
      %sub3A_555 = arith.subi %convert_element_type3A, %sub3A_554 : vector<16xi32>
      %select_n3A = arith.select %gt3A, %sub3A_555, %convert_element_type3A : vector<16xi1>, vector<16xi32>
      %sub3A_556 = arith.constant 1.000000e+00 : f32
      %sub3A_557 = vector.broadcast %sub3A_556 : f32 to vector<16xf32>
      %sub3A_558 = arith.subf %convert_element_type3A_552, %sub3A_557 : vector<16xf32>
      %select_n3A_559 = arith.select %gt3A, %sub3A_558, %convert_element_type3A_552 : vector<16xi1>, vector<16xf32>
      %convert_element_type3A_560 = arith.fptosi %sub3A_551 : vector<16xf32> to vector<16xi32>
      %convert_element_type3A_561 = arith.sitofp %convert_element_type3A_560 : vector<16xi32> to vector<16xf32>
      %gt3A_562 = arith.cmpf ogt, %convert_element_type3A_561, %sub3A_551 : vector<16xf32>
      %sub3A_563 = arith.constant 1 : i32
      %sub3A_564 = vector.broadcast %sub3A_563 : i32 to vector<16xi32>
      %sub3A_565 = arith.subi %convert_element_type3A_560, %sub3A_564 : vector<16xi32>
      %select_n3A_566 = arith.select %gt3A_562, %sub3A_565, %convert_element_type3A_560 : vector<16xi1>, vector<16xi32>
      %sub3A_567 = arith.constant 1.000000e+00 : f32
      %sub3A_568 = vector.broadcast %sub3A_567 : f32 to vector<16xf32>
      %sub3A_569 = arith.subf %convert_element_type3A_561, %sub3A_568 : vector<16xf32>
      %select_n3A_570 = arith.select %gt3A_562, %sub3A_569, %convert_element_type3A_561 : vector<16xi1>, vector<16xf32>
      %sub3A_571 = arith.subf %sub3A_545, %select_n3A_559 : vector<16xf32>
      %sub3A_572 = arith.subf %sub3A_551, %select_n3A_570 : vector<16xf32>
      %add3A_573 = arith.constant 1 : i32
      %add3A_574 = vector.broadcast %add3A_573 : i32 to vector<16xi32>
      %add3A_575 = arith.addi %select_n3A, %add3A_574 : vector<16xi32>
      %min3A = arith.constant 2159 : i32
      %min3A_576 = vector.broadcast %min3A : i32 to vector<16xi32>
      %min3A_577 = arith.minsi %add3A_575, %min3A_576 : vector<16xi32>
      %add3A_578 = arith.constant 1 : i32
      %add3A_579 = vector.broadcast %add3A_578 : i32 to vector<16xi32>
      %add3A_580 = arith.addi %select_n3A_566, %add3A_579 : vector<16xi32>
      %min3A_581 = arith.constant 1079 : i32
      %min3A_582 = vector.broadcast %min3A_581 : i32 to vector<16xi32>
      %min3A_583 = arith.minsi %add3A_580, %min3A_582 : vector<16xi32>
      %lt3A = arith.constant 0 : i32
      %lt3A_584 = vector.broadcast %lt3A : i32 to vector<16xi32>
      %lt3A_585 = arith.cmpi slt, %select_n3A, %lt3A_584 : vector<16xi32>
      %add3A_586 = arith.constant 2160 : i32
      %add3A_587 = vector.broadcast %add3A_586 : i32 to vector<16xi32>
      %add3A_588 = arith.addi %select_n3A, %add3A_587 : vector<16xi32>
      %select_n3A_589 = arith.select %lt3A_585, %add3A_588, %select_n3A : vector<16xi1>, vector<16xi32>
      %lt3A_590 = arith.constant 0 : i32
      %lt3A_591 = vector.broadcast %lt3A_590 : i32 to vector<16xi32>
      %lt3A_592 = arith.cmpi slt, %select_n3A_566, %lt3A_591 : vector<16xi32>
      %add3A_593 = arith.constant 1080 : i32
      %add3A_594 = vector.broadcast %add3A_593 : i32 to vector<16xi32>
      %add3A_595 = arith.addi %select_n3A_566, %add3A_594 : vector<16xi32>
      %select_n3A_596 = arith.select %lt3A_592, %add3A_595, %select_n3A_566 : vector<16xi1>, vector<16xi32>
      %mul3A_597 = arith.constant 2160 : i32
      %mul3A_598 = vector.broadcast %mul3A_597 : i32 to vector<16xi32>
      %mul3A_599 = arith.muli %select_n3A_596, %mul3A_598 : vector<16xi32>
      %mul3A_600 = arith.constant 2160 : i32
      %mul3A_601 = vector.broadcast %mul3A_600 : i32 to vector<16xi32>
      %mul3A_602 = arith.muli %min3A_583, %mul3A_601 : vector<16xi32>
      %add3A_603 = arith.addi %mul3A_599, %select_n3A_589 : vector<16xi32>
      %add3A_604 = arith.addi %mul3A_599, %min3A_577 : vector<16xi32>
      %add3A_605 = arith.addi %mul3A_602, %select_n3A_589 : vector<16xi32>
      %add3A_606 = arith.addi %mul3A_602, %min3A_577 : vector<16xi32>
      %sub3A_607 = arith.constant 1.000000e+00 : f32
      %sub3A_608 = vector.broadcast %sub3A_607 : f32 to vector<16xf32>
      %sub3A_609 = arith.subf %sub3A_608, %sub3A_571 : vector<16xf32>
      %sub3A_610 = arith.constant 1.000000e+00 : f32
      %sub3A_611 = vector.broadcast %sub3A_610 : f32 to vector<16xf32>
      %sub3A_612 = arith.subf %sub3A_611, %sub3A_572 : vector<16xf32>
      %mul3A_613 = arith.mulf %sub3A_609, %sub3A_612 : vector<16xf32>
      %mul3A_614 = arith.mulf %sub3A_571, %sub3A_612 : vector<16xf32>
      %mul3A_615 = arith.mulf %sub3A_609, %sub3A_572 : vector<16xf32>
      %mul3A_616 = arith.mulf %sub3A_571, %sub3A_572 : vector<16xf32>
      %jit3A = arith.constant 2 : i32
      %div3A_617 = arith.divsi %scan3A_493, %jit3A : i32
      %sign3A = arith.constant 0 : i32
      %sign3A_618 = arith.cmpi sgt, %scan3A_493, %sign3A : i32
      %sign3A_619 = arith.extui %sign3A_618 : i1 to i32
      %sign3A_620 = arith.constant 0 : i32
      %sign3A_621 = arith.cmpi slt, %scan3A_493, %sign3A_620 : i32
      %sign3A_622 = arith.extui %sign3A_621 : i1 to i32
      %sign3A_623 = arith.subi %sign3A_619, %sign3A_622 : i32
      %sign3A_624 = arith.constant 0 : i32
      %sign3A_625 = arith.cmpi sgt, %jit3A, %sign3A_624 : i32
      %sign3A_626 = arith.extui %sign3A_625 : i1 to i32
      %sign3A_627 = arith.constant 0 : i32
      %sign3A_628 = arith.cmpi slt, %jit3A, %sign3A_627 : i32
      %sign3A_629 = arith.extui %sign3A_628 : i1 to i32
      %sign3A_630 = arith.subi %sign3A_626, %sign3A_629 : i32
      %ne3A = arith.cmpi ne, %sign3A_623, %sign3A_630 : i32
      %rem3A = arith.remsi %scan3A_493, %jit3A : i32
      %ne3A_631 = arith.constant 0 : i32
      %ne3A_632 = arith.cmpi ne, %rem3A, %ne3A_631 : i32
      %and3A = arith.andi %ne3A, %ne3A_632 : i1
      %sub3A_633 = arith.constant 1 : i32
      %sub3A_634 = arith.subi %div3A_617, %sub3A_633 : i32
      %select_n3A_635 = arith.select %and3A, %sub3A_634, %div3A_617 : i32
      %jit3A_636 = arith.constant 2 : i32
      %eq3A = arith.constant 0 : i32
      %eq3A_637 = arith.cmpi eq, %jit3A_636, %eq3A : i32
      %jit3A_638 = arith.constant 1 : i32
      %select_n3A_639 = arith.select %eq3A_637, %jit3A_638, %jit3A_636 : i32
      %rem3A_640 = arith.remsi %scan3A_493, %select_n3A_639 : i32
      %ne3A_641 = arith.constant 0 : i32
      %ne3A_642 = arith.cmpi ne, %rem3A_640, %ne3A_641 : i32
      %lt3A_643 = arith.constant 0 : i32
      %lt3A_644 = arith.cmpi slt, %rem3A_640, %lt3A_643 : i32
      %lt3A_645 = arith.constant 0 : i32
      %lt3A_646 = arith.cmpi slt, %select_n3A_639, %lt3A_645 : i32
      %ne3A_647 = arith.xori %lt3A_644, %lt3A_646 : i1
      %and3A_648 = arith.andi %ne3A_647, %ne3A_642 : i1
      %add3A_649 = arith.addi %rem3A_640, %select_n3A_639 : i32
      %select_n3A_650 = arith.select %and3A_648, %add3A_649, %rem3A_640 : i32
      %mul3A_651 = arith.constant 16 : i32
      %mul3A_652 = arith.muli %select_n3A_650, %mul3A_651 : i32
      %add3A_653 = arith.constant 0 : i32
      %add3A_654 = arith.addi %add3A_653, %mul3A_652 : i32
      %swap3A = arith.index_cast %select_n3A_635 : i32 to index
      %swap3A_655 = arith.index_cast %add3A_654 : i32 to index
      %swap3A_656 = tpu.vector_load %arg8[%swap3A, %swap3A_655] {strides = array<i32>} : memref<16x128xi32, #tpu.memory_space<vmem>>, vector<1x16xi32>,
      %swap3A_657 = vector.shape_cast %swap3A_656 : vector<1x16xi32> to vector<16xi32>
      %swap3A_658 = vector.shape_cast %add3A_603 : vector<16xi32> to vector<1x16xi32>
      tpu.vector_store %arg8[%swap3A, %swap3A_655], %swap3A_658 {strides = array<i32>} : memref<16x128xi32, #tpu.memory_space<vmem>>, vector<1x16xi32>,
      %mul3A_659 = arith.constant 128 : i32
      %mul3A_660 = arith.muli %select_n3A_635, %mul3A_659 : i32
      %add3A_661 = arith.constant 0 : i32
      %add3A_662 = arith.addi %mul3A_660, %add3A_661 : i32
      %add3A_663 = arith.addi %add3A_662, %mul3A_652 : i32
      %swap3A_664 = arith.index_cast %add3A_663 : i32 to index
      %swap3A_665 = tpu.vector_load %arg9[%swap3A_664] {strides = array<i32>} : memref<2048xf32, #tpu.memory_space<vmem>>, vector<16xf32>,
      %swap3A_666 = vector.shape_cast %swap3A_665 : vector<16xf32> to vector<16xf32>
      %swap3A_667 = vector.shape_cast %mul3A_613 : vector<16xf32> to vector<16xf32>
      tpu.vector_store %arg9[%swap3A_664], %swap3A_667 {strides = array<i32>} : memref<2048xf32, #tpu.memory_space<vmem>>, vector<16xf32>,
      %add3A_668 = arith.constant 32 : i32
      %add3A_669 = arith.addi %add3A_668, %mul3A_652 : i32
      %swap3A_670 = arith.index_cast %select_n3A_635 : i32 to index
      %swap3A_671 = arith.index_cast %add3A_669 : i32 to index
      %swap3A_672 = tpu.vector_load %arg8[%swap3A_670, %swap3A_671] {strides = array<i32>} : memref<16x128xi32, #tpu.memory_space<vmem>>, vector<1x16xi32>,
      %swap3A_673 = vector.shape_cast %swap3A_672 : vector<1x16xi32> to vector<16xi32>
      %swap3A_674 = vector.shape_cast %add3A_604 : vector<16xi32> to vector<1x16xi32>
      tpu.vector_store %arg8[%swap3A_670, %swap3A_671], %swap3A_674 {strides = array<i32>} : memref<16x128xi32, #tpu.memory_space<vmem>>, vector<1x16xi32>,
      %mul3A_675 = arith.constant 128 : i32
      %mul3A_676 = arith.muli %select_n3A_635, %mul3A_675 : i32
      %add3A_677 = arith.constant 32 : i32
      %add3A_678 = arith.addi %mul3A_676, %add3A_677 : i32
      %add3A_679 = arith.addi %add3A_678, %mul3A_652 : i32
      %swap3A_680 = arith.index_cast %add3A_679 : i32 to index
      %swap3A_681 = tpu.vector_load %arg9[%swap3A_680] {strides = array<i32>} : memref<2048xf32, #tpu.memory_space<vmem>>, vector<16xf32>,
      %swap3A_682 = vector.shape_cast %swap3A_681 : vector<16xf32> to vector<16xf32>
      %swap3A_683 = vector.shape_cast %mul3A_614 : vector<16xf32> to vector<16xf32>
      tpu.vector_store %arg9[%swap3A_680], %swap3A_683 {strides = array<i32>} : memref<2048xf32, #tpu.memory_space<vmem>>, vector<16xf32>,
      %add3A_684 = arith.constant 64 : i32
      %add3A_685 = arith.addi %add3A_684, %mul3A_652 : i32
      %swap3A_686 = arith.index_cast %select_n3A_635 : i32 to index
      %swap3A_687 = arith.index_cast %add3A_685 : i32 to index
      %swap3A_688 = tpu.vector_load %arg8[%swap3A_686, %swap3A_687] {strides = array<i32>} : memref<16x128xi32, #tpu.memory_space<vmem>>, vector<1x16xi32>,
      %swap3A_689 = vector.shape_cast %swap3A_688 : vector<1x16xi32> to vector<16xi32>
      %swap3A_690 = vector.shape_cast %add3A_605 : vector<16xi32> to vector<1x16xi32>
      tpu.vector_store %arg8[%swap3A_686, %swap3A_687], %swap3A_690 {strides = array<i32>} : memref<16x128xi32, #tpu.memory_space<vmem>>, vector<1x16xi32>,
      %mul3A_691 = arith.constant 128 : i32
      %mul3A_692 = arith.muli %select_n3A_635, %mul3A_691 : i32
      %add3A_693 = arith.constant 64 : i32
      %add3A_694 = arith.addi %mul3A_692, %add3A_693 : i32
      %add3A_695 = arith.addi %add3A_694, %mul3A_652 : i32
      %swap3A_696 = arith.index_cast %add3A_695 : i32 to index
      %swap3A_697 = tpu.vector_load %arg9[%swap3A_696] {strides = array<i32>} : memref<2048xf32, #tpu.memory_space<vmem>>, vector<16xf32>,
      %swap3A_698 = vector.shape_cast %swap3A_697 : vector<16xf32> to vector<16xf32>
      %swap3A_699 = vector.shape_cast %mul3A_615 : vector<16xf32> to vector<16xf32>
      tpu.vector_store %arg9[%swap3A_696], %swap3A_699 {strides = array<i32>} : memref<2048xf32, #tpu.memory_space<vmem>>, vector<16xf32>,
      %add3A_700 = arith.constant 96 : i32
      %add3A_701 = arith.addi %add3A_700, %mul3A_652 : i32
      %swap3A_702 = arith.index_cast %select_n3A_635 : i32 to index
      %swap3A_703 = arith.index_cast %add3A_701 : i32 to index
      %swap3A_704 = tpu.vector_load %arg8[%swap3A_702, %swap3A_703] {strides = array<i32>} : memref<16x128xi32, #tpu.memory_space<vmem>>, vector<1x16xi32>,
      %swap3A_705 = vector.shape_cast %swap3A_704 : vector<1x16xi32> to vector<16xi32>
      %swap3A_706 = vector.shape_cast %add3A_606 : vector<16xi32> to vector<1x16xi32>
      tpu.vector_store %arg8[%swap3A_702, %swap3A_703], %swap3A_706 {strides = array<i32>} : memref<16x128xi32, #tpu.memory_space<vmem>>, vector<1x16xi32>,
      %mul3A_707 = arith.constant 128 : i32
      %mul3A_708 = arith.muli %select_n3A_635, %mul3A_707 : i32
      %add3A_709 = arith.constant 96 : i32
      %add3A_710 = arith.addi %mul3A_708, %add3A_709 : i32
      %add3A_711 = arith.addi %add3A_710, %mul3A_652 : i32
      %swap3A_712 = arith.index_cast %add3A_711 : i32 to index
      %swap3A_713 = tpu.vector_load %arg9[%swap3A_712] {strides = array<i32>} : memref<2048xf32, #tpu.memory_space<vmem>>, vector<16xf32>,
      %swap3A_714 = vector.shape_cast %swap3A_713 : vector<16xf32> to vector<16xf32>
      %swap3A_715 = vector.shape_cast %mul3A_616 : vector<16xf32> to vector<16xf32>
      tpu.vector_store %arg9[%swap3A_712], %swap3A_715 {strides = array<i32>} : memref<2048xf32, #tpu.memory_space<vmem>>, vector<16xf32>,
    }
    %scan3A_7 = arith.constant 32 : i32
    %dma_start3A = arith.constant 0 : i32
    %dma_start3A_8 = arith.constant 0 : i32
    %dma_start3A_9 = arith.constant 0 : i32
    %dma_start3A_10 = tpu.memref_slice %arg10[%dma_start3A_8, %dma_start3A_9] : memref<20x128xf32, #tpu.memory_space<vmem>> -> memref<1x128xf32, #tpu.memory_space<vmem>>
    %dma_start3A_11 = tpu.memref_squeeze %dma_start3A_10 : memref<1x128xf32, #tpu.memory_space<vmem>> -> memref<128xf32, #tpu.memory_space<vmem>>
    %dma_start3A_12 = arith.constant 0 : i32
    %dma_start3A_13 = tpu.memref_slice %arg8[%dma_start3A, %dma_start3A_12] : memref<16x128xi32, #tpu.memory_space<vmem>> -> memref<1x128xi32, #tpu.memory_space<vmem>>
    %dma_start3A_14 = tpu.memref_squeeze %dma_start3A_13 : memref<1x128xi32, #tpu.memory_space<vmem>> -> memref<128xi32, #tpu.memory_space<vmem>>
    %dma_start3A_15 = arith.constant 0 : i32
    %dma_start3A_16 = tpu.memref_slice %arg4[%dma_start3A_15] : memref<46656000xf32, #tpu.memory_space<hbm>> -> memref<2332800xf32, #tpu.memory_space<hbm>>
    %dma_start3A_17 = arith.constant 0 : i32
    %dma_start3A_18 = tpu.memref_slice %dma_start3A_16[%dma_start3A_17] : memref<2332800xf32, #tpu.memory_space<hbm>> -> memref<2332800xf32, #tpu.memory_space<hbm>>
    tpu.enqueue_indirect_dma source(%dma_start3A_18 : memref<2332800xf32, #tpu.memory_space<hbm>>) target(%dma_start3A_11 : memref<128xf32, #tpu.memory_space<vmem>>) offsets(%dma_start3A_14 : memref<128xi32, #tpu.memory_space<vmem>>) semaphore(%arg13 : memref<!tpu.dma_semaphore, #tpu.memory_space<semaphore_mem>>)
    %dma_start3A_19 = arith.constant 0 : i32
    %dma_start3A_20 = arith.constant 1 : i32
    %dma_start3A_21 = arith.constant 0 : i32
    %dma_start3A_22 = tpu.memref_slice %arg10[%dma_start3A_20, %dma_start3A_21] : memref<20x128xf32, #tpu.memory_space<vmem>> -> memref<1x128xf32, #tpu.memory_space<vmem>>
    %dma_start3A_23 = tpu.memref_squeeze %dma_start3A_22 : memref<1x128xf32, #tpu.memory_space<vmem>> -> memref<128xf32, #tpu.memory_space<vmem>>
    %dma_start3A_24 = arith.constant 0 : i32
    %dma_start3A_25 = tpu.memref_slice %arg8[%dma_start3A_19, %dma_start3A_24] : memref<16x128xi32, #tpu.memory_space<vmem>> -> memref<1x128xi32, #tpu.memory_space<vmem>>
    %dma_start3A_26 = tpu.memref_squeeze %dma_start3A_25 : memref<1x128xi32, #tpu.memory_space<vmem>> -> memref<128xi32, #tpu.memory_space<vmem>>
    %dma_start3A_27 = arith.constant 2332800 : i32
    %dma_start3A_28 = tpu.memref_slice %arg4[%dma_start3A_27] : memref<46656000xf32, #tpu.memory_space<hbm>> -> memref<2332800xf32, #tpu.memory_space<hbm>>
    %dma_start3A_29 = arith.constant 0 : i32
    %dma_start3A_30 = tpu.memref_slice %dma_start3A_28[%dma_start3A_29] : memref<2332800xf32, #tpu.memory_space<hbm>> -> memref<2332800xf32, #tpu.memory_space<hbm>>
    tpu.enqueue_indirect_dma source(%dma_start3A_30 : memref<2332800xf32, #tpu.memory_space<hbm>>) target(%dma_start3A_23 : memref<128xf32, #tpu.memory_space<vmem>>) offsets(%dma_start3A_26 : memref<128xi32, #tpu.memory_space<vmem>>) semaphore(%arg13 : memref<!tpu.dma_semaphore, #tpu.memory_space<semaphore_mem>>)
    %dma_start3A_31 = arith.constant 0 : i32
    %dma_start3A_32 = arith.constant 2 : i32
    %dma_start3A_33 = arith.constant 0 : i32
    %dma_start3A_34 = tpu.memref_slice %arg10[%dma_start3A_32, %dma_start3A_33] : memref<20x128xf32, #tpu.memory_space<vmem>> -> memref<1x128xf32, #tpu.memory_space<vmem>>
    %dma_start3A_35 = tpu.memref_squeeze %dma_start3A_34 : memref<1x128xf32, #tpu.memory_space<vmem>> -> memref<128xf32, #tpu.memory_space<vmem>>
    %dma_start3A_36 = arith.constant 0 : i32
    %dma_start3A_37 = tpu.memref_slice %arg8[%dma_start3A_31, %dma_start3A_36] : memref<16x128xi32, #tpu.memory_space<vmem>> -> memref<1x128xi32, #tpu.memory_space<vmem>>
    %dma_start3A_38 = tpu.memref_squeeze %dma_start3A_37 : memref<1x128xi32, #tpu.memory_space<vmem>> -> memref<128xi32, #tpu.memory_space<vmem>>
    %dma_start3A_39 = arith.constant 4665600 : i32
    %dma_start3A_40 = tpu.memref_slice %arg4[%dma_start3A_39] : memref<46656000xf32, #tpu.memory_space<hbm>> -> memref<2332800xf32, #tpu.memory_space<hbm>>
    %dma_start3A_41 = arith.constant 0 : i32
    %dma_start3A_42 = tpu.memref_slice %dma_start3A_40[%dma_start3A_41] : memref<2332800xf32, #tpu.memory_space<hbm>> -> memref<2332800xf32, #tpu.memory_space<hbm>>
    tpu.enqueue_indirect_dma source(%dma_start3A_42 : memref<2332800xf32, #tpu.memory_space<hbm>>) target(%dma_start3A_35 : memref<128xf32, #tpu.memory_space<vmem>>) offsets(%dma_start3A_38 : memref<128xi32, #tpu.memory_space<vmem>>) semaphore(%arg13 : memref<!tpu.dma_semaphore, #tpu.memory_space<semaphore_mem>>)
    %dma_start3A_43 = arith.constant 0 : i32
    %dma_start3A_44 = arith.constant 3 : i32
    %dma_start3A_45 = arith.constant 0 : i32
    %dma_start3A_46 = tpu.memref_slice %arg10[%dma_start3A_44, %dma_start3A_45] : memref<20x128xf32, #tpu.memory_space<vmem>> -> memref<1x128xf32, #tpu.memory_space<vmem>>
    %dma_start3A_47 = tpu.memref_squeeze %dma_start3A_46 : memref<1x128xf32, #tpu.memory_space<vmem>> -> memref<128xf32, #tpu.memory_space<vmem>>
    %dma_start3A_48 = arith.constant 0 : i32
    %dma_start3A_49 = tpu.memref_slice %arg8[%dma_start3A_43, %dma_start3A_48] : memref<16x128xi32, #tpu.memory_space<vmem>> -> memref<1x128xi32, #tpu.memory_space<vmem>>
    %dma_start3A_50 = tpu.memref_squeeze %dma_start3A_49 : memref<1x128xi32, #tpu.memory_space<vmem>> -> memref<128xi32, #tpu.memory_space<vmem>>
    %dma_start3A_51 = arith.constant 6998400 : i32
    %dma_start3A_52 = tpu.memref_slice %arg4[%dma_start3A_51] : memref<46656000xf32, #tpu.memory_space<hbm>> -> memref<2332800xf32, #tpu.memory_space<hbm>>
    %dma_start3A_53 = arith.constant 0 : i32
    %dma_start3A_54 = tpu.memref_slice %dma_start3A_52[%dma_start3A_53] : memref<2332800xf32, #tpu.memory_space<hbm>> -> memref<2332800xf32, #tpu.memory_space<hbm>>
    tpu.enqueue_indirect_dma source(%dma_start3A_54 : memref<2332800xf32, #tpu.memory_space<hbm>>) target(%dma_start3A_47 : memref<128xf32, #tpu.memory_space<vmem>>) offsets(%dma_start3A_50 : memref<128xi32, #tpu.memory_space<vmem>>) semaphore(%arg13 : memref<!tpu.dma_semaphore, #tpu.memory_space<semaphore_mem>>)
    %dma_start3A_55 = arith.constant 0 : i32
    %dma_start3A_56 = arith.constant 4 : i32
    %dma_start3A_57 = arith.constant 0 : i32
    %dma_start3A_58 = tpu.memref_slice %arg10[%dma_start3A_56, %dma_start3A_57] : memref<20x128xf32, #tpu.memory_space<vmem>> -> memref<1x128xf32, #tpu.memory_space<vmem>>
    %dma_start3A_59 = tpu.memref_squeeze %dma_start3A_58 : memref<1x128xf32, #tpu.memory_space<vmem>> -> memref<128xf32, #tpu.memory_space<vmem>>
    %dma_start3A_60 = arith.constant 0 : i32
    %dma_start3A_61 = tpu.memref_slice %arg8[%dma_start3A_55, %dma_start3A_60] : memref<16x128xi32, #tpu.memory_space<vmem>> -> memref<1x128xi32, #tpu.memory_space<vmem>>
    %dma_start3A_62 = tpu.memref_squeeze %dma_start3A_61 : memref<1x128xi32, #tpu.memory_space<vmem>> -> memref<128xi32, #tpu.memory_space<vmem>>
    %dma_start3A_63 = arith.constant 9331200 : i32
    %dma_start3A_64 = tpu.memref_slice %arg4[%dma_start3A_63] : memref<46656000xf32, #tpu.memory_space<hbm>> -> memref<2332800xf32, #tpu.memory_space<hbm>>
    %dma_start3A_65 = arith.constant 0 : i32
    %dma_start3A_66 = tpu.memref_slice %dma_start3A_64[%dma_start3A_65] : memref<2332800xf32, #tpu.memory_space<hbm>> -> memref<2332800xf32, #tpu.memory_space<hbm>>
    tpu.enqueue_indirect_dma source(%dma_start3A_66 : memref<2332800xf32, #tpu.memory_space<hbm>>) target(%dma_start3A_59 : memref<128xf32, #tpu.memory_space<vmem>>) offsets(%dma_start3A_62 : memref<128xi32, #tpu.memory_space<vmem>>) semaphore(%arg13 : memref<!tpu.dma_semaphore, #tpu.memory_space<semaphore_mem>>)
    %dma_start3A_67 = arith.constant 0 : i32
    %dma_start3A_68 = arith.constant 5 : i32
    %dma_start3A_69 = arith.constant 0 : i32
    %dma_start3A_70 = tpu.memref_slice %arg10[%dma_start3A_68, %dma_start3A_69] : memref<20x128xf32, #tpu.memory_space<vmem>> -> memref<1x128xf32, #tpu.memory_space<vmem>>
    %dma_start3A_71 = tpu.memref_squeeze %dma_start3A_70 : memref<1x128xf32, #tpu.memory_space<vmem>> -> memref<128xf32, #tpu.memory_space<vmem>>
    %dma_start3A_72 = arith.constant 0 : i32
    %dma_start3A_73 = tpu.memref_slice %arg8[%dma_start3A_67, %dma_start3A_72] : memref<16x128xi32, #tpu.memory_space<vmem>> -> memref<1x128xi32, #tpu.memory_space<vmem>>
    %dma_start3A_74 = tpu.memref_squeeze %dma_start3A_73 : memref<1x128xi32, #tpu.memory_space<vmem>> -> memref<128xi32, #tpu.memory_space<vmem>>
    %dma_start3A_75 = arith.constant 11664000 : i32
    %dma_start3A_76 = tpu.memref_slice %arg4[%dma_start3A_75] : memref<46656000xf32, #tpu.memory_space<hbm>> -> memref<2332800xf32, #tpu.memory_space<hbm>>
    %dma_start3A_77 = arith.constant 0 : i32
    %dma_start3A_78 = tpu.memref_slice %dma_start3A_76[%dma_start3A_77] : memref<2332800xf32, #tpu.memory_space<hbm>> -> memref<2332800xf32, #tpu.memory_space<hbm>>
    tpu.enqueue_indirect_dma source(%dma_start3A_78 : memref<2332800xf32, #tpu.memory_space<hbm>>) target(%dma_start3A_71 : memref<128xf32, #tpu.memory_space<vmem>>) offsets(%dma_start3A_74 : memref<128xi32, #tpu.memory_space<vmem>>) semaphore(%arg13 : memref<!tpu.dma_semaphore, #tpu.memory_space<semaphore_mem>>)
    %dma_start3A_79 = arith.constant 0 : i32
    %dma_start3A_80 = arith.constant 6 : i32
    %dma_start3A_81 = arith.constant 0 : i32
    %dma_start3A_82 = tpu.memref_slice %arg10[%dma_start3A_80, %dma_start3A_81] : memref<20x128xf32, #tpu.memory_space<vmem>> -> memref<1x128xf32, #tpu.memory_space<vmem>>
    %dma_start3A_83 = tpu.memref_squeeze %dma_start3A_82 : memref<1x128xf32, #tpu.memory_space<vmem>> -> memref<128xf32, #tpu.memory_space<vmem>>
    %dma_start3A_84 = arith.constant 0 : i32
    %dma_start3A_85 = tpu.memref_slice %arg8[%dma_start3A_79, %dma_start3A_84] : memref<16x128xi32, #tpu.memory_space<vmem>> -> memref<1x128xi32, #tpu.memory_space<vmem>>
    %dma_start3A_86 = tpu.memref_squeeze %dma_start3A_85 : memref<1x128xi32, #tpu.memory_space<vmem>> -> memref<128xi32, #tpu.memory_space<vmem>>
    %dma_start3A_87 = arith.constant 13996800 : i32
    %dma_start3A_88 = tpu.memref_slice %arg4[%dma_start3A_87] : memref<46656000xf32, #tpu.memory_space<hbm>> -> memref<2332800xf32, #tpu.memory_space<hbm>>
    %dma_start3A_89 = arith.constant 0 : i32
    %dma_start3A_90 = tpu.memref_slice %dma_start3A_88[%dma_start3A_89] : memref<2332800xf32, #tpu.memory_space<hbm>> -> memref<2332800xf32, #tpu.memory_space<hbm>>
    tpu.enqueue_indirect_dma source(%dma_start3A_90 : memref<2332800xf32, #tpu.memory_space<hbm>>) target(%dma_start3A_83 : memref<128xf32, #tpu.memory_space<vmem>>) offsets(%dma_start3A_86 : memref<128xi32, #tpu.memory_space<vmem>>) semaphore(%arg13 : memref<!tpu.dma_semaphore, #tpu.memory_space<semaphore_mem>>)
    %dma_start3A_91 = arith.constant 0 : i32
    %dma_start3A_92 = arith.constant 7 : i32
    %dma_start3A_93 = arith.constant 0 : i32
    %dma_start3A_94 = tpu.memref_slice %arg10[%dma_start3A_92, %dma_start3A_93] : memref<20x128xf32, #tpu.memory_space<vmem>> -> memref<1x128xf32, #tpu.memory_space<vmem>>
    %dma_start3A_95 = tpu.memref_squeeze %dma_start3A_94 : memref<1x128xf32, #tpu.memory_space<vmem>> -> memref<128xf32, #tpu.memory_space<vmem>>
    %dma_start3A_96 = arith.constant 0 : i32
    %dma_start3A_97 = tpu.memref_slice %arg8[%dma_start3A_91, %dma_start3A_96] : memref<16x128xi32, #tpu.memory_space<vmem>> -> memref<1x128xi32, #tpu.memory_space<vmem>>
    %dma_start3A_98 = tpu.memref_squeeze %dma_start3A_97 : memref<1x128xi32, #tpu.memory_space<vmem>> -> memref<128xi32, #tpu.memory_space<vmem>>
    %dma_start3A_99 = arith.constant 16329600 : i32
    %dma_start3A_100 = tpu.memref_slice %arg4[%dma_start3A_99] : memref<46656000xf32, #tpu.memory_space<hbm>> -> memref<2332800xf32, #tpu.memory_space<hbm>>
    %dma_start3A_101 = arith.constant 0 : i32
    %dma_start3A_102 = tpu.memref_slice %dma_start3A_100[%dma_start3A_101] : memref<2332800xf32, #tpu.memory_space<hbm>> -> memref<2332800xf32, #tpu.memory_space<hbm>>
    tpu.enqueue_indirect_dma source(%dma_start3A_102 : memref<2332800xf32, #tpu.memory_space<hbm>>) target(%dma_start3A_95 : memref<128xf32, #tpu.memory_space<vmem>>) offsets(%dma_start3A_98 : memref<128xi32, #tpu.memory_space<vmem>>) semaphore(%arg13 : memref<!tpu.dma_semaphore, #tpu.memory_space<semaphore_mem>>)
    %dma_start3A_103 = arith.constant 0 : i32
    %dma_start3A_104 = arith.constant 8 : i32
    %dma_start3A_105 = arith.constant 0 : i32
    %dma_start3A_106 = tpu.memref_slice %arg10[%dma_start3A_104, %dma_start3A_105] : memref<20x128xf32, #tpu.memory_space<vmem>> -> memref<1x128xf32, #tpu.memory_space<vmem>>
    %dma_start3A_107 = tpu.memref_squeeze %dma_start3A_106 : memref<1x128xf32, #tpu.memory_space<vmem>> -> memref<128xf32, #tpu.memory_space<vmem>>
    %dma_start3A_108 = arith.constant 0 : i32
    %dma_start3A_109 = tpu.memref_slice %arg8[%dma_start3A_103, %dma_start3A_108] : memref<16x128xi32, #tpu.memory_space<vmem>> -> memref<1x128xi32, #tpu.memory_space<vmem>>
    %dma_start3A_110 = tpu.memref_squeeze %dma_start3A_109 : memref<1x128xi32, #tpu.memory_space<vmem>> -> memref<128xi32, #tpu.memory_space<vmem>>
    %dma_start3A_111 = arith.constant 18662400 : i32
    %dma_start3A_112 = tpu.memref_slice %arg4[%dma_start3A_111] : memref<46656000xf32, #tpu.memory_space<hbm>> -> memref<2332800xf32, #tpu.memory_space<hbm>>
    %dma_start3A_113 = arith.constant 0 : i32
    %dma_start3A_114 = tpu.memref_slice %dma_start3A_112[%dma_start3A_113] : memref<2332800xf32, #tpu.memory_space<hbm>> -> memref<2332800xf32, #tpu.memory_space<hbm>>
    tpu.enqueue_indirect_dma source(%dma_start3A_114 : memref<2332800xf32, #tpu.memory_space<hbm>>) target(%dma_start3A_107 : memref<128xf32, #tpu.memory_space<vmem>>) offsets(%dma_start3A_110 : memref<128xi32, #tpu.memory_space<vmem>>) semaphore(%arg13 : memref<!tpu.dma_semaphore, #tpu.memory_space<semaphore_mem>>)
    %dma_start3A_115 = arith.constant 0 : i32
    %dma_start3A_116 = arith.constant 9 : i32
    %dma_start3A_117 = arith.constant 0 : i32
    %dma_start3A_118 = tpu.memref_slice %arg10[%dma_start3A_116, %dma_start3A_117] : memref<20x128xf32, #tpu.memory_space<vmem>> -> memref<1x128xf32, #tpu.memory_space<vmem>>
    %dma_start3A_119 = tpu.memref_squeeze %dma_start3A_118 : memref<1x128xf32, #tpu.memory_space<vmem>> -> memref<128xf32, #tpu.memory_space<vmem>>
    %dma_start3A_120 = arith.constant 0 : i32
    %dma_start3A_121 = tpu.memref_slice %arg8[%dma_start3A_115, %dma_start3A_120] : memref<16x128xi32, #tpu.memory_space<vmem>> -> memref<1x128xi32, #tpu.memory_space<vmem>>
    %dma_start3A_122 = tpu.memref_squeeze %dma_start3A_121 : memref<1x128xi32, #tpu.memory_space<vmem>> -> memref<128xi32, #tpu.memory_space<vmem>>
    %dma_start3A_123 = arith.constant 20995200 : i32
    %dma_start3A_124 = tpu.memref_slice %arg4[%dma_start3A_123] : memref<46656000xf32, #tpu.memory_space<hbm>> -> memref<2332800xf32, #tpu.memory_space<hbm>>
    %dma_start3A_125 = arith.constant 0 : i32
    %dma_start3A_126 = tpu.memref_slice %dma_start3A_124[%dma_start3A_125] : memref<2332800xf32, #tpu.memory_space<hbm>> -> memref<2332800xf32, #tpu.memory_space<hbm>>
    tpu.enqueue_indirect_dma source(%dma_start3A_126 : memref<2332800xf32, #tpu.memory_space<hbm>>) target(%dma_start3A_119 : memref<128xf32, #tpu.memory_space<vmem>>) offsets(%dma_start3A_122 : memref<128xi32, #tpu.memory_space<vmem>>) semaphore(%arg13 : memref<!tpu.dma_semaphore, #tpu.memory_space<semaphore_mem>>)
    %dma_start3A_127 = arith.constant 0 : i32
    %dma_start3A_128 = arith.constant 10 : i32
    %dma_start3A_129 = arith.constant 0 : i32
    %dma_start3A_130 = tpu.memref_slice %arg10[%dma_start3A_128, %dma_start3A_129] : memref<20x128xf32, #tpu.memory_space<vmem>> -> memref<1x128xf32, #tpu.memory_space<vmem>>
    %dma_start3A_131 = tpu.memref_squeeze %dma_start3A_130 : memref<1x128xf32, #tpu.memory_space<vmem>> -> memref<128xf32, #tpu.memory_space<vmem>>
    %dma_start3A_132 = arith.constant 0 : i32
    %dma_start3A_133 = tpu.memref_slice %arg8[%dma_start3A_127, %dma_start3A_132] : memref<16x128xi32, #tpu.memory_space<vmem>> -> memref<1x128xi32, #tpu.memory_space<vmem>>
    %dma_start3A_134 = tpu.memref_squeeze %dma_start3A_133 : memref<1x128xi32, #tpu.memory_space<vmem>> -> memref<128xi32, #tpu.memory_space<vmem>>
    %dma_start3A_135 = arith.constant 23328000 : i32
    %dma_start3A_136 = tpu.memref_slice %arg4[%dma_start3A_135] : memref<46656000xf32, #tpu.memory_space<hbm>> -> memref<2332800xf32, #tpu.memory_space<hbm>>
    %dma_start3A_137 = arith.constant 0 : i32
    %dma_start3A_138 = tpu.memref_slice %dma_start3A_136[%dma_start3A_137] : memref<2332800xf32, #tpu.memory_space<hbm>> -> memref<2332800xf32, #tpu.memory_space<hbm>>
    tpu.enqueue_indirect_dma source(%dma_start3A_138 : memref<2332800xf32, #tpu.memory_space<hbm>>) target(%dma_start3A_131 : memref<128xf32, #tpu.memory_space<vmem>>) offsets(%dma_start3A_134 : memref<128xi32, #tpu.memory_space<vmem>>) semaphore(%arg13 : memref<!tpu.dma_semaphore, #tpu.memory_space<semaphore_mem>>)
    %dma_start3A_139 = arith.constant 0 : i32
    %dma_start3A_140 = arith.constant 11 : i32
    %dma_start3A_141 = arith.constant 0 : i32
    %dma_start3A_142 = tpu.memref_slice %arg10[%dma_start3A_140, %dma_start3A_141] : memref<20x128xf32, #tpu.memory_space<vmem>> -> memref<1x128xf32, #tpu.memory_space<vmem>>
    %dma_start3A_143 = tpu.memref_squeeze %dma_start3A_142 : memref<1x128xf32, #tpu.memory_space<vmem>> -> memref<128xf32, #tpu.memory_space<vmem>>
    %dma_start3A_144 = arith.constant 0 : i32
    %dma_start3A_145 = tpu.memref_slice %arg8[%dma_start3A_139, %dma_start3A_144] : memref<16x128xi32, #tpu.memory_space<vmem>> -> memref<1x128xi32, #tpu.memory_space<vmem>>
    %dma_start3A_146 = tpu.memref_squeeze %dma_start3A_145 : memref<1x128xi32, #tpu.memory_space<vmem>> -> memref<128xi32, #tpu.memory_space<vmem>>
    %dma_start3A_147 = arith.constant 25660800 : i32
    %dma_start3A_148 = tpu.memref_slice %arg4[%dma_start3A_147] : memref<46656000xf32, #tpu.memory_space<hbm>> -> memref<2332800xf32, #tpu.memory_space<hbm>>
    %dma_start3A_149 = arith.constant 0 : i32
    %dma_start3A_150 = tpu.memref_slice %dma_start3A_148[%dma_start3A_149] : memref<2332800xf32, #tpu.memory_space<hbm>> -> memref<2332800xf32, #tpu.memory_space<hbm>>
    tpu.enqueue_indirect_dma source(%dma_start3A_150 : memref<2332800xf32, #tpu.memory_space<hbm>>) target(%dma_start3A_143 : memref<128xf32, #tpu.memory_space<vmem>>) offsets(%dma_start3A_146 : memref<128xi32, #tpu.memory_space<vmem>>) semaphore(%arg13 : memref<!tpu.dma_semaphore, #tpu.memory_space<semaphore_mem>>)
    %dma_start3A_151 = arith.constant 0 : i32
    %dma_start3A_152 = arith.constant 12 : i32
    %dma_start3A_153 = arith.constant 0 : i32
    %dma_start3A_154 = tpu.memref_slice %arg10[%dma_start3A_152, %dma_start3A_153] : memref<20x128xf32, #tpu.memory_space<vmem>> -> memref<1x128xf32, #tpu.memory_space<vmem>>
    %dma_start3A_155 = tpu.memref_squeeze %dma_start3A_154 : memref<1x128xf32, #tpu.memory_space<vmem>> -> memref<128xf32, #tpu.memory_space<vmem>>
    %dma_start3A_156 = arith.constant 0 : i32
    %dma_start3A_157 = tpu.memref_slice %arg8[%dma_start3A_151, %dma_start3A_156] : memref<16x128xi32, #tpu.memory_space<vmem>> -> memref<1x128xi32, #tpu.memory_space<vmem>>
    %dma_start3A_158 = tpu.memref_squeeze %dma_start3A_157 : memref<1x128xi32, #tpu.memory_space<vmem>> -> memref<128xi32, #tpu.memory_space<vmem>>
    %dma_start3A_159 = arith.constant 27993600 : i32
    %dma_start3A_160 = tpu.memref_slice %arg4[%dma_start3A_159] : memref<46656000xf32, #tpu.memory_space<hbm>> -> memref<2332800xf32, #tpu.memory_space<hbm>>
    %dma_start3A_161 = arith.constant 0 : i32
    %dma_start3A_162 = tpu.memref_slice %dma_start3A_160[%dma_start3A_161] : memref<2332800xf32, #tpu.memory_space<hbm>> -> memref<2332800xf32, #tpu.memory_space<hbm>>
    tpu.enqueue_indirect_dma source(%dma_start3A_162 : memref<2332800xf32, #tpu.memory_space<hbm>>) target(%dma_start3A_155 : memref<128xf32, #tpu.memory_space<vmem>>) offsets(%dma_start3A_158 : memref<128xi32, #tpu.memory_space<vmem>>) semaphore(%arg13 : memref<!tpu.dma_semaphore, #tpu.memory_space<semaphore_mem>>)
    %dma_start3A_163 = arith.constant 0 : i32
    %dma_start3A_164 = arith.constant 13 : i32
    %dma_start3A_165 = arith.constant 0 : i32
    %dma_start3A_166 = tpu.memref_slice %arg10[%dma_start3A_164, %dma_start3A_165] : memref<20x128xf32, #tpu.memory_space<vmem>> -> memref<1x128xf32, #tpu.memory_space<vmem>>
    %dma_start3A_167 = tpu.memref_squeeze %dma_start3A_166 : memref<1x128xf32, #tpu.memory_space<vmem>> -> memref<128xf32, #tpu.memory_space<vmem>>
    %dma_start3A_168 = arith.constant 0 : i32
    %dma_start3A_169 = tpu.memref_slice %arg8[%dma_start3A_163, %dma_start3A_168] : memref<16x128xi32, #tpu.memory_space<vmem>> -> memref<1x128xi32, #tpu.memory_space<vmem>>
    %dma_start3A_170 = tpu.memref_squeeze %dma_start3A_169 : memref<1x128xi32, #tpu.memory_space<vmem>> -> memref<128xi32, #tpu.memory_space<vmem>>
    %dma_start3A_171 = arith.constant 30326400 : i32
    %dma_start3A_172 = tpu.memref_slice %arg4[%dma_start3A_171] : memref<46656000xf32, #tpu.memory_space<hbm>> -> memref<2332800xf32, #tpu.memory_space<hbm>>
    %dma_start3A_173 = arith.constant 0 : i32
    %dma_start3A_174 = tpu.memref_slice %dma_start3A_172[%dma_start3A_173] : memref<2332800xf32, #tpu.memory_space<hbm>> -> memref<2332800xf32, #tpu.memory_space<hbm>>
    tpu.enqueue_indirect_dma source(%dma_start3A_174 : memref<2332800xf32, #tpu.memory_space<hbm>>) target(%dma_start3A_167 : memref<128xf32, #tpu.memory_space<vmem>>) offsets(%dma_start3A_170 : memref<128xi32, #tpu.memory_space<vmem>>) semaphore(%arg13 : memref<!tpu.dma_semaphore, #tpu.memory_space<semaphore_mem>>)
    %dma_start3A_175 = arith.constant 0 : i32
    %dma_start3A_176 = arith.constant 14 : i32
    %dma_start3A_177 = arith.constant 0 : i32
    %dma_start3A_178 = tpu.memref_slice %arg10[%dma_start3A_176, %dma_start3A_177] : memref<20x128xf32, #tpu.memory_space<vmem>> -> memref<1x128xf32, #tpu.memory_space<vmem>>
    %dma_start3A_179 = tpu.memref_squeeze %dma_start3A_178 : memref<1x128xf32, #tpu.memory_space<vmem>> -> memref<128xf32, #tpu.memory_space<vmem>>
    %dma_start3A_180 = arith.constant 0 : i32
    %dma_start3A_181 = tpu.memref_slice %arg8[%dma_start3A_175, %dma_start3A_180] : memref<16x128xi32, #tpu.memory_space<vmem>> -> memref<1x128xi32, #tpu.memory_space<vmem>>
    %dma_start3A_182 = tpu.memref_squeeze %dma_start3A_181 : memref<1x128xi32, #tpu.memory_space<vmem>> -> memref<128xi32, #tpu.memory_space<vmem>>
    %dma_start3A_183 = arith.constant 32659200 : i32
    %dma_start3A_184 = tpu.memref_slice %arg4[%dma_start3A_183] : memref<46656000xf32, #tpu.memory_space<hbm>> -> memref<2332800xf32, #tpu.memory_space<hbm>>
    %dma_start3A_185 = arith.constant 0 : i32
    %dma_start3A_186 = tpu.memref_slice %dma_start3A_184[%dma_start3A_185] : memref<2332800xf32, #tpu.memory_space<hbm>> -> memref<2332800xf32, #tpu.memory_space<hbm>>
    tpu.enqueue_indirect_dma source(%dma_start3A_186 : memref<2332800xf32, #tpu.memory_space<hbm>>) target(%dma_start3A_179 : memref<128xf32, #tpu.memory_space<vmem>>) offsets(%dma_start3A_182 : memref<128xi32, #tpu.memory_space<vmem>>) semaphore(%arg13 : memref<!tpu.dma_semaphore, #tpu.memory_space<semaphore_mem>>)
    %dma_start3A_187 = arith.constant 0 : i32
    %dma_start3A_188 = arith.constant 15 : i32
    %dma_start3A_189 = arith.constant 0 : i32
    %dma_start3A_190 = tpu.memref_slice %arg10[%dma_start3A_188, %dma_start3A_189] : memref<20x128xf32, #tpu.memory_space<vmem>> -> memref<1x128xf32, #tpu.memory_space<vmem>>
    %dma_start3A_191 = tpu.memref_squeeze %dma_start3A_190 : memref<1x128xf32, #tpu.memory_space<vmem>> -> memref<128xf32, #tpu.memory_space<vmem>>
    %dma_start3A_192 = arith.constant 0 : i32
    %dma_start3A_193 = tpu.memref_slice %arg8[%dma_start3A_187, %dma_start3A_192] : memref<16x128xi32, #tpu.memory_space<vmem>> -> memref<1x128xi32, #tpu.memory_space<vmem>>
    %dma_start3A_194 = tpu.memref_squeeze %dma_start3A_193 : memref<1x128xi32, #tpu.memory_space<vmem>> -> memref<128xi32, #tpu.memory_space<vmem>>
    %dma_start3A_195 = arith.constant 34992000 : i32
    %dma_start3A_196 = tpu.memref_slice %arg4[%dma_start3A_195] : memref<46656000xf32, #tpu.memory_space<hbm>> -> memref<2332800xf32, #tpu.memory_space<hbm>>
    %dma_start3A_197 = arith.constant 0 : i32
    %dma_start3A_198 = tpu.memref_slice %dma_start3A_196[%dma_start3A_197] : memref<2332800xf32, #tpu.memory_space<hbm>> -> memref<2332800xf32, #tpu.memory_space<hbm>>
    tpu.enqueue_indirect_dma source(%dma_start3A_198 : memref<2332800xf32, #tpu.memory_space<hbm>>) target(%dma_start3A_191 : memref<128xf32, #tpu.memory_space<vmem>>) offsets(%dma_start3A_194 : memref<128xi32, #tpu.memory_space<vmem>>) semaphore(%arg13 : memref<!tpu.dma_semaphore, #tpu.memory_space<semaphore_mem>>)
    %dma_start3A_199 = arith.constant 0 : i32
    %dma_start3A_200 = arith.constant 16 : i32
    %dma_start3A_201 = arith.constant 0 : i32
    %dma_start3A_202 = tpu.memref_slice %arg10[%dma_start3A_200, %dma_start3A_201] : memref<20x128xf32, #tpu.memory_space<vmem>> -> memref<1x128xf32, #tpu.memory_space<vmem>>
    %dma_start3A_203 = tpu.memref_squeeze %dma_start3A_202 : memref<1x128xf32, #tpu.memory_space<vmem>> -> memref<128xf32, #tpu.memory_space<vmem>>
    %dma_start3A_204 = arith.constant 0 : i32
    %dma_start3A_205 = tpu.memref_slice %arg8[%dma_start3A_199, %dma_start3A_204] : memref<16x128xi32, #tpu.memory_space<vmem>> -> memref<1x128xi32, #tpu.memory_space<vmem>>
    %dma_start3A_206 = tpu.memref_squeeze %dma_start3A_205 : memref<1x128xi32, #tpu.memory_space<vmem>> -> memref<128xi32, #tpu.memory_space<vmem>>
    %dma_start3A_207 = arith.constant 37324800 : i32
    %dma_start3A_208 = tpu.memref_slice %arg4[%dma_start3A_207] : memref<46656000xf32, #tpu.memory_space<hbm>> -> memref<2332800xf32, #tpu.memory_space<hbm>>
    %dma_start3A_209 = arith.constant 0 : i32
    %dma_start3A_210 = tpu.memref_slice %dma_start3A_208[%dma_start3A_209] : memref<2332800xf32, #tpu.memory_space<hbm>> -> memref<2332800xf32, #tpu.memory_space<hbm>>
    tpu.enqueue_indirect_dma source(%dma_start3A_210 : memref<2332800xf32, #tpu.memory_space<hbm>>) target(%dma_start3A_203 : memref<128xf32, #tpu.memory_space<vmem>>) offsets(%dma_start3A_206 : memref<128xi32, #tpu.memory_space<vmem>>) semaphore(%arg13 : memref<!tpu.dma_semaphore, #tpu.memory_space<semaphore_mem>>)
    %dma_start3A_211 = arith.constant 0 : i32
    %dma_start3A_212 = arith.constant 17 : i32
    %dma_start3A_213 = arith.constant 0 : i32
    %dma_start3A_214 = tpu.memref_slice %arg10[%dma_start3A_212, %dma_start3A_213] : memref<20x128xf32, #tpu.memory_space<vmem>> -> memref<1x128xf32, #tpu.memory_space<vmem>>
    %dma_start3A_215 = tpu.memref_squeeze %dma_start3A_214 : memref<1x128xf32, #tpu.memory_space<vmem>> -> memref<128xf32, #tpu.memory_space<vmem>>
    %dma_start3A_216 = arith.constant 0 : i32
    %dma_start3A_217 = tpu.memref_slice %arg8[%dma_start3A_211, %dma_start3A_216] : memref<16x128xi32, #tpu.memory_space<vmem>> -> memref<1x128xi32, #tpu.memory_space<vmem>>
    %dma_start3A_218 = tpu.memref_squeeze %dma_start3A_217 : memref<1x128xi32, #tpu.memory_space<vmem>> -> memref<128xi32, #tpu.memory_space<vmem>>
    %dma_start3A_219 = arith.constant 39657600 : i32
    %dma_start3A_220 = tpu.memref_slice %arg4[%dma_start3A_219] : memref<46656000xf32, #tpu.memory_space<hbm>> -> memref<2332800xf32, #tpu.memory_space<hbm>>
    %dma_start3A_221 = arith.constant 0 : i32
    %dma_start3A_222 = tpu.memref_slice %dma_start3A_220[%dma_start3A_221] : memref<2332800xf32, #tpu.memory_space<hbm>> -> memref<2332800xf32, #tpu.memory_space<hbm>>
    tpu.enqueue_indirect_dma source(%dma_start3A_222 : memref<2332800xf32, #tpu.memory_space<hbm>>) target(%dma_start3A_215 : memref<128xf32, #tpu.memory_space<vmem>>) offsets(%dma_start3A_218 : memref<128xi32, #tpu.memory_space<vmem>>) semaphore(%arg13 : memref<!tpu.dma_semaphore, #tpu.memory_space<semaphore_mem>>)
    %dma_start3A_223 = arith.constant 0 : i32
    %dma_start3A_224 = arith.constant 18 : i32
    %dma_start3A_225 = arith.constant 0 : i32
    %dma_start3A_226 = tpu.memref_slice %arg10[%dma_start3A_224, %dma_start3A_225] : memref<20x128xf32, #tpu.memory_space<vmem>> -> memref<1x128xf32, #tpu.memory_space<vmem>>
    %dma_start3A_227 = tpu.memref_squeeze %dma_start3A_226 : memref<1x128xf32, #tpu.memory_space<vmem>> -> memref<128xf32, #tpu.memory_space<vmem>>
    %dma_start3A_228 = arith.constant 0 : i32
    %dma_start3A_229 = tpu.memref_slice %arg8[%dma_start3A_223, %dma_start3A_228] : memref<16x128xi32, #tpu.memory_space<vmem>> -> memref<1x128xi32, #tpu.memory_space<vmem>>
    %dma_start3A_230 = tpu.memref_squeeze %dma_start3A_229 : memref<1x128xi32, #tpu.memory_space<vmem>> -> memref<128xi32, #tpu.memory_space<vmem>>
    %dma_start3A_231 = arith.constant 41990400 : i32
    %dma_start3A_232 = tpu.memref_slice %arg4[%dma_start3A_231] : memref<46656000xf32, #tpu.memory_space<hbm>> -> memref<2332800xf32, #tpu.memory_space<hbm>>
    %dma_start3A_233 = arith.constant 0 : i32
    %dma_start3A_234 = tpu.memref_slice %dma_start3A_232[%dma_start3A_233] : memref<2332800xf32, #tpu.memory_space<hbm>> -> memref<2332800xf32, #tpu.memory_space<hbm>>
    tpu.enqueue_indirect_dma source(%dma_start3A_234 : memref<2332800xf32, #tpu.memory_space<hbm>>) target(%dma_start3A_227 : memref<128xf32, #tpu.memory_space<vmem>>) offsets(%dma_start3A_230 : memref<128xi32, #tpu.memory_space<vmem>>) semaphore(%arg13 : memref<!tpu.dma_semaphore, #tpu.memory_space<semaphore_mem>>)
    %dma_start3A_235 = arith.constant 0 : i32
    %dma_start3A_236 = arith.constant 19 : i32
    %dma_start3A_237 = arith.constant 0 : i32
    %dma_start3A_238 = tpu.memref_slice %arg10[%dma_start3A_236, %dma_start3A_237] : memref<20x128xf32, #tpu.memory_space<vmem>> -> memref<1x128xf32, #tpu.memory_space<vmem>>
    %dma_start3A_239 = tpu.memref_squeeze %dma_start3A_238 : memref<1x128xf32, #tpu.memory_space<vmem>> -> memref<128xf32, #tpu.memory_space<vmem>>
    %dma_start3A_240 = arith.constant 0 : i32
    %dma_start3A_241 = tpu.memref_slice %arg8[%dma_start3A_235, %dma_start3A_240] : memref<16x128xi32, #tpu.memory_space<vmem>> -> memref<1x128xi32, #tpu.memory_space<vmem>>
    %dma_start3A_242 = tpu.memref_squeeze %dma_start3A_241 : memref<1x128xi32, #tpu.memory_space<vmem>> -> memref<128xi32, #tpu.memory_space<vmem>>
    %dma_start3A_243 = arith.constant 44323200 : i32
    %dma_start3A_244 = tpu.memref_slice %arg4[%dma_start3A_243] : memref<46656000xf32, #tpu.memory_space<hbm>> -> memref<2332800xf32, #tpu.memory_space<hbm>>
    %dma_start3A_245 = arith.constant 0 : i32
    %dma_start3A_246 = tpu.memref_slice %dma_start3A_244[%dma_start3A_245] : memref<2332800xf32, #tpu.memory_space<hbm>> -> memref<2332800xf32, #tpu.memory_space<hbm>>
    tpu.enqueue_indirect_dma source(%dma_start3A_246 : memref<2332800xf32, #tpu.memory_space<hbm>>) target(%dma_start3A_239 : memref<128xf32, #tpu.memory_space<vmem>>) offsets(%dma_start3A_242 : memref<128xi32, #tpu.memory_space<vmem>>) semaphore(%arg13 : memref<!tpu.dma_semaphore, #tpu.memory_space<semaphore_mem>>)
    %dma_start3A_247 = arith.constant 1 : i32
    %dma_start3A_248 = arith.constant 0 : i32
    %dma_start3A_249 = arith.constant 0 : i32
    %dma_start3A_250 = tpu.memref_slice %arg11[%dma_start3A_248, %dma_start3A_249] : memref<20x128xf32, #tpu.memory_space<vmem>> -> memref<1x128xf32, #tpu.memory_space<vmem>>
    %dma_start3A_251 = tpu.memref_squeeze %dma_start3A_250 : memref<1x128xf32, #tpu.memory_space<vmem>> -> memref<128xf32, #tpu.memory_space<vmem>>
    %dma_start3A_252 = arith.constant 0 : i32
    %dma_start3A_253 = tpu.memref_slice %arg8[%dma_start3A_247, %dma_start3A_252] : memref<16x128xi32, #tpu.memory_space<vmem>> -> memref<1x128xi32, #tpu.memory_space<vmem>>
    %dma_start3A_254 = tpu.memref_squeeze %dma_start3A_253 : memref<1x128xi32, #tpu.memory_space<vmem>> -> memref<128xi32, #tpu.memory_space<vmem>>
    %dma_start3A_255 = arith.constant 0 : i32
    %dma_start3A_256 = tpu.memref_slice %arg4[%dma_start3A_255] : memref<46656000xf32, #tpu.memory_space<hbm>> -> memref<2332800xf32, #tpu.memory_space<hbm>>
    %dma_start3A_257 = arith.constant 0 : i32
    %dma_start3A_258 = tpu.memref_slice %dma_start3A_256[%dma_start3A_257] : memref<2332800xf32, #tpu.memory_space<hbm>> -> memref<2332800xf32, #tpu.memory_space<hbm>>
    tpu.enqueue_indirect_dma source(%dma_start3A_258 : memref<2332800xf32, #tpu.memory_space<hbm>>) target(%dma_start3A_251 : memref<128xf32, #tpu.memory_space<vmem>>) offsets(%dma_start3A_254 : memref<128xi32, #tpu.memory_space<vmem>>) semaphore(%arg14 : memref<!tpu.dma_semaphore, #tpu.memory_space<semaphore_mem>>)
    %dma_start3A_259 = arith.constant 1 : i32
    %dma_start3A_260 = arith.constant 1 : i32
    %dma_start3A_261 = arith.constant 0 : i32
    %dma_start3A_262 = tpu.memref_slice %arg11[%dma_start3A_260, %dma_start3A_261] : memref<20x128xf32, #tpu.memory_space<vmem>> -> memref<1x128xf32, #tpu.memory_space<vmem>>
    %dma_start3A_263 = tpu.memref_squeeze %dma_start3A_262 : memref<1x128xf32, #tpu.memory_space<vmem>> -> memref<128xf32, #tpu.memory_space<vmem>>
    %dma_start3A_264 = arith.constant 0 : i32
    %dma_start3A_265 = tpu.memref_slice %arg8[%dma_start3A_259, %dma_start3A_264] : memref<16x128xi32, #tpu.memory_space<vmem>> -> memref<1x128xi32, #tpu.memory_space<vmem>>
    %dma_start3A_266 = tpu.memref_squeeze %dma_start3A_265 : memref<1x128xi32, #tpu.memory_space<vmem>> -> memref<128xi32, #tpu.memory_space<vmem>>
    %dma_start3A_267 = arith.constant 2332800 : i32
    %dma_start3A_268 = tpu.memref_slice %arg4[%dma_start3A_267] : memref<46656000xf32, #tpu.memory_space<hbm>> -> memref<2332800xf32, #tpu.memory_space<hbm>>
    %dma_start3A_269 = arith.constant 0 : i32
    %dma_start3A_270 = tpu.memref_slice %dma_start3A_268[%dma_start3A_269] : memref<2332800xf32, #tpu.memory_space<hbm>> -> memref<2332800xf32, #tpu.memory_space<hbm>>
    tpu.enqueue_indirect_dma source(%dma_start3A_270 : memref<2332800xf32, #tpu.memory_space<hbm>>) target(%dma_start3A_263 : memref<128xf32, #tpu.memory_space<vmem>>) offsets(%dma_start3A_266 : memref<128xi32, #tpu.memory_space<vmem>>) semaphore(%arg14 : memref<!tpu.dma_semaphore, #tpu.memory_space<semaphore_mem>>)
    %dma_start3A_271 = arith.constant 1 : i32
    %dma_start3A_272 = arith.constant 2 : i32
    %dma_start3A_273 = arith.constant 0 : i32
    %dma_start3A_274 = tpu.memref_slice %arg11[%dma_start3A_272, %dma_start3A_273] : memref<20x128xf32, #tpu.memory_space<vmem>> -> memref<1x128xf32, #tpu.memory_space<vmem>>
    %dma_start3A_275 = tpu.memref_squeeze %dma_start3A_274 : memref<1x128xf32, #tpu.memory_space<vmem>> -> memref<128xf32, #tpu.memory_space<vmem>>
    %dma_start3A_276 = arith.constant 0 : i32
    %dma_start3A_277 = tpu.memref_slice %arg8[%dma_start3A_271, %dma_start3A_276] : memref<16x128xi32, #tpu.memory_space<vmem>> -> memref<1x128xi32, #tpu.memory_space<vmem>>
    %dma_start3A_278 = tpu.memref_squeeze %dma_start3A_277 : memref<1x128xi32, #tpu.memory_space<vmem>> -> memref<128xi32, #tpu.memory_space<vmem>>
    %dma_start3A_279 = arith.constant 4665600 : i32
    %dma_start3A_280 = tpu.memref_slice %arg4[%dma_start3A_279] : memref<46656000xf32, #tpu.memory_space<hbm>> -> memref<2332800xf32, #tpu.memory_space<hbm>>
    %dma_start3A_281 = arith.constant 0 : i32
    %dma_start3A_282 = tpu.memref_slice %dma_start3A_280[%dma_start3A_281] : memref<2332800xf32, #tpu.memory_space<hbm>> -> memref<2332800xf32, #tpu.memory_space<hbm>>
    tpu.enqueue_indirect_dma source(%dma_start3A_282 : memref<2332800xf32, #tpu.memory_space<hbm>>) target(%dma_start3A_275 : memref<128xf32, #tpu.memory_space<vmem>>) offsets(%dma_start3A_278 : memref<128xi32, #tpu.memory_space<vmem>>) semaphore(%arg14 : memref<!tpu.dma_semaphore, #tpu.memory_space<semaphore_mem>>)
    %dma_start3A_283 = arith.constant 1 : i32
    %dma_start3A_284 = arith.constant 3 : i32
    %dma_start3A_285 = arith.constant 0 : i32
    %dma_start3A_286 = tpu.memref_slice %arg11[%dma_start3A_284, %dma_start3A_285] : memref<20x128xf32, #tpu.memory_space<vmem>> -> memref<1x128xf32, #tpu.memory_space<vmem>>
    %dma_start3A_287 = tpu.memref_squeeze %dma_start3A_286 : memref<1x128xf32, #tpu.memory_space<vmem>> -> memref<128xf32, #tpu.memory_space<vmem>>
    %dma_start3A_288 = arith.constant 0 : i32
    %dma_start3A_289 = tpu.memref_slice %arg8[%dma_start3A_283, %dma_start3A_288] : memref<16x128xi32, #tpu.memory_space<vmem>> -> memref<1x128xi32, #tpu.memory_space<vmem>>
    %dma_start3A_290 = tpu.memref_squeeze %dma_start3A_289 : memref<1x128xi32, #tpu.memory_space<vmem>> -> memref<128xi32, #tpu.memory_space<vmem>>
    %dma_start3A_291 = arith.constant 6998400 : i32
    %dma_start3A_292 = tpu.memref_slice %arg4[%dma_start3A_291] : memref<46656000xf32, #tpu.memory_space<hbm>> -> memref<2332800xf32, #tpu.memory_space<hbm>>
    %dma_start3A_293 = arith.constant 0 : i32
    %dma_start3A_294 = tpu.memref_slice %dma_start3A_292[%dma_start3A_293] : memref<2332800xf32, #tpu.memory_space<hbm>> -> memref<2332800xf32, #tpu.memory_space<hbm>>
    tpu.enqueue_indirect_dma source(%dma_start3A_294 : memref<2332800xf32, #tpu.memory_space<hbm>>) target(%dma_start3A_287 : memref<128xf32, #tpu.memory_space<vmem>>) offsets(%dma_start3A_290 : memref<128xi32, #tpu.memory_space<vmem>>) semaphore(%arg14 : memref<!tpu.dma_semaphore, #tpu.memory_space<semaphore_mem>>)
    %dma_start3A_295 = arith.constant 1 : i32
    %dma_start3A_296 = arith.constant 4 : i32
    %dma_start3A_297 = arith.constant 0 : i32
    %dma_start3A_298 = tpu.memref_slice %arg11[%dma_start3A_296, %dma_start3A_297] : memref<20x128xf32, #tpu.memory_space<vmem>> -> memref<1x128xf32, #tpu.memory_space<vmem>>
    %dma_start3A_299 = tpu.memref_squeeze %dma_start3A_298 : memref<1x128xf32, #tpu.memory_space<vmem>> -> memref<128xf32, #tpu.memory_space<vmem>>
    %dma_start3A_300 = arith.constant 0 : i32
    %dma_start3A_301 = tpu.memref_slice %arg8[%dma_start3A_295, %dma_start3A_300] : memref<16x128xi32, #tpu.memory_space<vmem>> -> memref<1x128xi32, #tpu.memory_space<vmem>>
    %dma_start3A_302 = tpu.memref_squeeze %dma_start3A_301 : memref<1x128xi32, #tpu.memory_space<vmem>> -> memref<128xi32, #tpu.memory_space<vmem>>
    %dma_start3A_303 = arith.constant 9331200 : i32
    %dma_start3A_304 = tpu.memref_slice %arg4[%dma_start3A_303] : memref<46656000xf32, #tpu.memory_space<hbm>> -> memref<2332800xf32, #tpu.memory_space<hbm>>
    %dma_start3A_305 = arith.constant 0 : i32
    %dma_start3A_306 = tpu.memref_slice %dma_start3A_304[%dma_start3A_305] : memref<2332800xf32, #tpu.memory_space<hbm>> -> memref<2332800xf32, #tpu.memory_space<hbm>>
    tpu.enqueue_indirect_dma source(%dma_start3A_306 : memref<2332800xf32, #tpu.memory_space<hbm>>) target(%dma_start3A_299 : memref<128xf32, #tpu.memory_space<vmem>>) offsets(%dma_start3A_302 : memref<128xi32, #tpu.memory_space<vmem>>) semaphore(%arg14 : memref<!tpu.dma_semaphore, #tpu.memory_space<semaphore_mem>>)
    %dma_start3A_307 = arith.constant 1 : i32
    %dma_start3A_308 = arith.constant 5 : i32
    %dma_start3A_309 = arith.constant 0 : i32
    %dma_start3A_310 = tpu.memref_slice %arg11[%dma_start3A_308, %dma_start3A_309] : memref<20x128xf32, #tpu.memory_space<vmem>> -> memref<1x128xf32, #tpu.memory_space<vmem>>
    %dma_start3A_311 = tpu.memref_squeeze %dma_start3A_310 : memref<1x128xf32, #tpu.memory_space<vmem>> -> memref<128xf32, #tpu.memory_space<vmem>>
    %dma_start3A_312 = arith.constant 0 : i32
    %dma_start3A_313 = tpu.memref_slice %arg8[%dma_start3A_307, %dma_start3A_312] : memref<16x128xi32, #tpu.memory_space<vmem>> -> memref<1x128xi32, #tpu.memory_space<vmem>>
    %dma_start3A_314 = tpu.memref_squeeze %dma_start3A_313 : memref<1x128xi32, #tpu.memory_space<vmem>> -> memref<128xi32, #tpu.memory_space<vmem>>
    %dma_start3A_315 = arith.constant 11664000 : i32
    %dma_start3A_316 = tpu.memref_slice %arg4[%dma_start3A_315] : memref<46656000xf32, #tpu.memory_space<hbm>> -> memref<2332800xf32, #tpu.memory_space<hbm>>
    %dma_start3A_317 = arith.constant 0 : i32
    %dma_start3A_318 = tpu.memref_slice %dma_start3A_316[%dma_start3A_317] : memref<2332800xf32, #tpu.memory_space<hbm>> -> memref<2332800xf32, #tpu.memory_space<hbm>>
    tpu.enqueue_indirect_dma source(%dma_start3A_318 : memref<2332800xf32, #tpu.memory_space<hbm>>) target(%dma_start3A_311 : memref<128xf32, #tpu.memory_space<vmem>>) offsets(%dma_start3A_314 : memref<128xi32, #tpu.memory_space<vmem>>) semaphore(%arg14 : memref<!tpu.dma_semaphore, #tpu.memory_space<semaphore_mem>>)
    %dma_start3A_319 = arith.constant 1 : i32
    %dma_start3A_320 = arith.constant 6 : i32
    %dma_start3A_321 = arith.constant 0 : i32
    %dma_start3A_322 = tpu.memref_slice %arg11[%dma_start3A_320, %dma_start3A_321] : memref<20x128xf32, #tpu.memory_space<vmem>> -> memref<1x128xf32, #tpu.memory_space<vmem>>
    %dma_start3A_323 = tpu.memref_squeeze %dma_start3A_322 : memref<1x128xf32, #tpu.memory_space<vmem>> -> memref<128xf32, #tpu.memory_space<vmem>>
    %dma_start3A_324 = arith.constant 0 : i32
    %dma_start3A_325 = tpu.memref_slice %arg8[%dma_start3A_319, %dma_start3A_324] : memref<16x128xi32, #tpu.memory_space<vmem>> -> memref<1x128xi32, #tpu.memory_space<vmem>>
    %dma_start3A_326 = tpu.memref_squeeze %dma_start3A_325 : memref<1x128xi32, #tpu.memory_space<vmem>> -> memref<128xi32, #tpu.memory_space<vmem>>
    %dma_start3A_327 = arith.constant 13996800 : i32
    %dma_start3A_328 = tpu.memref_slice %arg4[%dma_start3A_327] : memref<46656000xf32, #tpu.memory_space<hbm>> -> memref<2332800xf32, #tpu.memory_space<hbm>>
    %dma_start3A_329 = arith.constant 0 : i32
    %dma_start3A_330 = tpu.memref_slice %dma_start3A_328[%dma_start3A_329] : memref<2332800xf32, #tpu.memory_space<hbm>> -> memref<2332800xf32, #tpu.memory_space<hbm>>
    tpu.enqueue_indirect_dma source(%dma_start3A_330 : memref<2332800xf32, #tpu.memory_space<hbm>>) target(%dma_start3A_323 : memref<128xf32, #tpu.memory_space<vmem>>) offsets(%dma_start3A_326 : memref<128xi32, #tpu.memory_space<vmem>>) semaphore(%arg14 : memref<!tpu.dma_semaphore, #tpu.memory_space<semaphore_mem>>)
    %dma_start3A_331 = arith.constant 1 : i32
    %dma_start3A_332 = arith.constant 7 : i32
    %dma_start3A_333 = arith.constant 0 : i32
    %dma_start3A_334 = tpu.memref_slice %arg11[%dma_start3A_332, %dma_start3A_333] : memref<20x128xf32, #tpu.memory_space<vmem>> -> memref<1x128xf32, #tpu.memory_space<vmem>>
    %dma_start3A_335 = tpu.memref_squeeze %dma_start3A_334 : memref<1x128xf32, #tpu.memory_space<vmem>> -> memref<128xf32, #tpu.memory_space<vmem>>
    %dma_start3A_336 = arith.constant 0 : i32
    %dma_start3A_337 = tpu.memref_slice %arg8[%dma_start3A_331, %dma_start3A_336] : memref<16x128xi32, #tpu.memory_space<vmem>> -> memref<1x128xi32, #tpu.memory_space<vmem>>
    %dma_start3A_338 = tpu.memref_squeeze %dma_start3A_337 : memref<1x128xi32, #tpu.memory_space<vmem>> -> memref<128xi32, #tpu.memory_space<vmem>>
    %dma_start3A_339 = arith.constant 16329600 : i32
    %dma_start3A_340 = tpu.memref_slice %arg4[%dma_start3A_339] : memref<46656000xf32, #tpu.memory_space<hbm>> -> memref<2332800xf32, #tpu.memory_space<hbm>>
    %dma_start3A_341 = arith.constant 0 : i32
    %dma_start3A_342 = tpu.memref_slice %dma_start3A_340[%dma_start3A_341] : memref<2332800xf32, #tpu.memory_space<hbm>> -> memref<2332800xf32, #tpu.memory_space<hbm>>
    tpu.enqueue_indirect_dma source(%dma_start3A_342 : memref<2332800xf32, #tpu.memory_space<hbm>>) target(%dma_start3A_335 : memref<128xf32, #tpu.memory_space<vmem>>) offsets(%dma_start3A_338 : memref<128xi32, #tpu.memory_space<vmem>>) semaphore(%arg14 : memref<!tpu.dma_semaphore, #tpu.memory_space<semaphore_mem>>)
    %dma_start3A_343 = arith.constant 1 : i32
    %dma_start3A_344 = arith.constant 8 : i32
    %dma_start3A_345 = arith.constant 0 : i32
    %dma_start3A_346 = tpu.memref_slice %arg11[%dma_start3A_344, %dma_start3A_345] : memref<20x128xf32, #tpu.memory_space<vmem>> -> memref<1x128xf32, #tpu.memory_space<vmem>>
    %dma_start3A_347 = tpu.memref_squeeze %dma_start3A_346 : memref<1x128xf32, #tpu.memory_space<vmem>> -> memref<128xf32, #tpu.memory_space<vmem>>
    %dma_start3A_348 = arith.constant 0 : i32
    %dma_start3A_349 = tpu.memref_slice %arg8[%dma_start3A_343, %dma_start3A_348] : memref<16x128xi32, #tpu.memory_space<vmem>> -> memref<1x128xi32, #tpu.memory_space<vmem>>
    %dma_start3A_350 = tpu.memref_squeeze %dma_start3A_349 : memref<1x128xi32, #tpu.memory_space<vmem>> -> memref<128xi32, #tpu.memory_space<vmem>>
    %dma_start3A_351 = arith.constant 18662400 : i32
    %dma_start3A_352 = tpu.memref_slice %arg4[%dma_start3A_351] : memref<46656000xf32, #tpu.memory_space<hbm>> -> memref<2332800xf32, #tpu.memory_space<hbm>>
    %dma_start3A_353 = arith.constant 0 : i32
    %dma_start3A_354 = tpu.memref_slice %dma_start3A_352[%dma_start3A_353] : memref<2332800xf32, #tpu.memory_space<hbm>> -> memref<2332800xf32, #tpu.memory_space<hbm>>
    tpu.enqueue_indirect_dma source(%dma_start3A_354 : memref<2332800xf32, #tpu.memory_space<hbm>>) target(%dma_start3A_347 : memref<128xf32, #tpu.memory_space<vmem>>) offsets(%dma_start3A_350 : memref<128xi32, #tpu.memory_space<vmem>>) semaphore(%arg14 : memref<!tpu.dma_semaphore, #tpu.memory_space<semaphore_mem>>)
    %dma_start3A_355 = arith.constant 1 : i32
    %dma_start3A_356 = arith.constant 9 : i32
    %dma_start3A_357 = arith.constant 0 : i32
    %dma_start3A_358 = tpu.memref_slice %arg11[%dma_start3A_356, %dma_start3A_357] : memref<20x128xf32, #tpu.memory_space<vmem>> -> memref<1x128xf32, #tpu.memory_space<vmem>>
    %dma_start3A_359 = tpu.memref_squeeze %dma_start3A_358 : memref<1x128xf32, #tpu.memory_space<vmem>> -> memref<128xf32, #tpu.memory_space<vmem>>
    %dma_start3A_360 = arith.constant 0 : i32
    %dma_start3A_361 = tpu.memref_slice %arg8[%dma_start3A_355, %dma_start3A_360] : memref<16x128xi32, #tpu.memory_space<vmem>> -> memref<1x128xi32, #tpu.memory_space<vmem>>
    %dma_start3A_362 = tpu.memref_squeeze %dma_start3A_361 : memref<1x128xi32, #tpu.memory_space<vmem>> -> memref<128xi32, #tpu.memory_space<vmem>>
    %dma_start3A_363 = arith.constant 20995200 : i32
    %dma_start3A_364 = tpu.memref_slice %arg4[%dma_start3A_363] : memref<46656000xf32, #tpu.memory_space<hbm>> -> memref<2332800xf32, #tpu.memory_space<hbm>>
    %dma_start3A_365 = arith.constant 0 : i32
    %dma_start3A_366 = tpu.memref_slice %dma_start3A_364[%dma_start3A_365] : memref<2332800xf32, #tpu.memory_space<hbm>> -> memref<2332800xf32, #tpu.memory_space<hbm>>
    tpu.enqueue_indirect_dma source(%dma_start3A_366 : memref<2332800xf32, #tpu.memory_space<hbm>>) target(%dma_start3A_359 : memref<128xf32, #tpu.memory_space<vmem>>) offsets(%dma_start3A_362 : memref<128xi32, #tpu.memory_space<vmem>>) semaphore(%arg14 : memref<!tpu.dma_semaphore, #tpu.memory_space<semaphore_mem>>)
    %dma_start3A_367 = arith.constant 1 : i32
    %dma_start3A_368 = arith.constant 10 : i32
    %dma_start3A_369 = arith.constant 0 : i32
    %dma_start3A_370 = tpu.memref_slice %arg11[%dma_start3A_368, %dma_start3A_369] : memref<20x128xf32, #tpu.memory_space<vmem>> -> memref<1x128xf32, #tpu.memory_space<vmem>>
    %dma_start3A_371 = tpu.memref_squeeze %dma_start3A_370 : memref<1x128xf32, #tpu.memory_space<vmem>> -> memref<128xf32, #tpu.memory_space<vmem>>
    %dma_start3A_372 = arith.constant 0 : i32
    %dma_start3A_373 = tpu.memref_slice %arg8[%dma_start3A_367, %dma_start3A_372] : memref<16x128xi32, #tpu.memory_space<vmem>> -> memref<1x128xi32, #tpu.memory_space<vmem>>
    %dma_start3A_374 = tpu.memref_squeeze %dma_start3A_373 : memref<1x128xi32, #tpu.memory_space<vmem>> -> memref<128xi32, #tpu.memory_space<vmem>>
    %dma_start3A_375 = arith.constant 23328000 : i32
    %dma_start3A_376 = tpu.memref_slice %arg4[%dma_start3A_375] : memref<46656000xf32, #tpu.memory_space<hbm>> -> memref<2332800xf32, #tpu.memory_space<hbm>>
    %dma_start3A_377 = arith.constant 0 : i32
    %dma_start3A_378 = tpu.memref_slice %dma_start3A_376[%dma_start3A_377] : memref<2332800xf32, #tpu.memory_space<hbm>> -> memref<2332800xf32, #tpu.memory_space<hbm>>
    tpu.enqueue_indirect_dma source(%dma_start3A_378 : memref<2332800xf32, #tpu.memory_space<hbm>>) target(%dma_start3A_371 : memref<128xf32, #tpu.memory_space<vmem>>) offsets(%dma_start3A_374 : memref<128xi32, #tpu.memory_space<vmem>>) semaphore(%arg14 : memref<!tpu.dma_semaphore, #tpu.memory_space<semaphore_mem>>)
    %dma_start3A_379 = arith.constant 1 : i32
    %dma_start3A_380 = arith.constant 11 : i32
    %dma_start3A_381 = arith.constant 0 : i32
    %dma_start3A_382 = tpu.memref_slice %arg11[%dma_start3A_380, %dma_start3A_381] : memref<20x128xf32, #tpu.memory_space<vmem>> -> memref<1x128xf32, #tpu.memory_space<vmem>>
    %dma_start3A_383 = tpu.memref_squeeze %dma_start3A_382 : memref<1x128xf32, #tpu.memory_space<vmem>> -> memref<128xf32, #tpu.memory_space<vmem>>
    %dma_start3A_384 = arith.constant 0 : i32
    %dma_start3A_385 = tpu.memref_slice %arg8[%dma_start3A_379, %dma_start3A_384] : memref<16x128xi32, #tpu.memory_space<vmem>> -> memref<1x128xi32, #tpu.memory_space<vmem>>
    %dma_start3A_386 = tpu.memref_squeeze %dma_start3A_385 : memref<1x128xi32, #tpu.memory_space<vmem>> -> memref<128xi32, #tpu.memory_space<vmem>>
    %dma_start3A_387 = arith.constant 25660800 : i32
    %dma_start3A_388 = tpu.memref_slice %arg4[%dma_start3A_387] : memref<46656000xf32, #tpu.memory_space<hbm>> -> memref<2332800xf32, #tpu.memory_space<hbm>>
    %dma_start3A_389 = arith.constant 0 : i32
    %dma_start3A_390 = tpu.memref_slice %dma_start3A_388[%dma_start3A_389] : memref<2332800xf32, #tpu.memory_space<hbm>> -> memref<2332800xf32, #tpu.memory_space<hbm>>
    tpu.enqueue_indirect_dma source(%dma_start3A_390 : memref<2332800xf32, #tpu.memory_space<hbm>>) target(%dma_start3A_383 : memref<128xf32, #tpu.memory_space<vmem>>) offsets(%dma_start3A_386 : memref<128xi32, #tpu.memory_space<vmem>>) semaphore(%arg14 : memref<!tpu.dma_semaphore, #tpu.memory_space<semaphore_mem>>)
    %dma_start3A_391 = arith.constant 1 : i32
    %dma_start3A_392 = arith.constant 12 : i32
    %dma_start3A_393 = arith.constant 0 : i32
    %dma_start3A_394 = tpu.memref_slice %arg11[%dma_start3A_392, %dma_start3A_393] : memref<20x128xf32, #tpu.memory_space<vmem>> -> memref<1x128xf32, #tpu.memory_space<vmem>>
    %dma_start3A_395 = tpu.memref_squeeze %dma_start3A_394 : memref<1x128xf32, #tpu.memory_space<vmem>> -> memref<128xf32, #tpu.memory_space<vmem>>
    %dma_start3A_396 = arith.constant 0 : i32
    %dma_start3A_397 = tpu.memref_slice %arg8[%dma_start3A_391, %dma_start3A_396] : memref<16x128xi32, #tpu.memory_space<vmem>> -> memref<1x128xi32, #tpu.memory_space<vmem>>
    %dma_start3A_398 = tpu.memref_squeeze %dma_start3A_397 : memref<1x128xi32, #tpu.memory_space<vmem>> -> memref<128xi32, #tpu.memory_space<vmem>>
    %dma_start3A_399 = arith.constant 27993600 : i32
    %dma_start3A_400 = tpu.memref_slice %arg4[%dma_start3A_399] : memref<46656000xf32, #tpu.memory_space<hbm>> -> memref<2332800xf32, #tpu.memory_space<hbm>>
    %dma_start3A_401 = arith.constant 0 : i32
    %dma_start3A_402 = tpu.memref_slice %dma_start3A_400[%dma_start3A_401] : memref<2332800xf32, #tpu.memory_space<hbm>> -> memref<2332800xf32, #tpu.memory_space<hbm>>
    tpu.enqueue_indirect_dma source(%dma_start3A_402 : memref<2332800xf32, #tpu.memory_space<hbm>>) target(%dma_start3A_395 : memref<128xf32, #tpu.memory_space<vmem>>) offsets(%dma_start3A_398 : memref<128xi32, #tpu.memory_space<vmem>>) semaphore(%arg14 : memref<!tpu.dma_semaphore, #tpu.memory_space<semaphore_mem>>)
    %dma_start3A_403 = arith.constant 1 : i32
    %dma_start3A_404 = arith.constant 13 : i32
    %dma_start3A_405 = arith.constant 0 : i32
    %dma_start3A_406 = tpu.memref_slice %arg11[%dma_start3A_404, %dma_start3A_405] : memref<20x128xf32, #tpu.memory_space<vmem>> -> memref<1x128xf32, #tpu.memory_space<vmem>>
    %dma_start3A_407 = tpu.memref_squeeze %dma_start3A_406 : memref<1x128xf32, #tpu.memory_space<vmem>> -> memref<128xf32, #tpu.memory_space<vmem>>
    %dma_start3A_408 = arith.constant 0 : i32
    %dma_start3A_409 = tpu.memref_slice %arg8[%dma_start3A_403, %dma_start3A_408] : memref<16x128xi32, #tpu.memory_space<vmem>> -> memref<1x128xi32, #tpu.memory_space<vmem>>
    %dma_start3A_410 = tpu.memref_squeeze %dma_start3A_409 : memref<1x128xi32, #tpu.memory_space<vmem>> -> memref<128xi32, #tpu.memory_space<vmem>>
    %dma_start3A_411 = arith.constant 30326400 : i32
    %dma_start3A_412 = tpu.memref_slice %arg4[%dma_start3A_411] : memref<46656000xf32, #tpu.memory_space<hbm>> -> memref<2332800xf32, #tpu.memory_space<hbm>>
    %dma_start3A_413 = arith.constant 0 : i32
    %dma_start3A_414 = tpu.memref_slice %dma_start3A_412[%dma_start3A_413] : memref<2332800xf32, #tpu.memory_space<hbm>> -> memref<2332800xf32, #tpu.memory_space<hbm>>
    tpu.enqueue_indirect_dma source(%dma_start3A_414 : memref<2332800xf32, #tpu.memory_space<hbm>>) target(%dma_start3A_407 : memref<128xf32, #tpu.memory_space<vmem>>) offsets(%dma_start3A_410 : memref<128xi32, #tpu.memory_space<vmem>>) semaphore(%arg14 : memref<!tpu.dma_semaphore, #tpu.memory_space<semaphore_mem>>)
    %dma_start3A_415 = arith.constant 1 : i32
    %dma_start3A_416 = arith.constant 14 : i32
    %dma_start3A_417 = arith.constant 0 : i32
    %dma_start3A_418 = tpu.memref_slice %arg11[%dma_start3A_416, %dma_start3A_417] : memref<20x128xf32, #tpu.memory_space<vmem>> -> memref<1x128xf32, #tpu.memory_space<vmem>>
    %dma_start3A_419 = tpu.memref_squeeze %dma_start3A_418 : memref<1x128xf32, #tpu.memory_space<vmem>> -> memref<128xf32, #tpu.memory_space<vmem>>
    %dma_start3A_420 = arith.constant 0 : i32
    %dma_start3A_421 = tpu.memref_slice %arg8[%dma_start3A_415, %dma_start3A_420] : memref<16x128xi32, #tpu.memory_space<vmem>> -> memref<1x128xi32, #tpu.memory_space<vmem>>
    %dma_start3A_422 = tpu.memref_squeeze %dma_start3A_421 : memref<1x128xi32, #tpu.memory_space<vmem>> -> memref<128xi32, #tpu.memory_space<vmem>>
    %dma_start3A_423 = arith.constant 32659200 : i32
    %dma_start3A_424 = tpu.memref_slice %arg4[%dma_start3A_423] : memref<46656000xf32, #tpu.memory_space<hbm>> -> memref<2332800xf32, #tpu.memory_space<hbm>>
    %dma_start3A_425 = arith.constant 0 : i32
    %dma_start3A_426 = tpu.memref_slice %dma_start3A_424[%dma_start3A_425] : memref<2332800xf32, #tpu.memory_space<hbm>> -> memref<2332800xf32, #tpu.memory_space<hbm>>
    tpu.enqueue_indirect_dma source(%dma_start3A_426 : memref<2332800xf32, #tpu.memory_space<hbm>>) target(%dma_start3A_419 : memref<128xf32, #tpu.memory_space<vmem>>) offsets(%dma_start3A_422 : memref<128xi32, #tpu.memory_space<vmem>>) semaphore(%arg14 : memref<!tpu.dma_semaphore, #tpu.memory_space<semaphore_mem>>)
    %dma_start3A_427 = arith.constant 1 : i32
    %dma_start3A_428 = arith.constant 15 : i32
    %dma_start3A_429 = arith.constant 0 : i32
    %dma_start3A_430 = tpu.memref_slice %arg11[%dma_start3A_428, %dma_start3A_429] : memref<20x128xf32, #tpu.memory_space<vmem>> -> memref<1x128xf32, #tpu.memory_space<vmem>>
    %dma_start3A_431 = tpu.memref_squeeze %dma_start3A_430 : memref<1x128xf32, #tpu.memory_space<vmem>> -> memref<128xf32, #tpu.memory_space<vmem>>
    %dma_start3A_432 = arith.constant 0 : i32
    %dma_start3A_433 = tpu.memref_slice %arg8[%dma_start3A_427, %dma_start3A_432] : memref<16x128xi32, #tpu.memory_space<vmem>> -> memref<1x128xi32, #tpu.memory_space<vmem>>
    %dma_start3A_434 = tpu.memref_squeeze %dma_start3A_433 : memref<1x128xi32, #tpu.memory_space<vmem>> -> memref<128xi32, #tpu.memory_space<vmem>>
    %dma_start3A_435 = arith.constant 34992000 : i32
    %dma_start3A_436 = tpu.memref_slice %arg4[%dma_start3A_435] : memref<46656000xf32, #tpu.memory_space<hbm>> -> memref<2332800xf32, #tpu.memory_space<hbm>>
    %dma_start3A_437 = arith.constant 0 : i32
    %dma_start3A_438 = tpu.memref_slice %dma_start3A_436[%dma_start3A_437] : memref<2332800xf32, #tpu.memory_space<hbm>> -> memref<2332800xf32, #tpu.memory_space<hbm>>
    tpu.enqueue_indirect_dma source(%dma_start3A_438 : memref<2332800xf32, #tpu.memory_space<hbm>>) target(%dma_start3A_431 : memref<128xf32, #tpu.memory_space<vmem>>) offsets(%dma_start3A_434 : memref<128xi32, #tpu.memory_space<vmem>>) semaphore(%arg14 : memref<!tpu.dma_semaphore, #tpu.memory_space<semaphore_mem>>)
    %dma_start3A_439 = arith.constant 1 : i32
    %dma_start3A_440 = arith.constant 16 : i32
    %dma_start3A_441 = arith.constant 0 : i32
    %dma_start3A_442 = tpu.memref_slice %arg11[%dma_start3A_440, %dma_start3A_441] : memref<20x128xf32, #tpu.memory_space<vmem>> -> memref<1x128xf32, #tpu.memory_space<vmem>>
    %dma_start3A_443 = tpu.memref_squeeze %dma_start3A_442 : memref<1x128xf32, #tpu.memory_space<vmem>> -> memref<128xf32, #tpu.memory_space<vmem>>
    %dma_start3A_444 = arith.constant 0 : i32
    %dma_start3A_445 = tpu.memref_slice %arg8[%dma_start3A_439, %dma_start3A_444] : memref<16x128xi32, #tpu.memory_space<vmem>> -> memref<1x128xi32, #tpu.memory_space<vmem>>
    %dma_start3A_446 = tpu.memref_squeeze %dma_start3A_445 : memref<1x128xi32, #tpu.memory_space<vmem>> -> memref<128xi32, #tpu.memory_space<vmem>>
    %dma_start3A_447 = arith.constant 37324800 : i32
    %dma_start3A_448 = tpu.memref_slice %arg4[%dma_start3A_447] : memref<46656000xf32, #tpu.memory_space<hbm>> -> memref<2332800xf32, #tpu.memory_space<hbm>>
    %dma_start3A_449 = arith.constant 0 : i32
    %dma_start3A_450 = tpu.memref_slice %dma_start3A_448[%dma_start3A_449] : memref<2332800xf32, #tpu.memory_space<hbm>> -> memref<2332800xf32, #tpu.memory_space<hbm>>
    tpu.enqueue_indirect_dma source(%dma_start3A_450 : memref<2332800xf32, #tpu.memory_space<hbm>>) target(%dma_start3A_443 : memref<128xf32, #tpu.memory_space<vmem>>) offsets(%dma_start3A_446 : memref<128xi32, #tpu.memory_space<vmem>>) semaphore(%arg14 : memref<!tpu.dma_semaphore, #tpu.memory_space<semaphore_mem>>)
    %dma_start3A_451 = arith.constant 1 : i32
    %dma_start3A_452 = arith.constant 17 : i32
    %dma_start3A_453 = arith.constant 0 : i32
    %dma_start3A_454 = tpu.memref_slice %arg11[%dma_start3A_452, %dma_start3A_453] : memref<20x128xf32, #tpu.memory_space<vmem>> -> memref<1x128xf32, #tpu.memory_space<vmem>>
    %dma_start3A_455 = tpu.memref_squeeze %dma_start3A_454 : memref<1x128xf32, #tpu.memory_space<vmem>> -> memref<128xf32, #tpu.memory_space<vmem>>
    %dma_start3A_456 = arith.constant 0 : i32
    %dma_start3A_457 = tpu.memref_slice %arg8[%dma_start3A_451, %dma_start3A_456] : memref<16x128xi32, #tpu.memory_space<vmem>> -> memref<1x128xi32, #tpu.memory_space<vmem>>
    %dma_start3A_458 = tpu.memref_squeeze %dma_start3A_457 : memref<1x128xi32, #tpu.memory_space<vmem>> -> memref<128xi32, #tpu.memory_space<vmem>>
    %dma_start3A_459 = arith.constant 39657600 : i32
    %dma_start3A_460 = tpu.memref_slice %arg4[%dma_start3A_459] : memref<46656000xf32, #tpu.memory_space<hbm>> -> memref<2332800xf32, #tpu.memory_space<hbm>>
    %dma_start3A_461 = arith.constant 0 : i32
    %dma_start3A_462 = tpu.memref_slice %dma_start3A_460[%dma_start3A_461] : memref<2332800xf32, #tpu.memory_space<hbm>> -> memref<2332800xf32, #tpu.memory_space<hbm>>
    tpu.enqueue_indirect_dma source(%dma_start3A_462 : memref<2332800xf32, #tpu.memory_space<hbm>>) target(%dma_start3A_455 : memref<128xf32, #tpu.memory_space<vmem>>) offsets(%dma_start3A_458 : memref<128xi32, #tpu.memory_space<vmem>>) semaphore(%arg14 : memref<!tpu.dma_semaphore, #tpu.memory_space<semaphore_mem>>)
    %dma_start3A_463 = arith.constant 1 : i32
    %dma_start3A_464 = arith.constant 18 : i32
    %dma_start3A_465 = arith.constant 0 : i32
    %dma_start3A_466 = tpu.memref_slice %arg11[%dma_start3A_464, %dma_start3A_465] : memref<20x128xf32, #tpu.memory_space<vmem>> -> memref<1x128xf32, #tpu.memory_space<vmem>>
    %dma_start3A_467 = tpu.memref_squeeze %dma_start3A_466 : memref<1x128xf32, #tpu.memory_space<vmem>> -> memref<128xf32, #tpu.memory_space<vmem>>
    %dma_start3A_468 = arith.constant 0 : i32
    %dma_start3A_469 = tpu.memref_slice %arg8[%dma_start3A_463, %dma_start3A_468] : memref<16x128xi32, #tpu.memory_space<vmem>> -> memref<1x128xi32, #tpu.memory_space<vmem>>
    %dma_start3A_470 = tpu.memref_squeeze %dma_start3A_469 : memref<1x128xi32, #tpu.memory_space<vmem>> -> memref<128xi32, #tpu.memory_space<vmem>>
    %dma_start3A_471 = arith.constant 41990400 : i32
    %dma_start3A_472 = tpu.memref_slice %arg4[%dma_start3A_471] : memref<46656000xf32, #tpu.memory_space<hbm>> -> memref<2332800xf32, #tpu.memory_space<hbm>>
    %dma_start3A_473 = arith.constant 0 : i32
    %dma_start3A_474 = tpu.memref_slice %dma_start3A_472[%dma_start3A_473] : memref<2332800xf32, #tpu.memory_space<hbm>> -> memref<2332800xf32, #tpu.memory_space<hbm>>
    tpu.enqueue_indirect_dma source(%dma_start3A_474 : memref<2332800xf32, #tpu.memory_space<hbm>>) target(%dma_start3A_467 : memref<128xf32, #tpu.memory_space<vmem>>) offsets(%dma_start3A_470 : memref<128xi32, #tpu.memory_space<vmem>>) semaphore(%arg14 : memref<!tpu.dma_semaphore, #tpu.memory_space<semaphore_mem>>)
    %dma_start3A_475 = arith.constant 1 : i32
    %dma_start3A_476 = arith.constant 19 : i32
    %dma_start3A_477 = arith.constant 0 : i32
    %dma_start3A_478 = tpu.memref_slice %arg11[%dma_start3A_476, %dma_start3A_477] : memref<20x128xf32, #tpu.memory_space<vmem>> -> memref<1x128xf32, #tpu.memory_space<vmem>>
    %dma_start3A_479 = tpu.memref_squeeze %dma_start3A_478 : memref<1x128xf32, #tpu.memory_space<vmem>> -> memref<128xf32, #tpu.memory_space<vmem>>
    %dma_start3A_480 = arith.constant 0 : i32
    %dma_start3A_481 = tpu.memref_slice %arg8[%dma_start3A_475, %dma_start3A_480] : memref<16x128xi32, #tpu.memory_space<vmem>> -> memref<1x128xi32, #tpu.memory_space<vmem>>
    %dma_start3A_482 = tpu.memref_squeeze %dma_start3A_481 : memref<1x128xi32, #tpu.memory_space<vmem>> -> memref<128xi32, #tpu.memory_space<vmem>>
    %dma_start3A_483 = arith.constant 44323200 : i32
    %dma_start3A_484 = tpu.memref_slice %arg4[%dma_start3A_483] : memref<46656000xf32, #tpu.memory_space<hbm>> -> memref<2332800xf32, #tpu.memory_space<hbm>>
    %dma_start3A_485 = arith.constant 0 : i32
    %dma_start3A_486 = tpu.memref_slice %dma_start3A_484[%dma_start3A_485] : memref<2332800xf32, #tpu.memory_space<hbm>> -> memref<2332800xf32, #tpu.memory_space<hbm>>
    tpu.enqueue_indirect_dma source(%dma_start3A_486 : memref<2332800xf32, #tpu.memory_space<hbm>>) target(%dma_start3A_479 : memref<128xf32, #tpu.memory_space<vmem>>) offsets(%dma_start3A_482 : memref<128xi32, #tpu.memory_space<vmem>>) semaphore(%arg14 : memref<!tpu.dma_semaphore, #tpu.memory_space<semaphore_mem>>)
    %scan3A_487 = arith.constant 0 : i32
    %scan3A_488 = arith.constant 0 : i32
    %scan3A_489 = arith.constant 8 : i32
    %scan3A_490 = arith.addi %scan3A_488, %scan3A_489 : i32
    %scan3A_491 = arith.constant 1 : i32
    scf.for %scan3A_493 = %scan3A_488 to %scan3A_490 step %scan3A_491  : i32 {
      %mul3A_494 = arith.constant 2 : i32
      %mul3A_495 = arith.muli %mul3A_494, %scan3A_493 : i32
      %add3A_496 = arith.constant 0 : i32
      %add3A_497 = arith.addi %mul3A_495, %add3A_496 : i32
      %dma_wait3A = arith.constant 0 : i32
      %dma_wait3A_498 = arith.constant 0 : i32
      %dma_wait3A_499 = tpu.memref_slice %arg5[%dma_wait3A, %dma_wait3A_498] : memref<20x16384xf32, #tpu.memory_space<hbm>> -> memref<20x128xf32, #tpu.memory_space<hbm>>
      %dma_wait3A_500 = arith.constant 0 : i32
      %dma_wait3A_501 = arith.constant 0 : i32
      %dma_wait3A_502 = tpu.memref_slice %arg5[%dma_wait3A_500, %dma_wait3A_501] : memref<20x16384xf32, #tpu.memory_space<hbm>> -> memref<20x128xf32, #tpu.memory_space<hbm>>
      tpu.wait_dma2 semaphore(%arg13 : memref<!tpu.dma_semaphore, #tpu.memory_space<semaphore_mem>>) src(%dma_wait3A_502 : memref<20x128xf32, #tpu.memory_space<hbm>>) dst(%arg10 : memref<20x128xf32, #tpu.memory_space<vmem>>)
      %mul3A_503 = arith.constant 128 : i32
      %mul3A_504 = arith.muli %add3A_497, %mul3A_503 : i32
      %add3A_505 = arith.constant 0 : i32
      %add3A_506 = arith.addi %mul3A_504, %add3A_505 : i32
      %add3A_507 = arith.constant 0 : i32
      %add3A_508 = arith.addi %add3A_506, %add3A_507 : i32
      %get3A = arith.index_cast %add3A_508 : i32 to index
      %get3A_509 = tpu.vector_load %arg9[%get3A] {strides = array<i32>} : memref<2048xf32, #tpu.memory_space<vmem>>, vector<16xf32>,
      %get3A_510 = vector.shape_cast %get3A_509 : vector<16xf32> to vector<16xf32>
      %mul3A_511 = arith.constant 128 : i32
      %mul3A_512 = arith.muli %add3A_497, %mul3A_511 : i32
      %add3A_513 = arith.constant 0 : i32
      %add3A_514 = arith.addi %mul3A_512, %add3A_513 : i32
      %add3A_515 = arith.constant 16 : i32
      %add3A_516 = arith.addi %add3A_514, %add3A_515 : i32
      %get3A_517 = arith.index_cast %add3A_516 : i32 to index
      %get3A_518 = tpu.vector_load %arg9[%get3A_517] {strides = array<i32>} : memref<2048xf32, #tpu.memory_space<vmem>>, vector<16xf32>,
      %get3A_519 = vector.shape_cast %get3A_518 : vector<16xf32> to vector<16xf32>
      %mul3A_520 = arith.constant 128 : i32
      %mul3A_521 = arith.muli %add3A_497, %mul3A_520 : i32
      %add3A_522 = arith.constant 32 : i32
      %add3A_523 = arith.addi %mul3A_521, %add3A_522 : i32
      %add3A_524 = arith.constant 0 : i32
      %add3A_525 = arith.addi %add3A_523, %add3A_524 : i32
      %get3A_526 = arith.index_cast %add3A_525 : i32 to index
      %get3A_527 = tpu.vector_load %arg9[%get3A_526] {strides = array<i32>} : memref<2048xf32, #tpu.memory_space<vmem>>, vector<16xf32>,
      %get3A_528 = vector.shape_cast %get3A_527 : vector<16xf32> to vector<16xf32>
      %mul3A_529 = arith.constant 128 : i32
      %mul3A_530 = arith.muli %add3A_497, %mul3A_529 : i32
      %add3A_531 = arith.constant 32 : i32
      %add3A_532 = arith.addi %mul3A_530, %add3A_531 : i32
      %add3A_533 = arith.constant 16 : i32
      %add3A_534 = arith.addi %add3A_532, %add3A_533 : i32
      %get3A_535 = arith.index_cast %add3A_534 : i32 to index
      %get3A_536 = tpu.vector_load %arg9[%get3A_535] {strides = array<i32>} : memref<2048xf32, #tpu.memory_space<vmem>>, vector<16xf32>,
      %get3A_537 = vector.shape_cast %get3A_536 : vector<16xf32> to vector<16xf32>
      %mul3A_538 = arith.constant 128 : i32
      %mul3A_539 = arith.muli %add3A_497, %mul3A_538 : i32
      %add3A_540 = arith.constant 64 : i32
      %add3A_541 = arith.addi %mul3A_539, %add3A_540 : i32
      %add3A_542 = arith.constant 0 : i32
      %add3A_543 = arith.addi %add3A_541, %add3A_542 : i32
      %get3A_544 = arith.index_cast %add3A_543 : i32 to index
      %get3A_545 = tpu.vector_load %arg9[%get3A_544] {strides = array<i32>} : memref<2048xf32, #tpu.memory_space<vmem>>, vector<16xf32>,
      %get3A_546 = vector.shape_cast %get3A_545 : vector<16xf32> to vector<16xf32>
      %mul3A_547 = arith.constant 128 : i32
      %mul3A_548 = arith.muli %add3A_497, %mul3A_547 : i32
      %add3A_549 = arith.constant 64 : i32
      %add3A_550 = arith.addi %mul3A_548, %add3A_549 : i32
      %add3A_551 = arith.constant 16 : i32
      %add3A_552 = arith.addi %add3A_550, %add3A_551 : i32
      %get3A_553 = arith.index_cast %add3A_552 : i32 to index
      %get3A_554 = tpu.vector_load %arg9[%get3A_553] {strides = array<i32>} : memref<2048xf32, #tpu.memory_space<vmem>>, vector<16xf32>,
      %get3A_555 = vector.shape_cast %get3A_554 : vector<16xf32> to vector<16xf32>
      %mul3A_556 = arith.constant 128 : i32
      %mul3A_557 = arith.muli %add3A_497, %mul3A_556 : i32
      %add3A_558 = arith.constant 96 : i32
      %add3A_559 = arith.addi %mul3A_557, %add3A_558 : i32
      %add3A_560 = arith.constant 0 : i32
      %add3A_561 = arith.addi %add3A_559, %add3A_560 : i32
      %get3A_562 = arith.index_cast %add3A_561 : i32 to index
      %get3A_563 = tpu.vector_load %arg9[%get3A_562] {strides = array<i32>} : memref<2048xf32, #tpu.memory_space<vmem>>, vector<16xf32>,
      %get3A_564 = vector.shape_cast %get3A_563 : vector<16xf32> to vector<16xf32>
      %mul3A_565 = arith.constant 128 : i32
      %mul3A_566 = arith.muli %add3A_497, %mul3A_565 : i32
      %add3A_567 = arith.constant 96 : i32
      %add3A_568 = arith.addi %mul3A_566, %add3A_567 : i32
      %add3A_569 = arith.constant 16 : i32
      %add3A_570 = arith.addi %add3A_568, %add3A_569 : i32
      %get3A_571 = arith.index_cast %add3A_570 : i32 to index
      %get3A_572 = tpu.vector_load %arg9[%get3A_571] {strides = array<i32>} : memref<2048xf32, #tpu.memory_space<vmem>>, vector<16xf32>,
      %get3A_573 = vector.shape_cast %get3A_572 : vector<16xf32> to vector<16xf32>
      %get3A_574 = arith.constant 0 : i32
      %get3A_575 = arith.index_cast %get3A_574 : i32 to index
      %get3A_576 = arith.constant 0 : index
      %get3A_577 = tpu.vector_load %arg10[%get3A_575, %get3A_576] {strides = array<i32>} : memref<20x128xf32, #tpu.memory_space<vmem>>, vector<1x16xf32>,
      %get3A_578 = vector.shape_cast %get3A_577 : vector<1x16xf32> to vector<16xf32>
      %mul3A_579 = arith.mulf %get3A_510, %get3A_578 : vector<16xf32>
      %get3A_580 = arith.constant 0 : i32
      %get3A_581 = arith.index_cast %get3A_580 : i32 to index
      %get3A_582 = arith.constant 32 : index
      %get3A_583 = tpu.vector_load %arg10[%get3A_581, %get3A_582] {strides = array<i32>} : memref<20x128xf32, #tpu.memory_space<vmem>>, vector<1x16xf32>,
      %get3A_584 = vector.shape_cast %get3A_583 : vector<1x16xf32> to vector<16xf32>
      %mul3A_585 = arith.mulf %get3A_528, %get3A_584 : vector<16xf32>
      %add3A_586 = arith.addf %mul3A_579, %mul3A_585 : vector<16xf32>
      %get3A_587 = arith.constant 0 : i32
      %get3A_588 = arith.index_cast %get3A_587 : i32 to index
      %get3A_589 = arith.constant 64 : index
      %get3A_590 = tpu.vector_load %arg10[%get3A_588, %get3A_589] {strides = array<i32>} : memref<20x128xf32, #tpu.memory_space<vmem>>, vector<1x16xf32>,
      %get3A_591 = vector.shape_cast %get3A_590 : vector<1x16xf32> to vector<16xf32>
      %mul3A_592 = arith.mulf %get3A_546, %get3A_591 : vector<16xf32>
      %add3A_593 = arith.addf %add3A_586, %mul3A_592 : vector<16xf32>
      %get3A_594 = arith.constant 0 : i32
      %get3A_595 = arith.index_cast %get3A_594 : i32 to index
      %get3A_596 = arith.constant 96 : index
      %get3A_597 = tpu.vector_load %arg10[%get3A_595, %get3A_596] {strides = array<i32>} : memref<20x128xf32, #tpu.memory_space<vmem>>, vector<1x16xf32>,
      %get3A_598 = vector.shape_cast %get3A_597 : vector<1x16xf32> to vector<16xf32>
      %mul3A_599 = arith.mulf %get3A_564, %get3A_598 : vector<16xf32>
      %add3A_600 = arith.addf %add3A_593, %mul3A_599 : vector<16xf32>
      %mul3A_601 = arith.constant 32 : i32
      %mul3A_602 = arith.muli %add3A_497, %mul3A_601 : i32
      %add3A_603 = arith.constant 0 : i32
      %add3A_604 = arith.addi %mul3A_602, %add3A_603 : i32
      %swap3A = arith.constant 0 : i32
      %swap3A_605 = arith.index_cast %swap3A : i32 to index
      %swap3A_606 = arith.index_cast %add3A_604 : i32 to index
      %swap3A_607 = tpu.vector_load %arg12[%swap3A_605, %swap3A_606] {strides = array<i32>} : memref<20x512xf32, #tpu.memory_space<vmem>>, vector<1x16xf32>,
      %swap3A_608 = vector.shape_cast %swap3A_607 : vector<1x16xf32> to vector<16xf32>
      %swap3A_609 = vector.shape_cast %add3A_600 : vector<16xf32> to vector<1x16xf32>
      tpu.vector_store %arg12[%swap3A_605, %swap3A_606], %swap3A_609 {strides = array<i32>} : memref<20x512xf32, #tpu.memory_space<vmem>>, vector<1x16xf32>,
      %get3A_610 = arith.constant 0 : i32
      %get3A_611 = arith.index_cast %get3A_610 : i32 to index
      %get3A_612 = arith.constant 16 : index
      %get3A_613 = tpu.vector_load %arg10[%get3A_611, %get3A_612] {strides = array<i32>} : memref<20x128xf32, #tpu.memory_space<vmem>>, vector<1x16xf32>,
      %get3A_614 = vector.shape_cast %get3A_613 : vector<1x16xf32> to vector<16xf32>
      %mul3A_615 = arith.mulf %get3A_519, %get3A_614 : vector<16xf32>
      %get3A_616 = arith.constant 0 : i32
      %get3A_617 = arith.index_cast %get3A_616 : i32 to index
      %get3A_618 = arith.constant 48 : index
      %get3A_619 = tpu.vector_load %arg10[%get3A_617, %get3A_618] {strides = array<i32>} : memref<20x128xf32, #tpu.memory_space<vmem>>, vector<1x16xf32>,
      %get3A_620 = vector.shape_cast %get3A_619 : vector<1x16xf32> to vector<16xf32>
      %mul3A_621 = arith.mulf %get3A_537, %get3A_620 : vector<16xf32>
      %add3A_622 = arith.addf %mul3A_615, %mul3A_621 : vector<16xf32>
      %get3A_623 = arith.constant 0 : i32
      %get3A_624 = arith.index_cast %get3A_623 : i32 to index
      %get3A_625 = arith.constant 80 : index
      %get3A_626 = tpu.vector_load %arg10[%get3A_624, %get3A_625] {strides = array<i32>} : memref<20x128xf32, #tpu.memory_space<vmem>>, vector<1x16xf32>,
      %get3A_627 = vector.shape_cast %get3A_626 : vector<1x16xf32> to vector<16xf32>
      %mul3A_628 = arith.mulf %get3A_555, %get3A_627 : vector<16xf32>
      %add3A_629 = arith.addf %add3A_622, %mul3A_628 : vector<16xf32>
      %get3A_630 = arith.constant 0 : i32
      %get3A_631 = arith.index_cast %get3A_630 : i32 to index
      %get3A_632 = arith.constant 112 : index
      %get3A_633 = tpu.vector_load %arg10[%get3A_631, %get3A_632] {strides = array<i32>} : memref<20x128xf32, #tpu.memory_space<vmem>>, vector<1x16xf32>,
      %get3A_634 = vector.shape_cast %get3A_633 : vector<1x16xf32> to vector<16xf32>
      %mul3A_635 = arith.mulf %get3A_573, %get3A_634 : vector<16xf32>
      %add3A_636 = arith.addf %add3A_629, %mul3A_635 : vector<16xf32>
      %mul3A_637 = arith.constant 32 : i32
      %mul3A_638 = arith.muli %add3A_497, %mul3A_637 : i32
      %add3A_639 = arith.constant 16 : i32
      %add3A_640 = arith.addi %mul3A_638, %add3A_639 : i32
      %swap3A_641 = arith.constant 0 : i32
      %swap3A_642 = arith.index_cast %swap3A_641 : i32 to index
      %swap3A_643 = arith.index_cast %add3A_640 : i32 to index
      %swap3A_644 = tpu.vector_load %arg12[%swap3A_642, %swap3A_643] {strides = array<i32>} : memref<20x512xf32, #tpu.memory_space<vmem>>, vector<1x16xf32>,
      %swap3A_645 = vector.shape_cast %swap3A_644 : vector<1x16xf32> to vector<16xf32>
      %swap3A_646 = vector.shape_cast %add3A_636 : vector<16xf32> to vector<1x16xf32>
      tpu.vector_store %arg12[%swap3A_642, %swap3A_643], %swap3A_646 {strides = array<i32>} : memref<20x512xf32, #tpu.memory_space<vmem>>, vector<1x16xf32>,
      %get3A_647 = arith.constant 1 : i32
      %get3A_648 = arith.index_cast %get3A_647 : i32 to index
      %get3A_649 = arith.constant 0 : index
      %get3A_650 = tpu.vector_load %arg10[%get3A_648, %get3A_649] {strides = array<i32>} : memref<20x128xf32, #tpu.memory_space<vmem>>, vector<1x16xf32>,
      %get3A_651 = vector.shape_cast %get3A_650 : vector<1x16xf32> to vector<16xf32>
      %mul3A_652 = arith.mulf %get3A_510, %get3A_651 : vector<16xf32>
      %get3A_653 = arith.constant 1 : i32
      %get3A_654 = arith.index_cast %get3A_653 : i32 to index
      %get3A_655 = arith.constant 32 : index
      %get3A_656 = tpu.vector_load %arg10[%get3A_654, %get3A_655] {strides = array<i32>} : memref<20x128xf32, #tpu.memory_space<vmem>>, vector<1x16xf32>,
      %get3A_657 = vector.shape_cast %get3A_656 : vector<1x16xf32> to vector<16xf32>
      %mul3A_658 = arith.mulf %get3A_528, %get3A_657 : vector<16xf32>
      %add3A_659 = arith.addf %mul3A_652, %mul3A_658 : vector<16xf32>
      %get3A_660 = arith.constant 1 : i32
      %get3A_661 = arith.index_cast %get3A_660 : i32 to index
      %get3A_662 = arith.constant 64 : index
      %get3A_663 = tpu.vector_load %arg10[%get3A_661, %get3A_662] {strides = array<i32>} : memref<20x128xf32, #tpu.memory_space<vmem>>, vector<1x16xf32>,
      %get3A_664 = vector.shape_cast %get3A_663 : vector<1x16xf32> to vector<16xf32>
      %mul3A_665 = arith.mulf %get3A_546, %get3A_664 : vector<16xf32>
      %add3A_666 = arith.addf %add3A_659, %mul3A_665 : vector<16xf32>
      %get3A_667 = arith.constant 1 : i32
      %get3A_668 = arith.index_cast %get3A_667 : i32 to index
      %get3A_669 = arith.constant 96 : index
      %get3A_670 = tpu.vector_load %arg10[%get3A_668, %get3A_669] {strides = array<i32>} : memref<20x128xf32, #tpu.memory_space<vmem>>, vector<1x16xf32>,
      %get3A_671 = vector.shape_cast %get3A_670 : vector<1x16xf32> to vector<16xf32>
      %mul3A_672 = arith.mulf %get3A_564, %get3A_671 : vector<16xf32>
      %add3A_673 = arith.addf %add3A_666, %mul3A_672 : vector<16xf32>
      %mul3A_674 = arith.constant 32 : i32
      %mul3A_675 = arith.muli %add3A_497, %mul3A_674 : i32
      %add3A_676 = arith.constant 0 : i32
      %add3A_677 = arith.addi %mul3A_675, %add3A_676 : i32
      %swap3A_678 = arith.constant 1 : i32
      %swap3A_679 = arith.index_cast %swap3A_678 : i32 to index
      %swap3A_680 = arith.index_cast %add3A_677 : i32 to index
      %swap3A_681 = tpu.vector_load %arg12[%swap3A_679, %swap3A_680] {strides = array<i32>} : memref<20x512xf32, #tpu.memory_space<vmem>>, vector<1x16xf32>,
      %swap3A_682 = vector.shape_cast %swap3A_681 : vector<1x16xf32> to vector<16xf32>
      %swap3A_683 = vector.shape_cast %add3A_673 : vector<16xf32> to vector<1x16xf32>
      tpu.vector_store %arg12[%swap3A_679, %swap3A_680], %swap3A_683 {strides = array<i32>} : memref<20x512xf32, #tpu.memory_space<vmem>>, vector<1x16xf32>,
      %get3A_684 = arith.constant 1 : i32
      %get3A_685 = arith.index_cast %get3A_684 : i32 to index
      %get3A_686 = arith.constant 16 : index
      %get3A_687 = tpu.vector_load %arg10[%get3A_685, %get3A_686] {strides = array<i32>} : memref<20x128xf32, #tpu.memory_space<vmem>>, vector<1x16xf32>,
      %get3A_688 = vector.shape_cast %get3A_687 : vector<1x16xf32> to vector<16xf32>
      %mul3A_689 = arith.mulf %get3A_519, %get3A_688 : vector<16xf32>
      %get3A_690 = arith.constant 1 : i32
      %get3A_691 = arith.index_cast %get3A_690 : i32 to index
      %get3A_692 = arith.constant 48 : index
      %get3A_693 = tpu.vector_load %arg10[%get3A_691, %get3A_692] {strides = array<i32>} : memref<20x128xf32, #tpu.memory_space<vmem>>, vector<1x16xf32>,
      %get3A_694 = vector.shape_cast %get3A_693 : vector<1x16xf32> to vector<16xf32>
      %mul3A_695 = arith.mulf %get3A_537, %get3A_694 : vector<16xf32>
      %add3A_696 = arith.addf %mul3A_689, %mul3A_695 : vector<16xf32>
      %get3A_697 = arith.constant 1 : i32
      %get3A_698 = arith.index_cast %get3A_697 : i32 to index
      %get3A_699 = arith.constant 80 : index
      %get3A_700 = tpu.vector_load %arg10[%get3A_698, %get3A_699] {strides = array<i32>} : memref<20x128xf32, #tpu.memory_space<vmem>>, vector<1x16xf32>,
      %get3A_701 = vector.shape_cast %get3A_700 : vector<1x16xf32> to vector<16xf32>
      %mul3A_702 = arith.mulf %get3A_555, %get3A_701 : vector<16xf32>
      %add3A_703 = arith.addf %add3A_696, %mul3A_702 : vector<16xf32>
      %get3A_704 = arith.constant 1 : i32
      %get3A_705 = arith.index_cast %get3A_704 : i32 to index
      %get3A_706 = arith.constant 112 : index
      %get3A_707 = tpu.vector_load %arg10[%get3A_705, %get3A_706] {strides = array<i32>} : memref<20x128xf32, #tpu.memory_space<vmem>>, vector<1x16xf32>,
      %get3A_708 = vector.shape_cast %get3A_707 : vector<1x16xf32> to vector<16xf32>
      %mul3A_709 = arith.mulf %get3A_573, %get3A_708 : vector<16xf32>
      %add3A_710 = arith.addf %add3A_703, %mul3A_709 : vector<16xf32>
      %mul3A_711 = arith.constant 32 : i32
      %mul3A_712 = arith.muli %add3A_497, %mul3A_711 : i32
      %add3A_713 = arith.constant 16 : i32
      %add3A_714 = arith.addi %mul3A_712, %add3A_713 : i32
      %swap3A_715 = arith.constant 1 : i32
      %swap3A_716 = arith.index_cast %swap3A_715 : i32 to index
      %swap3A_717 = arith.index_cast %add3A_714 : i32 to index
      %swap3A_718 = tpu.vector_load %arg12[%swap3A_716, %swap3A_717] {strides = array<i32>} : memref<20x512xf32, #tpu.memory_space<vmem>>, vector<1x16xf32>,
      %swap3A_719 = vector.shape_cast %swap3A_718 : vector<1x16xf32> to vector<16xf32>
      %swap3A_720 = vector.shape_cast %add3A_710 : vector<16xf32> to vector<1x16xf32>
      tpu.vector_store %arg12[%swap3A_716, %swap3A_717], %swap3A_720 {strides = array<i32>} : memref<20x512xf32, #tpu.memory_space<vmem>>, vector<1x16xf32>,
      %get3A_721 = arith.constant 2 : i32
      %get3A_722 = arith.index_cast %get3A_721 : i32 to index
      %get3A_723 = arith.constant 0 : index
      %get3A_724 = tpu.vector_load %arg10[%get3A_722, %get3A_723] {strides = array<i32>} : memref<20x128xf32, #tpu.memory_space<vmem>>, vector<1x16xf32>,
      %get3A_725 = vector.shape_cast %get3A_724 : vector<1x16xf32> to vector<16xf32>
      %mul3A_726 = arith.mulf %get3A_510, %get3A_725 : vector<16xf32>
      %get3A_727 = arith.constant 2 : i32
      %get3A_728 = arith.index_cast %get3A_727 : i32 to index
      %get3A_729 = arith.constant 32 : index
      %get3A_730 = tpu.vector_load %arg10[%get3A_728, %get3A_729] {strides = array<i32>} : memref<20x128xf32, #tpu.memory_space<vmem>>, vector<1x16xf32>,
      %get3A_731 = vector.shape_cast %get3A_730 : vector<1x16xf32> to vector<16xf32>
      %mul3A_732 = arith.mulf %get3A_528, %get3A_731 : vector<16xf32>
      %add3A_733 = arith.addf %mul3A_726, %mul3A_732 : vector<16xf32>
      %get3A_734 = arith.constant 2 : i32
      %get3A_735 = arith.index_cast %get3A_734 : i32 to index
      %get3A_736 = arith.constant 64 : index
      %get3A_737 = tpu.vector_load %arg10[%get3A_735, %get3A_736] {strides = array<i32>} : memref<20x128xf32, #tpu.memory_space<vmem>>, vector<1x16xf32>,
      %get3A_738 = vector.shape_cast %get3A_737 : vector<1x16xf32> to vector<16xf32>
      %mul3A_739 = arith.mulf %get3A_546, %get3A_738 : vector<16xf32>
      %add3A_740 = arith.addf %add3A_733, %mul3A_739 : vector<16xf32>
      %get3A_741 = arith.constant 2 : i32
      %get3A_742 = arith.index_cast %get3A_741 : i32 to index
      %get3A_743 = arith.constant 96 : index
      %get3A_744 = tpu.vector_load %arg10[%get3A_742, %get3A_743] {strides = array<i32>} : memref<20x128xf32, #tpu.memory_space<vmem>>, vector<1x16xf32>,
      %get3A_745 = vector.shape_cast %get3A_744 : vector<1x16xf32> to vector<16xf32>
      %mul3A_746 = arith.mulf %get3A_564, %get3A_745 : vector<16xf32>
      %add3A_747 = arith.addf %add3A_740, %mul3A_746 : vector<16xf32>
      %mul3A_748 = arith.constant 32 : i32
      %mul3A_749 = arith.muli %add3A_497, %mul3A_748 : i32
      %add3A_750 = arith.constant 0 : i32
      %add3A_751 = arith.addi %mul3A_749, %add3A_750 : i32
      %swap3A_752 = arith.constant 2 : i32
      %swap3A_753 = arith.index_cast %swap3A_752 : i32 to index
      %swap3A_754 = arith.index_cast %add3A_751 : i32 to index
      %swap3A_755 = tpu.vector_load %arg12[%swap3A_753, %swap3A_754] {strides = array<i32>} : memref<20x512xf32, #tpu.memory_space<vmem>>, vector<1x16xf32>,
      %swap3A_756 = vector.shape_cast %swap3A_755 : vector<1x16xf32> to vector<16xf32>
      %swap3A_757 = vector.shape_cast %add3A_747 : vector<16xf32> to vector<1x16xf32>
      tpu.vector_store %arg12[%swap3A_753, %swap3A_754], %swap3A_757 {strides = array<i32>} : memref<20x512xf32, #tpu.memory_space<vmem>>, vector<1x16xf32>,
      %get3A_758 = arith.constant 2 : i32
      %get3A_759 = arith.index_cast %get3A_758 : i32 to index
      %get3A_760 = arith.constant 16 : index
      %get3A_761 = tpu.vector_load %arg10[%get3A_759, %get3A_760] {strides = array<i32>} : memref<20x128xf32, #tpu.memory_space<vmem>>, vector<1x16xf32>,
      %get3A_762 = vector.shape_cast %get3A_761 : vector<1x16xf32> to vector<16xf32>
      %mul3A_763 = arith.mulf %get3A_519, %get3A_762 : vector<16xf32>
      %get3A_764 = arith.constant 2 : i32
      %get3A_765 = arith.index_cast %get3A_764 : i32 to index
      %get3A_766 = arith.constant 48 : index
      %get3A_767 = tpu.vector_load %arg10[%get3A_765, %get3A_766] {strides = array<i32>} : memref<20x128xf32, #tpu.memory_space<vmem>>, vector<1x16xf32>,
      %get3A_768 = vector.shape_cast %get3A_767 : vector<1x16xf32> to vector<16xf32>
      %mul3A_769 = arith.mulf %get3A_537, %get3A_768 : vector<16xf32>
      %add3A_770 = arith.addf %mul3A_763, %mul3A_769 : vector<16xf32>
      %get3A_771 = arith.constant 2 : i32
      %get3A_772 = arith.index_cast %get3A_771 : i32 to index
      %get3A_773 = arith.constant 80 : index
      %get3A_774 = tpu.vector_load %arg10[%get3A_772, %get3A_773] {strides = array<i32>} : memref<20x128xf32, #tpu.memory_space<vmem>>, vector<1x16xf32>,
      %get3A_775 = vector.shape_cast %get3A_774 : vector<1x16xf32> to vector<16xf32>
      %mul3A_776 = arith.mulf %get3A_555, %get3A_775 : vector<16xf32>
      %add3A_777 = arith.addf %add3A_770, %mul3A_776 : vector<16xf32>
      %get3A_778 = arith.constant 2 : i32
      %get3A_779 = arith.index_cast %get3A_778 : i32 to index
      %get3A_780 = arith.constant 112 : index
      %get3A_781 = tpu.vector_load %arg10[%get3A_779, %get3A_780] {strides = array<i32>} : memref<20x128xf32, #tpu.memory_space<vmem>>, vector<1x16xf32>,
      %get3A_782 = vector.shape_cast %get3A_781 : vector<1x16xf32> to vector<16xf32>
      %mul3A_783 = arith.mulf %get3A_573, %get3A_782 : vector<16xf32>
      %add3A_784 = arith.addf %add3A_777, %mul3A_783 : vector<16xf32>
      %mul3A_785 = arith.constant 32 : i32
      %mul3A_786 = arith.muli %add3A_497, %mul3A_785 : i32
      %add3A_787 = arith.constant 16 : i32
      %add3A_788 = arith.addi %mul3A_786, %add3A_787 : i32
      %swap3A_789 = arith.constant 2 : i32
      %swap3A_790 = arith.index_cast %swap3A_789 : i32 to index
      %swap3A_791 = arith.index_cast %add3A_788 : i32 to index
      %swap3A_792 = tpu.vector_load %arg12[%swap3A_790, %swap3A_791] {strides = array<i32>} : memref<20x512xf32, #tpu.memory_space<vmem>>, vector<1x16xf32>,
      %swap3A_793 = vector.shape_cast %swap3A_792 : vector<1x16xf32> to vector<16xf32>
      %swap3A_794 = vector.shape_cast %add3A_784 : vector<16xf32> to vector<1x16xf32>
      tpu.vector_store %arg12[%swap3A_790, %swap3A_791], %swap3A_794 {strides = array<i32>} : memref<20x512xf32, #tpu.memory_space<vmem>>, vector<1x16xf32>,
      %get3A_795 = arith.constant 3 : i32
      %get3A_796 = arith.index_cast %get3A_795 : i32 to index
      %get3A_797 = arith.constant 0 : index
      %get3A_798 = tpu.vector_load %arg10[%get3A_796, %get3A_797] {strides = array<i32>} : memref<20x128xf32, #tpu.memory_space<vmem>>, vector<1x16xf32>,
      %get3A_799 = vector.shape_cast %get3A_798 : vector<1x16xf32> to vector<16xf32>
      %mul3A_800 = arith.mulf %get3A_510, %get3A_799 : vector<16xf32>
      %get3A_801 = arith.constant 3 : i32
      %get3A_802 = arith.index_cast %get3A_801 : i32 to index
      %get3A_803 = arith.constant 32 : index
      %get3A_804 = tpu.vector_load %arg10[%get3A_802, %get3A_803] {strides = array<i32>} : memref<20x128xf32, #tpu.memory_space<vmem>>, vector<1x16xf32>,
      %get3A_805 = vector.shape_cast %get3A_804 : vector<1x16xf32> to vector<16xf32>
      %mul3A_806 = arith.mulf %get3A_528, %get3A_805 : vector<16xf32>
      %add3A_807 = arith.addf %mul3A_800, %mul3A_806 : vector<16xf32>
      %get3A_808 = arith.constant 3 : i32
      %get3A_809 = arith.index_cast %get3A_808 : i32 to index
      %get3A_810 = arith.constant 64 : index
      %get3A_811 = tpu.vector_load %arg10[%get3A_809, %get3A_810] {strides = array<i32>} : memref<20x128xf32, #tpu.memory_space<vmem>>, vector<1x16xf32>,
      %get3A_812 = vector.shape_cast %get3A_811 : vector<1x16xf32> to vector<16xf32>
      %mul3A_813 = arith.mulf %get3A_546, %get3A_812 : vector<16xf32>
      %add3A_814 = arith.addf %add3A_807, %mul3A_813 : vector<16xf32>
      %get3A_815 = arith.constant 3 : i32
      %get3A_816 = arith.index_cast %get3A_815 : i32 to index
      %get3A_817 = arith.constant 96 : index
      %get3A_818 = tpu.vector_load %arg10[%get3A_816, %get3A_817] {strides = array<i32>} : memref<20x128xf32, #tpu.memory_space<vmem>>, vector<1x16xf32>,
      %get3A_819 = vector.shape_cast %get3A_818 : vector<1x16xf32> to vector<16xf32>
      %mul3A_820 = arith.mulf %get3A_564, %get3A_819 : vector<16xf32>
      %add3A_821 = arith.addf %add3A_814, %mul3A_820 : vector<16xf32>
      %mul3A_822 = arith.constant 32 : i32
      %mul3A_823 = arith.muli %add3A_497, %mul3A_822 : i32
      %add3A_824 = arith.constant 0 : i32
      %add3A_825 = arith.addi %mul3A_823, %add3A_824 : i32
      %swap3A_826 = arith.constant 3 : i32
      %swap3A_827 = arith.index_cast %swap3A_826 : i32 to index
      %swap3A_828 = arith.index_cast %add3A_825 : i32 to index
      %swap3A_829 = tpu.vector_load %arg12[%swap3A_827, %swap3A_828] {strides = array<i32>} : memref<20x512xf32, #tpu.memory_space<vmem>>, vector<1x16xf32>,
      %swap3A_830 = vector.shape_cast %swap3A_829 : vector<1x16xf32> to vector<16xf32>
      %swap3A_831 = vector.shape_cast %add3A_821 : vector<16xf32> to vector<1x16xf32>
      tpu.vector_store %arg12[%swap3A_827, %swap3A_828], %swap3A_831 {strides = array<i32>} : memref<20x512xf32, #tpu.memory_space<vmem>>, vector<1x16xf32>,
      %get3A_832 = arith.constant 3 : i32
      %get3A_833 = arith.index_cast %get3A_832 : i32 to index
      %get3A_834 = arith.constant 16 : index
      %get3A_835 = tpu.vector_load %arg10[%get3A_833, %get3A_834] {strides = array<i32>} : memref<20x128xf32, #tpu.memory_space<vmem>>, vector<1x16xf32>,
      %get3A_836 = vector.shape_cast %get3A_835 : vector<1x16xf32> to vector<16xf32>
      %mul3A_837 = arith.mulf %get3A_519, %get3A_836 : vector<16xf32>
      %get3A_838 = arith.constant 3 : i32
      %get3A_839 = arith.index_cast %get3A_838 : i32 to index
      %get3A_840 = arith.constant 48 : index
      %get3A_841 = tpu.vector_load %arg10[%get3A_839, %get3A_840] {strides = array<i32>} : memref<20x128xf32, #tpu.memory_space<vmem>>, vector<1x16xf32>,
      %get3A_842 = vector.shape_cast %get3A_841 : vector<1x16xf32> to vector<16xf32>
      %mul3A_843 = arith.mulf %get3A_537, %get3A_842 : vector<16xf32>
      %add3A_844 = arith.addf %mul3A_837, %mul3A_843 : vector<16xf32>
      %get3A_845 = arith.constant 3 : i32
      %get3A_846 = arith.index_cast %get3A_845 : i32 to index
      %get3A_847 = arith.constant 80 : index
      %get3A_848 = tpu.vector_load %arg10[%get3A_846, %get3A_847] {strides = array<i32>} : memref<20x128xf32, #tpu.memory_space<vmem>>, vector<1x16xf32>,
      %get3A_849 = vector.shape_cast %get3A_848 : vector<1x16xf32> to vector<16xf32>
      %mul3A_850 = arith.mulf %get3A_555, %get3A_849 : vector<16xf32>
      %add3A_851 = arith.addf %add3A_844, %mul3A_850 : vector<16xf32>
      %get3A_852 = arith.constant 3 : i32
      %get3A_853 = arith.index_cast %get3A_852 : i32 to index
      %get3A_854 = arith.constant 112 : index
      %get3A_855 = tpu.vector_load %arg10[%get3A_853, %get3A_854] {strides = array<i32>} : memref<20x128xf32, #tpu.memory_space<vmem>>, vector<1x16xf32>,
      %get3A_856 = vector.shape_cast %get3A_855 : vector<1x16xf32> to vector<16xf32>
      %mul3A_857 = arith.mulf %get3A_573, %get3A_856 : vector<16xf32>
      %add3A_858 = arith.addf %add3A_851, %mul3A_857 : vector<16xf32>
      %mul3A_859 = arith.constant 32 : i32
      %mul3A_860 = arith.muli %add3A_497, %mul3A_859 : i32
      %add3A_861 = arith.constant 16 : i32
      %add3A_862 = arith.addi %mul3A_860, %add3A_861 : i32
      %swap3A_863 = arith.constant 3 : i32
      %swap3A_864 = arith.index_cast %swap3A_863 : i32 to index
      %swap3A_865 = arith.index_cast %add3A_862 : i32 to index
      %swap3A_866 = tpu.vector_load %arg12[%swap3A_864, %swap3A_865] {strides = array<i32>} : memref<20x512xf32, #tpu.memory_space<vmem>>, vector<1x16xf32>,
      %swap3A_867 = vector.shape_cast %swap3A_866 : vector<1x16xf32> to vector<16xf32>
      %swap3A_868 = vector.shape_cast %add3A_858 : vector<16xf32> to vector<1x16xf32>
      tpu.vector_store %arg12[%swap3A_864, %swap3A_865], %swap3A_868 {strides = array<i32>} : memref<20x512xf32, #tpu.memory_space<vmem>>, vector<1x16xf32>,
      %get3A_869 = arith.constant 4 : i32
      %get3A_870 = arith.index_cast %get3A_869 : i32 to index
      %get3A_871 = arith.constant 0 : index
      %get3A_872 = tpu.vector_load %arg10[%get3A_870, %get3A_871] {strides = array<i32>} : memref<20x128xf32, #tpu.memory_space<vmem>>, vector<1x16xf32>,
      %get3A_873 = vector.shape_cast %get3A_872 : vector<1x16xf32> to vector<16xf32>
      %mul3A_874 = arith.mulf %get3A_510, %get3A_873 : vector<16xf32>
      %get3A_875 = arith.constant 4 : i32
      %get3A_876 = arith.index_cast %get3A_875 : i32 to index
      %get3A_877 = arith.constant 32 : index
      %get3A_878 = tpu.vector_load %arg10[%get3A_876, %get3A_877] {strides = array<i32>} : memref<20x128xf32, #tpu.memory_space<vmem>>, vector<1x16xf32>,
      %get3A_879 = vector.shape_cast %get3A_878 : vector<1x16xf32> to vector<16xf32>
      %mul3A_880 = arith.mulf %get3A_528, %get3A_879 : vector<16xf32>
      %add3A_881 = arith.addf %mul3A_874, %mul3A_880 : vector<16xf32>
      %get3A_882 = arith.constant 4 : i32
      %get3A_883 = arith.index_cast %get3A_882 : i32 to index
      %get3A_884 = arith.constant 64 : index
      %get3A_885 = tpu.vector_load %arg10[%get3A_883, %get3A_884] {strides = array<i32>} : memref<20x128xf32, #tpu.memory_space<vmem>>, vector<1x16xf32>,
      %get3A_886 = vector.shape_cast %get3A_885 : vector<1x16xf32> to vector<16xf32>
      %mul3A_887 = arith.mulf %get3A_546, %get3A_886 : vector<16xf32>
      %add3A_888 = arith.addf %add3A_881, %mul3A_887 : vector<16xf32>
      %get3A_889 = arith.constant 4 : i32
      %get3A_890 = arith.index_cast %get3A_889 : i32 to index
      %get3A_891 = arith.constant 96 : index
      %get3A_892 = tpu.vector_load %arg10[%get3A_890, %get3A_891] {strides = array<i32>} : memref<20x128xf32, #tpu.memory_space<vmem>>, vector<1x16xf32>,
      %get3A_893 = vector.shape_cast %get3A_892 : vector<1x16xf32> to vector<16xf32>
      %mul3A_894 = arith.mulf %get3A_564, %get3A_893 : vector<16xf32>
      %add3A_895 = arith.addf %add3A_888, %mul3A_894 : vector<16xf32>
      %mul3A_896 = arith.constant 32 : i32
      %mul3A_897 = arith.muli %add3A_497, %mul3A_896 : i32
      %add3A_898 = arith.constant 0 : i32
      %add3A_899 = arith.addi %mul3A_897, %add3A_898 : i32
      %swap3A_900 = arith.constant 4 : i32
      %swap3A_901 = arith.index_cast %swap3A_900 : i32 to index
      %swap3A_902 = arith.index_cast %add3A_899 : i32 to index
      %swap3A_903 = tpu.vector_load %arg12[%swap3A_901, %swap3A_902] {strides = array<i32>} : memref<20x512xf32, #tpu.memory_space<vmem>>, vector<1x16xf32>,
      %swap3A_904 = vector.shape_cast %swap3A_903 : vector<1x16xf32> to vector<16xf32>
      %swap3A_905 = vector.shape_cast %add3A_895 : vector<16xf32> to vector<1x16xf32>
      tpu.vector_store %arg12[%swap3A_901, %swap3A_902], %swap3A_905 {strides = array<i32>} : memref<20x512xf32, #tpu.memory_space<vmem>>, vector<1x16xf32>,
      %get3A_906 = arith.constant 4 : i32
      %get3A_907 = arith.index_cast %get3A_906 : i32 to index
      %get3A_908 = arith.constant 16 : index
      %get3A_909 = tpu.vector_load %arg10[%get3A_907, %get3A_908] {strides = array<i32>} : memref<20x128xf32, #tpu.memory_space<vmem>>, vector<1x16xf32>,
      %get3A_910 = vector.shape_cast %get3A_909 : vector<1x16xf32> to vector<16xf32>
      %mul3A_911 = arith.mulf %get3A_519, %get3A_910 : vector<16xf32>
      %get3A_912 = arith.constant 4 : i32
      %get3A_913 = arith.index_cast %get3A_912 : i32 to index
      %get3A_914 = arith.constant 48 : index
      %get3A_915 = tpu.vector_load %arg10[%get3A_913, %get3A_914] {strides = array<i32>} : memref<20x128xf32, #tpu.memory_space<vmem>>, vector<1x16xf32>,
      %get3A_916 = vector.shape_cast %get3A_915 : vector<1x16xf32> to vector<16xf32>
      %mul3A_917 = arith.mulf %get3A_537, %get3A_916 : vector<16xf32>
      %add3A_918 = arith.addf %mul3A_911, %mul3A_917 : vector<16xf32>
      %get3A_919 = arith.constant 4 : i32
      %get3A_920 = arith.index_cast %get3A_919 : i32 to index
      %get3A_921 = arith.constant 80 : index
      %get3A_922 = tpu.vector_load %arg10[%get3A_920, %get3A_921] {strides = array<i32>} : memref<20x128xf32, #tpu.memory_space<vmem>>, vector<1x16xf32>,
      %get3A_923 = vector.shape_cast %get3A_922 : vector<1x16xf32> to vector<16xf32>
      %mul3A_924 = arith.mulf %get3A_555, %get3A_923 : vector<16xf32>
      %add3A_925 = arith.addf %add3A_918, %mul3A_924 : vector<16xf32>
      %get3A_926 = arith.constant 4 : i32
      %get3A_927 = arith.index_cast %get3A_926 : i32 to index
      %get3A_928 = arith.constant 112 : index
      %get3A_929 = tpu.vector_load %arg10[%get3A_927, %get3A_928] {strides = array<i32>} : memref<20x128xf32, #tpu.memory_space<vmem>>, vector<1x16xf32>,
      %get3A_930 = vector.shape_cast %get3A_929 : vector<1x16xf32> to vector<16xf32>
      %mul3A_931 = arith.mulf %get3A_573, %get3A_930 : vector<16xf32>
      %add3A_932 = arith.addf %add3A_925, %mul3A_931 : vector<16xf32>
      %mul3A_933 = arith.constant 32 : i32
      %mul3A_934 = arith.muli %add3A_497, %mul3A_933 : i32
      %add3A_935 = arith.constant 16 : i32
      %add3A_936 = arith.addi %mul3A_934, %add3A_935 : i32
      %swap3A_937 = arith.constant 4 : i32
      %swap3A_938 = arith.index_cast %swap3A_937 : i32 to index
      %swap3A_939 = arith.index_cast %add3A_936 : i32 to index
      %swap3A_940 = tpu.vector_load %arg12[%swap3A_938, %swap3A_939] {strides = array<i32>} : memref<20x512xf32, #tpu.memory_space<vmem>>, vector<1x16xf32>,
      %swap3A_941 = vector.shape_cast %swap3A_940 : vector<1x16xf32> to vector<16xf32>
      %swap3A_942 = vector.shape_cast %add3A_932 : vector<16xf32> to vector<1x16xf32>
      tpu.vector_store %arg12[%swap3A_938, %swap3A_939], %swap3A_942 {strides = array<i32>} : memref<20x512xf32, #tpu.memory_space<vmem>>, vector<1x16xf32>,
      %get3A_943 = arith.constant 5 : i32
      %get3A_944 = arith.index_cast %get3A_943 : i32 to index
      %get3A_945 = arith.constant 0 : index
      %get3A_946 = tpu.vector_load %arg10[%get3A_944, %get3A_945] {strides = array<i32>} : memref<20x128xf32, #tpu.memory_space<vmem>>, vector<1x16xf32>,
      %get3A_947 = vector.shape_cast %get3A_946 : vector<1x16xf32> to vector<16xf32>
      %mul3A_948 = arith.mulf %get3A_510, %get3A_947 : vector<16xf32>
      %get3A_949 = arith.constant 5 : i32
      %get3A_950 = arith.index_cast %get3A_949 : i32 to index
      %get3A_951 = arith.constant 32 : index
      %get3A_952 = tpu.vector_load %arg10[%get3A_950, %get3A_951] {strides = array<i32>} : memref<20x128xf32, #tpu.memory_space<vmem>>, vector<1x16xf32>,
      %get3A_953 = vector.shape_cast %get3A_952 : vector<1x16xf32> to vector<16xf32>
      %mul3A_954 = arith.mulf %get3A_528, %get3A_953 : vector<16xf32>
      %add3A_955 = arith.addf %mul3A_948, %mul3A_954 : vector<16xf32>
      %get3A_956 = arith.constant 5 : i32
      %get3A_957 = arith.index_cast %get3A_956 : i32 to index
      %get3A_958 = arith.constant 64 : index
      %get3A_959 = tpu.vector_load %arg10[%get3A_957, %get3A_958] {strides = array<i32>} : memref<20x128xf32, #tpu.memory_space<vmem>>, vector<1x16xf32>,
      %get3A_960 = vector.shape_cast %get3A_959 : vector<1x16xf32> to vector<16xf32>
      %mul3A_961 = arith.mulf %get3A_546, %get3A_960 : vector<16xf32>
      %add3A_962 = arith.addf %add3A_955, %mul3A_961 : vector<16xf32>
      %get3A_963 = arith.constant 5 : i32
      %get3A_964 = arith.index_cast %get3A_963 : i32 to index
      %get3A_965 = arith.constant 96 : index
      %get3A_966 = tpu.vector_load %arg10[%get3A_964, %get3A_965] {strides = array<i32>} : memref<20x128xf32, #tpu.memory_space<vmem>>, vector<1x16xf32>,
      %get3A_967 = vector.shape_cast %get3A_966 : vector<1x16xf32> to vector<16xf32>
      %mul3A_968 = arith.mulf %get3A_564, %get3A_967 : vector<16xf32>
      %add3A_969 = arith.addf %add3A_962, %mul3A_968 : vector<16xf32>
      %mul3A_970 = arith.constant 32 : i32
      %mul3A_971 = arith.muli %add3A_497, %mul3A_970 : i32
      %add3A_972 = arith.constant 0 : i32
      %add3A_973 = arith.addi %mul3A_971, %add3A_972 : i32
      %swap3A_974 = arith.constant 5 : i32
      %swap3A_975 = arith.index_cast %swap3A_974 : i32 to index
      %swap3A_976 = arith.index_cast %add3A_973 : i32 to index
      %swap3A_977 = tpu.vector_load %arg12[%swap3A_975, %swap3A_976] {strides = array<i32>} : memref<20x512xf32, #tpu.memory_space<vmem>>, vector<1x16xf32>,
      %swap3A_978 = vector.shape_cast %swap3A_977 : vector<1x16xf32> to vector<16xf32>
      %swap3A_979 = vector.shape_cast %add3A_969 : vector<16xf32> to vector<1x16xf32>
      tpu.vector_store %arg12[%swap3A_975, %swap3A_976], %swap3A_979 {strides = array<i32>} : memref<20x512xf32, #tpu.memory_space<vmem>>, vector<1x16xf32>,
      %get3A_980 = arith.constant 5 : i32
      %get3A_981 = arith.index_cast %get3A_980 : i32 to index
      %get3A_982 = arith.constant 16 : index
      %get3A_983 = tpu.vector_load %arg10[%get3A_981, %get3A_982] {strides = array<i32>} : memref<20x128xf32, #tpu.memory_space<vmem>>, vector<1x16xf32>,
      %get3A_984 = vector.shape_cast %get3A_983 : vector<1x16xf32> to vector<16xf32>
      %mul3A_985 = arith.mulf %get3A_519, %get3A_984 : vector<16xf32>
      %get3A_986 = arith.constant 5 : i32
      %get3A_987 = arith.index_cast %get3A_986 : i32 to index
      %get3A_988 = arith.constant 48 : index
      %get3A_989 = tpu.vector_load %arg10[%get3A_987, %get3A_988] {strides = array<i32>} : memref<20x128xf32, #tpu.memory_space<vmem>>, vector<1x16xf32>,
      %get3A_990 = vector.shape_cast %get3A_989 : vector<1x16xf32> to vector<16xf32>
      %mul3A_991 = arith.mulf %get3A_537, %get3A_990 : vector<16xf32>
      %add3A_992 = arith.addf %mul3A_985, %mul3A_991 : vector<16xf32>
      %get3A_993 = arith.constant 5 : i32
      %get3A_994 = arith.index_cast %get3A_993 : i32 to index
      %get3A_995 = arith.constant 80 : index
      %get3A_996 = tpu.vector_load %arg10[%get3A_994, %get3A_995] {strides = array<i32>} : memref<20x128xf32, #tpu.memory_space<vmem>>, vector<1x16xf32>,
      %get3A_997 = vector.shape_cast %get3A_996 : vector<1x16xf32> to vector<16xf32>
      %mul3A_998 = arith.mulf %get3A_555, %get3A_997 : vector<16xf32>
      %add3A_999 = arith.addf %add3A_992, %mul3A_998 : vector<16xf32>
      %get3A_1000 = arith.constant 5 : i32
      %get3A_1001 = arith.index_cast %get3A_1000 : i32 to index
      %get3A_1002 = arith.constant 112 : index
      %get3A_1003 = tpu.vector_load %arg10[%get3A_1001, %get3A_1002] {strides = array<i32>} : memref<20x128xf32, #tpu.memory_space<vmem>>, vector<1x16xf32>,
      %get3A_1004 = vector.shape_cast %get3A_1003 : vector<1x16xf32> to vector<16xf32>
      %mul3A_1005 = arith.mulf %get3A_573, %get3A_1004 : vector<16xf32>
      %add3A_1006 = arith.addf %add3A_999, %mul3A_1005 : vector<16xf32>
      %mul3A_1007 = arith.constant 32 : i32
      %mul3A_1008 = arith.muli %add3A_497, %mul3A_1007 : i32
      %add3A_1009 = arith.constant 16 : i32
      %add3A_1010 = arith.addi %mul3A_1008, %add3A_1009 : i32
      %swap3A_1011 = arith.constant 5 : i32
      %swap3A_1012 = arith.index_cast %swap3A_1011 : i32 to index
      %swap3A_1013 = arith.index_cast %add3A_1010 : i32 to index
      %swap3A_1014 = tpu.vector_load %arg12[%swap3A_1012, %swap3A_1013] {strides = array<i32>} : memref<20x512xf32, #tpu.memory_space<vmem>>, vector<1x16xf32>,
      %swap3A_1015 = vector.shape_cast %swap3A_1014 : vector<1x16xf32> to vector<16xf32>
      %swap3A_1016 = vector.shape_cast %add3A_1006 : vector<16xf32> to vector<1x16xf32>
      tpu.vector_store %arg12[%swap3A_1012, %swap3A_1013], %swap3A_1016 {strides = array<i32>} : memref<20x512xf32, #tpu.memory_space<vmem>>, vector<1x16xf32>,
      %get3A_1017 = arith.constant 6 : i32
      %get3A_1018 = arith.index_cast %get3A_1017 : i32 to index
      %get3A_1019 = arith.constant 0 : index
      %get3A_1020 = tpu.vector_load %arg10[%get3A_1018, %get3A_1019] {strides = array<i32>} : memref<20x128xf32, #tpu.memory_space<vmem>>, vector<1x16xf32>,
      %get3A_1021 = vector.shape_cast %get3A_1020 : vector<1x16xf32> to vector<16xf32>
      %mul3A_1022 = arith.mulf %get3A_510, %get3A_1021 : vector<16xf32>
      %get3A_1023 = arith.constant 6 : i32
      %get3A_1024 = arith.index_cast %get3A_1023 : i32 to index
      %get3A_1025 = arith.constant 32 : index
      %get3A_1026 = tpu.vector_load %arg10[%get3A_1024, %get3A_1025] {strides = array<i32>} : memref<20x128xf32, #tpu.memory_space<vmem>>, vector<1x16xf32>,
      %get3A_1027 = vector.shape_cast %get3A_1026 : vector<1x16xf32> to vector<16xf32>
      %mul3A_1028 = arith.mulf %get3A_528, %get3A_1027 : vector<16xf32>
      %add3A_1029 = arith.addf %mul3A_1022, %mul3A_1028 : vector<16xf32>
      %get3A_1030 = arith.constant 6 : i32
      %get3A_1031 = arith.index_cast %get3A_1030 : i32 to index
      %get3A_1032 = arith.constant 64 : index
      %get3A_1033 = tpu.vector_load %arg10[%get3A_1031, %get3A_1032] {strides = array<i32>} : memref<20x128xf32, #tpu.memory_space<vmem>>, vector<1x16xf32>,
      %get3A_1034 = vector.shape_cast %get3A_1033 : vector<1x16xf32> to vector<16xf32>
      %mul3A_1035 = arith.mulf %get3A_546, %get3A_1034 : vector<16xf32>
      %add3A_1036 = arith.addf %add3A_1029, %mul3A_1035 : vector<16xf32>
      %get3A_1037 = arith.constant 6 : i32
      %get3A_1038 = arith.index_cast %get3A_1037 : i32 to index
      %get3A_1039 = arith.constant 96 : index
      %get3A_1040 = tpu.vector_load %arg10[%get3A_1038, %get3A_1039] {strides = array<i32>} : memref<20x128xf32, #tpu.memory_space<vmem>>, vector<1x16xf32>,
      %get3A_1041 = vector.shape_cast %get3A_1040 : vector<1x16xf32> to vector<16xf32>
      %mul3A_1042 = arith.mulf %get3A_564, %get3A_1041 : vector<16xf32>
      %add3A_1043 = arith.addf %add3A_1036, %mul3A_1042 : vector<16xf32>
      %mul3A_1044 = arith.constant 32 : i32
      %mul3A_1045 = arith.muli %add3A_497, %mul3A_1044 : i32
      %add3A_1046 = arith.constant 0 : i32
      %add3A_1047 = arith.addi %mul3A_1045, %add3A_1046 : i32
      %swap3A_1048 = arith.constant 6 : i32
      %swap3A_1049 = arith.index_cast %swap3A_1048 : i32 to index
      %swap3A_1050 = arith.index_cast %add3A_1047 : i32 to index
      %swap3A_1051 = tpu.vector_load %arg12[%swap3A_1049, %swap3A_1050] {strides = array<i32>} : memref<20x512xf32, #tpu.memory_space<vmem>>, vector<1x16xf32>,
      %swap3A_1052 = vector.shape_cast %swap3A_1051 : vector<1x16xf32> to vector<16xf32>
      %swap3A_1053 = vector.shape_cast %add3A_1043 : vector<16xf32> to vector<1x16xf32>
      tpu.vector_store %arg12[%swap3A_1049, %swap3A_1050], %swap3A_1053 {strides = array<i32>} : memref<20x512xf32, #tpu.memory_space<vmem>>, vector<1x16xf32>,
      %get3A_1054 = arith.constant 6 : i32
      %get3A_1055 = arith.index_cast %get3A_1054 : i32 to index
      %get3A_1056 = arith.constant 16 : index
      %get3A_1057 = tpu.vector_load %arg10[%get3A_1055, %get3A_1056] {strides = array<i32>} : memref<20x128xf32, #tpu.memory_space<vmem>>, vector<1x16xf32>,
      %get3A_1058 = vector.shape_cast %get3A_1057 : vector<1x16xf32> to vector<16xf32>
      %mul3A_1059 = arith.mulf %get3A_519, %get3A_1058 : vector<16xf32>
      %get3A_1060 = arith.constant 6 : i32
      %get3A_1061 = arith.index_cast %get3A_1060 : i32 to index
      %get3A_1062 = arith.constant 48 : index
      %get3A_1063 = tpu.vector_load %arg10[%get3A_1061, %get3A_1062] {strides = array<i32>} : memref<20x128xf32, #tpu.memory_space<vmem>>, vector<1x16xf32>,
      %get3A_1064 = vector.shape_cast %get3A_1063 : vector<1x16xf32> to vector<16xf32>
      %mul3A_1065 = arith.mulf %get3A_537, %get3A_1064 : vector<16xf32>
      %add3A_1066 = arith.addf %mul3A_1059, %mul3A_1065 : vector<16xf32>
      %get3A_1067 = arith.constant 6 : i32
      %get3A_1068 = arith.index_cast %get3A_1067 : i32 to index
      %get3A_1069 = arith.constant 80 : index
      %get3A_1070 = tpu.vector_load %arg10[%get3A_1068, %get3A_1069] {strides = array<i32>} : memref<20x128xf32, #tpu.memory_space<vmem>>, vector<1x16xf32>,
      %get3A_1071 = vector.shape_cast %get3A_1070 : vector<1x16xf32> to vector<16xf32>
      %mul3A_1072 = arith.mulf %get3A_555, %get3A_1071 : vector<16xf32>
      %add3A_1073 = arith.addf %add3A_1066, %mul3A_1072 : vector<16xf32>
      %get3A_1074 = arith.constant 6 : i32
      %get3A_1075 = arith.index_cast %get3A_1074 : i32 to index
      %get3A_1076 = arith.constant 112 : index
      %get3A_1077 = tpu.vector_load %arg10[%get3A_1075, %get3A_1076] {strides = array<i32>} : memref<20x128xf32, #tpu.memory_space<vmem>>, vector<1x16xf32>,
      %get3A_1078 = vector.shape_cast %get3A_1077 : vector<1x16xf32> to vector<16xf32>
      %mul3A_1079 = arith.mulf %get3A_573, %get3A_1078 : vector<16xf32>
      %add3A_1080 = arith.addf %add3A_1073, %mul3A_1079 : vector<16xf32>
      %mul3A_1081 = arith.constant 32 : i32
      %mul3A_1082 = arith.muli %add3A_497, %mul3A_1081 : i32
      %add3A_1083 = arith.constant 16 : i32
      %add3A_1084 = arith.addi %mul3A_1082, %add3A_1083 : i32
      %swap3A_1085 = arith.constant 6 : i32
      %swap3A_1086 = arith.index_cast %swap3A_1085 : i32 to index
      %swap3A_1087 = arith.index_cast %add3A_1084 : i32 to index
      %swap3A_1088 = tpu.vector_load %arg12[%swap3A_1086, %swap3A_1087] {strides = array<i32>} : memref<20x512xf32, #tpu.memory_space<vmem>>, vector<1x16xf32>,
      %swap3A_1089 = vector.shape_cast %swap3A_1088 : vector<1x16xf32> to vector<16xf32>
      %swap3A_1090 = vector.shape_cast %add3A_1080 : vector<16xf32> to vector<1x16xf32>
      tpu.vector_store %arg12[%swap3A_1086, %swap3A_1087], %swap3A_1090 {strides = array<i32>} : memref<20x512xf32, #tpu.memory_space<vmem>>, vector<1x16xf32>,
      %get3A_1091 = arith.constant 7 : i32
      %get3A_1092 = arith.index_cast %get3A_1091 : i32 to index
      %get3A_1093 = arith.constant 0 : index
      %get3A_1094 = tpu.vector_load %arg10[%get3A_1092, %get3A_1093] {strides = array<i32>} : memref<20x128xf32, #tpu.memory_space<vmem>>, vector<1x16xf32>,
      %get3A_1095 = vector.shape_cast %get3A_1094 : vector<1x16xf32> to vector<16xf32>
      %mul3A_1096 = arith.mulf %get3A_510, %get3A_1095 : vector<16xf32>
      %get3A_1097 = arith.constant 7 : i32
      %get3A_1098 = arith.index_cast %get3A_1097 : i32 to index
      %get3A_1099 = arith.constant 32 : index
      %get3A_1100 = tpu.vector_load %arg10[%get3A_1098, %get3A_1099] {strides = array<i32>} : memref<20x128xf32, #tpu.memory_space<vmem>>, vector<1x16xf32>,
      %get3A_1101 = vector.shape_cast %get3A_1100 : vector<1x16xf32> to vector<16xf32>
      %mul3A_1102 = arith.mulf %get3A_528, %get3A_1101 : vector<16xf32>
      %add3A_1103 = arith.addf %mul3A_1096, %mul3A_1102 : vector<16xf32>
      %get3A_1104 = arith.constant 7 : i32
      %get3A_1105 = arith.index_cast %get3A_1104 : i32 to index
      %get3A_1106 = arith.constant 64 : index
      %get3A_1107 = tpu.vector_load %arg10[%get3A_1105, %get3A_1106] {strides = array<i32>} : memref<20x128xf32, #tpu.memory_space<vmem>>, vector<1x16xf32>,
      %get3A_1108 = vector.shape_cast %get3A_1107 : vector<1x16xf32> to vector<16xf32>
      %mul3A_1109 = arith.mulf %get3A_546, %get3A_1108 : vector<16xf32>
      %add3A_1110 = arith.addf %add3A_1103, %mul3A_1109 : vector<16xf32>
      %get3A_1111 = arith.constant 7 : i32
      %get3A_1112 = arith.index_cast %get3A_1111 : i32 to index
      %get3A_1113 = arith.constant 96 : index
      %get3A_1114 = tpu.vector_load %arg10[%get3A_1112, %get3A_1113] {strides = array<i32>} : memref<20x128xf32, #tpu.memory_space<vmem>>, vector<1x16xf32>,
      %get3A_1115 = vector.shape_cast %get3A_1114 : vector<1x16xf32> to vector<16xf32>
      %mul3A_1116 = arith.mulf %get3A_564, %get3A_1115 : vector<16xf32>
      %add3A_1117 = arith.addf %add3A_1110, %mul3A_1116 : vector<16xf32>
      %mul3A_1118 = arith.constant 32 : i32
      %mul3A_1119 = arith.muli %add3A_497, %mul3A_1118 : i32
      %add3A_1120 = arith.constant 0 : i32
      %add3A_1121 = arith.addi %mul3A_1119, %add3A_1120 : i32
      %swap3A_1122 = arith.constant 7 : i32
      %swap3A_1123 = arith.index_cast %swap3A_1122 : i32 to index
      %swap3A_1124 = arith.index_cast %add3A_1121 : i32 to index
      %swap3A_1125 = tpu.vector_load %arg12[%swap3A_1123, %swap3A_1124] {strides = array<i32>} : memref<20x512xf32, #tpu.memory_space<vmem>>, vector<1x16xf32>,
      %swap3A_1126 = vector.shape_cast %swap3A_1125 : vector<1x16xf32> to vector<16xf32>
      %swap3A_1127 = vector.shape_cast %add3A_1117 : vector<16xf32> to vector<1x16xf32>
      tpu.vector_store %arg12[%swap3A_1123, %swap3A_1124], %swap3A_1127 {strides = array<i32>} : memref<20x512xf32, #tpu.memory_space<vmem>>, vector<1x16xf32>,
      %get3A_1128 = arith.constant 7 : i32
      %get3A_1129 = arith.index_cast %get3A_1128 : i32 to index
      %get3A_1130 = arith.constant 16 : index
      %get3A_1131 = tpu.vector_load %arg10[%get3A_1129, %get3A_1130] {strides = array<i32>} : memref<20x128xf32, #tpu.memory_space<vmem>>, vector<1x16xf32>,
      %get3A_1132 = vector.shape_cast %get3A_1131 : vector<1x16xf32> to vector<16xf32>
      %mul3A_1133 = arith.mulf %get3A_519, %get3A_1132 : vector<16xf32>
      %get3A_1134 = arith.constant 7 : i32
      %get3A_1135 = arith.index_cast %get3A_1134 : i32 to index
      %get3A_1136 = arith.constant 48 : index
      %get3A_1137 = tpu.vector_load %arg10[%get3A_1135, %get3A_1136] {strides = array<i32>} : memref<20x128xf32, #tpu.memory_space<vmem>>, vector<1x16xf32>,
      %get3A_1138 = vector.shape_cast %get3A_1137 : vector<1x16xf32> to vector<16xf32>
      %mul3A_1139 = arith.mulf %get3A_537, %get3A_1138 : vector<16xf32>
      %add3A_1140 = arith.addf %mul3A_1133, %mul3A_1139 : vector<16xf32>
      %get3A_1141 = arith.constant 7 : i32
      %get3A_1142 = arith.index_cast %get3A_1141 : i32 to index
      %get3A_1143 = arith.constant 80 : index
      %get3A_1144 = tpu.vector_load %arg10[%get3A_1142, %get3A_1143] {strides = array<i32>} : memref<20x128xf32, #tpu.memory_space<vmem>>, vector<1x16xf32>,
      %get3A_1145 = vector.shape_cast %get3A_1144 : vector<1x16xf32> to vector<16xf32>
      %mul3A_1146 = arith.mulf %get3A_555, %get3A_1145 : vector<16xf32>
      %add3A_1147 = arith.addf %add3A_1140, %mul3A_1146 : vector<16xf32>
      %get3A_1148 = arith.constant 7 : i32
      %get3A_1149 = arith.index_cast %get3A_1148 : i32 to index
      %get3A_1150 = arith.constant 112 : index
      %get3A_1151 = tpu.vector_load %arg10[%get3A_1149, %get3A_1150] {strides = array<i32>} : memref<20x128xf32, #tpu.memory_space<vmem>>, vector<1x16xf32>,
      %get3A_1152 = vector.shape_cast %get3A_1151 : vector<1x16xf32> to vector<16xf32>
      %mul3A_1153 = arith.mulf %get3A_573, %get3A_1152 : vector<16xf32>
      %add3A_1154 = arith.addf %add3A_1147, %mul3A_1153 : vector<16xf32>
      %mul3A_1155 = arith.constant 32 : i32
      %mul3A_1156 = arith.muli %add3A_497, %mul3A_1155 : i32
      %add3A_1157 = arith.constant 16 : i32
      %add3A_1158 = arith.addi %mul3A_1156, %add3A_1157 : i32
      %swap3A_1159 = arith.constant 7 : i32
      %swap3A_1160 = arith.index_cast %swap3A_1159 : i32 to index
      %swap3A_1161 = arith.index_cast %add3A_1158 : i32 to index
      %swap3A_1162 = tpu.vector_load %arg12[%swap3A_1160, %swap3A_1161] {strides = array<i32>} : memref<20x512xf32, #tpu.memory_space<vmem>>, vector<1x16xf32>,
      %swap3A_1163 = vector.shape_cast %swap3A_1162 : vector<1x16xf32> to vector<16xf32>
      %swap3A_1164 = vector.shape_cast %add3A_1154 : vector<16xf32> to vector<1x16xf32>
      tpu.vector_store %arg12[%swap3A_1160, %swap3A_1161], %swap3A_1164 {strides = array<i32>} : memref<20x512xf32, #tpu.memory_space<vmem>>, vector<1x16xf32>,
      %get3A_1165 = arith.constant 8 : i32
      %get3A_1166 = arith.index_cast %get3A_1165 : i32 to index
      %get3A_1167 = arith.constant 0 : index
      %get3A_1168 = tpu.vector_load %arg10[%get3A_1166, %get3A_1167] {strides = array<i32>} : memref<20x128xf32, #tpu.memory_space<vmem>>, vector<1x16xf32>,
      %get3A_1169 = vector.shape_cast %get3A_1168 : vector<1x16xf32> to vector<16xf32>
      %mul3A_1170 = arith.mulf %get3A_510, %get3A_1169 : vector<16xf32>
      %get3A_1171 = arith.constant 8 : i32
      %get3A_1172 = arith.index_cast %get3A_1171 : i32 to index
      %get3A_1173 = arith.constant 32 : index
      %get3A_1174 = tpu.vector_load %arg10[%get3A_1172, %get3A_1173] {strides = array<i32>} : memref<20x128xf32, #tpu.memory_space<vmem>>, vector<1x16xf32>,
      %get3A_1175 = vector.shape_cast %get3A_1174 : vector<1x16xf32> to vector<16xf32>
      %mul3A_1176 = arith.mulf %get3A_528, %get3A_1175 : vector<16xf32>
      %add3A_1177 = arith.addf %mul3A_1170, %mul3A_1176 : vector<16xf32>
      %get3A_1178 = arith.constant 8 : i32
      %get3A_1179 = arith.index_cast %get3A_1178 : i32 to index
      %get3A_1180 = arith.constant 64 : index
      %get3A_1181 = tpu.vector_load %arg10[%get3A_1179, %get3A_1180] {strides = array<i32>} : memref<20x128xf32, #tpu.memory_space<vmem>>, vector<1x16xf32>,
      %get3A_1182 = vector.shape_cast %get3A_1181 : vector<1x16xf32> to vector<16xf32>
      %mul3A_1183 = arith.mulf %get3A_546, %get3A_1182 : vector<16xf32>
      %add3A_1184 = arith.addf %add3A_1177, %mul3A_1183 : vector<16xf32>
      %get3A_1185 = arith.constant 8 : i32
      %get3A_1186 = arith.index_cast %get3A_1185 : i32 to index
      %get3A_1187 = arith.constant 96 : index
      %get3A_1188 = tpu.vector_load %arg10[%get3A_1186, %get3A_1187] {strides = array<i32>} : memref<20x128xf32, #tpu.memory_space<vmem>>, vector<1x16xf32>,
      %get3A_1189 = vector.shape_cast %get3A_1188 : vector<1x16xf32> to vector<16xf32>
      %mul3A_1190 = arith.mulf %get3A_564, %get3A_1189 : vector<16xf32>
      %add3A_1191 = arith.addf %add3A_1184, %mul3A_1190 : vector<16xf32>
      %mul3A_1192 = arith.constant 32 : i32
      %mul3A_1193 = arith.muli %add3A_497, %mul3A_1192 : i32
      %add3A_1194 = arith.constant 0 : i32
      %add3A_1195 = arith.addi %mul3A_1193, %add3A_1194 : i32
      %swap3A_1196 = arith.constant 8 : i32
      %swap3A_1197 = arith.index_cast %swap3A_1196 : i32 to index
      %swap3A_1198 = arith.index_cast %add3A_1195 : i32 to index
      %swap3A_1199 = tpu.vector_load %arg12[%swap3A_1197, %swap3A_1198] {strides = array<i32>} : memref<20x512xf32, #tpu.memory_space<vmem>>, vector<1x16xf32>,
      %swap3A_1200 = vector.shape_cast %swap3A_1199 : vector<1x16xf32> to vector<16xf32>
      %swap3A_1201 = vector.shape_cast %add3A_1191 : vector<16xf32> to vector<1x16xf32>
      tpu.vector_store %arg12[%swap3A_1197, %swap3A_1198], %swap3A_1201 {strides = array<i32>} : memref<20x512xf32, #tpu.memory_space<vmem>>, vector<1x16xf32>,
      %get3A_1202 = arith.constant 8 : i32
      %get3A_1203 = arith.index_cast %get3A_1202 : i32 to index
      %get3A_1204 = arith.constant 16 : index
      %get3A_1205 = tpu.vector_load %arg10[%get3A_1203, %get3A_1204] {strides = array<i32>} : memref<20x128xf32, #tpu.memory_space<vmem>>, vector<1x16xf32>,
      %get3A_1206 = vector.shape_cast %get3A_1205 : vector<1x16xf32> to vector<16xf32>
      %mul3A_1207 = arith.mulf %get3A_519, %get3A_1206 : vector<16xf32>
      %get3A_1208 = arith.constant 8 : i32
      %get3A_1209 = arith.index_cast %get3A_1208 : i32 to index
      %get3A_1210 = arith.constant 48 : index
      %get3A_1211 = tpu.vector_load %arg10[%get3A_1209, %get3A_1210] {strides = array<i32>} : memref<20x128xf32, #tpu.memory_space<vmem>>, vector<1x16xf32>,
      %get3A_1212 = vector.shape_cast %get3A_1211 : vector<1x16xf32> to vector<16xf32>
      %mul3A_1213 = arith.mulf %get3A_537, %get3A_1212 : vector<16xf32>
      %add3A_1214 = arith.addf %mul3A_1207, %mul3A_1213 : vector<16xf32>
      %get3A_1215 = arith.constant 8 : i32
      %get3A_1216 = arith.index_cast %get3A_1215 : i32 to index
      %get3A_1217 = arith.constant 80 : index
      %get3A_1218 = tpu.vector_load %arg10[%get3A_1216, %get3A_1217] {strides = array<i32>} : memref<20x128xf32, #tpu.memory_space<vmem>>, vector<1x16xf32>,
      %get3A_1219 = vector.shape_cast %get3A_1218 : vector<1x16xf32> to vector<16xf32>
      %mul3A_1220 = arith.mulf %get3A_555, %get3A_1219 : vector<16xf32>
      %add3A_1221 = arith.addf %add3A_1214, %mul3A_1220 : vector<16xf32>
      %get3A_1222 = arith.constant 8 : i32
      %get3A_1223 = arith.index_cast %get3A_1222 : i32 to index
      %get3A_1224 = arith.constant 112 : index
      %get3A_1225 = tpu.vector_load %arg10[%get3A_1223, %get3A_1224] {strides = array<i32>} : memref<20x128xf32, #tpu.memory_space<vmem>>, vector<1x16xf32>,
      %get3A_1226 = vector.shape_cast %get3A_1225 : vector<1x16xf32> to vector<16xf32>
      %mul3A_1227 = arith.mulf %get3A_573, %get3A_1226 : vector<16xf32>
      %add3A_1228 = arith.addf %add3A_1221, %mul3A_1227 : vector<16xf32>
      %mul3A_1229 = arith.constant 32 : i32
      %mul3A_1230 = arith.muli %add3A_497, %mul3A_1229 : i32
      %add3A_1231 = arith.constant 16 : i32
      %add3A_1232 = arith.addi %mul3A_1230, %add3A_1231 : i32
      %swap3A_1233 = arith.constant 8 : i32
      %swap3A_1234 = arith.index_cast %swap3A_1233 : i32 to index
      %swap3A_1235 = arith.index_cast %add3A_1232 : i32 to index
      %swap3A_1236 = tpu.vector_load %arg12[%swap3A_1234, %swap3A_1235] {strides = array<i32>} : memref<20x512xf32, #tpu.memory_space<vmem>>, vector<1x16xf32>,
      %swap3A_1237 = vector.shape_cast %swap3A_1236 : vector<1x16xf32> to vector<16xf32>
      %swap3A_1238 = vector.shape_cast %add3A_1228 : vector<16xf32> to vector<1x16xf32>
      tpu.vector_store %arg12[%swap3A_1234, %swap3A_1235], %swap3A_1238 {strides = array<i32>} : memref<20x512xf32, #tpu.memory_space<vmem>>, vector<1x16xf32>,
      %get3A_1239 = arith.constant 9 : i32
      %get3A_1240 = arith.index_cast %get3A_1239 : i32 to index
      %get3A_1241 = arith.constant 0 : index
      %get3A_1242 = tpu.vector_load %arg10[%get3A_1240, %get3A_1241] {strides = array<i32>} : memref<20x128xf32, #tpu.memory_space<vmem>>, vector<1x16xf32>,
      %get3A_1243 = vector.shape_cast %get3A_1242 : vector<1x16xf32> to vector<16xf32>
      %mul3A_1244 = arith.mulf %get3A_510, %get3A_1243 : vector<16xf32>
      %get3A_1245 = arith.constant 9 : i32
      %get3A_1246 = arith.index_cast %get3A_1245 : i32 to index
      %get3A_1247 = arith.constant 32 : index
      %get3A_1248 = tpu.vector_load %arg10[%get3A_1246, %get3A_1247] {strides = array<i32>} : memref<20x128xf32, #tpu.memory_space<vmem>>, vector<1x16xf32>,
      %get3A_1249 = vector.shape_cast %get3A_1248 : vector<1x16xf32> to vector<16xf32>
      %mul3A_1250 = arith.mulf %get3A_528, %get3A_1249 : vector<16xf32>
      %add3A_1251 = arith.addf %mul3A_1244, %mul3A_1250 : vector<16xf32>
      %get3A_1252 = arith.constant 9 : i32
      %get3A_1253 = arith.index_cast %get3A_1252 : i32 to index
      %get3A_1254 = arith.constant 64 : index
      %get3A_1255 = tpu.vector_load %arg10[%get3A_1253, %get3A_1254] {strides = array<i32>} : memref<20x128xf32, #tpu.memory_space<vmem>>, vector<1x16xf32>,
      %get3A_1256 = vector.shape_cast %get3A_1255 : vector<1x16xf32> to vector<16xf32>
      %mul3A_1257 = arith.mulf %get3A_546, %get3A_1256 : vector<16xf32>
      %add3A_1258 = arith.addf %add3A_1251, %mul3A_1257 : vector<16xf32>
      %get3A_1259 = arith.constant 9 : i32
      %get3A_1260 = arith.index_cast %get3A_1259 : i32 to index
      %get3A_1261 = arith.constant 96 : index
      %get3A_1262 = tpu.vector_load %arg10[%get3A_1260, %get3A_1261] {strides = array<i32>} : memref<20x128xf32, #tpu.memory_space<vmem>>, vector<1x16xf32>,
      %get3A_1263 = vector.shape_cast %get3A_1262 : vector<1x16xf32> to vector<16xf32>
      %mul3A_1264 = arith.mulf %get3A_564, %get3A_1263 : vector<16xf32>
      %add3A_1265 = arith.addf %add3A_1258, %mul3A_1264 : vector<16xf32>
      %mul3A_1266 = arith.constant 32 : i32
      %mul3A_1267 = arith.muli %add3A_497, %mul3A_1266 : i32
      %add3A_1268 = arith.constant 0 : i32
      %add3A_1269 = arith.addi %mul3A_1267, %add3A_1268 : i32
      %swap3A_1270 = arith.constant 9 : i32
      %swap3A_1271 = arith.index_cast %swap3A_1270 : i32 to index
      %swap3A_1272 = arith.index_cast %add3A_1269 : i32 to index
      %swap3A_1273 = tpu.vector_load %arg12[%swap3A_1271, %swap3A_1272] {strides = array<i32>} : memref<20x512xf32, #tpu.memory_space<vmem>>, vector<1x16xf32>,
      %swap3A_1274 = vector.shape_cast %swap3A_1273 : vector<1x16xf32> to vector<16xf32>
      %swap3A_1275 = vector.shape_cast %add3A_1265 : vector<16xf32> to vector<1x16xf32>
      tpu.vector_store %arg12[%swap3A_1271, %swap3A_1272], %swap3A_1275 {strides = array<i32>} : memref<20x512xf32, #tpu.memory_space<vmem>>, vector<1x16xf32>,
      %get3A_1276 = arith.constant 9 : i32
      %get3A_1277 = arith.index_cast %get3A_1276 : i32 to index
      %get3A_1278 = arith.constant 16 : index
      %get3A_1279 = tpu.vector_load %arg10[%get3A_1277, %get3A_1278] {strides = array<i32>} : memref<20x128xf32, #tpu.memory_space<vmem>>, vector<1x16xf32>,
      %get3A_1280 = vector.shape_cast %get3A_1279 : vector<1x16xf32> to vector<16xf32>
      %mul3A_1281 = arith.mulf %get3A_519, %get3A_1280 : vector<16xf32>
      %get3A_1282 = arith.constant 9 : i32
      %get3A_1283 = arith.index_cast %get3A_1282 : i32 to index
      %get3A_1284 = arith.constant 48 : index
      %get3A_1285 = tpu.vector_load %arg10[%get3A_1283, %get3A_1284] {strides = array<i32>} : memref<20x128xf32, #tpu.memory_space<vmem>>, vector<1x16xf32>,
      %get3A_1286 = vector.shape_cast %get3A_1285 : vector<1x16xf32> to vector<16xf32>
      %mul3A_1287 = arith.mulf %get3A_537, %get3A_1286 : vector<16xf32>
      %add3A_1288 = arith.addf %mul3A_1281, %mul3A_1287 : vector<16xf32>
      %get3A_1289 = arith.constant 9 : i32
      %get3A_1290 = arith.index_cast %get3A_1289 : i32 to index
      %get3A_1291 = arith.constant 80 : index
      %get3A_1292 = tpu.vector_load %arg10[%get3A_1290, %get3A_1291] {strides = array<i32>} : memref<20x128xf32, #tpu.memory_space<vmem>>, vector<1x16xf32>,
      %get3A_1293 = vector.shape_cast %get3A_1292 : vector<1x16xf32> to vector<16xf32>
      %mul3A_1294 = arith.mulf %get3A_555, %get3A_1293 : vector<16xf32>
      %add3A_1295 = arith.addf %add3A_1288, %mul3A_1294 : vector<16xf32>
      %get3A_1296 = arith.constant 9 : i32
      %get3A_1297 = arith.index_cast %get3A_1296 : i32 to index
      %get3A_1298 = arith.constant 112 : index
      %get3A_1299 = tpu.vector_load %arg10[%get3A_1297, %get3A_1298] {strides = array<i32>} : memref<20x128xf32, #tpu.memory_space<vmem>>, vector<1x16xf32>,
      %get3A_1300 = vector.shape_cast %get3A_1299 : vector<1x16xf32> to vector<16xf32>
      %mul3A_1301 = arith.mulf %get3A_573, %get3A_1300 : vector<16xf32>
      %add3A_1302 = arith.addf %add3A_1295, %mul3A_1301 : vector<16xf32>
      %mul3A_1303 = arith.constant 32 : i32
      %mul3A_1304 = arith.muli %add3A_497, %mul3A_1303 : i32
      %add3A_1305 = arith.constant 16 : i32
      %add3A_1306 = arith.addi %mul3A_1304, %add3A_1305 : i32
      %swap3A_1307 = arith.constant 9 : i32
      %swap3A_1308 = arith.index_cast %swap3A_1307 : i32 to index
      %swap3A_1309 = arith.index_cast %add3A_1306 : i32 to index
      %swap3A_1310 = tpu.vector_load %arg12[%swap3A_1308, %swap3A_1309] {strides = array<i32>} : memref<20x512xf32, #tpu.memory_space<vmem>>, vector<1x16xf32>,
      %swap3A_1311 = vector.shape_cast %swap3A_1310 : vector<1x16xf32> to vector<16xf32>
      %swap3A_1312 = vector.shape_cast %add3A_1302 : vector<16xf32> to vector<1x16xf32>
      tpu.vector_store %arg12[%swap3A_1308, %swap3A_1309], %swap3A_1312 {strides = array<i32>} : memref<20x512xf32, #tpu.memory_space<vmem>>, vector<1x16xf32>,
      %get3A_1313 = arith.constant 10 : i32
      %get3A_1314 = arith.index_cast %get3A_1313 : i32 to index
      %get3A_1315 = arith.constant 0 : index
      %get3A_1316 = tpu.vector_load %arg10[%get3A_1314, %get3A_1315] {strides = array<i32>} : memref<20x128xf32, #tpu.memory_space<vmem>>, vector<1x16xf32>,
      %get3A_1317 = vector.shape_cast %get3A_1316 : vector<1x16xf32> to vector<16xf32>
      %mul3A_1318 = arith.mulf %get3A_510, %get3A_1317 : vector<16xf32>
      %get3A_1319 = arith.constant 10 : i32
      %get3A_1320 = arith.index_cast %get3A_1319 : i32 to index
      %get3A_1321 = arith.constant 32 : index
      %get3A_1322 = tpu.vector_load %arg10[%get3A_1320, %get3A_1321] {strides = array<i32>} : memref<20x128xf32, #tpu.memory_space<vmem>>, vector<1x16xf32>,
      %get3A_1323 = vector.shape_cast %get3A_1322 : vector<1x16xf32> to vector<16xf32>
      %mul3A_1324 = arith.mulf %get3A_528, %get3A_1323 : vector<16xf32>
      %add3A_1325 = arith.addf %mul3A_1318, %mul3A_1324 : vector<16xf32>
      %get3A_1326 = arith.constant 10 : i32
      %get3A_1327 = arith.index_cast %get3A_1326 : i32 to index
      %get3A_1328 = arith.constant 64 : index
      %get3A_1329 = tpu.vector_load %arg10[%get3A_1327, %get3A_1328] {strides = array<i32>} : memref<20x128xf32, #tpu.memory_space<vmem>>, vector<1x16xf32>,
      %get3A_1330 = vector.shape_cast %get3A_1329 : vector<1x16xf32> to vector<16xf32>
      %mul3A_1331 = arith.mulf %get3A_546, %get3A_1330 : vector<16xf32>
      %add3A_1332 = arith.addf %add3A_1325, %mul3A_1331 : vector<16xf32>
      %get3A_1333 = arith.constant 10 : i32
      %get3A_1334 = arith.index_cast %get3A_1333 : i32 to index
      %get3A_1335 = arith.constant 96 : index
      %get3A_1336 = tpu.vector_load %arg10[%get3A_1334, %get3A_1335] {strides = array<i32>} : memref<20x128xf32, #tpu.memory_space<vmem>>, vector<1x16xf32>,
      %get3A_1337 = vector.shape_cast %get3A_1336 : vector<1x16xf32> to vector<16xf32>
      %mul3A_1338 = arith.mulf %get3A_564, %get3A_1337 : vector<16xf32>
      %add3A_1339 = arith.addf %add3A_1332, %mul3A_1338 : vector<16xf32>
      %mul3A_1340 = arith.constant 32 : i32
      %mul3A_1341 = arith.muli %add3A_497, %mul3A_1340 : i32
      %add3A_1342 = arith.constant 0 : i32
      %add3A_1343 = arith.addi %mul3A_1341, %add3A_1342 : i32
      %swap3A_1344 = arith.constant 10 : i32
      %swap3A_1345 = arith.index_cast %swap3A_1344 : i32 to index
      %swap3A_1346 = arith.index_cast %add3A_1343 : i32 to index
      %swap3A_1347 = tpu.vector_load %arg12[%swap3A_1345, %swap3A_1346] {strides = array<i32>} : memref<20x512xf32, #tpu.memory_space<vmem>>, vector<1x16xf32>,
      %swap3A_1348 = vector.shape_cast %swap3A_1347 : vector<1x16xf32> to vector<16xf32>
      %swap3A_1349 = vector.shape_cast %add3A_1339 : vector<16xf32> to vector<1x16xf32>
      tpu.vector_store %arg12[%swap3A_1345, %swap3A_1346], %swap3A_1349 {strides = array<i32>} : memref<20x512xf32, #tpu.memory_space<vmem>>, vector<1x16xf32>,
      %get3A_1350 = arith.constant 10 : i32
      %get3A_1351 = arith.index_cast %get3A_1350 : i32 to index
      %get3A_1352 = arith.constant 16 : index
      %get3A_1353 = tpu.vector_load %arg10[%get3A_1351, %get3A_1352] {strides = array<i32>} : memref<20x128xf32, #tpu.memory_space<vmem>>, vector<1x16xf32>,
      %get3A_1354 = vector.shape_cast %get3A_1353 : vector<1x16xf32> to vector<16xf32>
      %mul3A_1355 = arith.mulf %get3A_519, %get3A_1354 : vector<16xf32>
      %get3A_1356 = arith.constant 10 : i32
      %get3A_1357 = arith.index_cast %get3A_1356 : i32 to index
      %get3A_1358 = arith.constant 48 : index
      %get3A_1359 = tpu.vector_load %arg10[%get3A_1357, %get3A_1358] {strides = array<i32>} : memref<20x128xf32, #tpu.memory_space<vmem>>, vector<1x16xf32>,
      %get3A_1360 = vector.shape_cast %get3A_1359 : vector<1x16xf32> to vector<16xf32>
      %mul3A_1361 = arith.mulf %get3A_537, %get3A_1360 : vector<16xf32>
      %add3A_1362 = arith.addf %mul3A_1355, %mul3A_1361 : vector<16xf32>
      %get3A_1363 = arith.constant 10 : i32
      %get3A_1364 = arith.index_cast %get3A_1363 : i32 to index
      %get3A_1365 = arith.constant 80 : index
      %get3A_1366 = tpu.vector_load %arg10[%get3A_1364, %get3A_1365] {strides = array<i32>} : memref<20x128xf32, #tpu.memory_space<vmem>>, vector<1x16xf32>,
      %get3A_1367 = vector.shape_cast %get3A_1366 : vector<1x16xf32> to vector<16xf32>
      %mul3A_1368 = arith.mulf %get3A_555, %get3A_1367 : vector<16xf32>
      %add3A_1369 = arith.addf %add3A_1362, %mul3A_1368 : vector<16xf32>
      %get3A_1370 = arith.constant 10 : i32
      %get3A_1371 = arith.index_cast %get3A_1370 : i32 to index
      %get3A_1372 = arith.constant 112 : index
      %get3A_1373 = tpu.vector_load %arg10[%get3A_1371, %get3A_1372] {strides = array<i32>} : memref<20x128xf32, #tpu.memory_space<vmem>>, vector<1x16xf32>,
      %get3A_1374 = vector.shape_cast %get3A_1373 : vector<1x16xf32> to vector<16xf32>
      %mul3A_1375 = arith.mulf %get3A_573, %get3A_1374 : vector<16xf32>
      %add3A_1376 = arith.addf %add3A_1369, %mul3A_1375 : vector<16xf32>
      %mul3A_1377 = arith.constant 32 : i32
      %mul3A_1378 = arith.muli %add3A_497, %mul3A_1377 : i32
      %add3A_1379 = arith.constant 16 : i32
      %add3A_1380 = arith.addi %mul3A_1378, %add3A_1379 : i32
      %swap3A_1381 = arith.constant 10 : i32
      %swap3A_1382 = arith.index_cast %swap3A_1381 : i32 to index
      %swap3A_1383 = arith.index_cast %add3A_1380 : i32 to index
      %swap3A_1384 = tpu.vector_load %arg12[%swap3A_1382, %swap3A_1383] {strides = array<i32>} : memref<20x512xf32, #tpu.memory_space<vmem>>, vector<1x16xf32>,
      %swap3A_1385 = vector.shape_cast %swap3A_1384 : vector<1x16xf32> to vector<16xf32>
      %swap3A_1386 = vector.shape_cast %add3A_1376 : vector<16xf32> to vector<1x16xf32>
      tpu.vector_store %arg12[%swap3A_1382, %swap3A_1383], %swap3A_1386 {strides = array<i32>} : memref<20x512xf32, #tpu.memory_space<vmem>>, vector<1x16xf32>,
      %get3A_1387 = arith.constant 11 : i32
      %get3A_1388 = arith.index_cast %get3A_1387 : i32 to index
      %get3A_1389 = arith.constant 0 : index
      %get3A_1390 = tpu.vector_load %arg10[%get3A_1388, %get3A_1389] {strides = array<i32>} : memref<20x128xf32, #tpu.memory_space<vmem>>, vector<1x16xf32>,
      %get3A_1391 = vector.shape_cast %get3A_1390 : vector<1x16xf32> to vector<16xf32>
      %mul3A_1392 = arith.mulf %get3A_510, %get3A_1391 : vector<16xf32>
      %get3A_1393 = arith.constant 11 : i32
      %get3A_1394 = arith.index_cast %get3A_1393 : i32 to index
      %get3A_1395 = arith.constant 32 : index
      %get3A_1396 = tpu.vector_load %arg10[%get3A_1394, %get3A_1395] {strides = array<i32>} : memref<20x128xf32, #tpu.memory_space<vmem>>, vector<1x16xf32>,
      %get3A_1397 = vector.shape_cast %get3A_1396 : vector<1x16xf32> to vector<16xf32>
      %mul3A_1398 = arith.mulf %get3A_528, %get3A_1397 : vector<16xf32>
      %add3A_1399 = arith.addf %mul3A_1392, %mul3A_1398 : vector<16xf32>
      %get3A_1400 = arith.constant 11 : i32
      %get3A_1401 = arith.index_cast %get3A_1400 : i32 to index
      %get3A_1402 = arith.constant 64 : index
      %get3A_1403 = tpu.vector_load %arg10[%get3A_1401, %get3A_1402] {strides = array<i32>} : memref<20x128xf32, #tpu.memory_space<vmem>>, vector<1x16xf32>,
      %get3A_1404 = vector.shape_cast %get3A_1403 : vector<1x16xf32> to vector<16xf32>
      %mul3A_1405 = arith.mulf %get3A_546, %get3A_1404 : vector<16xf32>
      %add3A_1406 = arith.addf %add3A_1399, %mul3A_1405 : vector<16xf32>
      %get3A_1407 = arith.constant 11 : i32
      %get3A_1408 = arith.index_cast %get3A_1407 : i32 to index
      %get3A_1409 = arith.constant 96 : index
      %get3A_1410 = tpu.vector_load %arg10[%get3A_1408, %get3A_1409] {strides = array<i32>} : memref<20x128xf32, #tpu.memory_space<vmem>>, vector<1x16xf32>,
      %get3A_1411 = vector.shape_cast %get3A_1410 : vector<1x16xf32> to vector<16xf32>
      %mul3A_1412 = arith.mulf %get3A_564, %get3A_1411 : vector<16xf32>
      %add3A_1413 = arith.addf %add3A_1406, %mul3A_1412 : vector<16xf32>
      %mul3A_1414 = arith.constant 32 : i32
      %mul3A_1415 = arith.muli %add3A_497, %mul3A_1414 : i32
      %add3A_1416 = arith.constant 0 : i32
      %add3A_1417 = arith.addi %mul3A_1415, %add3A_1416 : i32
      %swap3A_1418 = arith.constant 11 : i32
      %swap3A_1419 = arith.index_cast %swap3A_1418 : i32 to index
      %swap3A_1420 = arith.index_cast %add3A_1417 : i32 to index
      %swap3A_1421 = tpu.vector_load %arg12[%swap3A_1419, %swap3A_1420] {strides = array<i32>} : memref<20x512xf32, #tpu.memory_space<vmem>>, vector<1x16xf32>,
      %swap3A_1422 = vector.shape_cast %swap3A_1421 : vector<1x16xf32> to vector<16xf32>
      %swap3A_1423 = vector.shape_cast %add3A_1413 : vector<16xf32> to vector<1x16xf32>
      tpu.vector_store %arg12[%swap3A_1419, %swap3A_1420], %swap3A_1423 {strides = array<i32>} : memref<20x512xf32, #tpu.memory_space<vmem>>, vector<1x16xf32>,
      %get3A_1424 = arith.constant 11 : i32
      %get3A_1425 = arith.index_cast %get3A_1424 : i32 to index
      %get3A_1426 = arith.constant 16 : index
      %get3A_1427 = tpu.vector_load %arg10[%get3A_1425, %get3A_1426] {strides = array<i32>} : memref<20x128xf32, #tpu.memory_space<vmem>>, vector<1x16xf32>,
      %get3A_1428 = vector.shape_cast %get3A_1427 : vector<1x16xf32> to vector<16xf32>
      %mul3A_1429 = arith.mulf %get3A_519, %get3A_1428 : vector<16xf32>
      %get3A_1430 = arith.constant 11 : i32
      %get3A_1431 = arith.index_cast %get3A_1430 : i32 to index
      %get3A_1432 = arith.constant 48 : index
      %get3A_1433 = tpu.vector_load %arg10[%get3A_1431, %get3A_1432] {strides = array<i32>} : memref<20x128xf32, #tpu.memory_space<vmem>>, vector<1x16xf32>,
      %get3A_1434 = vector.shape_cast %get3A_1433 : vector<1x16xf32> to vector<16xf32>
      %mul3A_1435 = arith.mulf %get3A_537, %get3A_1434 : vector<16xf32>
      %add3A_1436 = arith.addf %mul3A_1429, %mul3A_1435 : vector<16xf32>
      %get3A_1437 = arith.constant 11 : i32
      %get3A_1438 = arith.index_cast %get3A_1437 : i32 to index
      %get3A_1439 = arith.constant 80 : index
      %get3A_1440 = tpu.vector_load %arg10[%get3A_1438, %get3A_1439] {strides = array<i32>} : memref<20x128xf32, #tpu.memory_space<vmem>>, vector<1x16xf32>,
      %get3A_1441 = vector.shape_cast %get3A_1440 : vector<1x16xf32> to vector<16xf32>
      %mul3A_1442 = arith.mulf %get3A_555, %get3A_1441 : vector<16xf32>
      %add3A_1443 = arith.addf %add3A_1436, %mul3A_1442 : vector<16xf32>
      %get3A_1444 = arith.constant 11 : i32
      %get3A_1445 = arith.index_cast %get3A_1444 : i32 to index
      %get3A_1446 = arith.constant 112 : index
      %get3A_1447 = tpu.vector_load %arg10[%get3A_1445, %get3A_1446] {strides = array<i32>} : memref<20x128xf32, #tpu.memory_space<vmem>>, vector<1x16xf32>,
      %get3A_1448 = vector.shape_cast %get3A_1447 : vector<1x16xf32> to vector<16xf32>
      %mul3A_1449 = arith.mulf %get3A_573, %get3A_1448 : vector<16xf32>
      %add3A_1450 = arith.addf %add3A_1443, %mul3A_1449 : vector<16xf32>
      %mul3A_1451 = arith.constant 32 : i32
      %mul3A_1452 = arith.muli %add3A_497, %mul3A_1451 : i32
      %add3A_1453 = arith.constant 16 : i32
      %add3A_1454 = arith.addi %mul3A_1452, %add3A_1453 : i32
      %swap3A_1455 = arith.constant 11 : i32
      %swap3A_1456 = arith.index_cast %swap3A_1455 : i32 to index
      %swap3A_1457 = arith.index_cast %add3A_1454 : i32 to index
      %swap3A_1458 = tpu.vector_load %arg12[%swap3A_1456, %swap3A_1457] {strides = array<i32>} : memref<20x512xf32, #tpu.memory_space<vmem>>, vector<1x16xf32>,
      %swap3A_1459 = vector.shape_cast %swap3A_1458 : vector<1x16xf32> to vector<16xf32>
      %swap3A_1460 = vector.shape_cast %add3A_1450 : vector<16xf32> to vector<1x16xf32>
      tpu.vector_store %arg12[%swap3A_1456, %swap3A_1457], %swap3A_1460 {strides = array<i32>} : memref<20x512xf32, #tpu.memory_space<vmem>>, vector<1x16xf32>,
      %get3A_1461 = arith.constant 12 : i32
      %get3A_1462 = arith.index_cast %get3A_1461 : i32 to index
      %get3A_1463 = arith.constant 0 : index
      %get3A_1464 = tpu.vector_load %arg10[%get3A_1462, %get3A_1463] {strides = array<i32>} : memref<20x128xf32, #tpu.memory_space<vmem>>, vector<1x16xf32>,
      %get3A_1465 = vector.shape_cast %get3A_1464 : vector<1x16xf32> to vector<16xf32>
      %mul3A_1466 = arith.mulf %get3A_510, %get3A_1465 : vector<16xf32>
      %get3A_1467 = arith.constant 12 : i32
      %get3A_1468 = arith.index_cast %get3A_1467 : i32 to index
      %get3A_1469 = arith.constant 32 : index
      %get3A_1470 = tpu.vector_load %arg10[%get3A_1468, %get3A_1469] {strides = array<i32>} : memref<20x128xf32, #tpu.memory_space<vmem>>, vector<1x16xf32>,
      %get3A_1471 = vector.shape_cast %get3A_1470 : vector<1x16xf32> to vector<16xf32>
      %mul3A_1472 = arith.mulf %get3A_528, %get3A_1471 : vector<16xf32>
      %add3A_1473 = arith.addf %mul3A_1466, %mul3A_1472 : vector<16xf32>
      %get3A_1474 = arith.constant 12 : i32
      %get3A_1475 = arith.index_cast %get3A_1474 : i32 to index
      %get3A_1476 = arith.constant 64 : index
      %get3A_1477 = tpu.vector_load %arg10[%get3A_1475, %get3A_1476] {strides = array<i32>} : memref<20x128xf32, #tpu.memory_space<vmem>>, vector<1x16xf32>,
      %get3A_1478 = vector.shape_cast %get3A_1477 : vector<1x16xf32> to vector<16xf32>
      %mul3A_1479 = arith.mulf %get3A_546, %get3A_1478 : vector<16xf32>
      %add3A_1480 = arith.addf %add3A_1473, %mul3A_1479 : vector<16xf32>
      %get3A_1481 = arith.constant 12 : i32
      %get3A_1482 = arith.index_cast %get3A_1481 : i32 to index
      %get3A_1483 = arith.constant 96 : index
      %get3A_1484 = tpu.vector_load %arg10[%get3A_1482, %get3A_1483] {strides = array<i32>} : memref<20x128xf32, #tpu.memory_space<vmem>>, vector<1x16xf32>,
      %get3A_1485 = vector.shape_cast %get3A_1484 : vector<1x16xf32> to vector<16xf32>
      %mul3A_1486 = arith.mulf %get3A_564, %get3A_1485 : vector<16xf32>
      %add3A_1487 = arith.addf %add3A_1480, %mul3A_1486 : vector<16xf32>
      %mul3A_1488 = arith.constant 32 : i32
      %mul3A_1489 = arith.muli %add3A_497, %mul3A_1488 : i32
      %add3A_1490 = arith.constant 0 : i32
      %add3A_1491 = arith.addi %mul3A_1489, %add3A_1490 : i32
      %swap3A_1492 = arith.constant 12 : i32
      %swap3A_1493 = arith.index_cast %swap3A_1492 : i32 to index
      %swap3A_1494 = arith.index_cast %add3A_1491 : i32 to index
      %swap3A_1495 = tpu.vector_load %arg12[%swap3A_1493, %swap3A_1494] {strides = array<i32>} : memref<20x512xf32, #tpu.memory_space<vmem>>, vector<1x16xf32>,
      %swap3A_1496 = vector.shape_cast %swap3A_1495 : vector<1x16xf32> to vector<16xf32>
      %swap3A_1497 = vector.shape_cast %add3A_1487 : vector<16xf32> to vector<1x16xf32>
      tpu.vector_store %arg12[%swap3A_1493, %swap3A_1494], %swap3A_1497 {strides = array<i32>} : memref<20x512xf32, #tpu.memory_space<vmem>>, vector<1x16xf32>,
      %get3A_1498 = arith.constant 12 : i32
      %get3A_1499 = arith.index_cast %get3A_1498 : i32 to index
      %get3A_1500 = arith.constant 16 : index
      %get3A_1501 = tpu.vector_load %arg10[%get3A_1499, %get3A_1500] {strides = array<i32>} : memref<20x128xf32, #tpu.memory_space<vmem>>, vector<1x16xf32>,
      %get3A_1502 = vector.shape_cast %get3A_1501 : vector<1x16xf32> to vector<16xf32>
      %mul3A_1503 = arith.mulf %get3A_519, %get3A_1502 : vector<16xf32>
      %get3A_1504 = arith.constant 12 : i32
      %get3A_1505 = arith.index_cast %get3A_1504 : i32 to index
      %get3A_1506 = arith.constant 48 : index
      %get3A_1507 = tpu.vector_load %arg10[%get3A_1505, %get3A_1506] {strides = array<i32>} : memref<20x128xf32, #tpu.memory_space<vmem>>, vector<1x16xf32>,
      %get3A_1508 = vector.shape_cast %get3A_1507 : vector<1x16xf32> to vector<16xf32>
      %mul3A_1509 = arith.mulf %get3A_537, %get3A_1508 : vector<16xf32>
      %add3A_1510 = arith.addf %mul3A_1503, %mul3A_1509 : vector<16xf32>
      %get3A_1511 = arith.constant 12 : i32
      %get3A_1512 = arith.index_cast %get3A_1511 : i32 to index
      %get3A_1513 = arith.constant 80 : index
      %get3A_1514 = tpu.vector_load %arg10[%get3A_1512, %get3A_1513] {strides = array<i32>} : memref<20x128xf32, #tpu.memory_space<vmem>>, vector<1x16xf32>,
      %get3A_1515 = vector.shape_cast %get3A_1514 : vector<1x16xf32> to vector<16xf32>
      %mul3A_1516 = arith.mulf %get3A_555, %get3A_1515 : vector<16xf32>
      %add3A_1517 = arith.addf %add3A_1510, %mul3A_1516 : vector<16xf32>
      %get3A_1518 = arith.constant 12 : i32
      %get3A_1519 = arith.index_cast %get3A_1518 : i32 to index
      %get3A_1520 = arith.constant 112 : index
      %get3A_1521 = tpu.vector_load %arg10[%get3A_1519, %get3A_1520] {strides = array<i32>} : memref<20x128xf32, #tpu.memory_space<vmem>>, vector<1x16xf32>,
      %get3A_1522 = vector.shape_cast %get3A_1521 : vector<1x16xf32> to vector<16xf32>
      %mul3A_1523 = arith.mulf %get3A_573, %get3A_1522 : vector<16xf32>
      %add3A_1524 = arith.addf %add3A_1517, %mul3A_1523 : vector<16xf32>
      %mul3A_1525 = arith.constant 32 : i32
      %mul3A_1526 = arith.muli %add3A_497, %mul3A_1525 : i32
      %add3A_1527 = arith.constant 16 : i32
      %add3A_1528 = arith.addi %mul3A_1526, %add3A_1527 : i32
      %swap3A_1529 = arith.constant 12 : i32
      %swap3A_1530 = arith.index_cast %swap3A_1529 : i32 to index
      %swap3A_1531 = arith.index_cast %add3A_1528 : i32 to index
      %swap3A_1532 = tpu.vector_load %arg12[%swap3A_1530, %swap3A_1531] {strides = array<i32>} : memref<20x512xf32, #tpu.memory_space<vmem>>, vector<1x16xf32>,
      %swap3A_1533 = vector.shape_cast %swap3A_1532 : vector<1x16xf32> to vector<16xf32>
      %swap3A_1534 = vector.shape_cast %add3A_1524 : vector<16xf32> to vector<1x16xf32>
      tpu.vector_store %arg12[%swap3A_1530, %swap3A_1531], %swap3A_1534 {strides = array<i32>} : memref<20x512xf32, #tpu.memory_space<vmem>>, vector<1x16xf32>,
      %get3A_1535 = arith.constant 13 : i32
      %get3A_1536 = arith.index_cast %get3A_1535 : i32 to index
      %get3A_1537 = arith.constant 0 : index
      %get3A_1538 = tpu.vector_load %arg10[%get3A_1536, %get3A_1537] {strides = array<i32>} : memref<20x128xf32, #tpu.memory_space<vmem>>, vector<1x16xf32>,
      %get3A_1539 = vector.shape_cast %get3A_1538 : vector<1x16xf32> to vector<16xf32>
      %mul3A_1540 = arith.mulf %get3A_510, %get3A_1539 : vector<16xf32>
      %get3A_1541 = arith.constant 13 : i32
      %get3A_1542 = arith.index_cast %get3A_1541 : i32 to index
      %get3A_1543 = arith.constant 32 : index
      %get3A_1544 = tpu.vector_load %arg10[%get3A_1542, %get3A_1543] {strides = array<i32>} : memref<20x128xf32, #tpu.memory_space<vmem>>, vector<1x16xf32>,
      %get3A_1545 = vector.shape_cast %get3A_1544 : vector<1x16xf32> to vector<16xf32>
      %mul3A_1546 = arith.mulf %get3A_528, %get3A_1545 : vector<16xf32>
      %add3A_1547 = arith.addf %mul3A_1540, %mul3A_1546 : vector<16xf32>
      %get3A_1548 = arith.constant 13 : i32
      %get3A_1549 = arith.index_cast %get3A_1548 : i32 to index
      %get3A_1550 = arith.constant 64 : index
      %get3A_1551 = tpu.vector_load %arg10[%get3A_1549, %get3A_1550] {strides = array<i32>} : memref<20x128xf32, #tpu.memory_space<vmem>>, vector<1x16xf32>,
      %get3A_1552 = vector.shape_cast %get3A_1551 : vector<1x16xf32> to vector<16xf32>
      %mul3A_1553 = arith.mulf %get3A_546, %get3A_1552 : vector<16xf32>
      %add3A_1554 = arith.addf %add3A_1547, %mul3A_1553 : vector<16xf32>
      %get3A_1555 = arith.constant 13 : i32
      %get3A_1556 = arith.index_cast %get3A_1555 : i32 to index
      %get3A_1557 = arith.constant 96 : index
      %get3A_1558 = tpu.vector_load %arg10[%get3A_1556, %get3A_1557] {strides = array<i32>} : memref<20x128xf32, #tpu.memory_space<vmem>>, vector<1x16xf32>,
      %get3A_1559 = vector.shape_cast %get3A_1558 : vector<1x16xf32> to vector<16xf32>
      %mul3A_1560 = arith.mulf %get3A_564, %get3A_1559 : vector<16xf32>
      %add3A_1561 = arith.addf %add3A_1554, %mul3A_1560 : vector<16xf32>
      %mul3A_1562 = arith.constant 32 : i32
      %mul3A_1563 = arith.muli %add3A_497, %mul3A_1562 : i32
      %add3A_1564 = arith.constant 0 : i32
      %add3A_1565 = arith.addi %mul3A_1563, %add3A_1564 : i32
      %swap3A_1566 = arith.constant 13 : i32
      %swap3A_1567 = arith.index_cast %swap3A_1566 : i32 to index
      %swap3A_1568 = arith.index_cast %add3A_1565 : i32 to index
      %swap3A_1569 = tpu.vector_load %arg12[%swap3A_1567, %swap3A_1568] {strides = array<i32>} : memref<20x512xf32, #tpu.memory_space<vmem>>, vector<1x16xf32>,
      %swap3A_1570 = vector.shape_cast %swap3A_1569 : vector<1x16xf32> to vector<16xf32>
      %swap3A_1571 = vector.shape_cast %add3A_1561 : vector<16xf32> to vector<1x16xf32>
      tpu.vector_store %arg12[%swap3A_1567, %swap3A_1568], %swap3A_1571 {strides = array<i32>} : memref<20x512xf32, #tpu.memory_space<vmem>>, vector<1x16xf32>,
      %get3A_1572 = arith.constant 13 : i32
      %get3A_1573 = arith.index_cast %get3A_1572 : i32 to index
      %get3A_1574 = arith.constant 16 : index
      %get3A_1575 = tpu.vector_load %arg10[%get3A_1573, %get3A_1574] {strides = array<i32>} : memref<20x128xf32, #tpu.memory_space<vmem>>, vector<1x16xf32>,
      %get3A_1576 = vector.shape_cast %get3A_1575 : vector<1x16xf32> to vector<16xf32>
      %mul3A_1577 = arith.mulf %get3A_519, %get3A_1576 : vector<16xf32>
      %get3A_1578 = arith.constant 13 : i32
      %get3A_1579 = arith.index_cast %get3A_1578 : i32 to index
      %get3A_1580 = arith.constant 48 : index
      %get3A_1581 = tpu.vector_load %arg10[%get3A_1579, %get3A_1580] {strides = array<i32>} : memref<20x128xf32, #tpu.memory_space<vmem>>, vector<1x16xf32>,
      %get3A_1582 = vector.shape_cast %get3A_1581 : vector<1x16xf32> to vector<16xf32>
      %mul3A_1583 = arith.mulf %get3A_537, %get3A_1582 : vector<16xf32>
      %add3A_1584 = arith.addf %mul3A_1577, %mul3A_1583 : vector<16xf32>
      %get3A_1585 = arith.constant 13 : i32
      %get3A_1586 = arith.index_cast %get3A_1585 : i32 to index
      %get3A_1587 = arith.constant 80 : index
      %get3A_1588 = tpu.vector_load %arg10[%get3A_1586, %get3A_1587] {strides = array<i32>} : memref<20x128xf32, #tpu.memory_space<vmem>>, vector<1x16xf32>,
      %get3A_1589 = vector.shape_cast %get3A_1588 : vector<1x16xf32> to vector<16xf32>
      %mul3A_1590 = arith.mulf %get3A_555, %get3A_1589 : vector<16xf32>
      %add3A_1591 = arith.addf %add3A_1584, %mul3A_1590 : vector<16xf32>
      %get3A_1592 = arith.constant 13 : i32
      %get3A_1593 = arith.index_cast %get3A_1592 : i32 to index
      %get3A_1594 = arith.constant 112 : index
      %get3A_1595 = tpu.vector_load %arg10[%get3A_1593, %get3A_1594] {strides = array<i32>} : memref<20x128xf32, #tpu.memory_space<vmem>>, vector<1x16xf32>,
      %get3A_1596 = vector.shape_cast %get3A_1595 : vector<1x16xf32> to vector<16xf32>
      %mul3A_1597 = arith.mulf %get3A_573, %get3A_1596 : vector<16xf32>
      %add3A_1598 = arith.addf %add3A_1591, %mul3A_1597 : vector<16xf32>
      %mul3A_1599 = arith.constant 32 : i32
      %mul3A_1600 = arith.muli %add3A_497, %mul3A_1599 : i32
      %add3A_1601 = arith.constant 16 : i32
      %add3A_1602 = arith.addi %mul3A_1600, %add3A_1601 : i32
      %swap3A_1603 = arith.constant 13 : i32
      %swap3A_1604 = arith.index_cast %swap3A_1603 : i32 to index
      %swap3A_1605 = arith.index_cast %add3A_1602 : i32 to index
      %swap3A_1606 = tpu.vector_load %arg12[%swap3A_1604, %swap3A_1605] {strides = array<i32>} : memref<20x512xf32, #tpu.memory_space<vmem>>, vector<1x16xf32>,
      %swap3A_1607 = vector.shape_cast %swap3A_1606 : vector<1x16xf32> to vector<16xf32>
      %swap3A_1608 = vector.shape_cast %add3A_1598 : vector<16xf32> to vector<1x16xf32>
      tpu.vector_store %arg12[%swap3A_1604, %swap3A_1605], %swap3A_1608 {strides = array<i32>} : memref<20x512xf32, #tpu.memory_space<vmem>>, vector<1x16xf32>,
      %get3A_1609 = arith.constant 14 : i32
      %get3A_1610 = arith.index_cast %get3A_1609 : i32 to index
      %get3A_1611 = arith.constant 0 : index
      %get3A_1612 = tpu.vector_load %arg10[%get3A_1610, %get3A_1611] {strides = array<i32>} : memref<20x128xf32, #tpu.memory_space<vmem>>, vector<1x16xf32>,
      %get3A_1613 = vector.shape_cast %get3A_1612 : vector<1x16xf32> to vector<16xf32>
      %mul3A_1614 = arith.mulf %get3A_510, %get3A_1613 : vector<16xf32>
      %get3A_1615 = arith.constant 14 : i32
      %get3A_1616 = arith.index_cast %get3A_1615 : i32 to index
      %get3A_1617 = arith.constant 32 : index
      %get3A_1618 = tpu.vector_load %arg10[%get3A_1616, %get3A_1617] {strides = array<i32>} : memref<20x128xf32, #tpu.memory_space<vmem>>, vector<1x16xf32>,
      %get3A_1619 = vector.shape_cast %get3A_1618 : vector<1x16xf32> to vector<16xf32>
      %mul3A_1620 = arith.mulf %get3A_528, %get3A_1619 : vector<16xf32>
      %add3A_1621 = arith.addf %mul3A_1614, %mul3A_1620 : vector<16xf32>
      %get3A_1622 = arith.constant 14 : i32
      %get3A_1623 = arith.index_cast %get3A_1622 : i32 to index
      %get3A_1624 = arith.constant 64 : index
      %get3A_1625 = tpu.vector_load %arg10[%get3A_1623, %get3A_1624] {strides = array<i32>} : memref<20x128xf32, #tpu.memory_space<vmem>>, vector<1x16xf32>,
      %get3A_1626 = vector.shape_cast %get3A_1625 : vector<1x16xf32> to vector<16xf32>
      %mul3A_1627 = arith.mulf %get3A_546, %get3A_1626 : vector<16xf32>
      %add3A_1628 = arith.addf %add3A_1621, %mul3A_1627 : vector<16xf32>
      %get3A_1629 = arith.constant 14 : i32
      %get3A_1630 = arith.index_cast %get3A_1629 : i32 to index
      %get3A_1631 = arith.constant 96 : index
      %get3A_1632 = tpu.vector_load %arg10[%get3A_1630, %get3A_1631] {strides = array<i32>} : memref<20x128xf32, #tpu.memory_space<vmem>>, vector<1x16xf32>,
      %get3A_1633 = vector.shape_cast %get3A_1632 : vector<1x16xf32> to vector<16xf32>
      %mul3A_1634 = arith.mulf %get3A_564, %get3A_1633 : vector<16xf32>
      %add3A_1635 = arith.addf %add3A_1628, %mul3A_1634 : vector<16xf32>
      %mul3A_1636 = arith.constant 32 : i32
      %mul3A_1637 = arith.muli %add3A_497, %mul3A_1636 : i32
      %add3A_1638 = arith.constant 0 : i32
      %add3A_1639 = arith.addi %mul3A_1637, %add3A_1638 : i32
      %swap3A_1640 = arith.constant 14 : i32
      %swap3A_1641 = arith.index_cast %swap3A_1640 : i32 to index
      %swap3A_1642 = arith.index_cast %add3A_1639 : i32 to index
      %swap3A_1643 = tpu.vector_load %arg12[%swap3A_1641, %swap3A_1642] {strides = array<i32>} : memref<20x512xf32, #tpu.memory_space<vmem>>, vector<1x16xf32>,
      %swap3A_1644 = vector.shape_cast %swap3A_1643 : vector<1x16xf32> to vector<16xf32>
      %swap3A_1645 = vector.shape_cast %add3A_1635 : vector<16xf32> to vector<1x16xf32>
      tpu.vector_store %arg12[%swap3A_1641, %swap3A_1642], %swap3A_1645 {strides = array<i32>} : memref<20x512xf32, #tpu.memory_space<vmem>>, vector<1x16xf32>,
      %get3A_1646 = arith.constant 14 : i32
      %get3A_1647 = arith.index_cast %get3A_1646 : i32 to index
      %get3A_1648 = arith.constant 16 : index
      %get3A_1649 = tpu.vector_load %arg10[%get3A_1647, %get3A_1648] {strides = array<i32>} : memref<20x128xf32, #tpu.memory_space<vmem>>, vector<1x16xf32>,
      %get3A_1650 = vector.shape_cast %get3A_1649 : vector<1x16xf32> to vector<16xf32>
      %mul3A_1651 = arith.mulf %get3A_519, %get3A_1650 : vector<16xf32>
      %get3A_1652 = arith.constant 14 : i32
      %get3A_1653 = arith.index_cast %get3A_1652 : i32 to index
      %get3A_1654 = arith.constant 48 : index
      %get3A_1655 = tpu.vector_load %arg10[%get3A_1653, %get3A_1654] {strides = array<i32>} : memref<20x128xf32, #tpu.memory_space<vmem>>, vector<1x16xf32>,
      %get3A_1656 = vector.shape_cast %get3A_1655 : vector<1x16xf32> to vector<16xf32>
      %mul3A_1657 = arith.mulf %get3A_537, %get3A_1656 : vector<16xf32>
      %add3A_1658 = arith.addf %mul3A_1651, %mul3A_1657 : vector<16xf32>
      %get3A_1659 = arith.constant 14 : i32
      %get3A_1660 = arith.index_cast %get3A_1659 : i32 to index
      %get3A_1661 = arith.constant 80 : index
      %get3A_1662 = tpu.vector_load %arg10[%get3A_1660, %get3A_1661] {strides = array<i32>} : memref<20x128xf32, #tpu.memory_space<vmem>>, vector<1x16xf32>,
      %get3A_1663 = vector.shape_cast %get3A_1662 : vector<1x16xf32> to vector<16xf32>
      %mul3A_1664 = arith.mulf %get3A_555, %get3A_1663 : vector<16xf32>
      %add3A_1665 = arith.addf %add3A_1658, %mul3A_1664 : vector<16xf32>
      %get3A_1666 = arith.constant 14 : i32
      %get3A_1667 = arith.index_cast %get3A_1666 : i32 to index
      %get3A_1668 = arith.constant 112 : index
      %get3A_1669 = tpu.vector_load %arg10[%get3A_1667, %get3A_1668] {strides = array<i32>} : memref<20x128xf32, #tpu.memory_space<vmem>>, vector<1x16xf32>,
      %get3A_1670 = vector.shape_cast %get3A_1669 : vector<1x16xf32> to vector<16xf32>
      %mul3A_1671 = arith.mulf %get3A_573, %get3A_1670 : vector<16xf32>
      %add3A_1672 = arith.addf %add3A_1665, %mul3A_1671 : vector<16xf32>
      %mul3A_1673 = arith.constant 32 : i32
      %mul3A_1674 = arith.muli %add3A_497, %mul3A_1673 : i32
      %add3A_1675 = arith.constant 16 : i32
      %add3A_1676 = arith.addi %mul3A_1674, %add3A_1675 : i32
      %swap3A_1677 = arith.constant 14 : i32
      %swap3A_1678 = arith.index_cast %swap3A_1677 : i32 to index
      %swap3A_1679 = arith.index_cast %add3A_1676 : i32 to index
      %swap3A_1680 = tpu.vector_load %arg12[%swap3A_1678, %swap3A_1679] {strides = array<i32>} : memref<20x512xf32, #tpu.memory_space<vmem>>, vector<1x16xf32>,
      %swap3A_1681 = vector.shape_cast %swap3A_1680 : vector<1x16xf32> to vector<16xf32>
      %swap3A_1682 = vector.shape_cast %add3A_1672 : vector<16xf32> to vector<1x16xf32>
      tpu.vector_store %arg12[%swap3A_1678, %swap3A_1679], %swap3A_1682 {strides = array<i32>} : memref<20x512xf32, #tpu.memory_space<vmem>>, vector<1x16xf32>,
      %get3A_1683 = arith.constant 15 : i32
      %get3A_1684 = arith.index_cast %get3A_1683 : i32 to index
      %get3A_1685 = arith.constant 0 : index
      %get3A_1686 = tpu.vector_load %arg10[%get3A_1684, %get3A_1685] {strides = array<i32>} : memref<20x128xf32, #tpu.memory_space<vmem>>, vector<1x16xf32>,
      %get3A_1687 = vector.shape_cast %get3A_1686 : vector<1x16xf32> to vector<16xf32>
      %mul3A_1688 = arith.mulf %get3A_510, %get3A_1687 : vector<16xf32>
      %get3A_1689 = arith.constant 15 : i32
      %get3A_1690 = arith.index_cast %get3A_1689 : i32 to index
      %get3A_1691 = arith.constant 32 : index
      %get3A_1692 = tpu.vector_load %arg10[%get3A_1690, %get3A_1691] {strides = array<i32>} : memref<20x128xf32, #tpu.memory_space<vmem>>, vector<1x16xf32>,
      %get3A_1693 = vector.shape_cast %get3A_1692 : vector<1x16xf32> to vector<16xf32>
      %mul3A_1694 = arith.mulf %get3A_528, %get3A_1693 : vector<16xf32>
      %add3A_1695 = arith.addf %mul3A_1688, %mul3A_1694 : vector<16xf32>
      %get3A_1696 = arith.constant 15 : i32
      %get3A_1697 = arith.index_cast %get3A_1696 : i32 to index
      %get3A_1698 = arith.constant 64 : index
      %get3A_1699 = tpu.vector_load %arg10[%get3A_1697, %get3A_1698] {strides = array<i32>} : memref<20x128xf32, #tpu.memory_space<vmem>>, vector<1x16xf32>,
      %get3A_1700 = vector.shape_cast %get3A_1699 : vector<1x16xf32> to vector<16xf32>
      %mul3A_1701 = arith.mulf %get3A_546, %get3A_1700 : vector<16xf32>
      %add3A_1702 = arith.addf %add3A_1695, %mul3A_1701 : vector<16xf32>
      %get3A_1703 = arith.constant 15 : i32
      %get3A_1704 = arith.index_cast %get3A_1703 : i32 to index
      %get3A_1705 = arith.constant 96 : index
      %get3A_1706 = tpu.vector_load %arg10[%get3A_1704, %get3A_1705] {strides = array<i32>} : memref<20x128xf32, #tpu.memory_space<vmem>>, vector<1x16xf32>,
      %get3A_1707 = vector.shape_cast %get3A_1706 : vector<1x16xf32> to vector<16xf32>
      %mul3A_1708 = arith.mulf %get3A_564, %get3A_1707 : vector<16xf32>
      %add3A_1709 = arith.addf %add3A_1702, %mul3A_1708 : vector<16xf32>
      %mul3A_1710 = arith.constant 32 : i32
      %mul3A_1711 = arith.muli %add3A_497, %mul3A_1710 : i32
      %add3A_1712 = arith.constant 0 : i32
      %add3A_1713 = arith.addi %mul3A_1711, %add3A_1712 : i32
      %swap3A_1714 = arith.constant 15 : i32
      %swap3A_1715 = arith.index_cast %swap3A_1714 : i32 to index
      %swap3A_1716 = arith.index_cast %add3A_1713 : i32 to index
      %swap3A_1717 = tpu.vector_load %arg12[%swap3A_1715, %swap3A_1716] {strides = array<i32>} : memref<20x512xf32, #tpu.memory_space<vmem>>, vector<1x16xf32>,
      %swap3A_1718 = vector.shape_cast %swap3A_1717 : vector<1x16xf32> to vector<16xf32>
      %swap3A_1719 = vector.shape_cast %add3A_1709 : vector<16xf32> to vector<1x16xf32>
      tpu.vector_store %arg12[%swap3A_1715, %swap3A_1716], %swap3A_1719 {strides = array<i32>} : memref<20x512xf32, #tpu.memory_space<vmem>>, vector<1x16xf32>,
      %get3A_1720 = arith.constant 15 : i32
      %get3A_1721 = arith.index_cast %get3A_1720 : i32 to index
      %get3A_1722 = arith.constant 16 : index
      %get3A_1723 = tpu.vector_load %arg10[%get3A_1721, %get3A_1722] {strides = array<i32>} : memref<20x128xf32, #tpu.memory_space<vmem>>, vector<1x16xf32>,
      %get3A_1724 = vector.shape_cast %get3A_1723 : vector<1x16xf32> to vector<16xf32>
      %mul3A_1725 = arith.mulf %get3A_519, %get3A_1724 : vector<16xf32>
      %get3A_1726 = arith.constant 15 : i32
      %get3A_1727 = arith.index_cast %get3A_1726 : i32 to index
      %get3A_1728 = arith.constant 48 : index
      %get3A_1729 = tpu.vector_load %arg10[%get3A_1727, %get3A_1728] {strides = array<i32>} : memref<20x128xf32, #tpu.memory_space<vmem>>, vector<1x16xf32>,
      %get3A_1730 = vector.shape_cast %get3A_1729 : vector<1x16xf32> to vector<16xf32>
      %mul3A_1731 = arith.mulf %get3A_537, %get3A_1730 : vector<16xf32>
      %add3A_1732 = arith.addf %mul3A_1725, %mul3A_1731 : vector<16xf32>
      %get3A_1733 = arith.constant 15 : i32
      %get3A_1734 = arith.index_cast %get3A_1733 : i32 to index
      %get3A_1735 = arith.constant 80 : index
      %get3A_1736 = tpu.vector_load %arg10[%get3A_1734, %get3A_1735] {strides = array<i32>} : memref<20x128xf32, #tpu.memory_space<vmem>>, vector<1x16xf32>,
      %get3A_1737 = vector.shape_cast %get3A_1736 : vector<1x16xf32> to vector<16xf32>
      %mul3A_1738 = arith.mulf %get3A_555, %get3A_1737 : vector<16xf32>
      %add3A_1739 = arith.addf %add3A_1732, %mul3A_1738 : vector<16xf32>
      %get3A_1740 = arith.constant 15 : i32
      %get3A_1741 = arith.index_cast %get3A_1740 : i32 to index
      %get3A_1742 = arith.constant 112 : index
      %get3A_1743 = tpu.vector_load %arg10[%get3A_1741, %get3A_1742] {strides = array<i32>} : memref<20x128xf32, #tpu.memory_space<vmem>>, vector<1x16xf32>,
      %get3A_1744 = vector.shape_cast %get3A_1743 : vector<1x16xf32> to vector<16xf32>
      %mul3A_1745 = arith.mulf %get3A_573, %get3A_1744 : vector<16xf32>
      %add3A_1746 = arith.addf %add3A_1739, %mul3A_1745 : vector<16xf32>
      %mul3A_1747 = arith.constant 32 : i32
      %mul3A_1748 = arith.muli %add3A_497, %mul3A_1747 : i32
      %add3A_1749 = arith.constant 16 : i32
      %add3A_1750 = arith.addi %mul3A_1748, %add3A_1749 : i32
      %swap3A_1751 = arith.constant 15 : i32
      %swap3A_1752 = arith.index_cast %swap3A_1751 : i32 to index
      %swap3A_1753 = arith.index_cast %add3A_1750 : i32 to index
      %swap3A_1754 = tpu.vector_load %arg12[%swap3A_1752, %swap3A_1753] {strides = array<i32>} : memref<20x512xf32, #tpu.memory_space<vmem>>, vector<1x16xf32>,
      %swap3A_1755 = vector.shape_cast %swap3A_1754 : vector<1x16xf32> to vector<16xf32>
      %swap3A_1756 = vector.shape_cast %add3A_1746 : vector<16xf32> to vector<1x16xf32>
      tpu.vector_store %arg12[%swap3A_1752, %swap3A_1753], %swap3A_1756 {strides = array<i32>} : memref<20x512xf32, #tpu.memory_space<vmem>>, vector<1x16xf32>,
      %get3A_1757 = arith.constant 16 : i32
      %get3A_1758 = arith.index_cast %get3A_1757 : i32 to index
      %get3A_1759 = arith.constant 0 : index
      %get3A_1760 = tpu.vector_load %arg10[%get3A_1758, %get3A_1759] {strides = array<i32>} : memref<20x128xf32, #tpu.memory_space<vmem>>, vector<1x16xf32>,
      %get3A_1761 = vector.shape_cast %get3A_1760 : vector<1x16xf32> to vector<16xf32>
      %mul3A_1762 = arith.mulf %get3A_510, %get3A_1761 : vector<16xf32>
      %get3A_1763 = arith.constant 16 : i32
      %get3A_1764 = arith.index_cast %get3A_1763 : i32 to index
      %get3A_1765 = arith.constant 32 : index
      %get3A_1766 = tpu.vector_load %arg10[%get3A_1764, %get3A_1765] {strides = array<i32>} : memref<20x128xf32, #tpu.memory_space<vmem>>, vector<1x16xf32>,
      %get3A_1767 = vector.shape_cast %get3A_1766 : vector<1x16xf32> to vector<16xf32>
      %mul3A_1768 = arith.mulf %get3A_528, %get3A_1767 : vector<16xf32>
      %add3A_1769 = arith.addf %mul3A_1762, %mul3A_1768 : vector<16xf32>
      %get3A_1770 = arith.constant 16 : i32
      %get3A_1771 = arith.index_cast %get3A_1770 : i32 to index
      %get3A_1772 = arith.constant 64 : index
      %get3A_1773 = tpu.vector_load %arg10[%get3A_1771, %get3A_1772] {strides = array<i32>} : memref<20x128xf32, #tpu.memory_space<vmem>>, vector<1x16xf32>,
      %get3A_1774 = vector.shape_cast %get3A_1773 : vector<1x16xf32> to vector<16xf32>
      %mul3A_1775 = arith.mulf %get3A_546, %get3A_1774 : vector<16xf32>
      %add3A_1776 = arith.addf %add3A_1769, %mul3A_1775 : vector<16xf32>
      %get3A_1777 = arith.constant 16 : i32
      %get3A_1778 = arith.index_cast %get3A_1777 : i32 to index
      %get3A_1779 = arith.constant 96 : index
      %get3A_1780 = tpu.vector_load %arg10[%get3A_1778, %get3A_1779] {strides = array<i32>} : memref<20x128xf32, #tpu.memory_space<vmem>>, vector<1x16xf32>,
      %get3A_1781 = vector.shape_cast %get3A_1780 : vector<1x16xf32> to vector<16xf32>
      %mul3A_1782 = arith.mulf %get3A_564, %get3A_1781 : vector<16xf32>
      %add3A_1783 = arith.addf %add3A_1776, %mul3A_1782 : vector<16xf32>
      %mul3A_1784 = arith.constant 32 : i32
      %mul3A_1785 = arith.muli %add3A_497, %mul3A_1784 : i32
      %add3A_1786 = arith.constant 0 : i32
      %add3A_1787 = arith.addi %mul3A_1785, %add3A_1786 : i32
      %swap3A_1788 = arith.constant 16 : i32
      %swap3A_1789 = arith.index_cast %swap3A_1788 : i32 to index
      %swap3A_1790 = arith.index_cast %add3A_1787 : i32 to index
      %swap3A_1791 = tpu.vector_load %arg12[%swap3A_1789, %swap3A_1790] {strides = array<i32>} : memref<20x512xf32, #tpu.memory_space<vmem>>, vector<1x16xf32>,
      %swap3A_1792 = vector.shape_cast %swap3A_1791 : vector<1x16xf32> to vector<16xf32>
      %swap3A_1793 = vector.shape_cast %add3A_1783 : vector<16xf32> to vector<1x16xf32>
      tpu.vector_store %arg12[%swap3A_1789, %swap3A_1790], %swap3A_1793 {strides = array<i32>} : memref<20x512xf32, #tpu.memory_space<vmem>>, vector<1x16xf32>,
      %get3A_1794 = arith.constant 16 : i32
      %get3A_1795 = arith.index_cast %get3A_1794 : i32 to index
      %get3A_1796 = arith.constant 16 : index
      %get3A_1797 = tpu.vector_load %arg10[%get3A_1795, %get3A_1796] {strides = array<i32>} : memref<20x128xf32, #tpu.memory_space<vmem>>, vector<1x16xf32>,
      %get3A_1798 = vector.shape_cast %get3A_1797 : vector<1x16xf32> to vector<16xf32>
      %mul3A_1799 = arith.mulf %get3A_519, %get3A_1798 : vector<16xf32>
      %get3A_1800 = arith.constant 16 : i32
      %get3A_1801 = arith.index_cast %get3A_1800 : i32 to index
      %get3A_1802 = arith.constant 48 : index
      %get3A_1803 = tpu.vector_load %arg10[%get3A_1801, %get3A_1802] {strides = array<i32>} : memref<20x128xf32, #tpu.memory_space<vmem>>, vector<1x16xf32>,
      %get3A_1804 = vector.shape_cast %get3A_1803 : vector<1x16xf32> to vector<16xf32>
      %mul3A_1805 = arith.mulf %get3A_537, %get3A_1804 : vector<16xf32>
      %add3A_1806 = arith.addf %mul3A_1799, %mul3A_1805 : vector<16xf32>
      %get3A_1807 = arith.constant 16 : i32
      %get3A_1808 = arith.index_cast %get3A_1807 : i32 to index
      %get3A_1809 = arith.constant 80 : index
      %get3A_1810 = tpu.vector_load %arg10[%get3A_1808, %get3A_1809] {strides = array<i32>} : memref<20x128xf32, #tpu.memory_space<vmem>>, vector<1x16xf32>,
      %get3A_1811 = vector.shape_cast %get3A_1810 : vector<1x16xf32> to vector<16xf32>
      %mul3A_1812 = arith.mulf %get3A_555, %get3A_1811 : vector<16xf32>
      %add3A_1813 = arith.addf %add3A_1806, %mul3A_1812 : vector<16xf32>
      %get3A_1814 = arith.constant 16 : i32
      %get3A_1815 = arith.index_cast %get3A_1814 : i32 to index
      %get3A_1816 = arith.constant 112 : index
      %get3A_1817 = tpu.vector_load %arg10[%get3A_1815, %get3A_1816] {strides = array<i32>} : memref<20x128xf32, #tpu.memory_space<vmem>>, vector<1x16xf32>,
      %get3A_1818 = vector.shape_cast %get3A_1817 : vector<1x16xf32> to vector<16xf32>
      %mul3A_1819 = arith.mulf %get3A_573, %get3A_1818 : vector<16xf32>
      %add3A_1820 = arith.addf %add3A_1813, %mul3A_1819 : vector<16xf32>
      %mul3A_1821 = arith.constant 32 : i32
      %mul3A_1822 = arith.muli %add3A_497, %mul3A_1821 : i32
      %add3A_1823 = arith.constant 16 : i32
      %add3A_1824 = arith.addi %mul3A_1822, %add3A_1823 : i32
      %swap3A_1825 = arith.constant 16 : i32
      %swap3A_1826 = arith.index_cast %swap3A_1825 : i32 to index
      %swap3A_1827 = arith.index_cast %add3A_1824 : i32 to index
      %swap3A_1828 = tpu.vector_load %arg12[%swap3A_1826, %swap3A_1827] {strides = array<i32>} : memref<20x512xf32, #tpu.memory_space<vmem>>, vector<1x16xf32>,
      %swap3A_1829 = vector.shape_cast %swap3A_1828 : vector<1x16xf32> to vector<16xf32>
      %swap3A_1830 = vector.shape_cast %add3A_1820 : vector<16xf32> to vector<1x16xf32>
      tpu.vector_store %arg12[%swap3A_1826, %swap3A_1827], %swap3A_1830 {strides = array<i32>} : memref<20x512xf32, #tpu.memory_space<vmem>>, vector<1x16xf32>,
      %get3A_1831 = arith.constant 17 : i32
      %get3A_1832 = arith.index_cast %get3A_1831 : i32 to index
      %get3A_1833 = arith.constant 0 : index
      %get3A_1834 = tpu.vector_load %arg10[%get3A_1832, %get3A_1833] {strides = array<i32>} : memref<20x128xf32, #tpu.memory_space<vmem>>, vector<1x16xf32>,
      %get3A_1835 = vector.shape_cast %get3A_1834 : vector<1x16xf32> to vector<16xf32>
      %mul3A_1836 = arith.mulf %get3A_510, %get3A_1835 : vector<16xf32>
      %get3A_1837 = arith.constant 17 : i32
      %get3A_1838 = arith.index_cast %get3A_1837 : i32 to index
      %get3A_1839 = arith.constant 32 : index
      %get3A_1840 = tpu.vector_load %arg10[%get3A_1838, %get3A_1839] {strides = array<i32>} : memref<20x128xf32, #tpu.memory_space<vmem>>, vector<1x16xf32>,
      %get3A_1841 = vector.shape_cast %get3A_1840 : vector<1x16xf32> to vector<16xf32>
      %mul3A_1842 = arith.mulf %get3A_528, %get3A_1841 : vector<16xf32>
      %add3A_1843 = arith.addf %mul3A_1836, %mul3A_1842 : vector<16xf32>
      %get3A_1844 = arith.constant 17 : i32
      %get3A_1845 = arith.index_cast %get3A_1844 : i32 to index
      %get3A_1846 = arith.constant 64 : index
      %get3A_1847 = tpu.vector_load %arg10[%get3A_1845, %get3A_1846] {strides = array<i32>} : memref<20x128xf32, #tpu.memory_space<vmem>>, vector<1x16xf32>,
      %get3A_1848 = vector.shape_cast %get3A_1847 : vector<1x16xf32> to vector<16xf32>
      %mul3A_1849 = arith.mulf %get3A_546, %get3A_1848 : vector<16xf32>
      %add3A_1850 = arith.addf %add3A_1843, %mul3A_1849 : vector<16xf32>
      %get3A_1851 = arith.constant 17 : i32
      %get3A_1852 = arith.index_cast %get3A_1851 : i32 to index
      %get3A_1853 = arith.constant 96 : index
      %get3A_1854 = tpu.vector_load %arg10[%get3A_1852, %get3A_1853] {strides = array<i32>} : memref<20x128xf32, #tpu.memory_space<vmem>>, vector<1x16xf32>,
      %get3A_1855 = vector.shape_cast %get3A_1854 : vector<1x16xf32> to vector<16xf32>
      %mul3A_1856 = arith.mulf %get3A_564, %get3A_1855 : vector<16xf32>
      %add3A_1857 = arith.addf %add3A_1850, %mul3A_1856 : vector<16xf32>
      %mul3A_1858 = arith.constant 32 : i32
      %mul3A_1859 = arith.muli %add3A_497, %mul3A_1858 : i32
      %add3A_1860 = arith.constant 0 : i32
      %add3A_1861 = arith.addi %mul3A_1859, %add3A_1860 : i32
      %swap3A_1862 = arith.constant 17 : i32
      %swap3A_1863 = arith.index_cast %swap3A_1862 : i32 to index
      %swap3A_1864 = arith.index_cast %add3A_1861 : i32 to index
      %swap3A_1865 = tpu.vector_load %arg12[%swap3A_1863, %swap3A_1864] {strides = array<i32>} : memref<20x512xf32, #tpu.memory_space<vmem>>, vector<1x16xf32>,
      %swap3A_1866 = vector.shape_cast %swap3A_1865 : vector<1x16xf32> to vector<16xf32>
      %swap3A_1867 = vector.shape_cast %add3A_1857 : vector<16xf32> to vector<1x16xf32>
      tpu.vector_store %arg12[%swap3A_1863, %swap3A_1864], %swap3A_1867 {strides = array<i32>} : memref<20x512xf32, #tpu.memory_space<vmem>>, vector<1x16xf32>,
      %get3A_1868 = arith.constant 17 : i32
      %get3A_1869 = arith.index_cast %get3A_1868 : i32 to index
      %get3A_1870 = arith.constant 16 : index
      %get3A_1871 = tpu.vector_load %arg10[%get3A_1869, %get3A_1870] {strides = array<i32>} : memref<20x128xf32, #tpu.memory_space<vmem>>, vector<1x16xf32>,
      %get3A_1872 = vector.shape_cast %get3A_1871 : vector<1x16xf32> to vector<16xf32>
      %mul3A_1873 = arith.mulf %get3A_519, %get3A_1872 : vector<16xf32>
      %get3A_1874 = arith.constant 17 : i32
      %get3A_1875 = arith.index_cast %get3A_1874 : i32 to index
      %get3A_1876 = arith.constant 48 : index
      %get3A_1877 = tpu.vector_load %arg10[%get3A_1875, %get3A_1876] {strides = array<i32>} : memref<20x128xf32, #tpu.memory_space<vmem>>, vector<1x16xf32>,
      %get3A_1878 = vector.shape_cast %get3A_1877 : vector<1x16xf32> to vector<16xf32>
      %mul3A_1879 = arith.mulf %get3A_537, %get3A_1878 : vector<16xf32>
      %add3A_1880 = arith.addf %mul3A_1873, %mul3A_1879 : vector<16xf32>
      %get3A_1881 = arith.constant 17 : i32
      %get3A_1882 = arith.index_cast %get3A_1881 : i32 to index
      %get3A_1883 = arith.constant 80 : index
      %get3A_1884 = tpu.vector_load %arg10[%get3A_1882, %get3A_1883] {strides = array<i32>} : memref<20x128xf32, #tpu.memory_space<vmem>>, vector<1x16xf32>,
      %get3A_1885 = vector.shape_cast %get3A_1884 : vector<1x16xf32> to vector<16xf32>
      %mul3A_1886 = arith.mulf %get3A_555, %get3A_1885 : vector<16xf32>
      %add3A_1887 = arith.addf %add3A_1880, %mul3A_1886 : vector<16xf32>
      %get3A_1888 = arith.constant 17 : i32
      %get3A_1889 = arith.index_cast %get3A_1888 : i32 to index
      %get3A_1890 = arith.constant 112 : index
      %get3A_1891 = tpu.vector_load %arg10[%get3A_1889, %get3A_1890] {strides = array<i32>} : memref<20x128xf32, #tpu.memory_space<vmem>>, vector<1x16xf32>,
      %get3A_1892 = vector.shape_cast %get3A_1891 : vector<1x16xf32> to vector<16xf32>
      %mul3A_1893 = arith.mulf %get3A_573, %get3A_1892 : vector<16xf32>
      %add3A_1894 = arith.addf %add3A_1887, %mul3A_1893 : vector<16xf32>
      %mul3A_1895 = arith.constant 32 : i32
      %mul3A_1896 = arith.muli %add3A_497, %mul3A_1895 : i32
      %add3A_1897 = arith.constant 16 : i32
      %add3A_1898 = arith.addi %mul3A_1896, %add3A_1897 : i32
      %swap3A_1899 = arith.constant 17 : i32
      %swap3A_1900 = arith.index_cast %swap3A_1899 : i32 to index
      %swap3A_1901 = arith.index_cast %add3A_1898 : i32 to index
      %swap3A_1902 = tpu.vector_load %arg12[%swap3A_1900, %swap3A_1901] {strides = array<i32>} : memref<20x512xf32, #tpu.memory_space<vmem>>, vector<1x16xf32>,
      %swap3A_1903 = vector.shape_cast %swap3A_1902 : vector<1x16xf32> to vector<16xf32>
      %swap3A_1904 = vector.shape_cast %add3A_1894 : vector<16xf32> to vector<1x16xf32>
      tpu.vector_store %arg12[%swap3A_1900, %swap3A_1901], %swap3A_1904 {strides = array<i32>} : memref<20x512xf32, #tpu.memory_space<vmem>>, vector<1x16xf32>,
      %get3A_1905 = arith.constant 18 : i32
      %get3A_1906 = arith.index_cast %get3A_1905 : i32 to index
      %get3A_1907 = arith.constant 0 : index
      %get3A_1908 = tpu.vector_load %arg10[%get3A_1906, %get3A_1907] {strides = array<i32>} : memref<20x128xf32, #tpu.memory_space<vmem>>, vector<1x16xf32>,
      %get3A_1909 = vector.shape_cast %get3A_1908 : vector<1x16xf32> to vector<16xf32>
      %mul3A_1910 = arith.mulf %get3A_510, %get3A_1909 : vector<16xf32>
      %get3A_1911 = arith.constant 18 : i32
      %get3A_1912 = arith.index_cast %get3A_1911 : i32 to index
      %get3A_1913 = arith.constant 32 : index
      %get3A_1914 = tpu.vector_load %arg10[%get3A_1912, %get3A_1913] {strides = array<i32>} : memref<20x128xf32, #tpu.memory_space<vmem>>, vector<1x16xf32>,
      %get3A_1915 = vector.shape_cast %get3A_1914 : vector<1x16xf32> to vector<16xf32>
      %mul3A_1916 = arith.mulf %get3A_528, %get3A_1915 : vector<16xf32>
      %add3A_1917 = arith.addf %mul3A_1910, %mul3A_1916 : vector<16xf32>
      %get3A_1918 = arith.constant 18 : i32
      %get3A_1919 = arith.index_cast %get3A_1918 : i32 to index
      %get3A_1920 = arith.constant 64 : index
      %get3A_1921 = tpu.vector_load %arg10[%get3A_1919, %get3A_1920] {strides = array<i32>} : memref<20x128xf32, #tpu.memory_space<vmem>>, vector<1x16xf32>,
      %get3A_1922 = vector.shape_cast %get3A_1921 : vector<1x16xf32> to vector<16xf32>
      %mul3A_1923 = arith.mulf %get3A_546, %get3A_1922 : vector<16xf32>
      %add3A_1924 = arith.addf %add3A_1917, %mul3A_1923 : vector<16xf32>
      %get3A_1925 = arith.constant 18 : i32
      %get3A_1926 = arith.index_cast %get3A_1925 : i32 to index
      %get3A_1927 = arith.constant 96 : index
      %get3A_1928 = tpu.vector_load %arg10[%get3A_1926, %get3A_1927] {strides = array<i32>} : memref<20x128xf32, #tpu.memory_space<vmem>>, vector<1x16xf32>,
      %get3A_1929 = vector.shape_cast %get3A_1928 : vector<1x16xf32> to vector<16xf32>
      %mul3A_1930 = arith.mulf %get3A_564, %get3A_1929 : vector<16xf32>
      %add3A_1931 = arith.addf %add3A_1924, %mul3A_1930 : vector<16xf32>
      %mul3A_1932 = arith.constant 32 : i32
      %mul3A_1933 = arith.muli %add3A_497, %mul3A_1932 : i32
      %add3A_1934 = arith.constant 0 : i32
      %add3A_1935 = arith.addi %mul3A_1933, %add3A_1934 : i32
      %swap3A_1936 = arith.constant 18 : i32
      %swap3A_1937 = arith.index_cast %swap3A_1936 : i32 to index
      %swap3A_1938 = arith.index_cast %add3A_1935 : i32 to index
      %swap3A_1939 = tpu.vector_load %arg12[%swap3A_1937, %swap3A_1938] {strides = array<i32>} : memref<20x512xf32, #tpu.memory_space<vmem>>, vector<1x16xf32>,
      %swap3A_1940 = vector.shape_cast %swap3A_1939 : vector<1x16xf32> to vector<16xf32>
      %swap3A_1941 = vector.shape_cast %add3A_1931 : vector<16xf32> to vector<1x16xf32>
      tpu.vector_store %arg12[%swap3A_1937, %swap3A_1938], %swap3A_1941 {strides = array<i32>} : memref<20x512xf32, #tpu.memory_space<vmem>>, vector<1x16xf32>,
      %get3A_1942 = arith.constant 18 : i32
      %get3A_1943 = arith.index_cast %get3A_1942 : i32 to index
      %get3A_1944 = arith.constant 16 : index
      %get3A_1945 = tpu.vector_load %arg10[%get3A_1943, %get3A_1944] {strides = array<i32>} : memref<20x128xf32, #tpu.memory_space<vmem>>, vector<1x16xf32>,
      %get3A_1946 = vector.shape_cast %get3A_1945 : vector<1x16xf32> to vector<16xf32>
      %mul3A_1947 = arith.mulf %get3A_519, %get3A_1946 : vector<16xf32>
      %get3A_1948 = arith.constant 18 : i32
      %get3A_1949 = arith.index_cast %get3A_1948 : i32 to index
      %get3A_1950 = arith.constant 48 : index
      %get3A_1951 = tpu.vector_load %arg10[%get3A_1949, %get3A_1950] {strides = array<i32>} : memref<20x128xf32, #tpu.memory_space<vmem>>, vector<1x16xf32>,
      %get3A_1952 = vector.shape_cast %get3A_1951 : vector<1x16xf32> to vector<16xf32>
      %mul3A_1953 = arith.mulf %get3A_537, %get3A_1952 : vector<16xf32>
      %add3A_1954 = arith.addf %mul3A_1947, %mul3A_1953 : vector<16xf32>
      %get3A_1955 = arith.constant 18 : i32
      %get3A_1956 = arith.index_cast %get3A_1955 : i32 to index
      %get3A_1957 = arith.constant 80 : index
      %get3A_1958 = tpu.vector_load %arg10[%get3A_1956, %get3A_1957] {strides = array<i32>} : memref<20x128xf32, #tpu.memory_space<vmem>>, vector<1x16xf32>,
      %get3A_1959 = vector.shape_cast %get3A_1958 : vector<1x16xf32> to vector<16xf32>
      %mul3A_1960 = arith.mulf %get3A_555, %get3A_1959 : vector<16xf32>
      %add3A_1961 = arith.addf %add3A_1954, %mul3A_1960 : vector<16xf32>
      %get3A_1962 = arith.constant 18 : i32
      %get3A_1963 = arith.index_cast %get3A_1962 : i32 to index
      %get3A_1964 = arith.constant 112 : index
      %get3A_1965 = tpu.vector_load %arg10[%get3A_1963, %get3A_1964] {strides = array<i32>} : memref<20x128xf32, #tpu.memory_space<vmem>>, vector<1x16xf32>,
      %get3A_1966 = vector.shape_cast %get3A_1965 : vector<1x16xf32> to vector<16xf32>
      %mul3A_1967 = arith.mulf %get3A_573, %get3A_1966 : vector<16xf32>
      %add3A_1968 = arith.addf %add3A_1961, %mul3A_1967 : vector<16xf32>
      %mul3A_1969 = arith.constant 32 : i32
      %mul3A_1970 = arith.muli %add3A_497, %mul3A_1969 : i32
      %add3A_1971 = arith.constant 16 : i32
      %add3A_1972 = arith.addi %mul3A_1970, %add3A_1971 : i32
      %swap3A_1973 = arith.constant 18 : i32
      %swap3A_1974 = arith.index_cast %swap3A_1973 : i32 to index
      %swap3A_1975 = arith.index_cast %add3A_1972 : i32 to index
      %swap3A_1976 = tpu.vector_load %arg12[%swap3A_1974, %swap3A_1975] {strides = array<i32>} : memref<20x512xf32, #tpu.memory_space<vmem>>, vector<1x16xf32>,
      %swap3A_1977 = vector.shape_cast %swap3A_1976 : vector<1x16xf32> to vector<16xf32>
      %swap3A_1978 = vector.shape_cast %add3A_1968 : vector<16xf32> to vector<1x16xf32>
      tpu.vector_store %arg12[%swap3A_1974, %swap3A_1975], %swap3A_1978 {strides = array<i32>} : memref<20x512xf32, #tpu.memory_space<vmem>>, vector<1x16xf32>,
      %get3A_1979 = arith.constant 19 : i32
      %get3A_1980 = arith.index_cast %get3A_1979 : i32 to index
      %get3A_1981 = arith.constant 0 : index
      %get3A_1982 = tpu.vector_load %arg10[%get3A_1980, %get3A_1981] {strides = array<i32>} : memref<20x128xf32, #tpu.memory_space<vmem>>, vector<1x16xf32>,
      %get3A_1983 = vector.shape_cast %get3A_1982 : vector<1x16xf32> to vector<16xf32>
      %mul3A_1984 = arith.mulf %get3A_510, %get3A_1983 : vector<16xf32>
      %get3A_1985 = arith.constant 19 : i32
      %get3A_1986 = arith.index_cast %get3A_1985 : i32 to index
      %get3A_1987 = arith.constant 32 : index
      %get3A_1988 = tpu.vector_load %arg10[%get3A_1986, %get3A_1987] {strides = array<i32>} : memref<20x128xf32, #tpu.memory_space<vmem>>, vector<1x16xf32>,
      %get3A_1989 = vector.shape_cast %get3A_1988 : vector<1x16xf32> to vector<16xf32>
      %mul3A_1990 = arith.mulf %get3A_528, %get3A_1989 : vector<16xf32>
      %add3A_1991 = arith.addf %mul3A_1984, %mul3A_1990 : vector<16xf32>
      %get3A_1992 = arith.constant 19 : i32
      %get3A_1993 = arith.index_cast %get3A_1992 : i32 to index
      %get3A_1994 = arith.constant 64 : index
      %get3A_1995 = tpu.vector_load %arg10[%get3A_1993, %get3A_1994] {strides = array<i32>} : memref<20x128xf32, #tpu.memory_space<vmem>>, vector<1x16xf32>,
      %get3A_1996 = vector.shape_cast %get3A_1995 : vector<1x16xf32> to vector<16xf32>
      %mul3A_1997 = arith.mulf %get3A_546, %get3A_1996 : vector<16xf32>
      %add3A_1998 = arith.addf %add3A_1991, %mul3A_1997 : vector<16xf32>
      %get3A_1999 = arith.constant 19 : i32
      %get3A_2000 = arith.index_cast %get3A_1999 : i32 to index
      %get3A_2001 = arith.constant 96 : index
      %get3A_2002 = tpu.vector_load %arg10[%get3A_2000, %get3A_2001] {strides = array<i32>} : memref<20x128xf32, #tpu.memory_space<vmem>>, vector<1x16xf32>,
      %get3A_2003 = vector.shape_cast %get3A_2002 : vector<1x16xf32> to vector<16xf32>
      %mul3A_2004 = arith.mulf %get3A_564, %get3A_2003 : vector<16xf32>
      %add3A_2005 = arith.addf %add3A_1998, %mul3A_2004 : vector<16xf32>
      %mul3A_2006 = arith.constant 32 : i32
      %mul3A_2007 = arith.muli %add3A_497, %mul3A_2006 : i32
      %add3A_2008 = arith.constant 0 : i32
      %add3A_2009 = arith.addi %mul3A_2007, %add3A_2008 : i32
      %swap3A_2010 = arith.constant 19 : i32
      %swap3A_2011 = arith.index_cast %swap3A_2010 : i32 to index
      %swap3A_2012 = arith.index_cast %add3A_2009 : i32 to index
      %swap3A_2013 = tpu.vector_load %arg12[%swap3A_2011, %swap3A_2012] {strides = array<i32>} : memref<20x512xf32, #tpu.memory_space<vmem>>, vector<1x16xf32>,
      %swap3A_2014 = vector.shape_cast %swap3A_2013 : vector<1x16xf32> to vector<16xf32>
      %swap3A_2015 = vector.shape_cast %add3A_2005 : vector<16xf32> to vector<1x16xf32>
      tpu.vector_store %arg12[%swap3A_2011, %swap3A_2012], %swap3A_2015 {strides = array<i32>} : memref<20x512xf32, #tpu.memory_space<vmem>>, vector<1x16xf32>,
      %get3A_2016 = arith.constant 19 : i32
      %get3A_2017 = arith.index_cast %get3A_2016 : i32 to index
      %get3A_2018 = arith.constant 16 : index
      %get3A_2019 = tpu.vector_load %arg10[%get3A_2017, %get3A_2018] {strides = array<i32>} : memref<20x128xf32, #tpu.memory_space<vmem>>, vector<1x16xf32>,
      %get3A_2020 = vector.shape_cast %get3A_2019 : vector<1x16xf32> to vector<16xf32>
      %mul3A_2021 = arith.mulf %get3A_519, %get3A_2020 : vector<16xf32>
      %get3A_2022 = arith.constant 19 : i32
      %get3A_2023 = arith.index_cast %get3A_2022 : i32 to index
      %get3A_2024 = arith.constant 48 : index
      %get3A_2025 = tpu.vector_load %arg10[%get3A_2023, %get3A_2024] {strides = array<i32>} : memref<20x128xf32, #tpu.memory_space<vmem>>, vector<1x16xf32>,
      %get3A_2026 = vector.shape_cast %get3A_2025 : vector<1x16xf32> to vector<16xf32>
      %mul3A_2027 = arith.mulf %get3A_537, %get3A_2026 : vector<16xf32>
      %add3A_2028 = arith.addf %mul3A_2021, %mul3A_2027 : vector<16xf32>
      %get3A_2029 = arith.constant 19 : i32
      %get3A_2030 = arith.index_cast %get3A_2029 : i32 to index
      %get3A_2031 = arith.constant 80 : index
      %get3A_2032 = tpu.vector_load %arg10[%get3A_2030, %get3A_2031] {strides = array<i32>} : memref<20x128xf32, #tpu.memory_space<vmem>>, vector<1x16xf32>,
      %get3A_2033 = vector.shape_cast %get3A_2032 : vector<1x16xf32> to vector<16xf32>
      %mul3A_2034 = arith.mulf %get3A_555, %get3A_2033 : vector<16xf32>
      %add3A_2035 = arith.addf %add3A_2028, %mul3A_2034 : vector<16xf32>
      %get3A_2036 = arith.constant 19 : i32
      %get3A_2037 = arith.index_cast %get3A_2036 : i32 to index
      %get3A_2038 = arith.constant 112 : index
      %get3A_2039 = tpu.vector_load %arg10[%get3A_2037, %get3A_2038] {strides = array<i32>} : memref<20x128xf32, #tpu.memory_space<vmem>>, vector<1x16xf32>,
      %get3A_2040 = vector.shape_cast %get3A_2039 : vector<1x16xf32> to vector<16xf32>
      %mul3A_2041 = arith.mulf %get3A_573, %get3A_2040 : vector<16xf32>
      %add3A_2042 = arith.addf %add3A_2035, %mul3A_2041 : vector<16xf32>
      %mul3A_2043 = arith.constant 32 : i32
      %mul3A_2044 = arith.muli %add3A_497, %mul3A_2043 : i32
      %add3A_2045 = arith.constant 16 : i32
      %add3A_2046 = arith.addi %mul3A_2044, %add3A_2045 : i32
      %swap3A_2047 = arith.constant 19 : i32
      %swap3A_2048 = arith.index_cast %swap3A_2047 : i32 to index
      %swap3A_2049 = arith.index_cast %add3A_2046 : i32 to index
      %swap3A_2050 = tpu.vector_load %arg12[%swap3A_2048, %swap3A_2049] {strides = array<i32>} : memref<20x512xf32, #tpu.memory_space<vmem>>, vector<1x16xf32>,
      %swap3A_2051 = vector.shape_cast %swap3A_2050 : vector<1x16xf32> to vector<16xf32>
      %swap3A_2052 = vector.shape_cast %add3A_2042 : vector<16xf32> to vector<1x16xf32>
      tpu.vector_store %arg12[%swap3A_2048, %swap3A_2049], %swap3A_2052 {strides = array<i32>} : memref<20x512xf32, #tpu.memory_space<vmem>>, vector<1x16xf32>,
      %add3A_2053 = arith.constant 2 : i32
      %add3A_2054 = arith.addi %add3A_497, %add3A_2053 : i32
      %lt3A = arith.constant 16 : i32
      %lt3A_2055 = arith.cmpi slt, %add3A_2054, %lt3A : i32
      %convert_element_type3A = arith.extui %lt3A_2055 : i1 to i32
      %cond3A = arith.constant 0 : i32
      %cond3A_2056 = arith.cmpi ne, %convert_element_type3A, %cond3A : i32
      scf.if %cond3A_2056 {
        %add3A_3626 = arith.constant 2 : i32
        %add3A_3627 = arith.addi %add3A_497, %add3A_3626 : i32
        %dma_start3A_3628 = arith.constant 0 : i32
        %dma_start3A_3629 = arith.constant 0 : i32
        %dma_start3A_3630 = tpu.memref_slice %arg10[%dma_start3A_3628, %dma_start3A_3629] : memref<20x128xf32, #tpu.memory_space<vmem>> -> memref<1x128xf32, #tpu.memory_space<vmem>>
        %dma_start3A_3631 = tpu.memref_squeeze %dma_start3A_3630 : memref<1x128xf32, #tpu.memory_space<vmem>> -> memref<128xf32, #tpu.memory_space<vmem>>
        %dma_start3A_3632 = arith.constant 0 : i32
        %dma_start3A_3633 = tpu.memref_slice %arg8[%add3A_3627, %dma_start3A_3632] : memref<16x128xi32, #tpu.memory_space<vmem>> -> memref<1x128xi32, #tpu.memory_space<vmem>>
        %dma_start3A_3634 = tpu.memref_squeeze %dma_start3A_3633 : memref<1x128xi32, #tpu.memory_space<vmem>> -> memref<128xi32, #tpu.memory_space<vmem>>
        %dma_start3A_3635 = arith.constant 0 : i32
        %dma_start3A_3636 = tpu.memref_slice %arg4[%dma_start3A_3635] : memref<46656000xf32, #tpu.memory_space<hbm>> -> memref<2332800xf32, #tpu.memory_space<hbm>>
        %dma_start3A_3637 = arith.constant 0 : i32
        %dma_start3A_3638 = tpu.memref_slice %dma_start3A_3636[%dma_start3A_3637] : memref<2332800xf32, #tpu.memory_space<hbm>> -> memref<2332800xf32, #tpu.memory_space<hbm>>
        tpu.enqueue_indirect_dma source(%dma_start3A_3638 : memref<2332800xf32, #tpu.memory_space<hbm>>) target(%dma_start3A_3631 : memref<128xf32, #tpu.memory_space<vmem>>) offsets(%dma_start3A_3634 : memref<128xi32, #tpu.memory_space<vmem>>) semaphore(%arg13 : memref<!tpu.dma_semaphore, #tpu.memory_space<semaphore_mem>>)
        %dma_start3A_3639 = arith.constant 1 : i32
        %dma_start3A_3640 = arith.constant 0 : i32
        %dma_start3A_3641 = tpu.memref_slice %arg10[%dma_start3A_3639, %dma_start3A_3640] : memref<20x128xf32, #tpu.memory_space<vmem>> -> memref<1x128xf32, #tpu.memory_space<vmem>>
        %dma_start3A_3642 = tpu.memref_squeeze %dma_start3A_3641 : memref<1x128xf32, #tpu.memory_space<vmem>> -> memref<128xf32, #tpu.memory_space<vmem>>
        %dma_start3A_3643 = arith.constant 0 : i32
        %dma_start3A_3644 = tpu.memref_slice %arg8[%add3A_3627, %dma_start3A_3643] : memref<16x128xi32, #tpu.memory_space<vmem>> -> memref<1x128xi32, #tpu.memory_space<vmem>>
        %dma_start3A_3645 = tpu.memref_squeeze %dma_start3A_3644 : memref<1x128xi32, #tpu.memory_space<vmem>> -> memref<128xi32, #tpu.memory_space<vmem>>
        %dma_start3A_3646 = arith.constant 2332800 : i32
        %dma_start3A_3647 = tpu.memref_slice %arg4[%dma_start3A_3646] : memref<46656000xf32, #tpu.memory_space<hbm>> -> memref<2332800xf32, #tpu.memory_space<hbm>>
        %dma_start3A_3648 = arith.constant 0 : i32
        %dma_start3A_3649 = tpu.memref_slice %dma_start3A_3647[%dma_start3A_3648] : memref<2332800xf32, #tpu.memory_space<hbm>> -> memref<2332800xf32, #tpu.memory_space<hbm>>
        tpu.enqueue_indirect_dma source(%dma_start3A_3649 : memref<2332800xf32, #tpu.memory_space<hbm>>) target(%dma_start3A_3642 : memref<128xf32, #tpu.memory_space<vmem>>) offsets(%dma_start3A_3645 : memref<128xi32, #tpu.memory_space<vmem>>) semaphore(%arg13 : memref<!tpu.dma_semaphore, #tpu.memory_space<semaphore_mem>>)
        %dma_start3A_3650 = arith.constant 2 : i32
        %dma_start3A_3651 = arith.constant 0 : i32
        %dma_start3A_3652 = tpu.memref_slice %arg10[%dma_start3A_3650, %dma_start3A_3651] : memref<20x128xf32, #tpu.memory_space<vmem>> -> memref<1x128xf32, #tpu.memory_space<vmem>>
        %dma_start3A_3653 = tpu.memref_squeeze %dma_start3A_3652 : memref<1x128xf32, #tpu.memory_space<vmem>> -> memref<128xf32, #tpu.memory_space<vmem>>
        %dma_start3A_3654 = arith.constant 0 : i32
        %dma_start3A_3655 = tpu.memref_slice %arg8[%add3A_3627, %dma_start3A_3654] : memref<16x128xi32, #tpu.memory_space<vmem>> -> memref<1x128xi32, #tpu.memory_space<vmem>>
        %dma_start3A_3656 = tpu.memref_squeeze %dma_start3A_3655 : memref<1x128xi32, #tpu.memory_space<vmem>> -> memref<128xi32, #tpu.memory_space<vmem>>
        %dma_start3A_3657 = arith.constant 4665600 : i32
        %dma_start3A_3658 = tpu.memref_slice %arg4[%dma_start3A_3657] : memref<46656000xf32, #tpu.memory_space<hbm>> -> memref<2332800xf32, #tpu.memory_space<hbm>>
        %dma_start3A_3659 = arith.constant 0 : i32
        %dma_start3A_3660 = tpu.memref_slice %dma_start3A_3658[%dma_start3A_3659] : memref<2332800xf32, #tpu.memory_space<hbm>> -> memref<2332800xf32, #tpu.memory_space<hbm>>
        tpu.enqueue_indirect_dma source(%dma_start3A_3660 : memref<2332800xf32, #tpu.memory_space<hbm>>) target(%dma_start3A_3653 : memref<128xf32, #tpu.memory_space<vmem>>) offsets(%dma_start3A_3656 : memref<128xi32, #tpu.memory_space<vmem>>) semaphore(%arg13 : memref<!tpu.dma_semaphore, #tpu.memory_space<semaphore_mem>>)
        %dma_start3A_3661 = arith.constant 3 : i32
        %dma_start3A_3662 = arith.constant 0 : i32
        %dma_start3A_3663 = tpu.memref_slice %arg10[%dma_start3A_3661, %dma_start3A_3662] : memref<20x128xf32, #tpu.memory_space<vmem>> -> memref<1x128xf32, #tpu.memory_space<vmem>>
        %dma_start3A_3664 = tpu.memref_squeeze %dma_start3A_3663 : memref<1x128xf32, #tpu.memory_space<vmem>> -> memref<128xf32, #tpu.memory_space<vmem>>
        %dma_start3A_3665 = arith.constant 0 : i32
        %dma_start3A_3666 = tpu.memref_slice %arg8[%add3A_3627, %dma_start3A_3665] : memref<16x128xi32, #tpu.memory_space<vmem>> -> memref<1x128xi32, #tpu.memory_space<vmem>>
        %dma_start3A_3667 = tpu.memref_squeeze %dma_start3A_3666 : memref<1x128xi32, #tpu.memory_space<vmem>> -> memref<128xi32, #tpu.memory_space<vmem>>
        %dma_start3A_3668 = arith.constant 6998400 : i32
        %dma_start3A_3669 = tpu.memref_slice %arg4[%dma_start3A_3668] : memref<46656000xf32, #tpu.memory_space<hbm>> -> memref<2332800xf32, #tpu.memory_space<hbm>>
        %dma_start3A_3670 = arith.constant 0 : i32
        %dma_start3A_3671 = tpu.memref_slice %dma_start3A_3669[%dma_start3A_3670] : memref<2332800xf32, #tpu.memory_space<hbm>> -> memref<2332800xf32, #tpu.memory_space<hbm>>
        tpu.enqueue_indirect_dma source(%dma_start3A_3671 : memref<2332800xf32, #tpu.memory_space<hbm>>) target(%dma_start3A_3664 : memref<128xf32, #tpu.memory_space<vmem>>) offsets(%dma_start3A_3667 : memref<128xi32, #tpu.memory_space<vmem>>) semaphore(%arg13 : memref<!tpu.dma_semaphore, #tpu.memory_space<semaphore_mem>>)
        %dma_start3A_3672 = arith.constant 4 : i32
        %dma_start3A_3673 = arith.constant 0 : i32
        %dma_start3A_3674 = tpu.memref_slice %arg10[%dma_start3A_3672, %dma_start3A_3673] : memref<20x128xf32, #tpu.memory_space<vmem>> -> memref<1x128xf32, #tpu.memory_space<vmem>>
        %dma_start3A_3675 = tpu.memref_squeeze %dma_start3A_3674 : memref<1x128xf32, #tpu.memory_space<vmem>> -> memref<128xf32, #tpu.memory_space<vmem>>
        %dma_start3A_3676 = arith.constant 0 : i32
        %dma_start3A_3677 = tpu.memref_slice %arg8[%add3A_3627, %dma_start3A_3676] : memref<16x128xi32, #tpu.memory_space<vmem>> -> memref<1x128xi32, #tpu.memory_space<vmem>>
        %dma_start3A_3678 = tpu.memref_squeeze %dma_start3A_3677 : memref<1x128xi32, #tpu.memory_space<vmem>> -> memref<128xi32, #tpu.memory_space<vmem>>
        %dma_start3A_3679 = arith.constant 9331200 : i32
        %dma_start3A_3680 = tpu.memref_slice %arg4[%dma_start3A_3679] : memref<46656000xf32, #tpu.memory_space<hbm>> -> memref<2332800xf32, #tpu.memory_space<hbm>>
        %dma_start3A_3681 = arith.constant 0 : i32
        %dma_start3A_3682 = tpu.memref_slice %dma_start3A_3680[%dma_start3A_3681] : memref<2332800xf32, #tpu.memory_space<hbm>> -> memref<2332800xf32, #tpu.memory_space<hbm>>
        tpu.enqueue_indirect_dma source(%dma_start3A_3682 : memref<2332800xf32, #tpu.memory_space<hbm>>) target(%dma_start3A_3675 : memref<128xf32, #tpu.memory_space<vmem>>) offsets(%dma_start3A_3678 : memref<128xi32, #tpu.memory_space<vmem>>) semaphore(%arg13 : memref<!tpu.dma_semaphore, #tpu.memory_space<semaphore_mem>>)
        %dma_start3A_3683 = arith.constant 5 : i32
        %dma_start3A_3684 = arith.constant 0 : i32
        %dma_start3A_3685 = tpu.memref_slice %arg10[%dma_start3A_3683, %dma_start3A_3684] : memref<20x128xf32, #tpu.memory_space<vmem>> -> memref<1x128xf32, #tpu.memory_space<vmem>>
        %dma_start3A_3686 = tpu.memref_squeeze %dma_start3A_3685 : memref<1x128xf32, #tpu.memory_space<vmem>> -> memref<128xf32, #tpu.memory_space<vmem>>
        %dma_start3A_3687 = arith.constant 0 : i32
        %dma_start3A_3688 = tpu.memref_slice %arg8[%add3A_3627, %dma_start3A_3687] : memref<16x128xi32, #tpu.memory_space<vmem>> -> memref<1x128xi32, #tpu.memory_space<vmem>>
        %dma_start3A_3689 = tpu.memref_squeeze %dma_start3A_3688 : memref<1x128xi32, #tpu.memory_space<vmem>> -> memref<128xi32, #tpu.memory_space<vmem>>
        %dma_start3A_3690 = arith.constant 11664000 : i32
        %dma_start3A_3691 = tpu.memref_slice %arg4[%dma_start3A_3690] : memref<46656000xf32, #tpu.memory_space<hbm>> -> memref<2332800xf32, #tpu.memory_space<hbm>>
        %dma_start3A_3692 = arith.constant 0 : i32
        %dma_start3A_3693 = tpu.memref_slice %dma_start3A_3691[%dma_start3A_3692] : memref<2332800xf32, #tpu.memory_space<hbm>> -> memref<2332800xf32, #tpu.memory_space<hbm>>
        tpu.enqueue_indirect_dma source(%dma_start3A_3693 : memref<2332800xf32, #tpu.memory_space<hbm>>) target(%dma_start3A_3686 : memref<128xf32, #tpu.memory_space<vmem>>) offsets(%dma_start3A_3689 : memref<128xi32, #tpu.memory_space<vmem>>) semaphore(%arg13 : memref<!tpu.dma_semaphore, #tpu.memory_space<semaphore_mem>>)
        %dma_start3A_3694 = arith.constant 6 : i32
        %dma_start3A_3695 = arith.constant 0 : i32
        %dma_start3A_3696 = tpu.memref_slice %arg10[%dma_start3A_3694, %dma_start3A_3695] : memref<20x128xf32, #tpu.memory_space<vmem>> -> memref<1x128xf32, #tpu.memory_space<vmem>>
        %dma_start3A_3697 = tpu.memref_squeeze %dma_start3A_3696 : memref<1x128xf32, #tpu.memory_space<vmem>> -> memref<128xf32, #tpu.memory_space<vmem>>
        %dma_start3A_3698 = arith.constant 0 : i32
        %dma_start3A_3699 = tpu.memref_slice %arg8[%add3A_3627, %dma_start3A_3698] : memref<16x128xi32, #tpu.memory_space<vmem>> -> memref<1x128xi32, #tpu.memory_space<vmem>>
        %dma_start3A_3700 = tpu.memref_squeeze %dma_start3A_3699 : memref<1x128xi32, #tpu.memory_space<vmem>> -> memref<128xi32, #tpu.memory_space<vmem>>
        %dma_start3A_3701 = arith.constant 13996800 : i32
        %dma_start3A_3702 = tpu.memref_slice %arg4[%dma_start3A_3701] : memref<46656000xf32, #tpu.memory_space<hbm>> -> memref<2332800xf32, #tpu.memory_space<hbm>>
        %dma_start3A_3703 = arith.constant 0 : i32
        %dma_start3A_3704 = tpu.memref_slice %dma_start3A_3702[%dma_start3A_3703] : memref<2332800xf32, #tpu.memory_space<hbm>> -> memref<2332800xf32, #tpu.memory_space<hbm>>
        tpu.enqueue_indirect_dma source(%dma_start3A_3704 : memref<2332800xf32, #tpu.memory_space<hbm>>) target(%dma_start3A_3697 : memref<128xf32, #tpu.memory_space<vmem>>) offsets(%dma_start3A_3700 : memref<128xi32, #tpu.memory_space<vmem>>) semaphore(%arg13 : memref<!tpu.dma_semaphore, #tpu.memory_space<semaphore_mem>>)
        %dma_start3A_3705 = arith.constant 7 : i32
        %dma_start3A_3706 = arith.constant 0 : i32
        %dma_start3A_3707 = tpu.memref_slice %arg10[%dma_start3A_3705, %dma_start3A_3706] : memref<20x128xf32, #tpu.memory_space<vmem>> -> memref<1x128xf32, #tpu.memory_space<vmem>>
        %dma_start3A_3708 = tpu.memref_squeeze %dma_start3A_3707 : memref<1x128xf32, #tpu.memory_space<vmem>> -> memref<128xf32, #tpu.memory_space<vmem>>
        %dma_start3A_3709 = arith.constant 0 : i32
        %dma_start3A_3710 = tpu.memref_slice %arg8[%add3A_3627, %dma_start3A_3709] : memref<16x128xi32, #tpu.memory_space<vmem>> -> memref<1x128xi32, #tpu.memory_space<vmem>>
        %dma_start3A_3711 = tpu.memref_squeeze %dma_start3A_3710 : memref<1x128xi32, #tpu.memory_space<vmem>> -> memref<128xi32, #tpu.memory_space<vmem>>
        %dma_start3A_3712 = arith.constant 16329600 : i32
        %dma_start3A_3713 = tpu.memref_slice %arg4[%dma_start3A_3712] : memref<46656000xf32, #tpu.memory_space<hbm>> -> memref<2332800xf32, #tpu.memory_space<hbm>>
        %dma_start3A_3714 = arith.constant 0 : i32
        %dma_start3A_3715 = tpu.memref_slice %dma_start3A_3713[%dma_start3A_3714] : memref<2332800xf32, #tpu.memory_space<hbm>> -> memref<2332800xf32, #tpu.memory_space<hbm>>
        tpu.enqueue_indirect_dma source(%dma_start3A_3715 : memref<2332800xf32, #tpu.memory_space<hbm>>) target(%dma_start3A_3708 : memref<128xf32, #tpu.memory_space<vmem>>) offsets(%dma_start3A_3711 : memref<128xi32, #tpu.memory_space<vmem>>) semaphore(%arg13 : memref<!tpu.dma_semaphore, #tpu.memory_space<semaphore_mem>>)
        %dma_start3A_3716 = arith.constant 8 : i32
        %dma_start3A_3717 = arith.constant 0 : i32
        %dma_start3A_3718 = tpu.memref_slice %arg10[%dma_start3A_3716, %dma_start3A_3717] : memref<20x128xf32, #tpu.memory_space<vmem>> -> memref<1x128xf32, #tpu.memory_space<vmem>>
        %dma_start3A_3719 = tpu.memref_squeeze %dma_start3A_3718 : memref<1x128xf32, #tpu.memory_space<vmem>> -> memref<128xf32, #tpu.memory_space<vmem>>
        %dma_start3A_3720 = arith.constant 0 : i32
        %dma_start3A_3721 = tpu.memref_slice %arg8[%add3A_3627, %dma_start3A_3720] : memref<16x128xi32, #tpu.memory_space<vmem>> -> memref<1x128xi32, #tpu.memory_space<vmem>>
        %dma_start3A_3722 = tpu.memref_squeeze %dma_start3A_3721 : memref<1x128xi32, #tpu.memory_space<vmem>> -> memref<128xi32, #tpu.memory_space<vmem>>
        %dma_start3A_3723 = arith.constant 18662400 : i32
        %dma_start3A_3724 = tpu.memref_slice %arg4[%dma_start3A_3723] : memref<46656000xf32, #tpu.memory_space<hbm>> -> memref<2332800xf32, #tpu.memory_space<hbm>>
        %dma_start3A_3725 = arith.constant 0 : i32
        %dma_start3A_3726 = tpu.memref_slice %dma_start3A_3724[%dma_start3A_3725] : memref<2332800xf32, #tpu.memory_space<hbm>> -> memref<2332800xf32, #tpu.memory_space<hbm>>
        tpu.enqueue_indirect_dma source(%dma_start3A_3726 : memref<2332800xf32, #tpu.memory_space<hbm>>) target(%dma_start3A_3719 : memref<128xf32, #tpu.memory_space<vmem>>) offsets(%dma_start3A_3722 : memref<128xi32, #tpu.memory_space<vmem>>) semaphore(%arg13 : memref<!tpu.dma_semaphore, #tpu.memory_space<semaphore_mem>>)
        %dma_start3A_3727 = arith.constant 9 : i32
        %dma_start3A_3728 = arith.constant 0 : i32
        %dma_start3A_3729 = tpu.memref_slice %arg10[%dma_start3A_3727, %dma_start3A_3728] : memref<20x128xf32, #tpu.memory_space<vmem>> -> memref<1x128xf32, #tpu.memory_space<vmem>>
        %dma_start3A_3730 = tpu.memref_squeeze %dma_start3A_3729 : memref<1x128xf32, #tpu.memory_space<vmem>> -> memref<128xf32, #tpu.memory_space<vmem>>
        %dma_start3A_3731 = arith.constant 0 : i32
        %dma_start3A_3732 = tpu.memref_slice %arg8[%add3A_3627, %dma_start3A_3731] : memref<16x128xi32, #tpu.memory_space<vmem>> -> memref<1x128xi32, #tpu.memory_space<vmem>>
        %dma_start3A_3733 = tpu.memref_squeeze %dma_start3A_3732 : memref<1x128xi32, #tpu.memory_space<vmem>> -> memref<128xi32, #tpu.memory_space<vmem>>
        %dma_start3A_3734 = arith.constant 20995200 : i32
        %dma_start3A_3735 = tpu.memref_slice %arg4[%dma_start3A_3734] : memref<46656000xf32, #tpu.memory_space<hbm>> -> memref<2332800xf32, #tpu.memory_space<hbm>>
        %dma_start3A_3736 = arith.constant 0 : i32
        %dma_start3A_3737 = tpu.memref_slice %dma_start3A_3735[%dma_start3A_3736] : memref<2332800xf32, #tpu.memory_space<hbm>> -> memref<2332800xf32, #tpu.memory_space<hbm>>
        tpu.enqueue_indirect_dma source(%dma_start3A_3737 : memref<2332800xf32, #tpu.memory_space<hbm>>) target(%dma_start3A_3730 : memref<128xf32, #tpu.memory_space<vmem>>) offsets(%dma_start3A_3733 : memref<128xi32, #tpu.memory_space<vmem>>) semaphore(%arg13 : memref<!tpu.dma_semaphore, #tpu.memory_space<semaphore_mem>>)
        %dma_start3A_3738 = arith.constant 10 : i32
        %dma_start3A_3739 = arith.constant 0 : i32
        %dma_start3A_3740 = tpu.memref_slice %arg10[%dma_start3A_3738, %dma_start3A_3739] : memref<20x128xf32, #tpu.memory_space<vmem>> -> memref<1x128xf32, #tpu.memory_space<vmem>>
        %dma_start3A_3741 = tpu.memref_squeeze %dma_start3A_3740 : memref<1x128xf32, #tpu.memory_space<vmem>> -> memref<128xf32, #tpu.memory_space<vmem>>
        %dma_start3A_3742 = arith.constant 0 : i32
        %dma_start3A_3743 = tpu.memref_slice %arg8[%add3A_3627, %dma_start3A_3742] : memref<16x128xi32, #tpu.memory_space<vmem>> -> memref<1x128xi32, #tpu.memory_space<vmem>>
        %dma_start3A_3744 = tpu.memref_squeeze %dma_start3A_3743 : memref<1x128xi32, #tpu.memory_space<vmem>> -> memref<128xi32, #tpu.memory_space<vmem>>
        %dma_start3A_3745 = arith.constant 23328000 : i32
        %dma_start3A_3746 = tpu.memref_slice %arg4[%dma_start3A_3745] : memref<46656000xf32, #tpu.memory_space<hbm>> -> memref<2332800xf32, #tpu.memory_space<hbm>>
        %dma_start3A_3747 = arith.constant 0 : i32
        %dma_start3A_3748 = tpu.memref_slice %dma_start3A_3746[%dma_start3A_3747] : memref<2332800xf32, #tpu.memory_space<hbm>> -> memref<2332800xf32, #tpu.memory_space<hbm>>
        tpu.enqueue_indirect_dma source(%dma_start3A_3748 : memref<2332800xf32, #tpu.memory_space<hbm>>) target(%dma_start3A_3741 : memref<128xf32, #tpu.memory_space<vmem>>) offsets(%dma_start3A_3744 : memref<128xi32, #tpu.memory_space<vmem>>) semaphore(%arg13 : memref<!tpu.dma_semaphore, #tpu.memory_space<semaphore_mem>>)
        %dma_start3A_3749 = arith.constant 11 : i32
        %dma_start3A_3750 = arith.constant 0 : i32
        %dma_start3A_3751 = tpu.memref_slice %arg10[%dma_start3A_3749, %dma_start3A_3750] : memref<20x128xf32, #tpu.memory_space<vmem>> -> memref<1x128xf32, #tpu.memory_space<vmem>>
        %dma_start3A_3752 = tpu.memref_squeeze %dma_start3A_3751 : memref<1x128xf32, #tpu.memory_space<vmem>> -> memref<128xf32, #tpu.memory_space<vmem>>
        %dma_start3A_3753 = arith.constant 0 : i32
        %dma_start3A_3754 = tpu.memref_slice %arg8[%add3A_3627, %dma_start3A_3753] : memref<16x128xi32, #tpu.memory_space<vmem>> -> memref<1x128xi32, #tpu.memory_space<vmem>>
        %dma_start3A_3755 = tpu.memref_squeeze %dma_start3A_3754 : memref<1x128xi32, #tpu.memory_space<vmem>> -> memref<128xi32, #tpu.memory_space<vmem>>
        %dma_start3A_3756 = arith.constant 25660800 : i32
        %dma_start3A_3757 = tpu.memref_slice %arg4[%dma_start3A_3756] : memref<46656000xf32, #tpu.memory_space<hbm>> -> memref<2332800xf32, #tpu.memory_space<hbm>>
        %dma_start3A_3758 = arith.constant 0 : i32
        %dma_start3A_3759 = tpu.memref_slice %dma_start3A_3757[%dma_start3A_3758] : memref<2332800xf32, #tpu.memory_space<hbm>> -> memref<2332800xf32, #tpu.memory_space<hbm>>
        tpu.enqueue_indirect_dma source(%dma_start3A_3759 : memref<2332800xf32, #tpu.memory_space<hbm>>) target(%dma_start3A_3752 : memref<128xf32, #tpu.memory_space<vmem>>) offsets(%dma_start3A_3755 : memref<128xi32, #tpu.memory_space<vmem>>) semaphore(%arg13 : memref<!tpu.dma_semaphore, #tpu.memory_space<semaphore_mem>>)
        %dma_start3A_3760 = arith.constant 12 : i32
        %dma_start3A_3761 = arith.constant 0 : i32
        %dma_start3A_3762 = tpu.memref_slice %arg10[%dma_start3A_3760, %dma_start3A_3761] : memref<20x128xf32, #tpu.memory_space<vmem>> -> memref<1x128xf32, #tpu.memory_space<vmem>>
        %dma_start3A_3763 = tpu.memref_squeeze %dma_start3A_3762 : memref<1x128xf32, #tpu.memory_space<vmem>> -> memref<128xf32, #tpu.memory_space<vmem>>
        %dma_start3A_3764 = arith.constant 0 : i32
        %dma_start3A_3765 = tpu.memref_slice %arg8[%add3A_3627, %dma_start3A_3764] : memref<16x128xi32, #tpu.memory_space<vmem>> -> memref<1x128xi32, #tpu.memory_space<vmem>>
        %dma_start3A_3766 = tpu.memref_squeeze %dma_start3A_3765 : memref<1x128xi32, #tpu.memory_space<vmem>> -> memref<128xi32, #tpu.memory_space<vmem>>
        %dma_start3A_3767 = arith.constant 27993600 : i32
        %dma_start3A_3768 = tpu.memref_slice %arg4[%dma_start3A_3767] : memref<46656000xf32, #tpu.memory_space<hbm>> -> memref<2332800xf32, #tpu.memory_space<hbm>>
        %dma_start3A_3769 = arith.constant 0 : i32
        %dma_start3A_3770 = tpu.memref_slice %dma_start3A_3768[%dma_start3A_3769] : memref<2332800xf32, #tpu.memory_space<hbm>> -> memref<2332800xf32, #tpu.memory_space<hbm>>
        tpu.enqueue_indirect_dma source(%dma_start3A_3770 : memref<2332800xf32, #tpu.memory_space<hbm>>) target(%dma_start3A_3763 : memref<128xf32, #tpu.memory_space<vmem>>) offsets(%dma_start3A_3766 : memref<128xi32, #tpu.memory_space<vmem>>) semaphore(%arg13 : memref<!tpu.dma_semaphore, #tpu.memory_space<semaphore_mem>>)
        %dma_start3A_3771 = arith.constant 13 : i32
        %dma_start3A_3772 = arith.constant 0 : i32
        %dma_start3A_3773 = tpu.memref_slice %arg10[%dma_start3A_3771, %dma_start3A_3772] : memref<20x128xf32, #tpu.memory_space<vmem>> -> memref<1x128xf32, #tpu.memory_space<vmem>>
        %dma_start3A_3774 = tpu.memref_squeeze %dma_start3A_3773 : memref<1x128xf32, #tpu.memory_space<vmem>> -> memref<128xf32, #tpu.memory_space<vmem>>
        %dma_start3A_3775 = arith.constant 0 : i32
        %dma_start3A_3776 = tpu.memref_slice %arg8[%add3A_3627, %dma_start3A_3775] : memref<16x128xi32, #tpu.memory_space<vmem>> -> memref<1x128xi32, #tpu.memory_space<vmem>>
        %dma_start3A_3777 = tpu.memref_squeeze %dma_start3A_3776 : memref<1x128xi32, #tpu.memory_space<vmem>> -> memref<128xi32, #tpu.memory_space<vmem>>
        %dma_start3A_3778 = arith.constant 30326400 : i32
        %dma_start3A_3779 = tpu.memref_slice %arg4[%dma_start3A_3778] : memref<46656000xf32, #tpu.memory_space<hbm>> -> memref<2332800xf32, #tpu.memory_space<hbm>>
        %dma_start3A_3780 = arith.constant 0 : i32
        %dma_start3A_3781 = tpu.memref_slice %dma_start3A_3779[%dma_start3A_3780] : memref<2332800xf32, #tpu.memory_space<hbm>> -> memref<2332800xf32, #tpu.memory_space<hbm>>
        tpu.enqueue_indirect_dma source(%dma_start3A_3781 : memref<2332800xf32, #tpu.memory_space<hbm>>) target(%dma_start3A_3774 : memref<128xf32, #tpu.memory_space<vmem>>) offsets(%dma_start3A_3777 : memref<128xi32, #tpu.memory_space<vmem>>) semaphore(%arg13 : memref<!tpu.dma_semaphore, #tpu.memory_space<semaphore_mem>>)
        %dma_start3A_3782 = arith.constant 14 : i32
        %dma_start3A_3783 = arith.constant 0 : i32
        %dma_start3A_3784 = tpu.memref_slice %arg10[%dma_start3A_3782, %dma_start3A_3783] : memref<20x128xf32, #tpu.memory_space<vmem>> -> memref<1x128xf32, #tpu.memory_space<vmem>>
        %dma_start3A_3785 = tpu.memref_squeeze %dma_start3A_3784 : memref<1x128xf32, #tpu.memory_space<vmem>> -> memref<128xf32, #tpu.memory_space<vmem>>
        %dma_start3A_3786 = arith.constant 0 : i32
        %dma_start3A_3787 = tpu.memref_slice %arg8[%add3A_3627, %dma_start3A_3786] : memref<16x128xi32, #tpu.memory_space<vmem>> -> memref<1x128xi32, #tpu.memory_space<vmem>>
        %dma_start3A_3788 = tpu.memref_squeeze %dma_start3A_3787 : memref<1x128xi32, #tpu.memory_space<vmem>> -> memref<128xi32, #tpu.memory_space<vmem>>
        %dma_start3A_3789 = arith.constant 32659200 : i32
        %dma_start3A_3790 = tpu.memref_slice %arg4[%dma_start3A_3789] : memref<46656000xf32, #tpu.memory_space<hbm>> -> memref<2332800xf32, #tpu.memory_space<hbm>>
        %dma_start3A_3791 = arith.constant 0 : i32
        %dma_start3A_3792 = tpu.memref_slice %dma_start3A_3790[%dma_start3A_3791] : memref<2332800xf32, #tpu.memory_space<hbm>> -> memref<2332800xf32, #tpu.memory_space<hbm>>
        tpu.enqueue_indirect_dma source(%dma_start3A_3792 : memref<2332800xf32, #tpu.memory_space<hbm>>) target(%dma_start3A_3785 : memref<128xf32, #tpu.memory_space<vmem>>) offsets(%dma_start3A_3788 : memref<128xi32, #tpu.memory_space<vmem>>) semaphore(%arg13 : memref<!tpu.dma_semaphore, #tpu.memory_space<semaphore_mem>>)
        %dma_start3A_3793 = arith.constant 15 : i32
        %dma_start3A_3794 = arith.constant 0 : i32
        %dma_start3A_3795 = tpu.memref_slice %arg10[%dma_start3A_3793, %dma_start3A_3794] : memref<20x128xf32, #tpu.memory_space<vmem>> -> memref<1x128xf32, #tpu.memory_space<vmem>>
        %dma_start3A_3796 = tpu.memref_squeeze %dma_start3A_3795 : memref<1x128xf32, #tpu.memory_space<vmem>> -> memref<128xf32, #tpu.memory_space<vmem>>
        %dma_start3A_3797 = arith.constant 0 : i32
        %dma_start3A_3798 = tpu.memref_slice %arg8[%add3A_3627, %dma_start3A_3797] : memref<16x128xi32, #tpu.memory_space<vmem>> -> memref<1x128xi32, #tpu.memory_space<vmem>>
        %dma_start3A_3799 = tpu.memref_squeeze %dma_start3A_3798 : memref<1x128xi32, #tpu.memory_space<vmem>> -> memref<128xi32, #tpu.memory_space<vmem>>
        %dma_start3A_3800 = arith.constant 34992000 : i32
        %dma_start3A_3801 = tpu.memref_slice %arg4[%dma_start3A_3800] : memref<46656000xf32, #tpu.memory_space<hbm>> -> memref<2332800xf32, #tpu.memory_space<hbm>>
        %dma_start3A_3802 = arith.constant 0 : i32
        %dma_start3A_3803 = tpu.memref_slice %dma_start3A_3801[%dma_start3A_3802] : memref<2332800xf32, #tpu.memory_space<hbm>> -> memref<2332800xf32, #tpu.memory_space<hbm>>
        tpu.enqueue_indirect_dma source(%dma_start3A_3803 : memref<2332800xf32, #tpu.memory_space<hbm>>) target(%dma_start3A_3796 : memref<128xf32, #tpu.memory_space<vmem>>) offsets(%dma_start3A_3799 : memref<128xi32, #tpu.memory_space<vmem>>) semaphore(%arg13 : memref<!tpu.dma_semaphore, #tpu.memory_space<semaphore_mem>>)
        %dma_start3A_3804 = arith.constant 16 : i32
        %dma_start3A_3805 = arith.constant 0 : i32
        %dma_start3A_3806 = tpu.memref_slice %arg10[%dma_start3A_3804, %dma_start3A_3805] : memref<20x128xf32, #tpu.memory_space<vmem>> -> memref<1x128xf32, #tpu.memory_space<vmem>>
        %dma_start3A_3807 = tpu.memref_squeeze %dma_start3A_3806 : memref<1x128xf32, #tpu.memory_space<vmem>> -> memref<128xf32, #tpu.memory_space<vmem>>
        %dma_start3A_3808 = arith.constant 0 : i32
        %dma_start3A_3809 = tpu.memref_slice %arg8[%add3A_3627, %dma_start3A_3808] : memref<16x128xi32, #tpu.memory_space<vmem>> -> memref<1x128xi32, #tpu.memory_space<vmem>>
        %dma_start3A_3810 = tpu.memref_squeeze %dma_start3A_3809 : memref<1x128xi32, #tpu.memory_space<vmem>> -> memref<128xi32, #tpu.memory_space<vmem>>
        %dma_start3A_3811 = arith.constant 37324800 : i32
        %dma_start3A_3812 = tpu.memref_slice %arg4[%dma_start3A_3811] : memref<46656000xf32, #tpu.memory_space<hbm>> -> memref<2332800xf32, #tpu.memory_space<hbm>>
        %dma_start3A_3813 = arith.constant 0 : i32
        %dma_start3A_3814 = tpu.memref_slice %dma_start3A_3812[%dma_start3A_3813] : memref<2332800xf32, #tpu.memory_space<hbm>> -> memref<2332800xf32, #tpu.memory_space<hbm>>
        tpu.enqueue_indirect_dma source(%dma_start3A_3814 : memref<2332800xf32, #tpu.memory_space<hbm>>) target(%dma_start3A_3807 : memref<128xf32, #tpu.memory_space<vmem>>) offsets(%dma_start3A_3810 : memref<128xi32, #tpu.memory_space<vmem>>) semaphore(%arg13 : memref<!tpu.dma_semaphore, #tpu.memory_space<semaphore_mem>>)
        %dma_start3A_3815 = arith.constant 17 : i32
        %dma_start3A_3816 = arith.constant 0 : i32
        %dma_start3A_3817 = tpu.memref_slice %arg10[%dma_start3A_3815, %dma_start3A_3816] : memref<20x128xf32, #tpu.memory_space<vmem>> -> memref<1x128xf32, #tpu.memory_space<vmem>>
        %dma_start3A_3818 = tpu.memref_squeeze %dma_start3A_3817 : memref<1x128xf32, #tpu.memory_space<vmem>> -> memref<128xf32, #tpu.memory_space<vmem>>
        %dma_start3A_3819 = arith.constant 0 : i32
        %dma_start3A_3820 = tpu.memref_slice %arg8[%add3A_3627, %dma_start3A_3819] : memref<16x128xi32, #tpu.memory_space<vmem>> -> memref<1x128xi32, #tpu.memory_space<vmem>>
        %dma_start3A_3821 = tpu.memref_squeeze %dma_start3A_3820 : memref<1x128xi32, #tpu.memory_space<vmem>> -> memref<128xi32, #tpu.memory_space<vmem>>
        %dma_start3A_3822 = arith.constant 39657600 : i32
        %dma_start3A_3823 = tpu.memref_slice %arg4[%dma_start3A_3822] : memref<46656000xf32, #tpu.memory_space<hbm>> -> memref<2332800xf32, #tpu.memory_space<hbm>>
        %dma_start3A_3824 = arith.constant 0 : i32
        %dma_start3A_3825 = tpu.memref_slice %dma_start3A_3823[%dma_start3A_3824] : memref<2332800xf32, #tpu.memory_space<hbm>> -> memref<2332800xf32, #tpu.memory_space<hbm>>
        tpu.enqueue_indirect_dma source(%dma_start3A_3825 : memref<2332800xf32, #tpu.memory_space<hbm>>) target(%dma_start3A_3818 : memref<128xf32, #tpu.memory_space<vmem>>) offsets(%dma_start3A_3821 : memref<128xi32, #tpu.memory_space<vmem>>) semaphore(%arg13 : memref<!tpu.dma_semaphore, #tpu.memory_space<semaphore_mem>>)
        %dma_start3A_3826 = arith.constant 18 : i32
        %dma_start3A_3827 = arith.constant 0 : i32
        %dma_start3A_3828 = tpu.memref_slice %arg10[%dma_start3A_3826, %dma_start3A_3827] : memref<20x128xf32, #tpu.memory_space<vmem>> -> memref<1x128xf32, #tpu.memory_space<vmem>>
        %dma_start3A_3829 = tpu.memref_squeeze %dma_start3A_3828 : memref<1x128xf32, #tpu.memory_space<vmem>> -> memref<128xf32, #tpu.memory_space<vmem>>
        %dma_start3A_3830 = arith.constant 0 : i32
        %dma_start3A_3831 = tpu.memref_slice %arg8[%add3A_3627, %dma_start3A_3830] : memref<16x128xi32, #tpu.memory_space<vmem>> -> memref<1x128xi32, #tpu.memory_space<vmem>>
        %dma_start3A_3832 = tpu.memref_squeeze %dma_start3A_3831 : memref<1x128xi32, #tpu.memory_space<vmem>> -> memref<128xi32, #tpu.memory_space<vmem>>
        %dma_start3A_3833 = arith.constant 41990400 : i32
        %dma_start3A_3834 = tpu.memref_slice %arg4[%dma_start3A_3833] : memref<46656000xf32, #tpu.memory_space<hbm>> -> memref<2332800xf32, #tpu.memory_space<hbm>>
        %dma_start3A_3835 = arith.constant 0 : i32
        %dma_start3A_3836 = tpu.memref_slice %dma_start3A_3834[%dma_start3A_3835] : memref<2332800xf32, #tpu.memory_space<hbm>> -> memref<2332800xf32, #tpu.memory_space<hbm>>
        tpu.enqueue_indirect_dma source(%dma_start3A_3836 : memref<2332800xf32, #tpu.memory_space<hbm>>) target(%dma_start3A_3829 : memref<128xf32, #tpu.memory_space<vmem>>) offsets(%dma_start3A_3832 : memref<128xi32, #tpu.memory_space<vmem>>) semaphore(%arg13 : memref<!tpu.dma_semaphore, #tpu.memory_space<semaphore_mem>>)
        %dma_start3A_3837 = arith.constant 19 : i32
        %dma_start3A_3838 = arith.constant 0 : i32
        %dma_start3A_3839 = tpu.memref_slice %arg10[%dma_start3A_3837, %dma_start3A_3838] : memref<20x128xf32, #tpu.memory_space<vmem>> -> memref<1x128xf32, #tpu.memory_space<vmem>>
        %dma_start3A_3840 = tpu.memref_squeeze %dma_start3A_3839 : memref<1x128xf32, #tpu.memory_space<vmem>> -> memref<128xf32, #tpu.memory_space<vmem>>
        %dma_start3A_3841 = arith.constant 0 : i32
        %dma_start3A_3842 = tpu.memref_slice %arg8[%add3A_3627, %dma_start3A_3841] : memref<16x128xi32, #tpu.memory_space<vmem>> -> memref<1x128xi32, #tpu.memory_space<vmem>>
        %dma_start3A_3843 = tpu.memref_squeeze %dma_start3A_3842 : memref<1x128xi32, #tpu.memory_space<vmem>> -> memref<128xi32, #tpu.memory_space<vmem>>
        %dma_start3A_3844 = arith.constant 44323200 : i32
        %dma_start3A_3845 = tpu.memref_slice %arg4[%dma_start3A_3844] : memref<46656000xf32, #tpu.memory_space<hbm>> -> memref<2332800xf32, #tpu.memory_space<hbm>>
        %dma_start3A_3846 = arith.constant 0 : i32
        %dma_start3A_3847 = tpu.memref_slice %dma_start3A_3845[%dma_start3A_3846] : memref<2332800xf32, #tpu.memory_space<hbm>> -> memref<2332800xf32, #tpu.memory_space<hbm>>
        tpu.enqueue_indirect_dma source(%dma_start3A_3847 : memref<2332800xf32, #tpu.memory_space<hbm>>) target(%dma_start3A_3840 : memref<128xf32, #tpu.memory_space<vmem>>) offsets(%dma_start3A_3843 : memref<128xi32, #tpu.memory_space<vmem>>) semaphore(%arg13 : memref<!tpu.dma_semaphore, #tpu.memory_space<semaphore_mem>>)
      } else {
      }
      %mul3A_2057 = arith.constant 2 : i32
      %mul3A_2058 = arith.muli %mul3A_2057, %scan3A_493 : i32
      %add3A_2059 = arith.constant 1 : i32
      %add3A_2060 = arith.addi %mul3A_2058, %add3A_2059 : i32
      %dma_wait3A_2061 = arith.constant 0 : i32
      %dma_wait3A_2062 = arith.constant 0 : i32
      %dma_wait3A_2063 = tpu.memref_slice %arg5[%dma_wait3A_2061, %dma_wait3A_2062] : memref<20x16384xf32, #tpu.memory_space<hbm>> -> memref<20x128xf32, #tpu.memory_space<hbm>>
      %dma_wait3A_2064 = arith.constant 0 : i32
      %dma_wait3A_2065 = arith.constant 0 : i32
      %dma_wait3A_2066 = tpu.memref_slice %arg5[%dma_wait3A_2064, %dma_wait3A_2065] : memref<20x16384xf32, #tpu.memory_space<hbm>> -> memref<20x128xf32, #tpu.memory_space<hbm>>
      tpu.wait_dma2 semaphore(%arg14 : memref<!tpu.dma_semaphore, #tpu.memory_space<semaphore_mem>>) src(%dma_wait3A_2066 : memref<20x128xf32, #tpu.memory_space<hbm>>) dst(%arg11 : memref<20x128xf32, #tpu.memory_space<vmem>>)
      %mul3A_2067 = arith.constant 128 : i32
      %mul3A_2068 = arith.muli %add3A_2060, %mul3A_2067 : i32
      %add3A_2069 = arith.constant 0 : i32
      %add3A_2070 = arith.addi %mul3A_2068, %add3A_2069 : i32
      %add3A_2071 = arith.constant 0 : i32
      %add3A_2072 = arith.addi %add3A_2070, %add3A_2071 : i32
      %get3A_2073 = arith.index_cast %add3A_2072 : i32 to index
      %get3A_2074 = tpu.vector_load %arg9[%get3A_2073] {strides = array<i32>} : memref<2048xf32, #tpu.memory_space<vmem>>, vector<16xf32>,
      %get3A_2075 = vector.shape_cast %get3A_2074 : vector<16xf32> to vector<16xf32>
      %mul3A_2076 = arith.constant 128 : i32
      %mul3A_2077 = arith.muli %add3A_2060, %mul3A_2076 : i32
      %add3A_2078 = arith.constant 0 : i32
      %add3A_2079 = arith.addi %mul3A_2077, %add3A_2078 : i32
      %add3A_2080 = arith.constant 16 : i32
      %add3A_2081 = arith.addi %add3A_2079, %add3A_2080 : i32
      %get3A_2082 = arith.index_cast %add3A_2081 : i32 to index
      %get3A_2083 = tpu.vector_load %arg9[%get3A_2082] {strides = array<i32>} : memref<2048xf32, #tpu.memory_space<vmem>>, vector<16xf32>,
      %get3A_2084 = vector.shape_cast %get3A_2083 : vector<16xf32> to vector<16xf32>
      %mul3A_2085 = arith.constant 128 : i32
      %mul3A_2086 = arith.muli %add3A_2060, %mul3A_2085 : i32
      %add3A_2087 = arith.constant 32 : i32
      %add3A_2088 = arith.addi %mul3A_2086, %add3A_2087 : i32
      %add3A_2089 = arith.constant 0 : i32
      %add3A_2090 = arith.addi %add3A_2088, %add3A_2089 : i32
      %get3A_2091 = arith.index_cast %add3A_2090 : i32 to index
      %get3A_2092 = tpu.vector_load %arg9[%get3A_2091] {strides = array<i32>} : memref<2048xf32, #tpu.memory_space<vmem>>, vector<16xf32>,
      %get3A_2093 = vector.shape_cast %get3A_2092 : vector<16xf32> to vector<16xf32>
      %mul3A_2094 = arith.constant 128 : i32
      %mul3A_2095 = arith.muli %add3A_2060, %mul3A_2094 : i32
      %add3A_2096 = arith.constant 32 : i32
      %add3A_2097 = arith.addi %mul3A_2095, %add3A_2096 : i32
      %add3A_2098 = arith.constant 16 : i32
      %add3A_2099 = arith.addi %add3A_2097, %add3A_2098 : i32
      %get3A_2100 = arith.index_cast %add3A_2099 : i32 to index
      %get3A_2101 = tpu.vector_load %arg9[%get3A_2100] {strides = array<i32>} : memref<2048xf32, #tpu.memory_space<vmem>>, vector<16xf32>,
      %get3A_2102 = vector.shape_cast %get3A_2101 : vector<16xf32> to vector<16xf32>
      %mul3A_2103 = arith.constant 128 : i32
      %mul3A_2104 = arith.muli %add3A_2060, %mul3A_2103 : i32
      %add3A_2105 = arith.constant 64 : i32
      %add3A_2106 = arith.addi %mul3A_2104, %add3A_2105 : i32
      %add3A_2107 = arith.constant 0 : i32
      %add3A_2108 = arith.addi %add3A_2106, %add3A_2107 : i32
      %get3A_2109 = arith.index_cast %add3A_2108 : i32 to index
      %get3A_2110 = tpu.vector_load %arg9[%get3A_2109] {strides = array<i32>} : memref<2048xf32, #tpu.memory_space<vmem>>, vector<16xf32>,
      %get3A_2111 = vector.shape_cast %get3A_2110 : vector<16xf32> to vector<16xf32>
      %mul3A_2112 = arith.constant 128 : i32
      %mul3A_2113 = arith.muli %add3A_2060, %mul3A_2112 : i32
      %add3A_2114 = arith.constant 64 : i32
      %add3A_2115 = arith.addi %mul3A_2113, %add3A_2114 : i32
      %add3A_2116 = arith.constant 16 : i32
      %add3A_2117 = arith.addi %add3A_2115, %add3A_2116 : i32
      %get3A_2118 = arith.index_cast %add3A_2117 : i32 to index
      %get3A_2119 = tpu.vector_load %arg9[%get3A_2118] {strides = array<i32>} : memref<2048xf32, #tpu.memory_space<vmem>>, vector<16xf32>,
      %get3A_2120 = vector.shape_cast %get3A_2119 : vector<16xf32> to vector<16xf32>
      %mul3A_2121 = arith.constant 128 : i32
      %mul3A_2122 = arith.muli %add3A_2060, %mul3A_2121 : i32
      %add3A_2123 = arith.constant 96 : i32
      %add3A_2124 = arith.addi %mul3A_2122, %add3A_2123 : i32
      %add3A_2125 = arith.constant 0 : i32
      %add3A_2126 = arith.addi %add3A_2124, %add3A_2125 : i32
      %get3A_2127 = arith.index_cast %add3A_2126 : i32 to index
      %get3A_2128 = tpu.vector_load %arg9[%get3A_2127] {strides = array<i32>} : memref<2048xf32, #tpu.memory_space<vmem>>, vector<16xf32>,
      %get3A_2129 = vector.shape_cast %get3A_2128 : vector<16xf32> to vector<16xf32>
      %mul3A_2130 = arith.constant 128 : i32
      %mul3A_2131 = arith.muli %add3A_2060, %mul3A_2130 : i32
      %add3A_2132 = arith.constant 96 : i32
      %add3A_2133 = arith.addi %mul3A_2131, %add3A_2132 : i32
      %add3A_2134 = arith.constant 16 : i32
      %add3A_2135 = arith.addi %add3A_2133, %add3A_2134 : i32
      %get3A_2136 = arith.index_cast %add3A_2135 : i32 to index
      %get3A_2137 = tpu.vector_load %arg9[%get3A_2136] {strides = array<i32>} : memref<2048xf32, #tpu.memory_space<vmem>>, vector<16xf32>,
      %get3A_2138 = vector.shape_cast %get3A_2137 : vector<16xf32> to vector<16xf32>
      %get3A_2139 = arith.constant 0 : i32
      %get3A_2140 = arith.index_cast %get3A_2139 : i32 to index
      %get3A_2141 = arith.constant 0 : index
      %get3A_2142 = tpu.vector_load %arg11[%get3A_2140, %get3A_2141] {strides = array<i32>} : memref<20x128xf32, #tpu.memory_space<vmem>>, vector<1x16xf32>,
      %get3A_2143 = vector.shape_cast %get3A_2142 : vector<1x16xf32> to vector<16xf32>
      %mul3A_2144 = arith.mulf %get3A_2075, %get3A_2143 : vector<16xf32>
      %get3A_2145 = arith.constant 0 : i32
      %get3A_2146 = arith.index_cast %get3A_2145 : i32 to index
      %get3A_2147 = arith.constant 32 : index
      %get3A_2148 = tpu.vector_load %arg11[%get3A_2146, %get3A_2147] {strides = array<i32>} : memref<20x128xf32, #tpu.memory_space<vmem>>, vector<1x16xf32>,
      %get3A_2149 = vector.shape_cast %get3A_2148 : vector<1x16xf32> to vector<16xf32>
      %mul3A_2150 = arith.mulf %get3A_2093, %get3A_2149 : vector<16xf32>
      %add3A_2151 = arith.addf %mul3A_2144, %mul3A_2150 : vector<16xf32>
      %get3A_2152 = arith.constant 0 : i32
      %get3A_2153 = arith.index_cast %get3A_2152 : i32 to index
      %get3A_2154 = arith.constant 64 : index
      %get3A_2155 = tpu.vector_load %arg11[%get3A_2153, %get3A_2154] {strides = array<i32>} : memref<20x128xf32, #tpu.memory_space<vmem>>, vector<1x16xf32>,
      %get3A_2156 = vector.shape_cast %get3A_2155 : vector<1x16xf32> to vector<16xf32>
      %mul3A_2157 = arith.mulf %get3A_2111, %get3A_2156 : vector<16xf32>
      %add3A_2158 = arith.addf %add3A_2151, %mul3A_2157 : vector<16xf32>
      %get3A_2159 = arith.constant 0 : i32
      %get3A_2160 = arith.index_cast %get3A_2159 : i32 to index
      %get3A_2161 = arith.constant 96 : index
      %get3A_2162 = tpu.vector_load %arg11[%get3A_2160, %get3A_2161] {strides = array<i32>} : memref<20x128xf32, #tpu.memory_space<vmem>>, vector<1x16xf32>,
      %get3A_2163 = vector.shape_cast %get3A_2162 : vector<1x16xf32> to vector<16xf32>
      %mul3A_2164 = arith.mulf %get3A_2129, %get3A_2163 : vector<16xf32>
      %add3A_2165 = arith.addf %add3A_2158, %mul3A_2164 : vector<16xf32>
      %mul3A_2166 = arith.constant 32 : i32
      %mul3A_2167 = arith.muli %add3A_2060, %mul3A_2166 : i32
      %add3A_2168 = arith.constant 0 : i32
      %add3A_2169 = arith.addi %mul3A_2167, %add3A_2168 : i32
      %swap3A_2170 = arith.constant 0 : i32
      %swap3A_2171 = arith.index_cast %swap3A_2170 : i32 to index
      %swap3A_2172 = arith.index_cast %add3A_2169 : i32 to index
      %swap3A_2173 = tpu.vector_load %arg12[%swap3A_2171, %swap3A_2172] {strides = array<i32>} : memref<20x512xf32, #tpu.memory_space<vmem>>, vector<1x16xf32>,
      %swap3A_2174 = vector.shape_cast %swap3A_2173 : vector<1x16xf32> to vector<16xf32>
      %swap3A_2175 = vector.shape_cast %add3A_2165 : vector<16xf32> to vector<1x16xf32>
      tpu.vector_store %arg12[%swap3A_2171, %swap3A_2172], %swap3A_2175 {strides = array<i32>} : memref<20x512xf32, #tpu.memory_space<vmem>>, vector<1x16xf32>,
      %get3A_2176 = arith.constant 0 : i32
      %get3A_2177 = arith.index_cast %get3A_2176 : i32 to index
      %get3A_2178 = arith.constant 16 : index
      %get3A_2179 = tpu.vector_load %arg11[%get3A_2177, %get3A_2178] {strides = array<i32>} : memref<20x128xf32, #tpu.memory_space<vmem>>, vector<1x16xf32>,
      %get3A_2180 = vector.shape_cast %get3A_2179 : vector<1x16xf32> to vector<16xf32>
      %mul3A_2181 = arith.mulf %get3A_2084, %get3A_2180 : vector<16xf32>
      %get3A_2182 = arith.constant 0 : i32
      %get3A_2183 = arith.index_cast %get3A_2182 : i32 to index
      %get3A_2184 = arith.constant 48 : index
      %get3A_2185 = tpu.vector_load %arg11[%get3A_2183, %get3A_2184] {strides = array<i32>} : memref<20x128xf32, #tpu.memory_space<vmem>>, vector<1x16xf32>,
      %get3A_2186 = vector.shape_cast %get3A_2185 : vector<1x16xf32> to vector<16xf32>
      %mul3A_2187 = arith.mulf %get3A_2102, %get3A_2186 : vector<16xf32>
      %add3A_2188 = arith.addf %mul3A_2181, %mul3A_2187 : vector<16xf32>
      %get3A_2189 = arith.constant 0 : i32
      %get3A_2190 = arith.index_cast %get3A_2189 : i32 to index
      %get3A_2191 = arith.constant 80 : index
      %get3A_2192 = tpu.vector_load %arg11[%get3A_2190, %get3A_2191] {strides = array<i32>} : memref<20x128xf32, #tpu.memory_space<vmem>>, vector<1x16xf32>,
      %get3A_2193 = vector.shape_cast %get3A_2192 : vector<1x16xf32> to vector<16xf32>
      %mul3A_2194 = arith.mulf %get3A_2120, %get3A_2193 : vector<16xf32>
      %add3A_2195 = arith.addf %add3A_2188, %mul3A_2194 : vector<16xf32>
      %get3A_2196 = arith.constant 0 : i32
      %get3A_2197 = arith.index_cast %get3A_2196 : i32 to index
      %get3A_2198 = arith.constant 112 : index
      %get3A_2199 = tpu.vector_load %arg11[%get3A_2197, %get3A_2198] {strides = array<i32>} : memref<20x128xf32, #tpu.memory_space<vmem>>, vector<1x16xf32>,
      %get3A_2200 = vector.shape_cast %get3A_2199 : vector<1x16xf32> to vector<16xf32>
      %mul3A_2201 = arith.mulf %get3A_2138, %get3A_2200 : vector<16xf32>
      %add3A_2202 = arith.addf %add3A_2195, %mul3A_2201 : vector<16xf32>
      %mul3A_2203 = arith.constant 32 : i32
      %mul3A_2204 = arith.muli %add3A_2060, %mul3A_2203 : i32
      %add3A_2205 = arith.constant 16 : i32
      %add3A_2206 = arith.addi %mul3A_2204, %add3A_2205 : i32
      %swap3A_2207 = arith.constant 0 : i32
      %swap3A_2208 = arith.index_cast %swap3A_2207 : i32 to index
      %swap3A_2209 = arith.index_cast %add3A_2206 : i32 to index
      %swap3A_2210 = tpu.vector_load %arg12[%swap3A_2208, %swap3A_2209] {strides = array<i32>} : memref<20x512xf32, #tpu.memory_space<vmem>>, vector<1x16xf32>,
      %swap3A_2211 = vector.shape_cast %swap3A_2210 : vector<1x16xf32> to vector<16xf32>
      %swap3A_2212 = vector.shape_cast %add3A_2202 : vector<16xf32> to vector<1x16xf32>
      tpu.vector_store %arg12[%swap3A_2208, %swap3A_2209], %swap3A_2212 {strides = array<i32>} : memref<20x512xf32, #tpu.memory_space<vmem>>, vector<1x16xf32>,
      %get3A_2213 = arith.constant 1 : i32
      %get3A_2214 = arith.index_cast %get3A_2213 : i32 to index
      %get3A_2215 = arith.constant 0 : index
      %get3A_2216 = tpu.vector_load %arg11[%get3A_2214, %get3A_2215] {strides = array<i32>} : memref<20x128xf32, #tpu.memory_space<vmem>>, vector<1x16xf32>,
      %get3A_2217 = vector.shape_cast %get3A_2216 : vector<1x16xf32> to vector<16xf32>
      %mul3A_2218 = arith.mulf %get3A_2075, %get3A_2217 : vector<16xf32>
      %get3A_2219 = arith.constant 1 : i32
      %get3A_2220 = arith.index_cast %get3A_2219 : i32 to index
      %get3A_2221 = arith.constant 32 : index
      %get3A_2222 = tpu.vector_load %arg11[%get3A_2220, %get3A_2221] {strides = array<i32>} : memref<20x128xf32, #tpu.memory_space<vmem>>, vector<1x16xf32>,
      %get3A_2223 = vector.shape_cast %get3A_2222 : vector<1x16xf32> to vector<16xf32>
      %mul3A_2224 = arith.mulf %get3A_2093, %get3A_2223 : vector<16xf32>
      %add3A_2225 = arith.addf %mul3A_2218, %mul3A_2224 : vector<16xf32>
      %get3A_2226 = arith.constant 1 : i32
      %get3A_2227 = arith.index_cast %get3A_2226 : i32 to index
      %get3A_2228 = arith.constant 64 : index
      %get3A_2229 = tpu.vector_load %arg11[%get3A_2227, %get3A_2228] {strides = array<i32>} : memref<20x128xf32, #tpu.memory_space<vmem>>, vector<1x16xf32>,
      %get3A_2230 = vector.shape_cast %get3A_2229 : vector<1x16xf32> to vector<16xf32>
      %mul3A_2231 = arith.mulf %get3A_2111, %get3A_2230 : vector<16xf32>
      %add3A_2232 = arith.addf %add3A_2225, %mul3A_2231 : vector<16xf32>
      %get3A_2233 = arith.constant 1 : i32
      %get3A_2234 = arith.index_cast %get3A_2233 : i32 to index
      %get3A_2235 = arith.constant 96 : index
      %get3A_2236 = tpu.vector_load %arg11[%get3A_2234, %get3A_2235] {strides = array<i32>} : memref<20x128xf32, #tpu.memory_space<vmem>>, vector<1x16xf32>,
      %get3A_2237 = vector.shape_cast %get3A_2236 : vector<1x16xf32> to vector<16xf32>
      %mul3A_2238 = arith.mulf %get3A_2129, %get3A_2237 : vector<16xf32>
      %add3A_2239 = arith.addf %add3A_2232, %mul3A_2238 : vector<16xf32>
      %mul3A_2240 = arith.constant 32 : i32
      %mul3A_2241 = arith.muli %add3A_2060, %mul3A_2240 : i32
      %add3A_2242 = arith.constant 0 : i32
      %add3A_2243 = arith.addi %mul3A_2241, %add3A_2242 : i32
      %swap3A_2244 = arith.constant 1 : i32
      %swap3A_2245 = arith.index_cast %swap3A_2244 : i32 to index
      %swap3A_2246 = arith.index_cast %add3A_2243 : i32 to index
      %swap3A_2247 = tpu.vector_load %arg12[%swap3A_2245, %swap3A_2246] {strides = array<i32>} : memref<20x512xf32, #tpu.memory_space<vmem>>, vector<1x16xf32>,
      %swap3A_2248 = vector.shape_cast %swap3A_2247 : vector<1x16xf32> to vector<16xf32>
      %swap3A_2249 = vector.shape_cast %add3A_2239 : vector<16xf32> to vector<1x16xf32>
      tpu.vector_store %arg12[%swap3A_2245, %swap3A_2246], %swap3A_2249 {strides = array<i32>} : memref<20x512xf32, #tpu.memory_space<vmem>>, vector<1x16xf32>,
      %get3A_2250 = arith.constant 1 : i32
      %get3A_2251 = arith.index_cast %get3A_2250 : i32 to index
      %get3A_2252 = arith.constant 16 : index
      %get3A_2253 = tpu.vector_load %arg11[%get3A_2251, %get3A_2252] {strides = array<i32>} : memref<20x128xf32, #tpu.memory_space<vmem>>, vector<1x16xf32>,
      %get3A_2254 = vector.shape_cast %get3A_2253 : vector<1x16xf32> to vector<16xf32>
      %mul3A_2255 = arith.mulf %get3A_2084, %get3A_2254 : vector<16xf32>
      %get3A_2256 = arith.constant 1 : i32
      %get3A_2257 = arith.index_cast %get3A_2256 : i32 to index
      %get3A_2258 = arith.constant 48 : index
      %get3A_2259 = tpu.vector_load %arg11[%get3A_2257, %get3A_2258] {strides = array<i32>} : memref<20x128xf32, #tpu.memory_space<vmem>>, vector<1x16xf32>,
      %get3A_2260 = vector.shape_cast %get3A_2259 : vector<1x16xf32> to vector<16xf32>
      %mul3A_2261 = arith.mulf %get3A_2102, %get3A_2260 : vector<16xf32>
      %add3A_2262 = arith.addf %mul3A_2255, %mul3A_2261 : vector<16xf32>
      %get3A_2263 = arith.constant 1 : i32
      %get3A_2264 = arith.index_cast %get3A_2263 : i32 to index
      %get3A_2265 = arith.constant 80 : index
      %get3A_2266 = tpu.vector_load %arg11[%get3A_2264, %get3A_2265] {strides = array<i32>} : memref<20x128xf32, #tpu.memory_space<vmem>>, vector<1x16xf32>,
      %get3A_2267 = vector.shape_cast %get3A_2266 : vector<1x16xf32> to vector<16xf32>
      %mul3A_2268 = arith.mulf %get3A_2120, %get3A_2267 : vector<16xf32>
      %add3A_2269 = arith.addf %add3A_2262, %mul3A_2268 : vector<16xf32>
      %get3A_2270 = arith.constant 1 : i32
      %get3A_2271 = arith.index_cast %get3A_2270 : i32 to index
      %get3A_2272 = arith.constant 112 : index
      %get3A_2273 = tpu.vector_load %arg11[%get3A_2271, %get3A_2272] {strides = array<i32>} : memref<20x128xf32, #tpu.memory_space<vmem>>, vector<1x16xf32>,
      %get3A_2274 = vector.shape_cast %get3A_2273 : vector<1x16xf32> to vector<16xf32>
      %mul3A_2275 = arith.mulf %get3A_2138, %get3A_2274 : vector<16xf32>
      %add3A_2276 = arith.addf %add3A_2269, %mul3A_2275 : vector<16xf32>
      %mul3A_2277 = arith.constant 32 : i32
      %mul3A_2278 = arith.muli %add3A_2060, %mul3A_2277 : i32
      %add3A_2279 = arith.constant 16 : i32
      %add3A_2280 = arith.addi %mul3A_2278, %add3A_2279 : i32
      %swap3A_2281 = arith.constant 1 : i32
      %swap3A_2282 = arith.index_cast %swap3A_2281 : i32 to index
      %swap3A_2283 = arith.index_cast %add3A_2280 : i32 to index
      %swap3A_2284 = tpu.vector_load %arg12[%swap3A_2282, %swap3A_2283] {strides = array<i32>} : memref<20x512xf32, #tpu.memory_space<vmem>>, vector<1x16xf32>,
      %swap3A_2285 = vector.shape_cast %swap3A_2284 : vector<1x16xf32> to vector<16xf32>
      %swap3A_2286 = vector.shape_cast %add3A_2276 : vector<16xf32> to vector<1x16xf32>
      tpu.vector_store %arg12[%swap3A_2282, %swap3A_2283], %swap3A_2286 {strides = array<i32>} : memref<20x512xf32, #tpu.memory_space<vmem>>, vector<1x16xf32>,
      %get3A_2287 = arith.constant 2 : i32
      %get3A_2288 = arith.index_cast %get3A_2287 : i32 to index
      %get3A_2289 = arith.constant 0 : index
      %get3A_2290 = tpu.vector_load %arg11[%get3A_2288, %get3A_2289] {strides = array<i32>} : memref<20x128xf32, #tpu.memory_space<vmem>>, vector<1x16xf32>,
      %get3A_2291 = vector.shape_cast %get3A_2290 : vector<1x16xf32> to vector<16xf32>
      %mul3A_2292 = arith.mulf %get3A_2075, %get3A_2291 : vector<16xf32>
      %get3A_2293 = arith.constant 2 : i32
      %get3A_2294 = arith.index_cast %get3A_2293 : i32 to index
      %get3A_2295 = arith.constant 32 : index
      %get3A_2296 = tpu.vector_load %arg11[%get3A_2294, %get3A_2295] {strides = array<i32>} : memref<20x128xf32, #tpu.memory_space<vmem>>, vector<1x16xf32>,
      %get3A_2297 = vector.shape_cast %get3A_2296 : vector<1x16xf32> to vector<16xf32>
      %mul3A_2298 = arith.mulf %get3A_2093, %get3A_2297 : vector<16xf32>
      %add3A_2299 = arith.addf %mul3A_2292, %mul3A_2298 : vector<16xf32>
      %get3A_2300 = arith.constant 2 : i32
      %get3A_2301 = arith.index_cast %get3A_2300 : i32 to index
      %get3A_2302 = arith.constant 64 : index
      %get3A_2303 = tpu.vector_load %arg11[%get3A_2301, %get3A_2302] {strides = array<i32>} : memref<20x128xf32, #tpu.memory_space<vmem>>, vector<1x16xf32>,
      %get3A_2304 = vector.shape_cast %get3A_2303 : vector<1x16xf32> to vector<16xf32>
      %mul3A_2305 = arith.mulf %get3A_2111, %get3A_2304 : vector<16xf32>
      %add3A_2306 = arith.addf %add3A_2299, %mul3A_2305 : vector<16xf32>
      %get3A_2307 = arith.constant 2 : i32
      %get3A_2308 = arith.index_cast %get3A_2307 : i32 to index
      %get3A_2309 = arith.constant 96 : index
      %get3A_2310 = tpu.vector_load %arg11[%get3A_2308, %get3A_2309] {strides = array<i32>} : memref<20x128xf32, #tpu.memory_space<vmem>>, vector<1x16xf32>,
      %get3A_2311 = vector.shape_cast %get3A_2310 : vector<1x16xf32> to vector<16xf32>
      %mul3A_2312 = arith.mulf %get3A_2129, %get3A_2311 : vector<16xf32>
      %add3A_2313 = arith.addf %add3A_2306, %mul3A_2312 : vector<16xf32>
      %mul3A_2314 = arith.constant 32 : i32
      %mul3A_2315 = arith.muli %add3A_2060, %mul3A_2314 : i32
      %add3A_2316 = arith.constant 0 : i32
      %add3A_2317 = arith.addi %mul3A_2315, %add3A_2316 : i32
      %swap3A_2318 = arith.constant 2 : i32
      %swap3A_2319 = arith.index_cast %swap3A_2318 : i32 to index
      %swap3A_2320 = arith.index_cast %add3A_2317 : i32 to index
      %swap3A_2321 = tpu.vector_load %arg12[%swap3A_2319, %swap3A_2320] {strides = array<i32>} : memref<20x512xf32, #tpu.memory_space<vmem>>, vector<1x16xf32>,
      %swap3A_2322 = vector.shape_cast %swap3A_2321 : vector<1x16xf32> to vector<16xf32>
      %swap3A_2323 = vector.shape_cast %add3A_2313 : vector<16xf32> to vector<1x16xf32>
      tpu.vector_store %arg12[%swap3A_2319, %swap3A_2320], %swap3A_2323 {strides = array<i32>} : memref<20x512xf32, #tpu.memory_space<vmem>>, vector<1x16xf32>,
      %get3A_2324 = arith.constant 2 : i32
      %get3A_2325 = arith.index_cast %get3A_2324 : i32 to index
      %get3A_2326 = arith.constant 16 : index
      %get3A_2327 = tpu.vector_load %arg11[%get3A_2325, %get3A_2326] {strides = array<i32>} : memref<20x128xf32, #tpu.memory_space<vmem>>, vector<1x16xf32>,
      %get3A_2328 = vector.shape_cast %get3A_2327 : vector<1x16xf32> to vector<16xf32>
      %mul3A_2329 = arith.mulf %get3A_2084, %get3A_2328 : vector<16xf32>
      %get3A_2330 = arith.constant 2 : i32
      %get3A_2331 = arith.index_cast %get3A_2330 : i32 to index
      %get3A_2332 = arith.constant 48 : index
      %get3A_2333 = tpu.vector_load %arg11[%get3A_2331, %get3A_2332] {strides = array<i32>} : memref<20x128xf32, #tpu.memory_space<vmem>>, vector<1x16xf32>,
      %get3A_2334 = vector.shape_cast %get3A_2333 : vector<1x16xf32> to vector<16xf32>
      %mul3A_2335 = arith.mulf %get3A_2102, %get3A_2334 : vector<16xf32>
      %add3A_2336 = arith.addf %mul3A_2329, %mul3A_2335 : vector<16xf32>
      %get3A_2337 = arith.constant 2 : i32
      %get3A_2338 = arith.index_cast %get3A_2337 : i32 to index
      %get3A_2339 = arith.constant 80 : index
      %get3A_2340 = tpu.vector_load %arg11[%get3A_2338, %get3A_2339] {strides = array<i32>} : memref<20x128xf32, #tpu.memory_space<vmem>>, vector<1x16xf32>,
      %get3A_2341 = vector.shape_cast %get3A_2340 : vector<1x16xf32> to vector<16xf32>
      %mul3A_2342 = arith.mulf %get3A_2120, %get3A_2341 : vector<16xf32>
      %add3A_2343 = arith.addf %add3A_2336, %mul3A_2342 : vector<16xf32>
      %get3A_2344 = arith.constant 2 : i32
      %get3A_2345 = arith.index_cast %get3A_2344 : i32 to index
      %get3A_2346 = arith.constant 112 : index
      %get3A_2347 = tpu.vector_load %arg11[%get3A_2345, %get3A_2346] {strides = array<i32>} : memref<20x128xf32, #tpu.memory_space<vmem>>, vector<1x16xf32>,
      %get3A_2348 = vector.shape_cast %get3A_2347 : vector<1x16xf32> to vector<16xf32>
      %mul3A_2349 = arith.mulf %get3A_2138, %get3A_2348 : vector<16xf32>
      %add3A_2350 = arith.addf %add3A_2343, %mul3A_2349 : vector<16xf32>
      %mul3A_2351 = arith.constant 32 : i32
      %mul3A_2352 = arith.muli %add3A_2060, %mul3A_2351 : i32
      %add3A_2353 = arith.constant 16 : i32
      %add3A_2354 = arith.addi %mul3A_2352, %add3A_2353 : i32
      %swap3A_2355 = arith.constant 2 : i32
      %swap3A_2356 = arith.index_cast %swap3A_2355 : i32 to index
      %swap3A_2357 = arith.index_cast %add3A_2354 : i32 to index
      %swap3A_2358 = tpu.vector_load %arg12[%swap3A_2356, %swap3A_2357] {strides = array<i32>} : memref<20x512xf32, #tpu.memory_space<vmem>>, vector<1x16xf32>,
      %swap3A_2359 = vector.shape_cast %swap3A_2358 : vector<1x16xf32> to vector<16xf32>
      %swap3A_2360 = vector.shape_cast %add3A_2350 : vector<16xf32> to vector<1x16xf32>
      tpu.vector_store %arg12[%swap3A_2356, %swap3A_2357], %swap3A_2360 {strides = array<i32>} : memref<20x512xf32, #tpu.memory_space<vmem>>, vector<1x16xf32>,
      %get3A_2361 = arith.constant 3 : i32
      %get3A_2362 = arith.index_cast %get3A_2361 : i32 to index
      %get3A_2363 = arith.constant 0 : index
      %get3A_2364 = tpu.vector_load %arg11[%get3A_2362, %get3A_2363] {strides = array<i32>} : memref<20x128xf32, #tpu.memory_space<vmem>>, vector<1x16xf32>,
      %get3A_2365 = vector.shape_cast %get3A_2364 : vector<1x16xf32> to vector<16xf32>
      %mul3A_2366 = arith.mulf %get3A_2075, %get3A_2365 : vector<16xf32>
      %get3A_2367 = arith.constant 3 : i32
      %get3A_2368 = arith.index_cast %get3A_2367 : i32 to index
      %get3A_2369 = arith.constant 32 : index
      %get3A_2370 = tpu.vector_load %arg11[%get3A_2368, %get3A_2369] {strides = array<i32>} : memref<20x128xf32, #tpu.memory_space<vmem>>, vector<1x16xf32>,
      %get3A_2371 = vector.shape_cast %get3A_2370 : vector<1x16xf32> to vector<16xf32>
      %mul3A_2372 = arith.mulf %get3A_2093, %get3A_2371 : vector<16xf32>
      %add3A_2373 = arith.addf %mul3A_2366, %mul3A_2372 : vector<16xf32>
      %get3A_2374 = arith.constant 3 : i32
      %get3A_2375 = arith.index_cast %get3A_2374 : i32 to index
      %get3A_2376 = arith.constant 64 : index
      %get3A_2377 = tpu.vector_load %arg11[%get3A_2375, %get3A_2376] {strides = array<i32>} : memref<20x128xf32, #tpu.memory_space<vmem>>, vector<1x16xf32>,
      %get3A_2378 = vector.shape_cast %get3A_2377 : vector<1x16xf32> to vector<16xf32>
      %mul3A_2379 = arith.mulf %get3A_2111, %get3A_2378 : vector<16xf32>
      %add3A_2380 = arith.addf %add3A_2373, %mul3A_2379 : vector<16xf32>
      %get3A_2381 = arith.constant 3 : i32
      %get3A_2382 = arith.index_cast %get3A_2381 : i32 to index
      %get3A_2383 = arith.constant 96 : index
      %get3A_2384 = tpu.vector_load %arg11[%get3A_2382, %get3A_2383] {strides = array<i32>} : memref<20x128xf32, #tpu.memory_space<vmem>>, vector<1x16xf32>,
      %get3A_2385 = vector.shape_cast %get3A_2384 : vector<1x16xf32> to vector<16xf32>
      %mul3A_2386 = arith.mulf %get3A_2129, %get3A_2385 : vector<16xf32>
      %add3A_2387 = arith.addf %add3A_2380, %mul3A_2386 : vector<16xf32>
      %mul3A_2388 = arith.constant 32 : i32
      %mul3A_2389 = arith.muli %add3A_2060, %mul3A_2388 : i32
      %add3A_2390 = arith.constant 0 : i32
      %add3A_2391 = arith.addi %mul3A_2389, %add3A_2390 : i32
      %swap3A_2392 = arith.constant 3 : i32
      %swap3A_2393 = arith.index_cast %swap3A_2392 : i32 to index
      %swap3A_2394 = arith.index_cast %add3A_2391 : i32 to index
      %swap3A_2395 = tpu.vector_load %arg12[%swap3A_2393, %swap3A_2394] {strides = array<i32>} : memref<20x512xf32, #tpu.memory_space<vmem>>, vector<1x16xf32>,
      %swap3A_2396 = vector.shape_cast %swap3A_2395 : vector<1x16xf32> to vector<16xf32>
      %swap3A_2397 = vector.shape_cast %add3A_2387 : vector<16xf32> to vector<1x16xf32>
      tpu.vector_store %arg12[%swap3A_2393, %swap3A_2394], %swap3A_2397 {strides = array<i32>} : memref<20x512xf32, #tpu.memory_space<vmem>>, vector<1x16xf32>,
      %get3A_2398 = arith.constant 3 : i32
      %get3A_2399 = arith.index_cast %get3A_2398 : i32 to index
      %get3A_2400 = arith.constant 16 : index
      %get3A_2401 = tpu.vector_load %arg11[%get3A_2399, %get3A_2400] {strides = array<i32>} : memref<20x128xf32, #tpu.memory_space<vmem>>, vector<1x16xf32>,
      %get3A_2402 = vector.shape_cast %get3A_2401 : vector<1x16xf32> to vector<16xf32>
      %mul3A_2403 = arith.mulf %get3A_2084, %get3A_2402 : vector<16xf32>
      %get3A_2404 = arith.constant 3 : i32
      %get3A_2405 = arith.index_cast %get3A_2404 : i32 to index
      %get3A_2406 = arith.constant 48 : index
      %get3A_2407 = tpu.vector_load %arg11[%get3A_2405, %get3A_2406] {strides = array<i32>} : memref<20x128xf32, #tpu.memory_space<vmem>>, vector<1x16xf32>,
      %get3A_2408 = vector.shape_cast %get3A_2407 : vector<1x16xf32> to vector<16xf32>
      %mul3A_2409 = arith.mulf %get3A_2102, %get3A_2408 : vector<16xf32>
      %add3A_2410 = arith.addf %mul3A_2403, %mul3A_2409 : vector<16xf32>
      %get3A_2411 = arith.constant 3 : i32
      %get3A_2412 = arith.index_cast %get3A_2411 : i32 to index
      %get3A_2413 = arith.constant 80 : index
      %get3A_2414 = tpu.vector_load %arg11[%get3A_2412, %get3A_2413] {strides = array<i32>} : memref<20x128xf32, #tpu.memory_space<vmem>>, vector<1x16xf32>,
      %get3A_2415 = vector.shape_cast %get3A_2414 : vector<1x16xf32> to vector<16xf32>
      %mul3A_2416 = arith.mulf %get3A_2120, %get3A_2415 : vector<16xf32>
      %add3A_2417 = arith.addf %add3A_2410, %mul3A_2416 : vector<16xf32>
      %get3A_2418 = arith.constant 3 : i32
      %get3A_2419 = arith.index_cast %get3A_2418 : i32 to index
      %get3A_2420 = arith.constant 112 : index
      %get3A_2421 = tpu.vector_load %arg11[%get3A_2419, %get3A_2420] {strides = array<i32>} : memref<20x128xf32, #tpu.memory_space<vmem>>, vector<1x16xf32>,
      %get3A_2422 = vector.shape_cast %get3A_2421 : vector<1x16xf32> to vector<16xf32>
      %mul3A_2423 = arith.mulf %get3A_2138, %get3A_2422 : vector<16xf32>
      %add3A_2424 = arith.addf %add3A_2417, %mul3A_2423 : vector<16xf32>
      %mul3A_2425 = arith.constant 32 : i32
      %mul3A_2426 = arith.muli %add3A_2060, %mul3A_2425 : i32
      %add3A_2427 = arith.constant 16 : i32
      %add3A_2428 = arith.addi %mul3A_2426, %add3A_2427 : i32
      %swap3A_2429 = arith.constant 3 : i32
      %swap3A_2430 = arith.index_cast %swap3A_2429 : i32 to index
      %swap3A_2431 = arith.index_cast %add3A_2428 : i32 to index
      %swap3A_2432 = tpu.vector_load %arg12[%swap3A_2430, %swap3A_2431] {strides = array<i32>} : memref<20x512xf32, #tpu.memory_space<vmem>>, vector<1x16xf32>,
      %swap3A_2433 = vector.shape_cast %swap3A_2432 : vector<1x16xf32> to vector<16xf32>
      %swap3A_2434 = vector.shape_cast %add3A_2424 : vector<16xf32> to vector<1x16xf32>
      tpu.vector_store %arg12[%swap3A_2430, %swap3A_2431], %swap3A_2434 {strides = array<i32>} : memref<20x512xf32, #tpu.memory_space<vmem>>, vector<1x16xf32>,
      %get3A_2435 = arith.constant 4 : i32
      %get3A_2436 = arith.index_cast %get3A_2435 : i32 to index
      %get3A_2437 = arith.constant 0 : index
      %get3A_2438 = tpu.vector_load %arg11[%get3A_2436, %get3A_2437] {strides = array<i32>} : memref<20x128xf32, #tpu.memory_space<vmem>>, vector<1x16xf32>,
      %get3A_2439 = vector.shape_cast %get3A_2438 : vector<1x16xf32> to vector<16xf32>
      %mul3A_2440 = arith.mulf %get3A_2075, %get3A_2439 : vector<16xf32>
      %get3A_2441 = arith.constant 4 : i32
      %get3A_2442 = arith.index_cast %get3A_2441 : i32 to index
      %get3A_2443 = arith.constant 32 : index
      %get3A_2444 = tpu.vector_load %arg11[%get3A_2442, %get3A_2443] {strides = array<i32>} : memref<20x128xf32, #tpu.memory_space<vmem>>, vector<1x16xf32>,
      %get3A_2445 = vector.shape_cast %get3A_2444 : vector<1x16xf32> to vector<16xf32>
      %mul3A_2446 = arith.mulf %get3A_2093, %get3A_2445 : vector<16xf32>
      %add3A_2447 = arith.addf %mul3A_2440, %mul3A_2446 : vector<16xf32>
      %get3A_2448 = arith.constant 4 : i32
      %get3A_2449 = arith.index_cast %get3A_2448 : i32 to index
      %get3A_2450 = arith.constant 64 : index
      %get3A_2451 = tpu.vector_load %arg11[%get3A_2449, %get3A_2450] {strides = array<i32>} : memref<20x128xf32, #tpu.memory_space<vmem>>, vector<1x16xf32>,
      %get3A_2452 = vector.shape_cast %get3A_2451 : vector<1x16xf32> to vector<16xf32>
      %mul3A_2453 = arith.mulf %get3A_2111, %get3A_2452 : vector<16xf32>
      %add3A_2454 = arith.addf %add3A_2447, %mul3A_2453 : vector<16xf32>
      %get3A_2455 = arith.constant 4 : i32
      %get3A_2456 = arith.index_cast %get3A_2455 : i32 to index
      %get3A_2457 = arith.constant 96 : index
      %get3A_2458 = tpu.vector_load %arg11[%get3A_2456, %get3A_2457] {strides = array<i32>} : memref<20x128xf32, #tpu.memory_space<vmem>>, vector<1x16xf32>,
      %get3A_2459 = vector.shape_cast %get3A_2458 : vector<1x16xf32> to vector<16xf32>
      %mul3A_2460 = arith.mulf %get3A_2129, %get3A_2459 : vector<16xf32>
      %add3A_2461 = arith.addf %add3A_2454, %mul3A_2460 : vector<16xf32>
      %mul3A_2462 = arith.constant 32 : i32
      %mul3A_2463 = arith.muli %add3A_2060, %mul3A_2462 : i32
      %add3A_2464 = arith.constant 0 : i32
      %add3A_2465 = arith.addi %mul3A_2463, %add3A_2464 : i32
      %swap3A_2466 = arith.constant 4 : i32
      %swap3A_2467 = arith.index_cast %swap3A_2466 : i32 to index
      %swap3A_2468 = arith.index_cast %add3A_2465 : i32 to index
      %swap3A_2469 = tpu.vector_load %arg12[%swap3A_2467, %swap3A_2468] {strides = array<i32>} : memref<20x512xf32, #tpu.memory_space<vmem>>, vector<1x16xf32>,
      %swap3A_2470 = vector.shape_cast %swap3A_2469 : vector<1x16xf32> to vector<16xf32>
      %swap3A_2471 = vector.shape_cast %add3A_2461 : vector<16xf32> to vector<1x16xf32>
      tpu.vector_store %arg12[%swap3A_2467, %swap3A_2468], %swap3A_2471 {strides = array<i32>} : memref<20x512xf32, #tpu.memory_space<vmem>>, vector<1x16xf32>,
      %get3A_2472 = arith.constant 4 : i32
      %get3A_2473 = arith.index_cast %get3A_2472 : i32 to index
      %get3A_2474 = arith.constant 16 : index
      %get3A_2475 = tpu.vector_load %arg11[%get3A_2473, %get3A_2474] {strides = array<i32>} : memref<20x128xf32, #tpu.memory_space<vmem>>, vector<1x16xf32>,
      %get3A_2476 = vector.shape_cast %get3A_2475 : vector<1x16xf32> to vector<16xf32>
      %mul3A_2477 = arith.mulf %get3A_2084, %get3A_2476 : vector<16xf32>
      %get3A_2478 = arith.constant 4 : i32
      %get3A_2479 = arith.index_cast %get3A_2478 : i32 to index
      %get3A_2480 = arith.constant 48 : index
      %get3A_2481 = tpu.vector_load %arg11[%get3A_2479, %get3A_2480] {strides = array<i32>} : memref<20x128xf32, #tpu.memory_space<vmem>>, vector<1x16xf32>,
      %get3A_2482 = vector.shape_cast %get3A_2481 : vector<1x16xf32> to vector<16xf32>
      %mul3A_2483 = arith.mulf %get3A_2102, %get3A_2482 : vector<16xf32>
      %add3A_2484 = arith.addf %mul3A_2477, %mul3A_2483 : vector<16xf32>
      %get3A_2485 = arith.constant 4 : i32
      %get3A_2486 = arith.index_cast %get3A_2485 : i32 to index
      %get3A_2487 = arith.constant 80 : index
      %get3A_2488 = tpu.vector_load %arg11[%get3A_2486, %get3A_2487] {strides = array<i32>} : memref<20x128xf32, #tpu.memory_space<vmem>>, vector<1x16xf32>,
      %get3A_2489 = vector.shape_cast %get3A_2488 : vector<1x16xf32> to vector<16xf32>
      %mul3A_2490 = arith.mulf %get3A_2120, %get3A_2489 : vector<16xf32>
      %add3A_2491 = arith.addf %add3A_2484, %mul3A_2490 : vector<16xf32>
      %get3A_2492 = arith.constant 4 : i32
      %get3A_2493 = arith.index_cast %get3A_2492 : i32 to index
      %get3A_2494 = arith.constant 112 : index
      %get3A_2495 = tpu.vector_load %arg11[%get3A_2493, %get3A_2494] {strides = array<i32>} : memref<20x128xf32, #tpu.memory_space<vmem>>, vector<1x16xf32>,
      %get3A_2496 = vector.shape_cast %get3A_2495 : vector<1x16xf32> to vector<16xf32>
      %mul3A_2497 = arith.mulf %get3A_2138, %get3A_2496 : vector<16xf32>
      %add3A_2498 = arith.addf %add3A_2491, %mul3A_2497 : vector<16xf32>
      %mul3A_2499 = arith.constant 32 : i32
      %mul3A_2500 = arith.muli %add3A_2060, %mul3A_2499 : i32
      %add3A_2501 = arith.constant 16 : i32
      %add3A_2502 = arith.addi %mul3A_2500, %add3A_2501 : i32
      %swap3A_2503 = arith.constant 4 : i32
      %swap3A_2504 = arith.index_cast %swap3A_2503 : i32 to index
      %swap3A_2505 = arith.index_cast %add3A_2502 : i32 to index
      %swap3A_2506 = tpu.vector_load %arg12[%swap3A_2504, %swap3A_2505] {strides = array<i32>} : memref<20x512xf32, #tpu.memory_space<vmem>>, vector<1x16xf32>,
      %swap3A_2507 = vector.shape_cast %swap3A_2506 : vector<1x16xf32> to vector<16xf32>
      %swap3A_2508 = vector.shape_cast %add3A_2498 : vector<16xf32> to vector<1x16xf32>
      tpu.vector_store %arg12[%swap3A_2504, %swap3A_2505], %swap3A_2508 {strides = array<i32>} : memref<20x512xf32, #tpu.memory_space<vmem>>, vector<1x16xf32>,
      %get3A_2509 = arith.constant 5 : i32
      %get3A_2510 = arith.index_cast %get3A_2509 : i32 to index
      %get3A_2511 = arith.constant 0 : index
      %get3A_2512 = tpu.vector_load %arg11[%get3A_2510, %get3A_2511] {strides = array<i32>} : memref<20x128xf32, #tpu.memory_space<vmem>>, vector<1x16xf32>,
      %get3A_2513 = vector.shape_cast %get3A_2512 : vector<1x16xf32> to vector<16xf32>
      %mul3A_2514 = arith.mulf %get3A_2075, %get3A_2513 : vector<16xf32>
      %get3A_2515 = arith.constant 5 : i32
      %get3A_2516 = arith.index_cast %get3A_2515 : i32 to index
      %get3A_2517 = arith.constant 32 : index
      %get3A_2518 = tpu.vector_load %arg11[%get3A_2516, %get3A_2517] {strides = array<i32>} : memref<20x128xf32, #tpu.memory_space<vmem>>, vector<1x16xf32>,
      %get3A_2519 = vector.shape_cast %get3A_2518 : vector<1x16xf32> to vector<16xf32>
      %mul3A_2520 = arith.mulf %get3A_2093, %get3A_2519 : vector<16xf32>
      %add3A_2521 = arith.addf %mul3A_2514, %mul3A_2520 : vector<16xf32>
      %get3A_2522 = arith.constant 5 : i32
      %get3A_2523 = arith.index_cast %get3A_2522 : i32 to index
      %get3A_2524 = arith.constant 64 : index
      %get3A_2525 = tpu.vector_load %arg11[%get3A_2523, %get3A_2524] {strides = array<i32>} : memref<20x128xf32, #tpu.memory_space<vmem>>, vector<1x16xf32>,
      %get3A_2526 = vector.shape_cast %get3A_2525 : vector<1x16xf32> to vector<16xf32>
      %mul3A_2527 = arith.mulf %get3A_2111, %get3A_2526 : vector<16xf32>
      %add3A_2528 = arith.addf %add3A_2521, %mul3A_2527 : vector<16xf32>
      %get3A_2529 = arith.constant 5 : i32
      %get3A_2530 = arith.index_cast %get3A_2529 : i32 to index
      %get3A_2531 = arith.constant 96 : index
      %get3A_2532 = tpu.vector_load %arg11[%get3A_2530, %get3A_2531] {strides = array<i32>} : memref<20x128xf32, #tpu.memory_space<vmem>>, vector<1x16xf32>,
      %get3A_2533 = vector.shape_cast %get3A_2532 : vector<1x16xf32> to vector<16xf32>
      %mul3A_2534 = arith.mulf %get3A_2129, %get3A_2533 : vector<16xf32>
      %add3A_2535 = arith.addf %add3A_2528, %mul3A_2534 : vector<16xf32>
      %mul3A_2536 = arith.constant 32 : i32
      %mul3A_2537 = arith.muli %add3A_2060, %mul3A_2536 : i32
      %add3A_2538 = arith.constant 0 : i32
      %add3A_2539 = arith.addi %mul3A_2537, %add3A_2538 : i32
      %swap3A_2540 = arith.constant 5 : i32
      %swap3A_2541 = arith.index_cast %swap3A_2540 : i32 to index
      %swap3A_2542 = arith.index_cast %add3A_2539 : i32 to index
      %swap3A_2543 = tpu.vector_load %arg12[%swap3A_2541, %swap3A_2542] {strides = array<i32>} : memref<20x512xf32, #tpu.memory_space<vmem>>, vector<1x16xf32>,
      %swap3A_2544 = vector.shape_cast %swap3A_2543 : vector<1x16xf32> to vector<16xf32>
      %swap3A_2545 = vector.shape_cast %add3A_2535 : vector<16xf32> to vector<1x16xf32>
      tpu.vector_store %arg12[%swap3A_2541, %swap3A_2542], %swap3A_2545 {strides = array<i32>} : memref<20x512xf32, #tpu.memory_space<vmem>>, vector<1x16xf32>,
      %get3A_2546 = arith.constant 5 : i32
      %get3A_2547 = arith.index_cast %get3A_2546 : i32 to index
      %get3A_2548 = arith.constant 16 : index
      %get3A_2549 = tpu.vector_load %arg11[%get3A_2547, %get3A_2548] {strides = array<i32>} : memref<20x128xf32, #tpu.memory_space<vmem>>, vector<1x16xf32>,
      %get3A_2550 = vector.shape_cast %get3A_2549 : vector<1x16xf32> to vector<16xf32>
      %mul3A_2551 = arith.mulf %get3A_2084, %get3A_2550 : vector<16xf32>
      %get3A_2552 = arith.constant 5 : i32
      %get3A_2553 = arith.index_cast %get3A_2552 : i32 to index
      %get3A_2554 = arith.constant 48 : index
      %get3A_2555 = tpu.vector_load %arg11[%get3A_2553, %get3A_2554] {strides = array<i32>} : memref<20x128xf32, #tpu.memory_space<vmem>>, vector<1x16xf32>,
      %get3A_2556 = vector.shape_cast %get3A_2555 : vector<1x16xf32> to vector<16xf32>
      %mul3A_2557 = arith.mulf %get3A_2102, %get3A_2556 : vector<16xf32>
      %add3A_2558 = arith.addf %mul3A_2551, %mul3A_2557 : vector<16xf32>
      %get3A_2559 = arith.constant 5 : i32
      %get3A_2560 = arith.index_cast %get3A_2559 : i32 to index
      %get3A_2561 = arith.constant 80 : index
      %get3A_2562 = tpu.vector_load %arg11[%get3A_2560, %get3A_2561] {strides = array<i32>} : memref<20x128xf32, #tpu.memory_space<vmem>>, vector<1x16xf32>,
      %get3A_2563 = vector.shape_cast %get3A_2562 : vector<1x16xf32> to vector<16xf32>
      %mul3A_2564 = arith.mulf %get3A_2120, %get3A_2563 : vector<16xf32>
      %add3A_2565 = arith.addf %add3A_2558, %mul3A_2564 : vector<16xf32>
      %get3A_2566 = arith.constant 5 : i32
      %get3A_2567 = arith.index_cast %get3A_2566 : i32 to index
      %get3A_2568 = arith.constant 112 : index
      %get3A_2569 = tpu.vector_load %arg11[%get3A_2567, %get3A_2568] {strides = array<i32>} : memref<20x128xf32, #tpu.memory_space<vmem>>, vector<1x16xf32>,
      %get3A_2570 = vector.shape_cast %get3A_2569 : vector<1x16xf32> to vector<16xf32>
      %mul3A_2571 = arith.mulf %get3A_2138, %get3A_2570 : vector<16xf32>
      %add3A_2572 = arith.addf %add3A_2565, %mul3A_2571 : vector<16xf32>
      %mul3A_2573 = arith.constant 32 : i32
      %mul3A_2574 = arith.muli %add3A_2060, %mul3A_2573 : i32
      %add3A_2575 = arith.constant 16 : i32
      %add3A_2576 = arith.addi %mul3A_2574, %add3A_2575 : i32
      %swap3A_2577 = arith.constant 5 : i32
      %swap3A_2578 = arith.index_cast %swap3A_2577 : i32 to index
      %swap3A_2579 = arith.index_cast %add3A_2576 : i32 to index
      %swap3A_2580 = tpu.vector_load %arg12[%swap3A_2578, %swap3A_2579] {strides = array<i32>} : memref<20x512xf32, #tpu.memory_space<vmem>>, vector<1x16xf32>,
      %swap3A_2581 = vector.shape_cast %swap3A_2580 : vector<1x16xf32> to vector<16xf32>
      %swap3A_2582 = vector.shape_cast %add3A_2572 : vector<16xf32> to vector<1x16xf32>
      tpu.vector_store %arg12[%swap3A_2578, %swap3A_2579], %swap3A_2582 {strides = array<i32>} : memref<20x512xf32, #tpu.memory_space<vmem>>, vector<1x16xf32>,
      %get3A_2583 = arith.constant 6 : i32
      %get3A_2584 = arith.index_cast %get3A_2583 : i32 to index
      %get3A_2585 = arith.constant 0 : index
      %get3A_2586 = tpu.vector_load %arg11[%get3A_2584, %get3A_2585] {strides = array<i32>} : memref<20x128xf32, #tpu.memory_space<vmem>>, vector<1x16xf32>,
      %get3A_2587 = vector.shape_cast %get3A_2586 : vector<1x16xf32> to vector<16xf32>
      %mul3A_2588 = arith.mulf %get3A_2075, %get3A_2587 : vector<16xf32>
      %get3A_2589 = arith.constant 6 : i32
      %get3A_2590 = arith.index_cast %get3A_2589 : i32 to index
      %get3A_2591 = arith.constant 32 : index
      %get3A_2592 = tpu.vector_load %arg11[%get3A_2590, %get3A_2591] {strides = array<i32>} : memref<20x128xf32, #tpu.memory_space<vmem>>, vector<1x16xf32>,
      %get3A_2593 = vector.shape_cast %get3A_2592 : vector<1x16xf32> to vector<16xf32>
      %mul3A_2594 = arith.mulf %get3A_2093, %get3A_2593 : vector<16xf32>
      %add3A_2595 = arith.addf %mul3A_2588, %mul3A_2594 : vector<16xf32>
      %get3A_2596 = arith.constant 6 : i32
      %get3A_2597 = arith.index_cast %get3A_2596 : i32 to index
      %get3A_2598 = arith.constant 64 : index
      %get3A_2599 = tpu.vector_load %arg11[%get3A_2597, %get3A_2598] {strides = array<i32>} : memref<20x128xf32, #tpu.memory_space<vmem>>, vector<1x16xf32>,
      %get3A_2600 = vector.shape_cast %get3A_2599 : vector<1x16xf32> to vector<16xf32>
      %mul3A_2601 = arith.mulf %get3A_2111, %get3A_2600 : vector<16xf32>
      %add3A_2602 = arith.addf %add3A_2595, %mul3A_2601 : vector<16xf32>
      %get3A_2603 = arith.constant 6 : i32
      %get3A_2604 = arith.index_cast %get3A_2603 : i32 to index
      %get3A_2605 = arith.constant 96 : index
      %get3A_2606 = tpu.vector_load %arg11[%get3A_2604, %get3A_2605] {strides = array<i32>} : memref<20x128xf32, #tpu.memory_space<vmem>>, vector<1x16xf32>,
      %get3A_2607 = vector.shape_cast %get3A_2606 : vector<1x16xf32> to vector<16xf32>
      %mul3A_2608 = arith.mulf %get3A_2129, %get3A_2607 : vector<16xf32>
      %add3A_2609 = arith.addf %add3A_2602, %mul3A_2608 : vector<16xf32>
      %mul3A_2610 = arith.constant 32 : i32
      %mul3A_2611 = arith.muli %add3A_2060, %mul3A_2610 : i32
      %add3A_2612 = arith.constant 0 : i32
      %add3A_2613 = arith.addi %mul3A_2611, %add3A_2612 : i32
      %swap3A_2614 = arith.constant 6 : i32
      %swap3A_2615 = arith.index_cast %swap3A_2614 : i32 to index
      %swap3A_2616 = arith.index_cast %add3A_2613 : i32 to index
      %swap3A_2617 = tpu.vector_load %arg12[%swap3A_2615, %swap3A_2616] {strides = array<i32>} : memref<20x512xf32, #tpu.memory_space<vmem>>, vector<1x16xf32>,
      %swap3A_2618 = vector.shape_cast %swap3A_2617 : vector<1x16xf32> to vector<16xf32>
      %swap3A_2619 = vector.shape_cast %add3A_2609 : vector<16xf32> to vector<1x16xf32>
      tpu.vector_store %arg12[%swap3A_2615, %swap3A_2616], %swap3A_2619 {strides = array<i32>} : memref<20x512xf32, #tpu.memory_space<vmem>>, vector<1x16xf32>,
      %get3A_2620 = arith.constant 6 : i32
      %get3A_2621 = arith.index_cast %get3A_2620 : i32 to index
      %get3A_2622 = arith.constant 16 : index
      %get3A_2623 = tpu.vector_load %arg11[%get3A_2621, %get3A_2622] {strides = array<i32>} : memref<20x128xf32, #tpu.memory_space<vmem>>, vector<1x16xf32>,
      %get3A_2624 = vector.shape_cast %get3A_2623 : vector<1x16xf32> to vector<16xf32>
      %mul3A_2625 = arith.mulf %get3A_2084, %get3A_2624 : vector<16xf32>
      %get3A_2626 = arith.constant 6 : i32
      %get3A_2627 = arith.index_cast %get3A_2626 : i32 to index
      %get3A_2628 = arith.constant 48 : index
      %get3A_2629 = tpu.vector_load %arg11[%get3A_2627, %get3A_2628] {strides = array<i32>} : memref<20x128xf32, #tpu.memory_space<vmem>>, vector<1x16xf32>,
      %get3A_2630 = vector.shape_cast %get3A_2629 : vector<1x16xf32> to vector<16xf32>
      %mul3A_2631 = arith.mulf %get3A_2102, %get3A_2630 : vector<16xf32>
      %add3A_2632 = arith.addf %mul3A_2625, %mul3A_2631 : vector<16xf32>
      %get3A_2633 = arith.constant 6 : i32
      %get3A_2634 = arith.index_cast %get3A_2633 : i32 to index
      %get3A_2635 = arith.constant 80 : index
      %get3A_2636 = tpu.vector_load %arg11[%get3A_2634, %get3A_2635] {strides = array<i32>} : memref<20x128xf32, #tpu.memory_space<vmem>>, vector<1x16xf32>,
      %get3A_2637 = vector.shape_cast %get3A_2636 : vector<1x16xf32> to vector<16xf32>
      %mul3A_2638 = arith.mulf %get3A_2120, %get3A_2637 : vector<16xf32>
      %add3A_2639 = arith.addf %add3A_2632, %mul3A_2638 : vector<16xf32>
      %get3A_2640 = arith.constant 6 : i32
      %get3A_2641 = arith.index_cast %get3A_2640 : i32 to index
      %get3A_2642 = arith.constant 112 : index
      %get3A_2643 = tpu.vector_load %arg11[%get3A_2641, %get3A_2642] {strides = array<i32>} : memref<20x128xf32, #tpu.memory_space<vmem>>, vector<1x16xf32>,
      %get3A_2644 = vector.shape_cast %get3A_2643 : vector<1x16xf32> to vector<16xf32>
      %mul3A_2645 = arith.mulf %get3A_2138, %get3A_2644 : vector<16xf32>
      %add3A_2646 = arith.addf %add3A_2639, %mul3A_2645 : vector<16xf32>
      %mul3A_2647 = arith.constant 32 : i32
      %mul3A_2648 = arith.muli %add3A_2060, %mul3A_2647 : i32
      %add3A_2649 = arith.constant 16 : i32
      %add3A_2650 = arith.addi %mul3A_2648, %add3A_2649 : i32
      %swap3A_2651 = arith.constant 6 : i32
      %swap3A_2652 = arith.index_cast %swap3A_2651 : i32 to index
      %swap3A_2653 = arith.index_cast %add3A_2650 : i32 to index
      %swap3A_2654 = tpu.vector_load %arg12[%swap3A_2652, %swap3A_2653] {strides = array<i32>} : memref<20x512xf32, #tpu.memory_space<vmem>>, vector<1x16xf32>,
      %swap3A_2655 = vector.shape_cast %swap3A_2654 : vector<1x16xf32> to vector<16xf32>
      %swap3A_2656 = vector.shape_cast %add3A_2646 : vector<16xf32> to vector<1x16xf32>
      tpu.vector_store %arg12[%swap3A_2652, %swap3A_2653], %swap3A_2656 {strides = array<i32>} : memref<20x512xf32, #tpu.memory_space<vmem>>, vector<1x16xf32>,
      %get3A_2657 = arith.constant 7 : i32
      %get3A_2658 = arith.index_cast %get3A_2657 : i32 to index
      %get3A_2659 = arith.constant 0 : index
      %get3A_2660 = tpu.vector_load %arg11[%get3A_2658, %get3A_2659] {strides = array<i32>} : memref<20x128xf32, #tpu.memory_space<vmem>>, vector<1x16xf32>,
      %get3A_2661 = vector.shape_cast %get3A_2660 : vector<1x16xf32> to vector<16xf32>
      %mul3A_2662 = arith.mulf %get3A_2075, %get3A_2661 : vector<16xf32>
      %get3A_2663 = arith.constant 7 : i32
      %get3A_2664 = arith.index_cast %get3A_2663 : i32 to index
      %get3A_2665 = arith.constant 32 : index
      %get3A_2666 = tpu.vector_load %arg11[%get3A_2664, %get3A_2665] {strides = array<i32>} : memref<20x128xf32, #tpu.memory_space<vmem>>, vector<1x16xf32>,
      %get3A_2667 = vector.shape_cast %get3A_2666 : vector<1x16xf32> to vector<16xf32>
      %mul3A_2668 = arith.mulf %get3A_2093, %get3A_2667 : vector<16xf32>
      %add3A_2669 = arith.addf %mul3A_2662, %mul3A_2668 : vector<16xf32>
      %get3A_2670 = arith.constant 7 : i32
      %get3A_2671 = arith.index_cast %get3A_2670 : i32 to index
      %get3A_2672 = arith.constant 64 : index
      %get3A_2673 = tpu.vector_load %arg11[%get3A_2671, %get3A_2672] {strides = array<i32>} : memref<20x128xf32, #tpu.memory_space<vmem>>, vector<1x16xf32>,
      %get3A_2674 = vector.shape_cast %get3A_2673 : vector<1x16xf32> to vector<16xf32>
      %mul3A_2675 = arith.mulf %get3A_2111, %get3A_2674 : vector<16xf32>
      %add3A_2676 = arith.addf %add3A_2669, %mul3A_2675 : vector<16xf32>
      %get3A_2677 = arith.constant 7 : i32
      %get3A_2678 = arith.index_cast %get3A_2677 : i32 to index
      %get3A_2679 = arith.constant 96 : index
      %get3A_2680 = tpu.vector_load %arg11[%get3A_2678, %get3A_2679] {strides = array<i32>} : memref<20x128xf32, #tpu.memory_space<vmem>>, vector<1x16xf32>,
      %get3A_2681 = vector.shape_cast %get3A_2680 : vector<1x16xf32> to vector<16xf32>
      %mul3A_2682 = arith.mulf %get3A_2129, %get3A_2681 : vector<16xf32>
      %add3A_2683 = arith.addf %add3A_2676, %mul3A_2682 : vector<16xf32>
      %mul3A_2684 = arith.constant 32 : i32
      %mul3A_2685 = arith.muli %add3A_2060, %mul3A_2684 : i32
      %add3A_2686 = arith.constant 0 : i32
      %add3A_2687 = arith.addi %mul3A_2685, %add3A_2686 : i32
      %swap3A_2688 = arith.constant 7 : i32
      %swap3A_2689 = arith.index_cast %swap3A_2688 : i32 to index
      %swap3A_2690 = arith.index_cast %add3A_2687 : i32 to index
      %swap3A_2691 = tpu.vector_load %arg12[%swap3A_2689, %swap3A_2690] {strides = array<i32>} : memref<20x512xf32, #tpu.memory_space<vmem>>, vector<1x16xf32>,
      %swap3A_2692 = vector.shape_cast %swap3A_2691 : vector<1x16xf32> to vector<16xf32>
      %swap3A_2693 = vector.shape_cast %add3A_2683 : vector<16xf32> to vector<1x16xf32>
      tpu.vector_store %arg12[%swap3A_2689, %swap3A_2690], %swap3A_2693 {strides = array<i32>} : memref<20x512xf32, #tpu.memory_space<vmem>>, vector<1x16xf32>,
      %get3A_2694 = arith.constant 7 : i32
      %get3A_2695 = arith.index_cast %get3A_2694 : i32 to index
      %get3A_2696 = arith.constant 16 : index
      %get3A_2697 = tpu.vector_load %arg11[%get3A_2695, %get3A_2696] {strides = array<i32>} : memref<20x128xf32, #tpu.memory_space<vmem>>, vector<1x16xf32>,
      %get3A_2698 = vector.shape_cast %get3A_2697 : vector<1x16xf32> to vector<16xf32>
      %mul3A_2699 = arith.mulf %get3A_2084, %get3A_2698 : vector<16xf32>
      %get3A_2700 = arith.constant 7 : i32
      %get3A_2701 = arith.index_cast %get3A_2700 : i32 to index
      %get3A_2702 = arith.constant 48 : index
      %get3A_2703 = tpu.vector_load %arg11[%get3A_2701, %get3A_2702] {strides = array<i32>} : memref<20x128xf32, #tpu.memory_space<vmem>>, vector<1x16xf32>,
      %get3A_2704 = vector.shape_cast %get3A_2703 : vector<1x16xf32> to vector<16xf32>
      %mul3A_2705 = arith.mulf %get3A_2102, %get3A_2704 : vector<16xf32>
      %add3A_2706 = arith.addf %mul3A_2699, %mul3A_2705 : vector<16xf32>
      %get3A_2707 = arith.constant 7 : i32
      %get3A_2708 = arith.index_cast %get3A_2707 : i32 to index
      %get3A_2709 = arith.constant 80 : index
      %get3A_2710 = tpu.vector_load %arg11[%get3A_2708, %get3A_2709] {strides = array<i32>} : memref<20x128xf32, #tpu.memory_space<vmem>>, vector<1x16xf32>,
      %get3A_2711 = vector.shape_cast %get3A_2710 : vector<1x16xf32> to vector<16xf32>
      %mul3A_2712 = arith.mulf %get3A_2120, %get3A_2711 : vector<16xf32>
      %add3A_2713 = arith.addf %add3A_2706, %mul3A_2712 : vector<16xf32>
      %get3A_2714 = arith.constant 7 : i32
      %get3A_2715 = arith.index_cast %get3A_2714 : i32 to index
      %get3A_2716 = arith.constant 112 : index
      %get3A_2717 = tpu.vector_load %arg11[%get3A_2715, %get3A_2716] {strides = array<i32>} : memref<20x128xf32, #tpu.memory_space<vmem>>, vector<1x16xf32>,
      %get3A_2718 = vector.shape_cast %get3A_2717 : vector<1x16xf32> to vector<16xf32>
      %mul3A_2719 = arith.mulf %get3A_2138, %get3A_2718 : vector<16xf32>
      %add3A_2720 = arith.addf %add3A_2713, %mul3A_2719 : vector<16xf32>
      %mul3A_2721 = arith.constant 32 : i32
      %mul3A_2722 = arith.muli %add3A_2060, %mul3A_2721 : i32
      %add3A_2723 = arith.constant 16 : i32
      %add3A_2724 = arith.addi %mul3A_2722, %add3A_2723 : i32
      %swap3A_2725 = arith.constant 7 : i32
      %swap3A_2726 = arith.index_cast %swap3A_2725 : i32 to index
      %swap3A_2727 = arith.index_cast %add3A_2724 : i32 to index
      %swap3A_2728 = tpu.vector_load %arg12[%swap3A_2726, %swap3A_2727] {strides = array<i32>} : memref<20x512xf32, #tpu.memory_space<vmem>>, vector<1x16xf32>,
      %swap3A_2729 = vector.shape_cast %swap3A_2728 : vector<1x16xf32> to vector<16xf32>
      %swap3A_2730 = vector.shape_cast %add3A_2720 : vector<16xf32> to vector<1x16xf32>
      tpu.vector_store %arg12[%swap3A_2726, %swap3A_2727], %swap3A_2730 {strides = array<i32>} : memref<20x512xf32, #tpu.memory_space<vmem>>, vector<1x16xf32>,
      %get3A_2731 = arith.constant 8 : i32
      %get3A_2732 = arith.index_cast %get3A_2731 : i32 to index
      %get3A_2733 = arith.constant 0 : index
      %get3A_2734 = tpu.vector_load %arg11[%get3A_2732, %get3A_2733] {strides = array<i32>} : memref<20x128xf32, #tpu.memory_space<vmem>>, vector<1x16xf32>,
      %get3A_2735 = vector.shape_cast %get3A_2734 : vector<1x16xf32> to vector<16xf32>
      %mul3A_2736 = arith.mulf %get3A_2075, %get3A_2735 : vector<16xf32>
      %get3A_2737 = arith.constant 8 : i32
      %get3A_2738 = arith.index_cast %get3A_2737 : i32 to index
      %get3A_2739 = arith.constant 32 : index
      %get3A_2740 = tpu.vector_load %arg11[%get3A_2738, %get3A_2739] {strides = array<i32>} : memref<20x128xf32, #tpu.memory_space<vmem>>, vector<1x16xf32>,
      %get3A_2741 = vector.shape_cast %get3A_2740 : vector<1x16xf32> to vector<16xf32>
      %mul3A_2742 = arith.mulf %get3A_2093, %get3A_2741 : vector<16xf32>
      %add3A_2743 = arith.addf %mul3A_2736, %mul3A_2742 : vector<16xf32>
      %get3A_2744 = arith.constant 8 : i32
      %get3A_2745 = arith.index_cast %get3A_2744 : i32 to index
      %get3A_2746 = arith.constant 64 : index
      %get3A_2747 = tpu.vector_load %arg11[%get3A_2745, %get3A_2746] {strides = array<i32>} : memref<20x128xf32, #tpu.memory_space<vmem>>, vector<1x16xf32>,
      %get3A_2748 = vector.shape_cast %get3A_2747 : vector<1x16xf32> to vector<16xf32>
      %mul3A_2749 = arith.mulf %get3A_2111, %get3A_2748 : vector<16xf32>
      %add3A_2750 = arith.addf %add3A_2743, %mul3A_2749 : vector<16xf32>
      %get3A_2751 = arith.constant 8 : i32
      %get3A_2752 = arith.index_cast %get3A_2751 : i32 to index
      %get3A_2753 = arith.constant 96 : index
      %get3A_2754 = tpu.vector_load %arg11[%get3A_2752, %get3A_2753] {strides = array<i32>} : memref<20x128xf32, #tpu.memory_space<vmem>>, vector<1x16xf32>,
      %get3A_2755 = vector.shape_cast %get3A_2754 : vector<1x16xf32> to vector<16xf32>
      %mul3A_2756 = arith.mulf %get3A_2129, %get3A_2755 : vector<16xf32>
      %add3A_2757 = arith.addf %add3A_2750, %mul3A_2756 : vector<16xf32>
      %mul3A_2758 = arith.constant 32 : i32
      %mul3A_2759 = arith.muli %add3A_2060, %mul3A_2758 : i32
      %add3A_2760 = arith.constant 0 : i32
      %add3A_2761 = arith.addi %mul3A_2759, %add3A_2760 : i32
      %swap3A_2762 = arith.constant 8 : i32
      %swap3A_2763 = arith.index_cast %swap3A_2762 : i32 to index
      %swap3A_2764 = arith.index_cast %add3A_2761 : i32 to index
      %swap3A_2765 = tpu.vector_load %arg12[%swap3A_2763, %swap3A_2764] {strides = array<i32>} : memref<20x512xf32, #tpu.memory_space<vmem>>, vector<1x16xf32>,
      %swap3A_2766 = vector.shape_cast %swap3A_2765 : vector<1x16xf32> to vector<16xf32>
      %swap3A_2767 = vector.shape_cast %add3A_2757 : vector<16xf32> to vector<1x16xf32>
      tpu.vector_store %arg12[%swap3A_2763, %swap3A_2764], %swap3A_2767 {strides = array<i32>} : memref<20x512xf32, #tpu.memory_space<vmem>>, vector<1x16xf32>,
      %get3A_2768 = arith.constant 8 : i32
      %get3A_2769 = arith.index_cast %get3A_2768 : i32 to index
      %get3A_2770 = arith.constant 16 : index
      %get3A_2771 = tpu.vector_load %arg11[%get3A_2769, %get3A_2770] {strides = array<i32>} : memref<20x128xf32, #tpu.memory_space<vmem>>, vector<1x16xf32>,
      %get3A_2772 = vector.shape_cast %get3A_2771 : vector<1x16xf32> to vector<16xf32>
      %mul3A_2773 = arith.mulf %get3A_2084, %get3A_2772 : vector<16xf32>
      %get3A_2774 = arith.constant 8 : i32
      %get3A_2775 = arith.index_cast %get3A_2774 : i32 to index
      %get3A_2776 = arith.constant 48 : index
      %get3A_2777 = tpu.vector_load %arg11[%get3A_2775, %get3A_2776] {strides = array<i32>} : memref<20x128xf32, #tpu.memory_space<vmem>>, vector<1x16xf32>,
      %get3A_2778 = vector.shape_cast %get3A_2777 : vector<1x16xf32> to vector<16xf32>
      %mul3A_2779 = arith.mulf %get3A_2102, %get3A_2778 : vector<16xf32>
      %add3A_2780 = arith.addf %mul3A_2773, %mul3A_2779 : vector<16xf32>
      %get3A_2781 = arith.constant 8 : i32
      %get3A_2782 = arith.index_cast %get3A_2781 : i32 to index
      %get3A_2783 = arith.constant 80 : index
      %get3A_2784 = tpu.vector_load %arg11[%get3A_2782, %get3A_2783] {strides = array<i32>} : memref<20x128xf32, #tpu.memory_space<vmem>>, vector<1x16xf32>,
      %get3A_2785 = vector.shape_cast %get3A_2784 : vector<1x16xf32> to vector<16xf32>
      %mul3A_2786 = arith.mulf %get3A_2120, %get3A_2785 : vector<16xf32>
      %add3A_2787 = arith.addf %add3A_2780, %mul3A_2786 : vector<16xf32>
      %get3A_2788 = arith.constant 8 : i32
      %get3A_2789 = arith.index_cast %get3A_2788 : i32 to index
      %get3A_2790 = arith.constant 112 : index
      %get3A_2791 = tpu.vector_load %arg11[%get3A_2789, %get3A_2790] {strides = array<i32>} : memref<20x128xf32, #tpu.memory_space<vmem>>, vector<1x16xf32>,
      %get3A_2792 = vector.shape_cast %get3A_2791 : vector<1x16xf32> to vector<16xf32>
      %mul3A_2793 = arith.mulf %get3A_2138, %get3A_2792 : vector<16xf32>
      %add3A_2794 = arith.addf %add3A_2787, %mul3A_2793 : vector<16xf32>
      %mul3A_2795 = arith.constant 32 : i32
      %mul3A_2796 = arith.muli %add3A_2060, %mul3A_2795 : i32
      %add3A_2797 = arith.constant 16 : i32
      %add3A_2798 = arith.addi %mul3A_2796, %add3A_2797 : i32
      %swap3A_2799 = arith.constant 8 : i32
      %swap3A_2800 = arith.index_cast %swap3A_2799 : i32 to index
      %swap3A_2801 = arith.index_cast %add3A_2798 : i32 to index
      %swap3A_2802 = tpu.vector_load %arg12[%swap3A_2800, %swap3A_2801] {strides = array<i32>} : memref<20x512xf32, #tpu.memory_space<vmem>>, vector<1x16xf32>,
      %swap3A_2803 = vector.shape_cast %swap3A_2802 : vector<1x16xf32> to vector<16xf32>
      %swap3A_2804 = vector.shape_cast %add3A_2794 : vector<16xf32> to vector<1x16xf32>
      tpu.vector_store %arg12[%swap3A_2800, %swap3A_2801], %swap3A_2804 {strides = array<i32>} : memref<20x512xf32, #tpu.memory_space<vmem>>, vector<1x16xf32>,
      %get3A_2805 = arith.constant 9 : i32
      %get3A_2806 = arith.index_cast %get3A_2805 : i32 to index
      %get3A_2807 = arith.constant 0 : index
      %get3A_2808 = tpu.vector_load %arg11[%get3A_2806, %get3A_2807] {strides = array<i32>} : memref<20x128xf32, #tpu.memory_space<vmem>>, vector<1x16xf32>,
      %get3A_2809 = vector.shape_cast %get3A_2808 : vector<1x16xf32> to vector<16xf32>
      %mul3A_2810 = arith.mulf %get3A_2075, %get3A_2809 : vector<16xf32>
      %get3A_2811 = arith.constant 9 : i32
      %get3A_2812 = arith.index_cast %get3A_2811 : i32 to index
      %get3A_2813 = arith.constant 32 : index
      %get3A_2814 = tpu.vector_load %arg11[%get3A_2812, %get3A_2813] {strides = array<i32>} : memref<20x128xf32, #tpu.memory_space<vmem>>, vector<1x16xf32>,
      %get3A_2815 = vector.shape_cast %get3A_2814 : vector<1x16xf32> to vector<16xf32>
      %mul3A_2816 = arith.mulf %get3A_2093, %get3A_2815 : vector<16xf32>
      %add3A_2817 = arith.addf %mul3A_2810, %mul3A_2816 : vector<16xf32>
      %get3A_2818 = arith.constant 9 : i32
      %get3A_2819 = arith.index_cast %get3A_2818 : i32 to index
      %get3A_2820 = arith.constant 64 : index
      %get3A_2821 = tpu.vector_load %arg11[%get3A_2819, %get3A_2820] {strides = array<i32>} : memref<20x128xf32, #tpu.memory_space<vmem>>, vector<1x16xf32>,
      %get3A_2822 = vector.shape_cast %get3A_2821 : vector<1x16xf32> to vector<16xf32>
      %mul3A_2823 = arith.mulf %get3A_2111, %get3A_2822 : vector<16xf32>
      %add3A_2824 = arith.addf %add3A_2817, %mul3A_2823 : vector<16xf32>
      %get3A_2825 = arith.constant 9 : i32
      %get3A_2826 = arith.index_cast %get3A_2825 : i32 to index
      %get3A_2827 = arith.constant 96 : index
      %get3A_2828 = tpu.vector_load %arg11[%get3A_2826, %get3A_2827] {strides = array<i32>} : memref<20x128xf32, #tpu.memory_space<vmem>>, vector<1x16xf32>,
      %get3A_2829 = vector.shape_cast %get3A_2828 : vector<1x16xf32> to vector<16xf32>
      %mul3A_2830 = arith.mulf %get3A_2129, %get3A_2829 : vector<16xf32>
      %add3A_2831 = arith.addf %add3A_2824, %mul3A_2830 : vector<16xf32>
      %mul3A_2832 = arith.constant 32 : i32
      %mul3A_2833 = arith.muli %add3A_2060, %mul3A_2832 : i32
      %add3A_2834 = arith.constant 0 : i32
      %add3A_2835 = arith.addi %mul3A_2833, %add3A_2834 : i32
      %swap3A_2836 = arith.constant 9 : i32
      %swap3A_2837 = arith.index_cast %swap3A_2836 : i32 to index
      %swap3A_2838 = arith.index_cast %add3A_2835 : i32 to index
      %swap3A_2839 = tpu.vector_load %arg12[%swap3A_2837, %swap3A_2838] {strides = array<i32>} : memref<20x512xf32, #tpu.memory_space<vmem>>, vector<1x16xf32>,
      %swap3A_2840 = vector.shape_cast %swap3A_2839 : vector<1x16xf32> to vector<16xf32>
      %swap3A_2841 = vector.shape_cast %add3A_2831 : vector<16xf32> to vector<1x16xf32>
      tpu.vector_store %arg12[%swap3A_2837, %swap3A_2838], %swap3A_2841 {strides = array<i32>} : memref<20x512xf32, #tpu.memory_space<vmem>>, vector<1x16xf32>,
      %get3A_2842 = arith.constant 9 : i32
      %get3A_2843 = arith.index_cast %get3A_2842 : i32 to index
      %get3A_2844 = arith.constant 16 : index
      %get3A_2845 = tpu.vector_load %arg11[%get3A_2843, %get3A_2844] {strides = array<i32>} : memref<20x128xf32, #tpu.memory_space<vmem>>, vector<1x16xf32>,
      %get3A_2846 = vector.shape_cast %get3A_2845 : vector<1x16xf32> to vector<16xf32>
      %mul3A_2847 = arith.mulf %get3A_2084, %get3A_2846 : vector<16xf32>
      %get3A_2848 = arith.constant 9 : i32
      %get3A_2849 = arith.index_cast %get3A_2848 : i32 to index
      %get3A_2850 = arith.constant 48 : index
      %get3A_2851 = tpu.vector_load %arg11[%get3A_2849, %get3A_2850] {strides = array<i32>} : memref<20x128xf32, #tpu.memory_space<vmem>>, vector<1x16xf32>,
      %get3A_2852 = vector.shape_cast %get3A_2851 : vector<1x16xf32> to vector<16xf32>
      %mul3A_2853 = arith.mulf %get3A_2102, %get3A_2852 : vector<16xf32>
      %add3A_2854 = arith.addf %mul3A_2847, %mul3A_2853 : vector<16xf32>
      %get3A_2855 = arith.constant 9 : i32
      %get3A_2856 = arith.index_cast %get3A_2855 : i32 to index
      %get3A_2857 = arith.constant 80 : index
      %get3A_2858 = tpu.vector_load %arg11[%get3A_2856, %get3A_2857] {strides = array<i32>} : memref<20x128xf32, #tpu.memory_space<vmem>>, vector<1x16xf32>,
      %get3A_2859 = vector.shape_cast %get3A_2858 : vector<1x16xf32> to vector<16xf32>
      %mul3A_2860 = arith.mulf %get3A_2120, %get3A_2859 : vector<16xf32>
      %add3A_2861 = arith.addf %add3A_2854, %mul3A_2860 : vector<16xf32>
      %get3A_2862 = arith.constant 9 : i32
      %get3A_2863 = arith.index_cast %get3A_2862 : i32 to index
      %get3A_2864 = arith.constant 112 : index
      %get3A_2865 = tpu.vector_load %arg11[%get3A_2863, %get3A_2864] {strides = array<i32>} : memref<20x128xf32, #tpu.memory_space<vmem>>, vector<1x16xf32>,
      %get3A_2866 = vector.shape_cast %get3A_2865 : vector<1x16xf32> to vector<16xf32>
      %mul3A_2867 = arith.mulf %get3A_2138, %get3A_2866 : vector<16xf32>
      %add3A_2868 = arith.addf %add3A_2861, %mul3A_2867 : vector<16xf32>
      %mul3A_2869 = arith.constant 32 : i32
      %mul3A_2870 = arith.muli %add3A_2060, %mul3A_2869 : i32
      %add3A_2871 = arith.constant 16 : i32
      %add3A_2872 = arith.addi %mul3A_2870, %add3A_2871 : i32
      %swap3A_2873 = arith.constant 9 : i32
      %swap3A_2874 = arith.index_cast %swap3A_2873 : i32 to index
      %swap3A_2875 = arith.index_cast %add3A_2872 : i32 to index
      %swap3A_2876 = tpu.vector_load %arg12[%swap3A_2874, %swap3A_2875] {strides = array<i32>} : memref<20x512xf32, #tpu.memory_space<vmem>>, vector<1x16xf32>,
      %swap3A_2877 = vector.shape_cast %swap3A_2876 : vector<1x16xf32> to vector<16xf32>
      %swap3A_2878 = vector.shape_cast %add3A_2868 : vector<16xf32> to vector<1x16xf32>
      tpu.vector_store %arg12[%swap3A_2874, %swap3A_2875], %swap3A_2878 {strides = array<i32>} : memref<20x512xf32, #tpu.memory_space<vmem>>, vector<1x16xf32>,
      %get3A_2879 = arith.constant 10 : i32
      %get3A_2880 = arith.index_cast %get3A_2879 : i32 to index
      %get3A_2881 = arith.constant 0 : index
      %get3A_2882 = tpu.vector_load %arg11[%get3A_2880, %get3A_2881] {strides = array<i32>} : memref<20x128xf32, #tpu.memory_space<vmem>>, vector<1x16xf32>,
      %get3A_2883 = vector.shape_cast %get3A_2882 : vector<1x16xf32> to vector<16xf32>
      %mul3A_2884 = arith.mulf %get3A_2075, %get3A_2883 : vector<16xf32>
      %get3A_2885 = arith.constant 10 : i32
      %get3A_2886 = arith.index_cast %get3A_2885 : i32 to index
      %get3A_2887 = arith.constant 32 : index
      %get3A_2888 = tpu.vector_load %arg11[%get3A_2886, %get3A_2887] {strides = array<i32>} : memref<20x128xf32, #tpu.memory_space<vmem>>, vector<1x16xf32>,
      %get3A_2889 = vector.shape_cast %get3A_2888 : vector<1x16xf32> to vector<16xf32>
      %mul3A_2890 = arith.mulf %get3A_2093, %get3A_2889 : vector<16xf32>
      %add3A_2891 = arith.addf %mul3A_2884, %mul3A_2890 : vector<16xf32>
      %get3A_2892 = arith.constant 10 : i32
      %get3A_2893 = arith.index_cast %get3A_2892 : i32 to index
      %get3A_2894 = arith.constant 64 : index
      %get3A_2895 = tpu.vector_load %arg11[%get3A_2893, %get3A_2894] {strides = array<i32>} : memref<20x128xf32, #tpu.memory_space<vmem>>, vector<1x16xf32>,
      %get3A_2896 = vector.shape_cast %get3A_2895 : vector<1x16xf32> to vector<16xf32>
      %mul3A_2897 = arith.mulf %get3A_2111, %get3A_2896 : vector<16xf32>
      %add3A_2898 = arith.addf %add3A_2891, %mul3A_2897 : vector<16xf32>
      %get3A_2899 = arith.constant 10 : i32
      %get3A_2900 = arith.index_cast %get3A_2899 : i32 to index
      %get3A_2901 = arith.constant 96 : index
      %get3A_2902 = tpu.vector_load %arg11[%get3A_2900, %get3A_2901] {strides = array<i32>} : memref<20x128xf32, #tpu.memory_space<vmem>>, vector<1x16xf32>,
      %get3A_2903 = vector.shape_cast %get3A_2902 : vector<1x16xf32> to vector<16xf32>
      %mul3A_2904 = arith.mulf %get3A_2129, %get3A_2903 : vector<16xf32>
      %add3A_2905 = arith.addf %add3A_2898, %mul3A_2904 : vector<16xf32>
      %mul3A_2906 = arith.constant 32 : i32
      %mul3A_2907 = arith.muli %add3A_2060, %mul3A_2906 : i32
      %add3A_2908 = arith.constant 0 : i32
      %add3A_2909 = arith.addi %mul3A_2907, %add3A_2908 : i32
      %swap3A_2910 = arith.constant 10 : i32
      %swap3A_2911 = arith.index_cast %swap3A_2910 : i32 to index
      %swap3A_2912 = arith.index_cast %add3A_2909 : i32 to index
      %swap3A_2913 = tpu.vector_load %arg12[%swap3A_2911, %swap3A_2912] {strides = array<i32>} : memref<20x512xf32, #tpu.memory_space<vmem>>, vector<1x16xf32>,
      %swap3A_2914 = vector.shape_cast %swap3A_2913 : vector<1x16xf32> to vector<16xf32>
      %swap3A_2915 = vector.shape_cast %add3A_2905 : vector<16xf32> to vector<1x16xf32>
      tpu.vector_store %arg12[%swap3A_2911, %swap3A_2912], %swap3A_2915 {strides = array<i32>} : memref<20x512xf32, #tpu.memory_space<vmem>>, vector<1x16xf32>,
      %get3A_2916 = arith.constant 10 : i32
      %get3A_2917 = arith.index_cast %get3A_2916 : i32 to index
      %get3A_2918 = arith.constant 16 : index
      %get3A_2919 = tpu.vector_load %arg11[%get3A_2917, %get3A_2918] {strides = array<i32>} : memref<20x128xf32, #tpu.memory_space<vmem>>, vector<1x16xf32>,
      %get3A_2920 = vector.shape_cast %get3A_2919 : vector<1x16xf32> to vector<16xf32>
      %mul3A_2921 = arith.mulf %get3A_2084, %get3A_2920 : vector<16xf32>
      %get3A_2922 = arith.constant 10 : i32
      %get3A_2923 = arith.index_cast %get3A_2922 : i32 to index
      %get3A_2924 = arith.constant 48 : index
      %get3A_2925 = tpu.vector_load %arg11[%get3A_2923, %get3A_2924] {strides = array<i32>} : memref<20x128xf32, #tpu.memory_space<vmem>>, vector<1x16xf32>,
      %get3A_2926 = vector.shape_cast %get3A_2925 : vector<1x16xf32> to vector<16xf32>
      %mul3A_2927 = arith.mulf %get3A_2102, %get3A_2926 : vector<16xf32>
      %add3A_2928 = arith.addf %mul3A_2921, %mul3A_2927 : vector<16xf32>
      %get3A_2929 = arith.constant 10 : i32
      %get3A_2930 = arith.index_cast %get3A_2929 : i32 to index
      %get3A_2931 = arith.constant 80 : index
      %get3A_2932 = tpu.vector_load %arg11[%get3A_2930, %get3A_2931] {strides = array<i32>} : memref<20x128xf32, #tpu.memory_space<vmem>>, vector<1x16xf32>,
      %get3A_2933 = vector.shape_cast %get3A_2932 : vector<1x16xf32> to vector<16xf32>
      %mul3A_2934 = arith.mulf %get3A_2120, %get3A_2933 : vector<16xf32>
      %add3A_2935 = arith.addf %add3A_2928, %mul3A_2934 : vector<16xf32>
      %get3A_2936 = arith.constant 10 : i32
      %get3A_2937 = arith.index_cast %get3A_2936 : i32 to index
      %get3A_2938 = arith.constant 112 : index
      %get3A_2939 = tpu.vector_load %arg11[%get3A_2937, %get3A_2938] {strides = array<i32>} : memref<20x128xf32, #tpu.memory_space<vmem>>, vector<1x16xf32>,
      %get3A_2940 = vector.shape_cast %get3A_2939 : vector<1x16xf32> to vector<16xf32>
      %mul3A_2941 = arith.mulf %get3A_2138, %get3A_2940 : vector<16xf32>
      %add3A_2942 = arith.addf %add3A_2935, %mul3A_2941 : vector<16xf32>
      %mul3A_2943 = arith.constant 32 : i32
      %mul3A_2944 = arith.muli %add3A_2060, %mul3A_2943 : i32
      %add3A_2945 = arith.constant 16 : i32
      %add3A_2946 = arith.addi %mul3A_2944, %add3A_2945 : i32
      %swap3A_2947 = arith.constant 10 : i32
      %swap3A_2948 = arith.index_cast %swap3A_2947 : i32 to index
      %swap3A_2949 = arith.index_cast %add3A_2946 : i32 to index
      %swap3A_2950 = tpu.vector_load %arg12[%swap3A_2948, %swap3A_2949] {strides = array<i32>} : memref<20x512xf32, #tpu.memory_space<vmem>>, vector<1x16xf32>,
      %swap3A_2951 = vector.shape_cast %swap3A_2950 : vector<1x16xf32> to vector<16xf32>
      %swap3A_2952 = vector.shape_cast %add3A_2942 : vector<16xf32> to vector<1x16xf32>
      tpu.vector_store %arg12[%swap3A_2948, %swap3A_2949], %swap3A_2952 {strides = array<i32>} : memref<20x512xf32, #tpu.memory_space<vmem>>, vector<1x16xf32>,
      %get3A_2953 = arith.constant 11 : i32
      %get3A_2954 = arith.index_cast %get3A_2953 : i32 to index
      %get3A_2955 = arith.constant 0 : index
      %get3A_2956 = tpu.vector_load %arg11[%get3A_2954, %get3A_2955] {strides = array<i32>} : memref<20x128xf32, #tpu.memory_space<vmem>>, vector<1x16xf32>,
      %get3A_2957 = vector.shape_cast %get3A_2956 : vector<1x16xf32> to vector<16xf32>
      %mul3A_2958 = arith.mulf %get3A_2075, %get3A_2957 : vector<16xf32>
      %get3A_2959 = arith.constant 11 : i32
      %get3A_2960 = arith.index_cast %get3A_2959 : i32 to index
      %get3A_2961 = arith.constant 32 : index
      %get3A_2962 = tpu.vector_load %arg11[%get3A_2960, %get3A_2961] {strides = array<i32>} : memref<20x128xf32, #tpu.memory_space<vmem>>, vector<1x16xf32>,
      %get3A_2963 = vector.shape_cast %get3A_2962 : vector<1x16xf32> to vector<16xf32>
      %mul3A_2964 = arith.mulf %get3A_2093, %get3A_2963 : vector<16xf32>
      %add3A_2965 = arith.addf %mul3A_2958, %mul3A_2964 : vector<16xf32>
      %get3A_2966 = arith.constant 11 : i32
      %get3A_2967 = arith.index_cast %get3A_2966 : i32 to index
      %get3A_2968 = arith.constant 64 : index
      %get3A_2969 = tpu.vector_load %arg11[%get3A_2967, %get3A_2968] {strides = array<i32>} : memref<20x128xf32, #tpu.memory_space<vmem>>, vector<1x16xf32>,
      %get3A_2970 = vector.shape_cast %get3A_2969 : vector<1x16xf32> to vector<16xf32>
      %mul3A_2971 = arith.mulf %get3A_2111, %get3A_2970 : vector<16xf32>
      %add3A_2972 = arith.addf %add3A_2965, %mul3A_2971 : vector<16xf32>
      %get3A_2973 = arith.constant 11 : i32
      %get3A_2974 = arith.index_cast %get3A_2973 : i32 to index
      %get3A_2975 = arith.constant 96 : index
      %get3A_2976 = tpu.vector_load %arg11[%get3A_2974, %get3A_2975] {strides = array<i32>} : memref<20x128xf32, #tpu.memory_space<vmem>>, vector<1x16xf32>,
      %get3A_2977 = vector.shape_cast %get3A_2976 : vector<1x16xf32> to vector<16xf32>
      %mul3A_2978 = arith.mulf %get3A_2129, %get3A_2977 : vector<16xf32>
      %add3A_2979 = arith.addf %add3A_2972, %mul3A_2978 : vector<16xf32>
      %mul3A_2980 = arith.constant 32 : i32
      %mul3A_2981 = arith.muli %add3A_2060, %mul3A_2980 : i32
      %add3A_2982 = arith.constant 0 : i32
      %add3A_2983 = arith.addi %mul3A_2981, %add3A_2982 : i32
      %swap3A_2984 = arith.constant 11 : i32
      %swap3A_2985 = arith.index_cast %swap3A_2984 : i32 to index
      %swap3A_2986 = arith.index_cast %add3A_2983 : i32 to index
      %swap3A_2987 = tpu.vector_load %arg12[%swap3A_2985, %swap3A_2986] {strides = array<i32>} : memref<20x512xf32, #tpu.memory_space<vmem>>, vector<1x16xf32>,
      %swap3A_2988 = vector.shape_cast %swap3A_2987 : vector<1x16xf32> to vector<16xf32>
      %swap3A_2989 = vector.shape_cast %add3A_2979 : vector<16xf32> to vector<1x16xf32>
      tpu.vector_store %arg12[%swap3A_2985, %swap3A_2986], %swap3A_2989 {strides = array<i32>} : memref<20x512xf32, #tpu.memory_space<vmem>>, vector<1x16xf32>,
      %get3A_2990 = arith.constant 11 : i32
      %get3A_2991 = arith.index_cast %get3A_2990 : i32 to index
      %get3A_2992 = arith.constant 16 : index
      %get3A_2993 = tpu.vector_load %arg11[%get3A_2991, %get3A_2992] {strides = array<i32>} : memref<20x128xf32, #tpu.memory_space<vmem>>, vector<1x16xf32>,
      %get3A_2994 = vector.shape_cast %get3A_2993 : vector<1x16xf32> to vector<16xf32>
      %mul3A_2995 = arith.mulf %get3A_2084, %get3A_2994 : vector<16xf32>
      %get3A_2996 = arith.constant 11 : i32
      %get3A_2997 = arith.index_cast %get3A_2996 : i32 to index
      %get3A_2998 = arith.constant 48 : index
      %get3A_2999 = tpu.vector_load %arg11[%get3A_2997, %get3A_2998] {strides = array<i32>} : memref<20x128xf32, #tpu.memory_space<vmem>>, vector<1x16xf32>,
      %get3A_3000 = vector.shape_cast %get3A_2999 : vector<1x16xf32> to vector<16xf32>
      %mul3A_3001 = arith.mulf %get3A_2102, %get3A_3000 : vector<16xf32>
      %add3A_3002 = arith.addf %mul3A_2995, %mul3A_3001 : vector<16xf32>
      %get3A_3003 = arith.constant 11 : i32
      %get3A_3004 = arith.index_cast %get3A_3003 : i32 to index
      %get3A_3005 = arith.constant 80 : index
      %get3A_3006 = tpu.vector_load %arg11[%get3A_3004, %get3A_3005] {strides = array<i32>} : memref<20x128xf32, #tpu.memory_space<vmem>>, vector<1x16xf32>,
      %get3A_3007 = vector.shape_cast %get3A_3006 : vector<1x16xf32> to vector<16xf32>
      %mul3A_3008 = arith.mulf %get3A_2120, %get3A_3007 : vector<16xf32>
      %add3A_3009 = arith.addf %add3A_3002, %mul3A_3008 : vector<16xf32>
      %get3A_3010 = arith.constant 11 : i32
      %get3A_3011 = arith.index_cast %get3A_3010 : i32 to index
      %get3A_3012 = arith.constant 112 : index
      %get3A_3013 = tpu.vector_load %arg11[%get3A_3011, %get3A_3012] {strides = array<i32>} : memref<20x128xf32, #tpu.memory_space<vmem>>, vector<1x16xf32>,
      %get3A_3014 = vector.shape_cast %get3A_3013 : vector<1x16xf32> to vector<16xf32>
      %mul3A_3015 = arith.mulf %get3A_2138, %get3A_3014 : vector<16xf32>
      %add3A_3016 = arith.addf %add3A_3009, %mul3A_3015 : vector<16xf32>
      %mul3A_3017 = arith.constant 32 : i32
      %mul3A_3018 = arith.muli %add3A_2060, %mul3A_3017 : i32
      %add3A_3019 = arith.constant 16 : i32
      %add3A_3020 = arith.addi %mul3A_3018, %add3A_3019 : i32
      %swap3A_3021 = arith.constant 11 : i32
      %swap3A_3022 = arith.index_cast %swap3A_3021 : i32 to index
      %swap3A_3023 = arith.index_cast %add3A_3020 : i32 to index
      %swap3A_3024 = tpu.vector_load %arg12[%swap3A_3022, %swap3A_3023] {strides = array<i32>} : memref<20x512xf32, #tpu.memory_space<vmem>>, vector<1x16xf32>,
      %swap3A_3025 = vector.shape_cast %swap3A_3024 : vector<1x16xf32> to vector<16xf32>
      %swap3A_3026 = vector.shape_cast %add3A_3016 : vector<16xf32> to vector<1x16xf32>
      tpu.vector_store %arg12[%swap3A_3022, %swap3A_3023], %swap3A_3026 {strides = array<i32>} : memref<20x512xf32, #tpu.memory_space<vmem>>, vector<1x16xf32>,
      %get3A_3027 = arith.constant 12 : i32
      %get3A_3028 = arith.index_cast %get3A_3027 : i32 to index
      %get3A_3029 = arith.constant 0 : index
      %get3A_3030 = tpu.vector_load %arg11[%get3A_3028, %get3A_3029] {strides = array<i32>} : memref<20x128xf32, #tpu.memory_space<vmem>>, vector<1x16xf32>,
      %get3A_3031 = vector.shape_cast %get3A_3030 : vector<1x16xf32> to vector<16xf32>
      %mul3A_3032 = arith.mulf %get3A_2075, %get3A_3031 : vector<16xf32>
      %get3A_3033 = arith.constant 12 : i32
      %get3A_3034 = arith.index_cast %get3A_3033 : i32 to index
      %get3A_3035 = arith.constant 32 : index
      %get3A_3036 = tpu.vector_load %arg11[%get3A_3034, %get3A_3035] {strides = array<i32>} : memref<20x128xf32, #tpu.memory_space<vmem>>, vector<1x16xf32>,
      %get3A_3037 = vector.shape_cast %get3A_3036 : vector<1x16xf32> to vector<16xf32>
      %mul3A_3038 = arith.mulf %get3A_2093, %get3A_3037 : vector<16xf32>
      %add3A_3039 = arith.addf %mul3A_3032, %mul3A_3038 : vector<16xf32>
      %get3A_3040 = arith.constant 12 : i32
      %get3A_3041 = arith.index_cast %get3A_3040 : i32 to index
      %get3A_3042 = arith.constant 64 : index
      %get3A_3043 = tpu.vector_load %arg11[%get3A_3041, %get3A_3042] {strides = array<i32>} : memref<20x128xf32, #tpu.memory_space<vmem>>, vector<1x16xf32>,
      %get3A_3044 = vector.shape_cast %get3A_3043 : vector<1x16xf32> to vector<16xf32>
      %mul3A_3045 = arith.mulf %get3A_2111, %get3A_3044 : vector<16xf32>
      %add3A_3046 = arith.addf %add3A_3039, %mul3A_3045 : vector<16xf32>
      %get3A_3047 = arith.constant 12 : i32
      %get3A_3048 = arith.index_cast %get3A_3047 : i32 to index
      %get3A_3049 = arith.constant 96 : index
      %get3A_3050 = tpu.vector_load %arg11[%get3A_3048, %get3A_3049] {strides = array<i32>} : memref<20x128xf32, #tpu.memory_space<vmem>>, vector<1x16xf32>,
      %get3A_3051 = vector.shape_cast %get3A_3050 : vector<1x16xf32> to vector<16xf32>
      %mul3A_3052 = arith.mulf %get3A_2129, %get3A_3051 : vector<16xf32>
      %add3A_3053 = arith.addf %add3A_3046, %mul3A_3052 : vector<16xf32>
      %mul3A_3054 = arith.constant 32 : i32
      %mul3A_3055 = arith.muli %add3A_2060, %mul3A_3054 : i32
      %add3A_3056 = arith.constant 0 : i32
      %add3A_3057 = arith.addi %mul3A_3055, %add3A_3056 : i32
      %swap3A_3058 = arith.constant 12 : i32
      %swap3A_3059 = arith.index_cast %swap3A_3058 : i32 to index
      %swap3A_3060 = arith.index_cast %add3A_3057 : i32 to index
      %swap3A_3061 = tpu.vector_load %arg12[%swap3A_3059, %swap3A_3060] {strides = array<i32>} : memref<20x512xf32, #tpu.memory_space<vmem>>, vector<1x16xf32>,
      %swap3A_3062 = vector.shape_cast %swap3A_3061 : vector<1x16xf32> to vector<16xf32>
      %swap3A_3063 = vector.shape_cast %add3A_3053 : vector<16xf32> to vector<1x16xf32>
      tpu.vector_store %arg12[%swap3A_3059, %swap3A_3060], %swap3A_3063 {strides = array<i32>} : memref<20x512xf32, #tpu.memory_space<vmem>>, vector<1x16xf32>,
      %get3A_3064 = arith.constant 12 : i32
      %get3A_3065 = arith.index_cast %get3A_3064 : i32 to index
      %get3A_3066 = arith.constant 16 : index
      %get3A_3067 = tpu.vector_load %arg11[%get3A_3065, %get3A_3066] {strides = array<i32>} : memref<20x128xf32, #tpu.memory_space<vmem>>, vector<1x16xf32>,
      %get3A_3068 = vector.shape_cast %get3A_3067 : vector<1x16xf32> to vector<16xf32>
      %mul3A_3069 = arith.mulf %get3A_2084, %get3A_3068 : vector<16xf32>
      %get3A_3070 = arith.constant 12 : i32
      %get3A_3071 = arith.index_cast %get3A_3070 : i32 to index
      %get3A_3072 = arith.constant 48 : index
      %get3A_3073 = tpu.vector_load %arg11[%get3A_3071, %get3A_3072] {strides = array<i32>} : memref<20x128xf32, #tpu.memory_space<vmem>>, vector<1x16xf32>,
      %get3A_3074 = vector.shape_cast %get3A_3073 : vector<1x16xf32> to vector<16xf32>
      %mul3A_3075 = arith.mulf %get3A_2102, %get3A_3074 : vector<16xf32>
      %add3A_3076 = arith.addf %mul3A_3069, %mul3A_3075 : vector<16xf32>
      %get3A_3077 = arith.constant 12 : i32
      %get3A_3078 = arith.index_cast %get3A_3077 : i32 to index
      %get3A_3079 = arith.constant 80 : index
      %get3A_3080 = tpu.vector_load %arg11[%get3A_3078, %get3A_3079] {strides = array<i32>} : memref<20x128xf32, #tpu.memory_space<vmem>>, vector<1x16xf32>,
      %get3A_3081 = vector.shape_cast %get3A_3080 : vector<1x16xf32> to vector<16xf32>
      %mul3A_3082 = arith.mulf %get3A_2120, %get3A_3081 : vector<16xf32>
      %add3A_3083 = arith.addf %add3A_3076, %mul3A_3082 : vector<16xf32>
      %get3A_3084 = arith.constant 12 : i32
      %get3A_3085 = arith.index_cast %get3A_3084 : i32 to index
      %get3A_3086 = arith.constant 112 : index
      %get3A_3087 = tpu.vector_load %arg11[%get3A_3085, %get3A_3086] {strides = array<i32>} : memref<20x128xf32, #tpu.memory_space<vmem>>, vector<1x16xf32>,
      %get3A_3088 = vector.shape_cast %get3A_3087 : vector<1x16xf32> to vector<16xf32>
      %mul3A_3089 = arith.mulf %get3A_2138, %get3A_3088 : vector<16xf32>
      %add3A_3090 = arith.addf %add3A_3083, %mul3A_3089 : vector<16xf32>
      %mul3A_3091 = arith.constant 32 : i32
      %mul3A_3092 = arith.muli %add3A_2060, %mul3A_3091 : i32
      %add3A_3093 = arith.constant 16 : i32
      %add3A_3094 = arith.addi %mul3A_3092, %add3A_3093 : i32
      %swap3A_3095 = arith.constant 12 : i32
      %swap3A_3096 = arith.index_cast %swap3A_3095 : i32 to index
      %swap3A_3097 = arith.index_cast %add3A_3094 : i32 to index
      %swap3A_3098 = tpu.vector_load %arg12[%swap3A_3096, %swap3A_3097] {strides = array<i32>} : memref<20x512xf32, #tpu.memory_space<vmem>>, vector<1x16xf32>,
      %swap3A_3099 = vector.shape_cast %swap3A_3098 : vector<1x16xf32> to vector<16xf32>
      %swap3A_3100 = vector.shape_cast %add3A_3090 : vector<16xf32> to vector<1x16xf32>
      tpu.vector_store %arg12[%swap3A_3096, %swap3A_3097], %swap3A_3100 {strides = array<i32>} : memref<20x512xf32, #tpu.memory_space<vmem>>, vector<1x16xf32>,
      %get3A_3101 = arith.constant 13 : i32
      %get3A_3102 = arith.index_cast %get3A_3101 : i32 to index
      %get3A_3103 = arith.constant 0 : index
      %get3A_3104 = tpu.vector_load %arg11[%get3A_3102, %get3A_3103] {strides = array<i32>} : memref<20x128xf32, #tpu.memory_space<vmem>>, vector<1x16xf32>,
      %get3A_3105 = vector.shape_cast %get3A_3104 : vector<1x16xf32> to vector<16xf32>
      %mul3A_3106 = arith.mulf %get3A_2075, %get3A_3105 : vector<16xf32>
      %get3A_3107 = arith.constant 13 : i32
      %get3A_3108 = arith.index_cast %get3A_3107 : i32 to index
      %get3A_3109 = arith.constant 32 : index
      %get3A_3110 = tpu.vector_load %arg11[%get3A_3108, %get3A_3109] {strides = array<i32>} : memref<20x128xf32, #tpu.memory_space<vmem>>, vector<1x16xf32>,
      %get3A_3111 = vector.shape_cast %get3A_3110 : vector<1x16xf32> to vector<16xf32>
      %mul3A_3112 = arith.mulf %get3A_2093, %get3A_3111 : vector<16xf32>
      %add3A_3113 = arith.addf %mul3A_3106, %mul3A_3112 : vector<16xf32>
      %get3A_3114 = arith.constant 13 : i32
      %get3A_3115 = arith.index_cast %get3A_3114 : i32 to index
      %get3A_3116 = arith.constant 64 : index
      %get3A_3117 = tpu.vector_load %arg11[%get3A_3115, %get3A_3116] {strides = array<i32>} : memref<20x128xf32, #tpu.memory_space<vmem>>, vector<1x16xf32>,
      %get3A_3118 = vector.shape_cast %get3A_3117 : vector<1x16xf32> to vector<16xf32>
      %mul3A_3119 = arith.mulf %get3A_2111, %get3A_3118 : vector<16xf32>
      %add3A_3120 = arith.addf %add3A_3113, %mul3A_3119 : vector<16xf32>
      %get3A_3121 = arith.constant 13 : i32
      %get3A_3122 = arith.index_cast %get3A_3121 : i32 to index
      %get3A_3123 = arith.constant 96 : index
      %get3A_3124 = tpu.vector_load %arg11[%get3A_3122, %get3A_3123] {strides = array<i32>} : memref<20x128xf32, #tpu.memory_space<vmem>>, vector<1x16xf32>,
      %get3A_3125 = vector.shape_cast %get3A_3124 : vector<1x16xf32> to vector<16xf32>
      %mul3A_3126 = arith.mulf %get3A_2129, %get3A_3125 : vector<16xf32>
      %add3A_3127 = arith.addf %add3A_3120, %mul3A_3126 : vector<16xf32>
      %mul3A_3128 = arith.constant 32 : i32
      %mul3A_3129 = arith.muli %add3A_2060, %mul3A_3128 : i32
      %add3A_3130 = arith.constant 0 : i32
      %add3A_3131 = arith.addi %mul3A_3129, %add3A_3130 : i32
      %swap3A_3132 = arith.constant 13 : i32
      %swap3A_3133 = arith.index_cast %swap3A_3132 : i32 to index
      %swap3A_3134 = arith.index_cast %add3A_3131 : i32 to index
      %swap3A_3135 = tpu.vector_load %arg12[%swap3A_3133, %swap3A_3134] {strides = array<i32>} : memref<20x512xf32, #tpu.memory_space<vmem>>, vector<1x16xf32>,
      %swap3A_3136 = vector.shape_cast %swap3A_3135 : vector<1x16xf32> to vector<16xf32>
      %swap3A_3137 = vector.shape_cast %add3A_3127 : vector<16xf32> to vector<1x16xf32>
      tpu.vector_store %arg12[%swap3A_3133, %swap3A_3134], %swap3A_3137 {strides = array<i32>} : memref<20x512xf32, #tpu.memory_space<vmem>>, vector<1x16xf32>,
      %get3A_3138 = arith.constant 13 : i32
      %get3A_3139 = arith.index_cast %get3A_3138 : i32 to index
      %get3A_3140 = arith.constant 16 : index
      %get3A_3141 = tpu.vector_load %arg11[%get3A_3139, %get3A_3140] {strides = array<i32>} : memref<20x128xf32, #tpu.memory_space<vmem>>, vector<1x16xf32>,
      %get3A_3142 = vector.shape_cast %get3A_3141 : vector<1x16xf32> to vector<16xf32>
      %mul3A_3143 = arith.mulf %get3A_2084, %get3A_3142 : vector<16xf32>
      %get3A_3144 = arith.constant 13 : i32
      %get3A_3145 = arith.index_cast %get3A_3144 : i32 to index
      %get3A_3146 = arith.constant 48 : index
      %get3A_3147 = tpu.vector_load %arg11[%get3A_3145, %get3A_3146] {strides = array<i32>} : memref<20x128xf32, #tpu.memory_space<vmem>>, vector<1x16xf32>,
      %get3A_3148 = vector.shape_cast %get3A_3147 : vector<1x16xf32> to vector<16xf32>
      %mul3A_3149 = arith.mulf %get3A_2102, %get3A_3148 : vector<16xf32>
      %add3A_3150 = arith.addf %mul3A_3143, %mul3A_3149 : vector<16xf32>
      %get3A_3151 = arith.constant 13 : i32
      %get3A_3152 = arith.index_cast %get3A_3151 : i32 to index
      %get3A_3153 = arith.constant 80 : index
      %get3A_3154 = tpu.vector_load %arg11[%get3A_3152, %get3A_3153] {strides = array<i32>} : memref<20x128xf32, #tpu.memory_space<vmem>>, vector<1x16xf32>,
      %get3A_3155 = vector.shape_cast %get3A_3154 : vector<1x16xf32> to vector<16xf32>
      %mul3A_3156 = arith.mulf %get3A_2120, %get3A_3155 : vector<16xf32>
      %add3A_3157 = arith.addf %add3A_3150, %mul3A_3156 : vector<16xf32>
      %get3A_3158 = arith.constant 13 : i32
      %get3A_3159 = arith.index_cast %get3A_3158 : i32 to index
      %get3A_3160 = arith.constant 112 : index
      %get3A_3161 = tpu.vector_load %arg11[%get3A_3159, %get3A_3160] {strides = array<i32>} : memref<20x128xf32, #tpu.memory_space<vmem>>, vector<1x16xf32>,
      %get3A_3162 = vector.shape_cast %get3A_3161 : vector<1x16xf32> to vector<16xf32>
      %mul3A_3163 = arith.mulf %get3A_2138, %get3A_3162 : vector<16xf32>
      %add3A_3164 = arith.addf %add3A_3157, %mul3A_3163 : vector<16xf32>
      %mul3A_3165 = arith.constant 32 : i32
      %mul3A_3166 = arith.muli %add3A_2060, %mul3A_3165 : i32
      %add3A_3167 = arith.constant 16 : i32
      %add3A_3168 = arith.addi %mul3A_3166, %add3A_3167 : i32
      %swap3A_3169 = arith.constant 13 : i32
      %swap3A_3170 = arith.index_cast %swap3A_3169 : i32 to index
      %swap3A_3171 = arith.index_cast %add3A_3168 : i32 to index
      %swap3A_3172 = tpu.vector_load %arg12[%swap3A_3170, %swap3A_3171] {strides = array<i32>} : memref<20x512xf32, #tpu.memory_space<vmem>>, vector<1x16xf32>,
      %swap3A_3173 = vector.shape_cast %swap3A_3172 : vector<1x16xf32> to vector<16xf32>
      %swap3A_3174 = vector.shape_cast %add3A_3164 : vector<16xf32> to vector<1x16xf32>
      tpu.vector_store %arg12[%swap3A_3170, %swap3A_3171], %swap3A_3174 {strides = array<i32>} : memref<20x512xf32, #tpu.memory_space<vmem>>, vector<1x16xf32>,
      %get3A_3175 = arith.constant 14 : i32
      %get3A_3176 = arith.index_cast %get3A_3175 : i32 to index
      %get3A_3177 = arith.constant 0 : index
      %get3A_3178 = tpu.vector_load %arg11[%get3A_3176, %get3A_3177] {strides = array<i32>} : memref<20x128xf32, #tpu.memory_space<vmem>>, vector<1x16xf32>,
      %get3A_3179 = vector.shape_cast %get3A_3178 : vector<1x16xf32> to vector<16xf32>
      %mul3A_3180 = arith.mulf %get3A_2075, %get3A_3179 : vector<16xf32>
      %get3A_3181 = arith.constant 14 : i32
      %get3A_3182 = arith.index_cast %get3A_3181 : i32 to index
      %get3A_3183 = arith.constant 32 : index
      %get3A_3184 = tpu.vector_load %arg11[%get3A_3182, %get3A_3183] {strides = array<i32>} : memref<20x128xf32, #tpu.memory_space<vmem>>, vector<1x16xf32>,
      %get3A_3185 = vector.shape_cast %get3A_3184 : vector<1x16xf32> to vector<16xf32>
      %mul3A_3186 = arith.mulf %get3A_2093, %get3A_3185 : vector<16xf32>
      %add3A_3187 = arith.addf %mul3A_3180, %mul3A_3186 : vector<16xf32>
      %get3A_3188 = arith.constant 14 : i32
      %get3A_3189 = arith.index_cast %get3A_3188 : i32 to index
      %get3A_3190 = arith.constant 64 : index
      %get3A_3191 = tpu.vector_load %arg11[%get3A_3189, %get3A_3190] {strides = array<i32>} : memref<20x128xf32, #tpu.memory_space<vmem>>, vector<1x16xf32>,
      %get3A_3192 = vector.shape_cast %get3A_3191 : vector<1x16xf32> to vector<16xf32>
      %mul3A_3193 = arith.mulf %get3A_2111, %get3A_3192 : vector<16xf32>
      %add3A_3194 = arith.addf %add3A_3187, %mul3A_3193 : vector<16xf32>
      %get3A_3195 = arith.constant 14 : i32
      %get3A_3196 = arith.index_cast %get3A_3195 : i32 to index
      %get3A_3197 = arith.constant 96 : index
      %get3A_3198 = tpu.vector_load %arg11[%get3A_3196, %get3A_3197] {strides = array<i32>} : memref<20x128xf32, #tpu.memory_space<vmem>>, vector<1x16xf32>,
      %get3A_3199 = vector.shape_cast %get3A_3198 : vector<1x16xf32> to vector<16xf32>
      %mul3A_3200 = arith.mulf %get3A_2129, %get3A_3199 : vector<16xf32>
      %add3A_3201 = arith.addf %add3A_3194, %mul3A_3200 : vector<16xf32>
      %mul3A_3202 = arith.constant 32 : i32
      %mul3A_3203 = arith.muli %add3A_2060, %mul3A_3202 : i32
      %add3A_3204 = arith.constant 0 : i32
      %add3A_3205 = arith.addi %mul3A_3203, %add3A_3204 : i32
      %swap3A_3206 = arith.constant 14 : i32
      %swap3A_3207 = arith.index_cast %swap3A_3206 : i32 to index
      %swap3A_3208 = arith.index_cast %add3A_3205 : i32 to index
      %swap3A_3209 = tpu.vector_load %arg12[%swap3A_3207, %swap3A_3208] {strides = array<i32>} : memref<20x512xf32, #tpu.memory_space<vmem>>, vector<1x16xf32>,
      %swap3A_3210 = vector.shape_cast %swap3A_3209 : vector<1x16xf32> to vector<16xf32>
      %swap3A_3211 = vector.shape_cast %add3A_3201 : vector<16xf32> to vector<1x16xf32>
      tpu.vector_store %arg12[%swap3A_3207, %swap3A_3208], %swap3A_3211 {strides = array<i32>} : memref<20x512xf32, #tpu.memory_space<vmem>>, vector<1x16xf32>,
      %get3A_3212 = arith.constant 14 : i32
      %get3A_3213 = arith.index_cast %get3A_3212 : i32 to index
      %get3A_3214 = arith.constant 16 : index
      %get3A_3215 = tpu.vector_load %arg11[%get3A_3213, %get3A_3214] {strides = array<i32>} : memref<20x128xf32, #tpu.memory_space<vmem>>, vector<1x16xf32>,
      %get3A_3216 = vector.shape_cast %get3A_3215 : vector<1x16xf32> to vector<16xf32>
      %mul3A_3217 = arith.mulf %get3A_2084, %get3A_3216 : vector<16xf32>
      %get3A_3218 = arith.constant 14 : i32
      %get3A_3219 = arith.index_cast %get3A_3218 : i32 to index
      %get3A_3220 = arith.constant 48 : index
      %get3A_3221 = tpu.vector_load %arg11[%get3A_3219, %get3A_3220] {strides = array<i32>} : memref<20x128xf32, #tpu.memory_space<vmem>>, vector<1x16xf32>,
      %get3A_3222 = vector.shape_cast %get3A_3221 : vector<1x16xf32> to vector<16xf32>
      %mul3A_3223 = arith.mulf %get3A_2102, %get3A_3222 : vector<16xf32>
      %add3A_3224 = arith.addf %mul3A_3217, %mul3A_3223 : vector<16xf32>
      %get3A_3225 = arith.constant 14 : i32
      %get3A_3226 = arith.index_cast %get3A_3225 : i32 to index
      %get3A_3227 = arith.constant 80 : index
      %get3A_3228 = tpu.vector_load %arg11[%get3A_3226, %get3A_3227] {strides = array<i32>} : memref<20x128xf32, #tpu.memory_space<vmem>>, vector<1x16xf32>,
      %get3A_3229 = vector.shape_cast %get3A_3228 : vector<1x16xf32> to vector<16xf32>
      %mul3A_3230 = arith.mulf %get3A_2120, %get3A_3229 : vector<16xf32>
      %add3A_3231 = arith.addf %add3A_3224, %mul3A_3230 : vector<16xf32>
      %get3A_3232 = arith.constant 14 : i32
      %get3A_3233 = arith.index_cast %get3A_3232 : i32 to index
      %get3A_3234 = arith.constant 112 : index
      %get3A_3235 = tpu.vector_load %arg11[%get3A_3233, %get3A_3234] {strides = array<i32>} : memref<20x128xf32, #tpu.memory_space<vmem>>, vector<1x16xf32>,
      %get3A_3236 = vector.shape_cast %get3A_3235 : vector<1x16xf32> to vector<16xf32>
      %mul3A_3237 = arith.mulf %get3A_2138, %get3A_3236 : vector<16xf32>
      %add3A_3238 = arith.addf %add3A_3231, %mul3A_3237 : vector<16xf32>
      %mul3A_3239 = arith.constant 32 : i32
      %mul3A_3240 = arith.muli %add3A_2060, %mul3A_3239 : i32
      %add3A_3241 = arith.constant 16 : i32
      %add3A_3242 = arith.addi %mul3A_3240, %add3A_3241 : i32
      %swap3A_3243 = arith.constant 14 : i32
      %swap3A_3244 = arith.index_cast %swap3A_3243 : i32 to index
      %swap3A_3245 = arith.index_cast %add3A_3242 : i32 to index
      %swap3A_3246 = tpu.vector_load %arg12[%swap3A_3244, %swap3A_3245] {strides = array<i32>} : memref<20x512xf32, #tpu.memory_space<vmem>>, vector<1x16xf32>,
      %swap3A_3247 = vector.shape_cast %swap3A_3246 : vector<1x16xf32> to vector<16xf32>
      %swap3A_3248 = vector.shape_cast %add3A_3238 : vector<16xf32> to vector<1x16xf32>
      tpu.vector_store %arg12[%swap3A_3244, %swap3A_3245], %swap3A_3248 {strides = array<i32>} : memref<20x512xf32, #tpu.memory_space<vmem>>, vector<1x16xf32>,
      %get3A_3249 = arith.constant 15 : i32
      %get3A_3250 = arith.index_cast %get3A_3249 : i32 to index
      %get3A_3251 = arith.constant 0 : index
      %get3A_3252 = tpu.vector_load %arg11[%get3A_3250, %get3A_3251] {strides = array<i32>} : memref<20x128xf32, #tpu.memory_space<vmem>>, vector<1x16xf32>,
      %get3A_3253 = vector.shape_cast %get3A_3252 : vector<1x16xf32> to vector<16xf32>
      %mul3A_3254 = arith.mulf %get3A_2075, %get3A_3253 : vector<16xf32>
      %get3A_3255 = arith.constant 15 : i32
      %get3A_3256 = arith.index_cast %get3A_3255 : i32 to index
      %get3A_3257 = arith.constant 32 : index
      %get3A_3258 = tpu.vector_load %arg11[%get3A_3256, %get3A_3257] {strides = array<i32>} : memref<20x128xf32, #tpu.memory_space<vmem>>, vector<1x16xf32>,
      %get3A_3259 = vector.shape_cast %get3A_3258 : vector<1x16xf32> to vector<16xf32>
      %mul3A_3260 = arith.mulf %get3A_2093, %get3A_3259 : vector<16xf32>
      %add3A_3261 = arith.addf %mul3A_3254, %mul3A_3260 : vector<16xf32>
      %get3A_3262 = arith.constant 15 : i32
      %get3A_3263 = arith.index_cast %get3A_3262 : i32 to index
      %get3A_3264 = arith.constant 64 : index
      %get3A_3265 = tpu.vector_load %arg11[%get3A_3263, %get3A_3264] {strides = array<i32>} : memref<20x128xf32, #tpu.memory_space<vmem>>, vector<1x16xf32>,
      %get3A_3266 = vector.shape_cast %get3A_3265 : vector<1x16xf32> to vector<16xf32>
      %mul3A_3267 = arith.mulf %get3A_2111, %get3A_3266 : vector<16xf32>
      %add3A_3268 = arith.addf %add3A_3261, %mul3A_3267 : vector<16xf32>
      %get3A_3269 = arith.constant 15 : i32
      %get3A_3270 = arith.index_cast %get3A_3269 : i32 to index
      %get3A_3271 = arith.constant 96 : index
      %get3A_3272 = tpu.vector_load %arg11[%get3A_3270, %get3A_3271] {strides = array<i32>} : memref<20x128xf32, #tpu.memory_space<vmem>>, vector<1x16xf32>,
      %get3A_3273 = vector.shape_cast %get3A_3272 : vector<1x16xf32> to vector<16xf32>
      %mul3A_3274 = arith.mulf %get3A_2129, %get3A_3273 : vector<16xf32>
      %add3A_3275 = arith.addf %add3A_3268, %mul3A_3274 : vector<16xf32>
      %mul3A_3276 = arith.constant 32 : i32
      %mul3A_3277 = arith.muli %add3A_2060, %mul3A_3276 : i32
      %add3A_3278 = arith.constant 0 : i32
      %add3A_3279 = arith.addi %mul3A_3277, %add3A_3278 : i32
      %swap3A_3280 = arith.constant 15 : i32
      %swap3A_3281 = arith.index_cast %swap3A_3280 : i32 to index
      %swap3A_3282 = arith.index_cast %add3A_3279 : i32 to index
      %swap3A_3283 = tpu.vector_load %arg12[%swap3A_3281, %swap3A_3282] {strides = array<i32>} : memref<20x512xf32, #tpu.memory_space<vmem>>, vector<1x16xf32>,
      %swap3A_3284 = vector.shape_cast %swap3A_3283 : vector<1x16xf32> to vector<16xf32>
      %swap3A_3285 = vector.shape_cast %add3A_3275 : vector<16xf32> to vector<1x16xf32>
      tpu.vector_store %arg12[%swap3A_3281, %swap3A_3282], %swap3A_3285 {strides = array<i32>} : memref<20x512xf32, #tpu.memory_space<vmem>>, vector<1x16xf32>,
      %get3A_3286 = arith.constant 15 : i32
      %get3A_3287 = arith.index_cast %get3A_3286 : i32 to index
      %get3A_3288 = arith.constant 16 : index
      %get3A_3289 = tpu.vector_load %arg11[%get3A_3287, %get3A_3288] {strides = array<i32>} : memref<20x128xf32, #tpu.memory_space<vmem>>, vector<1x16xf32>,
      %get3A_3290 = vector.shape_cast %get3A_3289 : vector<1x16xf32> to vector<16xf32>
      %mul3A_3291 = arith.mulf %get3A_2084, %get3A_3290 : vector<16xf32>
      %get3A_3292 = arith.constant 15 : i32
      %get3A_3293 = arith.index_cast %get3A_3292 : i32 to index
      %get3A_3294 = arith.constant 48 : index
      %get3A_3295 = tpu.vector_load %arg11[%get3A_3293, %get3A_3294] {strides = array<i32>} : memref<20x128xf32, #tpu.memory_space<vmem>>, vector<1x16xf32>,
      %get3A_3296 = vector.shape_cast %get3A_3295 : vector<1x16xf32> to vector<16xf32>
      %mul3A_3297 = arith.mulf %get3A_2102, %get3A_3296 : vector<16xf32>
      %add3A_3298 = arith.addf %mul3A_3291, %mul3A_3297 : vector<16xf32>
      %get3A_3299 = arith.constant 15 : i32
      %get3A_3300 = arith.index_cast %get3A_3299 : i32 to index
      %get3A_3301 = arith.constant 80 : index
      %get3A_3302 = tpu.vector_load %arg11[%get3A_3300, %get3A_3301] {strides = array<i32>} : memref<20x128xf32, #tpu.memory_space<vmem>>, vector<1x16xf32>,
      %get3A_3303 = vector.shape_cast %get3A_3302 : vector<1x16xf32> to vector<16xf32>
      %mul3A_3304 = arith.mulf %get3A_2120, %get3A_3303 : vector<16xf32>
      %add3A_3305 = arith.addf %add3A_3298, %mul3A_3304 : vector<16xf32>
      %get3A_3306 = arith.constant 15 : i32
      %get3A_3307 = arith.index_cast %get3A_3306 : i32 to index
      %get3A_3308 = arith.constant 112 : index
      %get3A_3309 = tpu.vector_load %arg11[%get3A_3307, %get3A_3308] {strides = array<i32>} : memref<20x128xf32, #tpu.memory_space<vmem>>, vector<1x16xf32>,
      %get3A_3310 = vector.shape_cast %get3A_3309 : vector<1x16xf32> to vector<16xf32>
      %mul3A_3311 = arith.mulf %get3A_2138, %get3A_3310 : vector<16xf32>
      %add3A_3312 = arith.addf %add3A_3305, %mul3A_3311 : vector<16xf32>
      %mul3A_3313 = arith.constant 32 : i32
      %mul3A_3314 = arith.muli %add3A_2060, %mul3A_3313 : i32
      %add3A_3315 = arith.constant 16 : i32
      %add3A_3316 = arith.addi %mul3A_3314, %add3A_3315 : i32
      %swap3A_3317 = arith.constant 15 : i32
      %swap3A_3318 = arith.index_cast %swap3A_3317 : i32 to index
      %swap3A_3319 = arith.index_cast %add3A_3316 : i32 to index
      %swap3A_3320 = tpu.vector_load %arg12[%swap3A_3318, %swap3A_3319] {strides = array<i32>} : memref<20x512xf32, #tpu.memory_space<vmem>>, vector<1x16xf32>,
      %swap3A_3321 = vector.shape_cast %swap3A_3320 : vector<1x16xf32> to vector<16xf32>
      %swap3A_3322 = vector.shape_cast %add3A_3312 : vector<16xf32> to vector<1x16xf32>
      tpu.vector_store %arg12[%swap3A_3318, %swap3A_3319], %swap3A_3322 {strides = array<i32>} : memref<20x512xf32, #tpu.memory_space<vmem>>, vector<1x16xf32>,
      %get3A_3323 = arith.constant 16 : i32
      %get3A_3324 = arith.index_cast %get3A_3323 : i32 to index
      %get3A_3325 = arith.constant 0 : index
      %get3A_3326 = tpu.vector_load %arg11[%get3A_3324, %get3A_3325] {strides = array<i32>} : memref<20x128xf32, #tpu.memory_space<vmem>>, vector<1x16xf32>,
      %get3A_3327 = vector.shape_cast %get3A_3326 : vector<1x16xf32> to vector<16xf32>
      %mul3A_3328 = arith.mulf %get3A_2075, %get3A_3327 : vector<16xf32>
      %get3A_3329 = arith.constant 16 : i32
      %get3A_3330 = arith.index_cast %get3A_3329 : i32 to index
      %get3A_3331 = arith.constant 32 : index
      %get3A_3332 = tpu.vector_load %arg11[%get3A_3330, %get3A_3331] {strides = array<i32>} : memref<20x128xf32, #tpu.memory_space<vmem>>, vector<1x16xf32>,
      %get3A_3333 = vector.shape_cast %get3A_3332 : vector<1x16xf32> to vector<16xf32>
      %mul3A_3334 = arith.mulf %get3A_2093, %get3A_3333 : vector<16xf32>
      %add3A_3335 = arith.addf %mul3A_3328, %mul3A_3334 : vector<16xf32>
      %get3A_3336 = arith.constant 16 : i32
      %get3A_3337 = arith.index_cast %get3A_3336 : i32 to index
      %get3A_3338 = arith.constant 64 : index
      %get3A_3339 = tpu.vector_load %arg11[%get3A_3337, %get3A_3338] {strides = array<i32>} : memref<20x128xf32, #tpu.memory_space<vmem>>, vector<1x16xf32>,
      %get3A_3340 = vector.shape_cast %get3A_3339 : vector<1x16xf32> to vector<16xf32>
      %mul3A_3341 = arith.mulf %get3A_2111, %get3A_3340 : vector<16xf32>
      %add3A_3342 = arith.addf %add3A_3335, %mul3A_3341 : vector<16xf32>
      %get3A_3343 = arith.constant 16 : i32
      %get3A_3344 = arith.index_cast %get3A_3343 : i32 to index
      %get3A_3345 = arith.constant 96 : index
      %get3A_3346 = tpu.vector_load %arg11[%get3A_3344, %get3A_3345] {strides = array<i32>} : memref<20x128xf32, #tpu.memory_space<vmem>>, vector<1x16xf32>,
      %get3A_3347 = vector.shape_cast %get3A_3346 : vector<1x16xf32> to vector<16xf32>
      %mul3A_3348 = arith.mulf %get3A_2129, %get3A_3347 : vector<16xf32>
      %add3A_3349 = arith.addf %add3A_3342, %mul3A_3348 : vector<16xf32>
      %mul3A_3350 = arith.constant 32 : i32
      %mul3A_3351 = arith.muli %add3A_2060, %mul3A_3350 : i32
      %add3A_3352 = arith.constant 0 : i32
      %add3A_3353 = arith.addi %mul3A_3351, %add3A_3352 : i32
      %swap3A_3354 = arith.constant 16 : i32
      %swap3A_3355 = arith.index_cast %swap3A_3354 : i32 to index
      %swap3A_3356 = arith.index_cast %add3A_3353 : i32 to index
      %swap3A_3357 = tpu.vector_load %arg12[%swap3A_3355, %swap3A_3356] {strides = array<i32>} : memref<20x512xf32, #tpu.memory_space<vmem>>, vector<1x16xf32>,
      %swap3A_3358 = vector.shape_cast %swap3A_3357 : vector<1x16xf32> to vector<16xf32>
      %swap3A_3359 = vector.shape_cast %add3A_3349 : vector<16xf32> to vector<1x16xf32>
      tpu.vector_store %arg12[%swap3A_3355, %swap3A_3356], %swap3A_3359 {strides = array<i32>} : memref<20x512xf32, #tpu.memory_space<vmem>>, vector<1x16xf32>,
      %get3A_3360 = arith.constant 16 : i32
      %get3A_3361 = arith.index_cast %get3A_3360 : i32 to index
      %get3A_3362 = arith.constant 16 : index
      %get3A_3363 = tpu.vector_load %arg11[%get3A_3361, %get3A_3362] {strides = array<i32>} : memref<20x128xf32, #tpu.memory_space<vmem>>, vector<1x16xf32>,
      %get3A_3364 = vector.shape_cast %get3A_3363 : vector<1x16xf32> to vector<16xf32>
      %mul3A_3365 = arith.mulf %get3A_2084, %get3A_3364 : vector<16xf32>
      %get3A_3366 = arith.constant 16 : i32
      %get3A_3367 = arith.index_cast %get3A_3366 : i32 to index
      %get3A_3368 = arith.constant 48 : index
      %get3A_3369 = tpu.vector_load %arg11[%get3A_3367, %get3A_3368] {strides = array<i32>} : memref<20x128xf32, #tpu.memory_space<vmem>>, vector<1x16xf32>,
      %get3A_3370 = vector.shape_cast %get3A_3369 : vector<1x16xf32> to vector<16xf32>
      %mul3A_3371 = arith.mulf %get3A_2102, %get3A_3370 : vector<16xf32>
      %add3A_3372 = arith.addf %mul3A_3365, %mul3A_3371 : vector<16xf32>
      %get3A_3373 = arith.constant 16 : i32
      %get3A_3374 = arith.index_cast %get3A_3373 : i32 to index
      %get3A_3375 = arith.constant 80 : index
      %get3A_3376 = tpu.vector_load %arg11[%get3A_3374, %get3A_3375] {strides = array<i32>} : memref<20x128xf32, #tpu.memory_space<vmem>>, vector<1x16xf32>,
      %get3A_3377 = vector.shape_cast %get3A_3376 : vector<1x16xf32> to vector<16xf32>
      %mul3A_3378 = arith.mulf %get3A_2120, %get3A_3377 : vector<16xf32>
      %add3A_3379 = arith.addf %add3A_3372, %mul3A_3378 : vector<16xf32>
      %get3A_3380 = arith.constant 16 : i32
      %get3A_3381 = arith.index_cast %get3A_3380 : i32 to index
      %get3A_3382 = arith.constant 112 : index
      %get3A_3383 = tpu.vector_load %arg11[%get3A_3381, %get3A_3382] {strides = array<i32>} : memref<20x128xf32, #tpu.memory_space<vmem>>, vector<1x16xf32>,
      %get3A_3384 = vector.shape_cast %get3A_3383 : vector<1x16xf32> to vector<16xf32>
      %mul3A_3385 = arith.mulf %get3A_2138, %get3A_3384 : vector<16xf32>
      %add3A_3386 = arith.addf %add3A_3379, %mul3A_3385 : vector<16xf32>
      %mul3A_3387 = arith.constant 32 : i32
      %mul3A_3388 = arith.muli %add3A_2060, %mul3A_3387 : i32
      %add3A_3389 = arith.constant 16 : i32
      %add3A_3390 = arith.addi %mul3A_3388, %add3A_3389 : i32
      %swap3A_3391 = arith.constant 16 : i32
      %swap3A_3392 = arith.index_cast %swap3A_3391 : i32 to index
      %swap3A_3393 = arith.index_cast %add3A_3390 : i32 to index
      %swap3A_3394 = tpu.vector_load %arg12[%swap3A_3392, %swap3A_3393] {strides = array<i32>} : memref<20x512xf32, #tpu.memory_space<vmem>>, vector<1x16xf32>,
      %swap3A_3395 = vector.shape_cast %swap3A_3394 : vector<1x16xf32> to vector<16xf32>
      %swap3A_3396 = vector.shape_cast %add3A_3386 : vector<16xf32> to vector<1x16xf32>
      tpu.vector_store %arg12[%swap3A_3392, %swap3A_3393], %swap3A_3396 {strides = array<i32>} : memref<20x512xf32, #tpu.memory_space<vmem>>, vector<1x16xf32>,
      %get3A_3397 = arith.constant 17 : i32
      %get3A_3398 = arith.index_cast %get3A_3397 : i32 to index
      %get3A_3399 = arith.constant 0 : index
      %get3A_3400 = tpu.vector_load %arg11[%get3A_3398, %get3A_3399] {strides = array<i32>} : memref<20x128xf32, #tpu.memory_space<vmem>>, vector<1x16xf32>,
      %get3A_3401 = vector.shape_cast %get3A_3400 : vector<1x16xf32> to vector<16xf32>
      %mul3A_3402 = arith.mulf %get3A_2075, %get3A_3401 : vector<16xf32>
      %get3A_3403 = arith.constant 17 : i32
      %get3A_3404 = arith.index_cast %get3A_3403 : i32 to index
      %get3A_3405 = arith.constant 32 : index
      %get3A_3406 = tpu.vector_load %arg11[%get3A_3404, %get3A_3405] {strides = array<i32>} : memref<20x128xf32, #tpu.memory_space<vmem>>, vector<1x16xf32>,
      %get3A_3407 = vector.shape_cast %get3A_3406 : vector<1x16xf32> to vector<16xf32>
      %mul3A_3408 = arith.mulf %get3A_2093, %get3A_3407 : vector<16xf32>
      %add3A_3409 = arith.addf %mul3A_3402, %mul3A_3408 : vector<16xf32>
      %get3A_3410 = arith.constant 17 : i32
      %get3A_3411 = arith.index_cast %get3A_3410 : i32 to index
      %get3A_3412 = arith.constant 64 : index
      %get3A_3413 = tpu.vector_load %arg11[%get3A_3411, %get3A_3412] {strides = array<i32>} : memref<20x128xf32, #tpu.memory_space<vmem>>, vector<1x16xf32>,
      %get3A_3414 = vector.shape_cast %get3A_3413 : vector<1x16xf32> to vector<16xf32>
      %mul3A_3415 = arith.mulf %get3A_2111, %get3A_3414 : vector<16xf32>
      %add3A_3416 = arith.addf %add3A_3409, %mul3A_3415 : vector<16xf32>
      %get3A_3417 = arith.constant 17 : i32
      %get3A_3418 = arith.index_cast %get3A_3417 : i32 to index
      %get3A_3419 = arith.constant 96 : index
      %get3A_3420 = tpu.vector_load %arg11[%get3A_3418, %get3A_3419] {strides = array<i32>} : memref<20x128xf32, #tpu.memory_space<vmem>>, vector<1x16xf32>,
      %get3A_3421 = vector.shape_cast %get3A_3420 : vector<1x16xf32> to vector<16xf32>
      %mul3A_3422 = arith.mulf %get3A_2129, %get3A_3421 : vector<16xf32>
      %add3A_3423 = arith.addf %add3A_3416, %mul3A_3422 : vector<16xf32>
      %mul3A_3424 = arith.constant 32 : i32
      %mul3A_3425 = arith.muli %add3A_2060, %mul3A_3424 : i32
      %add3A_3426 = arith.constant 0 : i32
      %add3A_3427 = arith.addi %mul3A_3425, %add3A_3426 : i32
      %swap3A_3428 = arith.constant 17 : i32
      %swap3A_3429 = arith.index_cast %swap3A_3428 : i32 to index
      %swap3A_3430 = arith.index_cast %add3A_3427 : i32 to index
      %swap3A_3431 = tpu.vector_load %arg12[%swap3A_3429, %swap3A_3430] {strides = array<i32>} : memref<20x512xf32, #tpu.memory_space<vmem>>, vector<1x16xf32>,
      %swap3A_3432 = vector.shape_cast %swap3A_3431 : vector<1x16xf32> to vector<16xf32>
      %swap3A_3433 = vector.shape_cast %add3A_3423 : vector<16xf32> to vector<1x16xf32>
      tpu.vector_store %arg12[%swap3A_3429, %swap3A_3430], %swap3A_3433 {strides = array<i32>} : memref<20x512xf32, #tpu.memory_space<vmem>>, vector<1x16xf32>,
      %get3A_3434 = arith.constant 17 : i32
      %get3A_3435 = arith.index_cast %get3A_3434 : i32 to index
      %get3A_3436 = arith.constant 16 : index
      %get3A_3437 = tpu.vector_load %arg11[%get3A_3435, %get3A_3436] {strides = array<i32>} : memref<20x128xf32, #tpu.memory_space<vmem>>, vector<1x16xf32>,
      %get3A_3438 = vector.shape_cast %get3A_3437 : vector<1x16xf32> to vector<16xf32>
      %mul3A_3439 = arith.mulf %get3A_2084, %get3A_3438 : vector<16xf32>
      %get3A_3440 = arith.constant 17 : i32
      %get3A_3441 = arith.index_cast %get3A_3440 : i32 to index
      %get3A_3442 = arith.constant 48 : index
      %get3A_3443 = tpu.vector_load %arg11[%get3A_3441, %get3A_3442] {strides = array<i32>} : memref<20x128xf32, #tpu.memory_space<vmem>>, vector<1x16xf32>,
      %get3A_3444 = vector.shape_cast %get3A_3443 : vector<1x16xf32> to vector<16xf32>
      %mul3A_3445 = arith.mulf %get3A_2102, %get3A_3444 : vector<16xf32>
      %add3A_3446 = arith.addf %mul3A_3439, %mul3A_3445 : vector<16xf32>
      %get3A_3447 = arith.constant 17 : i32
      %get3A_3448 = arith.index_cast %get3A_3447 : i32 to index
      %get3A_3449 = arith.constant 80 : index
      %get3A_3450 = tpu.vector_load %arg11[%get3A_3448, %get3A_3449] {strides = array<i32>} : memref<20x128xf32, #tpu.memory_space<vmem>>, vector<1x16xf32>,
      %get3A_3451 = vector.shape_cast %get3A_3450 : vector<1x16xf32> to vector<16xf32>
      %mul3A_3452 = arith.mulf %get3A_2120, %get3A_3451 : vector<16xf32>
      %add3A_3453 = arith.addf %add3A_3446, %mul3A_3452 : vector<16xf32>
      %get3A_3454 = arith.constant 17 : i32
      %get3A_3455 = arith.index_cast %get3A_3454 : i32 to index
      %get3A_3456 = arith.constant 112 : index
      %get3A_3457 = tpu.vector_load %arg11[%get3A_3455, %get3A_3456] {strides = array<i32>} : memref<20x128xf32, #tpu.memory_space<vmem>>, vector<1x16xf32>,
      %get3A_3458 = vector.shape_cast %get3A_3457 : vector<1x16xf32> to vector<16xf32>
      %mul3A_3459 = arith.mulf %get3A_2138, %get3A_3458 : vector<16xf32>
      %add3A_3460 = arith.addf %add3A_3453, %mul3A_3459 : vector<16xf32>
      %mul3A_3461 = arith.constant 32 : i32
      %mul3A_3462 = arith.muli %add3A_2060, %mul3A_3461 : i32
      %add3A_3463 = arith.constant 16 : i32
      %add3A_3464 = arith.addi %mul3A_3462, %add3A_3463 : i32
      %swap3A_3465 = arith.constant 17 : i32
      %swap3A_3466 = arith.index_cast %swap3A_3465 : i32 to index
      %swap3A_3467 = arith.index_cast %add3A_3464 : i32 to index
      %swap3A_3468 = tpu.vector_load %arg12[%swap3A_3466, %swap3A_3467] {strides = array<i32>} : memref<20x512xf32, #tpu.memory_space<vmem>>, vector<1x16xf32>,
      %swap3A_3469 = vector.shape_cast %swap3A_3468 : vector<1x16xf32> to vector<16xf32>
      %swap3A_3470 = vector.shape_cast %add3A_3460 : vector<16xf32> to vector<1x16xf32>
      tpu.vector_store %arg12[%swap3A_3466, %swap3A_3467], %swap3A_3470 {strides = array<i32>} : memref<20x512xf32, #tpu.memory_space<vmem>>, vector<1x16xf32>,
      %get3A_3471 = arith.constant 18 : i32
      %get3A_3472 = arith.index_cast %get3A_3471 : i32 to index
      %get3A_3473 = arith.constant 0 : index
      %get3A_3474 = tpu.vector_load %arg11[%get3A_3472, %get3A_3473] {strides = array<i32>} : memref<20x128xf32, #tpu.memory_space<vmem>>, vector<1x16xf32>,
      %get3A_3475 = vector.shape_cast %get3A_3474 : vector<1x16xf32> to vector<16xf32>
      %mul3A_3476 = arith.mulf %get3A_2075, %get3A_3475 : vector<16xf32>
      %get3A_3477 = arith.constant 18 : i32
      %get3A_3478 = arith.index_cast %get3A_3477 : i32 to index
      %get3A_3479 = arith.constant 32 : index
      %get3A_3480 = tpu.vector_load %arg11[%get3A_3478, %get3A_3479] {strides = array<i32>} : memref<20x128xf32, #tpu.memory_space<vmem>>, vector<1x16xf32>,
      %get3A_3481 = vector.shape_cast %get3A_3480 : vector<1x16xf32> to vector<16xf32>
      %mul3A_3482 = arith.mulf %get3A_2093, %get3A_3481 : vector<16xf32>
      %add3A_3483 = arith.addf %mul3A_3476, %mul3A_3482 : vector<16xf32>
      %get3A_3484 = arith.constant 18 : i32
      %get3A_3485 = arith.index_cast %get3A_3484 : i32 to index
      %get3A_3486 = arith.constant 64 : index
      %get3A_3487 = tpu.vector_load %arg11[%get3A_3485, %get3A_3486] {strides = array<i32>} : memref<20x128xf32, #tpu.memory_space<vmem>>, vector<1x16xf32>,
      %get3A_3488 = vector.shape_cast %get3A_3487 : vector<1x16xf32> to vector<16xf32>
      %mul3A_3489 = arith.mulf %get3A_2111, %get3A_3488 : vector<16xf32>
      %add3A_3490 = arith.addf %add3A_3483, %mul3A_3489 : vector<16xf32>
      %get3A_3491 = arith.constant 18 : i32
      %get3A_3492 = arith.index_cast %get3A_3491 : i32 to index
      %get3A_3493 = arith.constant 96 : index
      %get3A_3494 = tpu.vector_load %arg11[%get3A_3492, %get3A_3493] {strides = array<i32>} : memref<20x128xf32, #tpu.memory_space<vmem>>, vector<1x16xf32>,
      %get3A_3495 = vector.shape_cast %get3A_3494 : vector<1x16xf32> to vector<16xf32>
      %mul3A_3496 = arith.mulf %get3A_2129, %get3A_3495 : vector<16xf32>
      %add3A_3497 = arith.addf %add3A_3490, %mul3A_3496 : vector<16xf32>
      %mul3A_3498 = arith.constant 32 : i32
      %mul3A_3499 = arith.muli %add3A_2060, %mul3A_3498 : i32
      %add3A_3500 = arith.constant 0 : i32
      %add3A_3501 = arith.addi %mul3A_3499, %add3A_3500 : i32
      %swap3A_3502 = arith.constant 18 : i32
      %swap3A_3503 = arith.index_cast %swap3A_3502 : i32 to index
      %swap3A_3504 = arith.index_cast %add3A_3501 : i32 to index
      %swap3A_3505 = tpu.vector_load %arg12[%swap3A_3503, %swap3A_3504] {strides = array<i32>} : memref<20x512xf32, #tpu.memory_space<vmem>>, vector<1x16xf32>,
      %swap3A_3506 = vector.shape_cast %swap3A_3505 : vector<1x16xf32> to vector<16xf32>
      %swap3A_3507 = vector.shape_cast %add3A_3497 : vector<16xf32> to vector<1x16xf32>
      tpu.vector_store %arg12[%swap3A_3503, %swap3A_3504], %swap3A_3507 {strides = array<i32>} : memref<20x512xf32, #tpu.memory_space<vmem>>, vector<1x16xf32>,
      %get3A_3508 = arith.constant 18 : i32
      %get3A_3509 = arith.index_cast %get3A_3508 : i32 to index
      %get3A_3510 = arith.constant 16 : index
      %get3A_3511 = tpu.vector_load %arg11[%get3A_3509, %get3A_3510] {strides = array<i32>} : memref<20x128xf32, #tpu.memory_space<vmem>>, vector<1x16xf32>,
      %get3A_3512 = vector.shape_cast %get3A_3511 : vector<1x16xf32> to vector<16xf32>
      %mul3A_3513 = arith.mulf %get3A_2084, %get3A_3512 : vector<16xf32>
      %get3A_3514 = arith.constant 18 : i32
      %get3A_3515 = arith.index_cast %get3A_3514 : i32 to index
      %get3A_3516 = arith.constant 48 : index
      %get3A_3517 = tpu.vector_load %arg11[%get3A_3515, %get3A_3516] {strides = array<i32>} : memref<20x128xf32, #tpu.memory_space<vmem>>, vector<1x16xf32>,
      %get3A_3518 = vector.shape_cast %get3A_3517 : vector<1x16xf32> to vector<16xf32>
      %mul3A_3519 = arith.mulf %get3A_2102, %get3A_3518 : vector<16xf32>
      %add3A_3520 = arith.addf %mul3A_3513, %mul3A_3519 : vector<16xf32>
      %get3A_3521 = arith.constant 18 : i32
      %get3A_3522 = arith.index_cast %get3A_3521 : i32 to index
      %get3A_3523 = arith.constant 80 : index
      %get3A_3524 = tpu.vector_load %arg11[%get3A_3522, %get3A_3523] {strides = array<i32>} : memref<20x128xf32, #tpu.memory_space<vmem>>, vector<1x16xf32>,
      %get3A_3525 = vector.shape_cast %get3A_3524 : vector<1x16xf32> to vector<16xf32>
      %mul3A_3526 = arith.mulf %get3A_2120, %get3A_3525 : vector<16xf32>
      %add3A_3527 = arith.addf %add3A_3520, %mul3A_3526 : vector<16xf32>
      %get3A_3528 = arith.constant 18 : i32
      %get3A_3529 = arith.index_cast %get3A_3528 : i32 to index
      %get3A_3530 = arith.constant 112 : index
      %get3A_3531 = tpu.vector_load %arg11[%get3A_3529, %get3A_3530] {strides = array<i32>} : memref<20x128xf32, #tpu.memory_space<vmem>>, vector<1x16xf32>,
      %get3A_3532 = vector.shape_cast %get3A_3531 : vector<1x16xf32> to vector<16xf32>
      %mul3A_3533 = arith.mulf %get3A_2138, %get3A_3532 : vector<16xf32>
      %add3A_3534 = arith.addf %add3A_3527, %mul3A_3533 : vector<16xf32>
      %mul3A_3535 = arith.constant 32 : i32
      %mul3A_3536 = arith.muli %add3A_2060, %mul3A_3535 : i32
      %add3A_3537 = arith.constant 16 : i32
      %add3A_3538 = arith.addi %mul3A_3536, %add3A_3537 : i32
      %swap3A_3539 = arith.constant 18 : i32
      %swap3A_3540 = arith.index_cast %swap3A_3539 : i32 to index
      %swap3A_3541 = arith.index_cast %add3A_3538 : i32 to index
      %swap3A_3542 = tpu.vector_load %arg12[%swap3A_3540, %swap3A_3541] {strides = array<i32>} : memref<20x512xf32, #tpu.memory_space<vmem>>, vector<1x16xf32>,
      %swap3A_3543 = vector.shape_cast %swap3A_3542 : vector<1x16xf32> to vector<16xf32>
      %swap3A_3544 = vector.shape_cast %add3A_3534 : vector<16xf32> to vector<1x16xf32>
      tpu.vector_store %arg12[%swap3A_3540, %swap3A_3541], %swap3A_3544 {strides = array<i32>} : memref<20x512xf32, #tpu.memory_space<vmem>>, vector<1x16xf32>,
      %get3A_3545 = arith.constant 19 : i32
      %get3A_3546 = arith.index_cast %get3A_3545 : i32 to index
      %get3A_3547 = arith.constant 0 : index
      %get3A_3548 = tpu.vector_load %arg11[%get3A_3546, %get3A_3547] {strides = array<i32>} : memref<20x128xf32, #tpu.memory_space<vmem>>, vector<1x16xf32>,
      %get3A_3549 = vector.shape_cast %get3A_3548 : vector<1x16xf32> to vector<16xf32>
      %mul3A_3550 = arith.mulf %get3A_2075, %get3A_3549 : vector<16xf32>
      %get3A_3551 = arith.constant 19 : i32
      %get3A_3552 = arith.index_cast %get3A_3551 : i32 to index
      %get3A_3553 = arith.constant 32 : index
      %get3A_3554 = tpu.vector_load %arg11[%get3A_3552, %get3A_3553] {strides = array<i32>} : memref<20x128xf32, #tpu.memory_space<vmem>>, vector<1x16xf32>,
      %get3A_3555 = vector.shape_cast %get3A_3554 : vector<1x16xf32> to vector<16xf32>
      %mul3A_3556 = arith.mulf %get3A_2093, %get3A_3555 : vector<16xf32>
      %add3A_3557 = arith.addf %mul3A_3550, %mul3A_3556 : vector<16xf32>
      %get3A_3558 = arith.constant 19 : i32
      %get3A_3559 = arith.index_cast %get3A_3558 : i32 to index
      %get3A_3560 = arith.constant 64 : index
      %get3A_3561 = tpu.vector_load %arg11[%get3A_3559, %get3A_3560] {strides = array<i32>} : memref<20x128xf32, #tpu.memory_space<vmem>>, vector<1x16xf32>,
      %get3A_3562 = vector.shape_cast %get3A_3561 : vector<1x16xf32> to vector<16xf32>
      %mul3A_3563 = arith.mulf %get3A_2111, %get3A_3562 : vector<16xf32>
      %add3A_3564 = arith.addf %add3A_3557, %mul3A_3563 : vector<16xf32>
      %get3A_3565 = arith.constant 19 : i32
      %get3A_3566 = arith.index_cast %get3A_3565 : i32 to index
      %get3A_3567 = arith.constant 96 : index
      %get3A_3568 = tpu.vector_load %arg11[%get3A_3566, %get3A_3567] {strides = array<i32>} : memref<20x128xf32, #tpu.memory_space<vmem>>, vector<1x16xf32>,
      %get3A_3569 = vector.shape_cast %get3A_3568 : vector<1x16xf32> to vector<16xf32>
      %mul3A_3570 = arith.mulf %get3A_2129, %get3A_3569 : vector<16xf32>
      %add3A_3571 = arith.addf %add3A_3564, %mul3A_3570 : vector<16xf32>
      %mul3A_3572 = arith.constant 32 : i32
      %mul3A_3573 = arith.muli %add3A_2060, %mul3A_3572 : i32
      %add3A_3574 = arith.constant 0 : i32
      %add3A_3575 = arith.addi %mul3A_3573, %add3A_3574 : i32
      %swap3A_3576 = arith.constant 19 : i32
      %swap3A_3577 = arith.index_cast %swap3A_3576 : i32 to index
      %swap3A_3578 = arith.index_cast %add3A_3575 : i32 to index
      %swap3A_3579 = tpu.vector_load %arg12[%swap3A_3577, %swap3A_3578] {strides = array<i32>} : memref<20x512xf32, #tpu.memory_space<vmem>>, vector<1x16xf32>,
      %swap3A_3580 = vector.shape_cast %swap3A_3579 : vector<1x16xf32> to vector<16xf32>
      %swap3A_3581 = vector.shape_cast %add3A_3571 : vector<16xf32> to vector<1x16xf32>
      tpu.vector_store %arg12[%swap3A_3577, %swap3A_3578], %swap3A_3581 {strides = array<i32>} : memref<20x512xf32, #tpu.memory_space<vmem>>, vector<1x16xf32>,
      %get3A_3582 = arith.constant 19 : i32
      %get3A_3583 = arith.index_cast %get3A_3582 : i32 to index
      %get3A_3584 = arith.constant 16 : index
      %get3A_3585 = tpu.vector_load %arg11[%get3A_3583, %get3A_3584] {strides = array<i32>} : memref<20x128xf32, #tpu.memory_space<vmem>>, vector<1x16xf32>,
      %get3A_3586 = vector.shape_cast %get3A_3585 : vector<1x16xf32> to vector<16xf32>
      %mul3A_3587 = arith.mulf %get3A_2084, %get3A_3586 : vector<16xf32>
      %get3A_3588 = arith.constant 19 : i32
      %get3A_3589 = arith.index_cast %get3A_3588 : i32 to index
      %get3A_3590 = arith.constant 48 : index
      %get3A_3591 = tpu.vector_load %arg11[%get3A_3589, %get3A_3590] {strides = array<i32>} : memref<20x128xf32, #tpu.memory_space<vmem>>, vector<1x16xf32>,
      %get3A_3592 = vector.shape_cast %get3A_3591 : vector<1x16xf32> to vector<16xf32>
      %mul3A_3593 = arith.mulf %get3A_2102, %get3A_3592 : vector<16xf32>
      %add3A_3594 = arith.addf %mul3A_3587, %mul3A_3593 : vector<16xf32>
      %get3A_3595 = arith.constant 19 : i32
      %get3A_3596 = arith.index_cast %get3A_3595 : i32 to index
      %get3A_3597 = arith.constant 80 : index
      %get3A_3598 = tpu.vector_load %arg11[%get3A_3596, %get3A_3597] {strides = array<i32>} : memref<20x128xf32, #tpu.memory_space<vmem>>, vector<1x16xf32>,
      %get3A_3599 = vector.shape_cast %get3A_3598 : vector<1x16xf32> to vector<16xf32>
      %mul3A_3600 = arith.mulf %get3A_2120, %get3A_3599 : vector<16xf32>
      %add3A_3601 = arith.addf %add3A_3594, %mul3A_3600 : vector<16xf32>
      %get3A_3602 = arith.constant 19 : i32
      %get3A_3603 = arith.index_cast %get3A_3602 : i32 to index
      %get3A_3604 = arith.constant 112 : index
      %get3A_3605 = tpu.vector_load %arg11[%get3A_3603, %get3A_3604] {strides = array<i32>} : memref<20x128xf32, #tpu.memory_space<vmem>>, vector<1x16xf32>,
      %get3A_3606 = vector.shape_cast %get3A_3605 : vector<1x16xf32> to vector<16xf32>
      %mul3A_3607 = arith.mulf %get3A_2138, %get3A_3606 : vector<16xf32>
      %add3A_3608 = arith.addf %add3A_3601, %mul3A_3607 : vector<16xf32>
      %mul3A_3609 = arith.constant 32 : i32
      %mul3A_3610 = arith.muli %add3A_2060, %mul3A_3609 : i32
      %add3A_3611 = arith.constant 16 : i32
      %add3A_3612 = arith.addi %mul3A_3610, %add3A_3611 : i32
      %swap3A_3613 = arith.constant 19 : i32
      %swap3A_3614 = arith.index_cast %swap3A_3613 : i32 to index
      %swap3A_3615 = arith.index_cast %add3A_3612 : i32 to index
      %swap3A_3616 = tpu.vector_load %arg12[%swap3A_3614, %swap3A_3615] {strides = array<i32>} : memref<20x512xf32, #tpu.memory_space<vmem>>, vector<1x16xf32>,
      %swap3A_3617 = vector.shape_cast %swap3A_3616 : vector<1x16xf32> to vector<16xf32>
      %swap3A_3618 = vector.shape_cast %add3A_3608 : vector<16xf32> to vector<1x16xf32>
      tpu.vector_store %arg12[%swap3A_3614, %swap3A_3615], %swap3A_3618 {strides = array<i32>} : memref<20x512xf32, #tpu.memory_space<vmem>>, vector<1x16xf32>,
      %add3A_3619 = arith.constant 2 : i32
      %add3A_3620 = arith.addi %add3A_2060, %add3A_3619 : i32
      %lt3A_3621 = arith.constant 16 : i32
      %lt3A_3622 = arith.cmpi slt, %add3A_3620, %lt3A_3621 : i32
      %convert_element_type3A_3623 = arith.extui %lt3A_3622 : i1 to i32
      %cond3A_3624 = arith.constant 0 : i32
      %cond3A_3625 = arith.cmpi ne, %convert_element_type3A_3623, %cond3A_3624 : i32
      scf.if %cond3A_3625 {
        %add3A_3626 = arith.constant 2 : i32
        %add3A_3627 = arith.addi %add3A_2060, %add3A_3626 : i32
        %dma_start3A_3628 = arith.constant 0 : i32
        %dma_start3A_3629 = arith.constant 0 : i32
        %dma_start3A_3630 = tpu.memref_slice %arg11[%dma_start3A_3628, %dma_start3A_3629] : memref<20x128xf32, #tpu.memory_space<vmem>> -> memref<1x128xf32, #tpu.memory_space<vmem>>
        %dma_start3A_3631 = tpu.memref_squeeze %dma_start3A_3630 : memref<1x128xf32, #tpu.memory_space<vmem>> -> memref<128xf32, #tpu.memory_space<vmem>>
        %dma_start3A_3632 = arith.constant 0 : i32
        %dma_start3A_3633 = tpu.memref_slice %arg8[%add3A_3627, %dma_start3A_3632] : memref<16x128xi32, #tpu.memory_space<vmem>> -> memref<1x128xi32, #tpu.memory_space<vmem>>
        %dma_start3A_3634 = tpu.memref_squeeze %dma_start3A_3633 : memref<1x128xi32, #tpu.memory_space<vmem>> -> memref<128xi32, #tpu.memory_space<vmem>>
        %dma_start3A_3635 = arith.constant 0 : i32
        %dma_start3A_3636 = tpu.memref_slice %arg4[%dma_start3A_3635] : memref<46656000xf32, #tpu.memory_space<hbm>> -> memref<2332800xf32, #tpu.memory_space<hbm>>
        %dma_start3A_3637 = arith.constant 0 : i32
        %dma_start3A_3638 = tpu.memref_slice %dma_start3A_3636[%dma_start3A_3637] : memref<2332800xf32, #tpu.memory_space<hbm>> -> memref<2332800xf32, #tpu.memory_space<hbm>>
        tpu.enqueue_indirect_dma source(%dma_start3A_3638 : memref<2332800xf32, #tpu.memory_space<hbm>>) target(%dma_start3A_3631 : memref<128xf32, #tpu.memory_space<vmem>>) offsets(%dma_start3A_3634 : memref<128xi32, #tpu.memory_space<vmem>>) semaphore(%arg14 : memref<!tpu.dma_semaphore, #tpu.memory_space<semaphore_mem>>)
        %dma_start3A_3639 = arith.constant 1 : i32
        %dma_start3A_3640 = arith.constant 0 : i32
        %dma_start3A_3641 = tpu.memref_slice %arg11[%dma_start3A_3639, %dma_start3A_3640] : memref<20x128xf32, #tpu.memory_space<vmem>> -> memref<1x128xf32, #tpu.memory_space<vmem>>
        %dma_start3A_3642 = tpu.memref_squeeze %dma_start3A_3641 : memref<1x128xf32, #tpu.memory_space<vmem>> -> memref<128xf32, #tpu.memory_space<vmem>>
        %dma_start3A_3643 = arith.constant 0 : i32
        %dma_start3A_3644 = tpu.memref_slice %arg8[%add3A_3627, %dma_start3A_3643] : memref<16x128xi32, #tpu.memory_space<vmem>> -> memref<1x128xi32, #tpu.memory_space<vmem>>
        %dma_start3A_3645 = tpu.memref_squeeze %dma_start3A_3644 : memref<1x128xi32, #tpu.memory_space<vmem>> -> memref<128xi32, #tpu.memory_space<vmem>>
        %dma_start3A_3646 = arith.constant 2332800 : i32
        %dma_start3A_3647 = tpu.memref_slice %arg4[%dma_start3A_3646] : memref<46656000xf32, #tpu.memory_space<hbm>> -> memref<2332800xf32, #tpu.memory_space<hbm>>
        %dma_start3A_3648 = arith.constant 0 : i32
        %dma_start3A_3649 = tpu.memref_slice %dma_start3A_3647[%dma_start3A_3648] : memref<2332800xf32, #tpu.memory_space<hbm>> -> memref<2332800xf32, #tpu.memory_space<hbm>>
        tpu.enqueue_indirect_dma source(%dma_start3A_3649 : memref<2332800xf32, #tpu.memory_space<hbm>>) target(%dma_start3A_3642 : memref<128xf32, #tpu.memory_space<vmem>>) offsets(%dma_start3A_3645 : memref<128xi32, #tpu.memory_space<vmem>>) semaphore(%arg14 : memref<!tpu.dma_semaphore, #tpu.memory_space<semaphore_mem>>)
        %dma_start3A_3650 = arith.constant 2 : i32
        %dma_start3A_3651 = arith.constant 0 : i32
        %dma_start3A_3652 = tpu.memref_slice %arg11[%dma_start3A_3650, %dma_start3A_3651] : memref<20x128xf32, #tpu.memory_space<vmem>> -> memref<1x128xf32, #tpu.memory_space<vmem>>
        %dma_start3A_3653 = tpu.memref_squeeze %dma_start3A_3652 : memref<1x128xf32, #tpu.memory_space<vmem>> -> memref<128xf32, #tpu.memory_space<vmem>>
        %dma_start3A_3654 = arith.constant 0 : i32
        %dma_start3A_3655 = tpu.memref_slice %arg8[%add3A_3627, %dma_start3A_3654] : memref<16x128xi32, #tpu.memory_space<vmem>> -> memref<1x128xi32, #tpu.memory_space<vmem>>
        %dma_start3A_3656 = tpu.memref_squeeze %dma_start3A_3655 : memref<1x128xi32, #tpu.memory_space<vmem>> -> memref<128xi32, #tpu.memory_space<vmem>>
        %dma_start3A_3657 = arith.constant 4665600 : i32
        %dma_start3A_3658 = tpu.memref_slice %arg4[%dma_start3A_3657] : memref<46656000xf32, #tpu.memory_space<hbm>> -> memref<2332800xf32, #tpu.memory_space<hbm>>
        %dma_start3A_3659 = arith.constant 0 : i32
        %dma_start3A_3660 = tpu.memref_slice %dma_start3A_3658[%dma_start3A_3659] : memref<2332800xf32, #tpu.memory_space<hbm>> -> memref<2332800xf32, #tpu.memory_space<hbm>>
        tpu.enqueue_indirect_dma source(%dma_start3A_3660 : memref<2332800xf32, #tpu.memory_space<hbm>>) target(%dma_start3A_3653 : memref<128xf32, #tpu.memory_space<vmem>>) offsets(%dma_start3A_3656 : memref<128xi32, #tpu.memory_space<vmem>>) semaphore(%arg14 : memref<!tpu.dma_semaphore, #tpu.memory_space<semaphore_mem>>)
        %dma_start3A_3661 = arith.constant 3 : i32
        %dma_start3A_3662 = arith.constant 0 : i32
        %dma_start3A_3663 = tpu.memref_slice %arg11[%dma_start3A_3661, %dma_start3A_3662] : memref<20x128xf32, #tpu.memory_space<vmem>> -> memref<1x128xf32, #tpu.memory_space<vmem>>
        %dma_start3A_3664 = tpu.memref_squeeze %dma_start3A_3663 : memref<1x128xf32, #tpu.memory_space<vmem>> -> memref<128xf32, #tpu.memory_space<vmem>>
        %dma_start3A_3665 = arith.constant 0 : i32
        %dma_start3A_3666 = tpu.memref_slice %arg8[%add3A_3627, %dma_start3A_3665] : memref<16x128xi32, #tpu.memory_space<vmem>> -> memref<1x128xi32, #tpu.memory_space<vmem>>
        %dma_start3A_3667 = tpu.memref_squeeze %dma_start3A_3666 : memref<1x128xi32, #tpu.memory_space<vmem>> -> memref<128xi32, #tpu.memory_space<vmem>>
        %dma_start3A_3668 = arith.constant 6998400 : i32
        %dma_start3A_3669 = tpu.memref_slice %arg4[%dma_start3A_3668] : memref<46656000xf32, #tpu.memory_space<hbm>> -> memref<2332800xf32, #tpu.memory_space<hbm>>
        %dma_start3A_3670 = arith.constant 0 : i32
        %dma_start3A_3671 = tpu.memref_slice %dma_start3A_3669[%dma_start3A_3670] : memref<2332800xf32, #tpu.memory_space<hbm>> -> memref<2332800xf32, #tpu.memory_space<hbm>>
        tpu.enqueue_indirect_dma source(%dma_start3A_3671 : memref<2332800xf32, #tpu.memory_space<hbm>>) target(%dma_start3A_3664 : memref<128xf32, #tpu.memory_space<vmem>>) offsets(%dma_start3A_3667 : memref<128xi32, #tpu.memory_space<vmem>>) semaphore(%arg14 : memref<!tpu.dma_semaphore, #tpu.memory_space<semaphore_mem>>)
        %dma_start3A_3672 = arith.constant 4 : i32
        %dma_start3A_3673 = arith.constant 0 : i32
        %dma_start3A_3674 = tpu.memref_slice %arg11[%dma_start3A_3672, %dma_start3A_3673] : memref<20x128xf32, #tpu.memory_space<vmem>> -> memref<1x128xf32, #tpu.memory_space<vmem>>
        %dma_start3A_3675 = tpu.memref_squeeze %dma_start3A_3674 : memref<1x128xf32, #tpu.memory_space<vmem>> -> memref<128xf32, #tpu.memory_space<vmem>>
        %dma_start3A_3676 = arith.constant 0 : i32
        %dma_start3A_3677 = tpu.memref_slice %arg8[%add3A_3627, %dma_start3A_3676] : memref<16x128xi32, #tpu.memory_space<vmem>> -> memref<1x128xi32, #tpu.memory_space<vmem>>
        %dma_start3A_3678 = tpu.memref_squeeze %dma_start3A_3677 : memref<1x128xi32, #tpu.memory_space<vmem>> -> memref<128xi32, #tpu.memory_space<vmem>>
        %dma_start3A_3679 = arith.constant 9331200 : i32
        %dma_start3A_3680 = tpu.memref_slice %arg4[%dma_start3A_3679] : memref<46656000xf32, #tpu.memory_space<hbm>> -> memref<2332800xf32, #tpu.memory_space<hbm>>
        %dma_start3A_3681 = arith.constant 0 : i32
        %dma_start3A_3682 = tpu.memref_slice %dma_start3A_3680[%dma_start3A_3681] : memref<2332800xf32, #tpu.memory_space<hbm>> -> memref<2332800xf32, #tpu.memory_space<hbm>>
        tpu.enqueue_indirect_dma source(%dma_start3A_3682 : memref<2332800xf32, #tpu.memory_space<hbm>>) target(%dma_start3A_3675 : memref<128xf32, #tpu.memory_space<vmem>>) offsets(%dma_start3A_3678 : memref<128xi32, #tpu.memory_space<vmem>>) semaphore(%arg14 : memref<!tpu.dma_semaphore, #tpu.memory_space<semaphore_mem>>)
        %dma_start3A_3683 = arith.constant 5 : i32
        %dma_start3A_3684 = arith.constant 0 : i32
        %dma_start3A_3685 = tpu.memref_slice %arg11[%dma_start3A_3683, %dma_start3A_3684] : memref<20x128xf32, #tpu.memory_space<vmem>> -> memref<1x128xf32, #tpu.memory_space<vmem>>
        %dma_start3A_3686 = tpu.memref_squeeze %dma_start3A_3685 : memref<1x128xf32, #tpu.memory_space<vmem>> -> memref<128xf32, #tpu.memory_space<vmem>>
        %dma_start3A_3687 = arith.constant 0 : i32
        %dma_start3A_3688 = tpu.memref_slice %arg8[%add3A_3627, %dma_start3A_3687] : memref<16x128xi32, #tpu.memory_space<vmem>> -> memref<1x128xi32, #tpu.memory_space<vmem>>
        %dma_start3A_3689 = tpu.memref_squeeze %dma_start3A_3688 : memref<1x128xi32, #tpu.memory_space<vmem>> -> memref<128xi32, #tpu.memory_space<vmem>>
        %dma_start3A_3690 = arith.constant 11664000 : i32
        %dma_start3A_3691 = tpu.memref_slice %arg4[%dma_start3A_3690] : memref<46656000xf32, #tpu.memory_space<hbm>> -> memref<2332800xf32, #tpu.memory_space<hbm>>
        %dma_start3A_3692 = arith.constant 0 : i32
        %dma_start3A_3693 = tpu.memref_slice %dma_start3A_3691[%dma_start3A_3692] : memref<2332800xf32, #tpu.memory_space<hbm>> -> memref<2332800xf32, #tpu.memory_space<hbm>>
        tpu.enqueue_indirect_dma source(%dma_start3A_3693 : memref<2332800xf32, #tpu.memory_space<hbm>>) target(%dma_start3A_3686 : memref<128xf32, #tpu.memory_space<vmem>>) offsets(%dma_start3A_3689 : memref<128xi32, #tpu.memory_space<vmem>>) semaphore(%arg14 : memref<!tpu.dma_semaphore, #tpu.memory_space<semaphore_mem>>)
        %dma_start3A_3694 = arith.constant 6 : i32
        %dma_start3A_3695 = arith.constant 0 : i32
        %dma_start3A_3696 = tpu.memref_slice %arg11[%dma_start3A_3694, %dma_start3A_3695] : memref<20x128xf32, #tpu.memory_space<vmem>> -> memref<1x128xf32, #tpu.memory_space<vmem>>
        %dma_start3A_3697 = tpu.memref_squeeze %dma_start3A_3696 : memref<1x128xf32, #tpu.memory_space<vmem>> -> memref<128xf32, #tpu.memory_space<vmem>>
        %dma_start3A_3698 = arith.constant 0 : i32
        %dma_start3A_3699 = tpu.memref_slice %arg8[%add3A_3627, %dma_start3A_3698] : memref<16x128xi32, #tpu.memory_space<vmem>> -> memref<1x128xi32, #tpu.memory_space<vmem>>
        %dma_start3A_3700 = tpu.memref_squeeze %dma_start3A_3699 : memref<1x128xi32, #tpu.memory_space<vmem>> -> memref<128xi32, #tpu.memory_space<vmem>>
        %dma_start3A_3701 = arith.constant 13996800 : i32
        %dma_start3A_3702 = tpu.memref_slice %arg4[%dma_start3A_3701] : memref<46656000xf32, #tpu.memory_space<hbm>> -> memref<2332800xf32, #tpu.memory_space<hbm>>
        %dma_start3A_3703 = arith.constant 0 : i32
        %dma_start3A_3704 = tpu.memref_slice %dma_start3A_3702[%dma_start3A_3703] : memref<2332800xf32, #tpu.memory_space<hbm>> -> memref<2332800xf32, #tpu.memory_space<hbm>>
        tpu.enqueue_indirect_dma source(%dma_start3A_3704 : memref<2332800xf32, #tpu.memory_space<hbm>>) target(%dma_start3A_3697 : memref<128xf32, #tpu.memory_space<vmem>>) offsets(%dma_start3A_3700 : memref<128xi32, #tpu.memory_space<vmem>>) semaphore(%arg14 : memref<!tpu.dma_semaphore, #tpu.memory_space<semaphore_mem>>)
        %dma_start3A_3705 = arith.constant 7 : i32
        %dma_start3A_3706 = arith.constant 0 : i32
        %dma_start3A_3707 = tpu.memref_slice %arg11[%dma_start3A_3705, %dma_start3A_3706] : memref<20x128xf32, #tpu.memory_space<vmem>> -> memref<1x128xf32, #tpu.memory_space<vmem>>
        %dma_start3A_3708 = tpu.memref_squeeze %dma_start3A_3707 : memref<1x128xf32, #tpu.memory_space<vmem>> -> memref<128xf32, #tpu.memory_space<vmem>>
        %dma_start3A_3709 = arith.constant 0 : i32
        %dma_start3A_3710 = tpu.memref_slice %arg8[%add3A_3627, %dma_start3A_3709] : memref<16x128xi32, #tpu.memory_space<vmem>> -> memref<1x128xi32, #tpu.memory_space<vmem>>
        %dma_start3A_3711 = tpu.memref_squeeze %dma_start3A_3710 : memref<1x128xi32, #tpu.memory_space<vmem>> -> memref<128xi32, #tpu.memory_space<vmem>>
        %dma_start3A_3712 = arith.constant 16329600 : i32
        %dma_start3A_3713 = tpu.memref_slice %arg4[%dma_start3A_3712] : memref<46656000xf32, #tpu.memory_space<hbm>> -> memref<2332800xf32, #tpu.memory_space<hbm>>
        %dma_start3A_3714 = arith.constant 0 : i32
        %dma_start3A_3715 = tpu.memref_slice %dma_start3A_3713[%dma_start3A_3714] : memref<2332800xf32, #tpu.memory_space<hbm>> -> memref<2332800xf32, #tpu.memory_space<hbm>>
        tpu.enqueue_indirect_dma source(%dma_start3A_3715 : memref<2332800xf32, #tpu.memory_space<hbm>>) target(%dma_start3A_3708 : memref<128xf32, #tpu.memory_space<vmem>>) offsets(%dma_start3A_3711 : memref<128xi32, #tpu.memory_space<vmem>>) semaphore(%arg14 : memref<!tpu.dma_semaphore, #tpu.memory_space<semaphore_mem>>)
        %dma_start3A_3716 = arith.constant 8 : i32
        %dma_start3A_3717 = arith.constant 0 : i32
        %dma_start3A_3718 = tpu.memref_slice %arg11[%dma_start3A_3716, %dma_start3A_3717] : memref<20x128xf32, #tpu.memory_space<vmem>> -> memref<1x128xf32, #tpu.memory_space<vmem>>
        %dma_start3A_3719 = tpu.memref_squeeze %dma_start3A_3718 : memref<1x128xf32, #tpu.memory_space<vmem>> -> memref<128xf32, #tpu.memory_space<vmem>>
        %dma_start3A_3720 = arith.constant 0 : i32
        %dma_start3A_3721 = tpu.memref_slice %arg8[%add3A_3627, %dma_start3A_3720] : memref<16x128xi32, #tpu.memory_space<vmem>> -> memref<1x128xi32, #tpu.memory_space<vmem>>
        %dma_start3A_3722 = tpu.memref_squeeze %dma_start3A_3721 : memref<1x128xi32, #tpu.memory_space<vmem>> -> memref<128xi32, #tpu.memory_space<vmem>>
        %dma_start3A_3723 = arith.constant 18662400 : i32
        %dma_start3A_3724 = tpu.memref_slice %arg4[%dma_start3A_3723] : memref<46656000xf32, #tpu.memory_space<hbm>> -> memref<2332800xf32, #tpu.memory_space<hbm>>
        %dma_start3A_3725 = arith.constant 0 : i32
        %dma_start3A_3726 = tpu.memref_slice %dma_start3A_3724[%dma_start3A_3725] : memref<2332800xf32, #tpu.memory_space<hbm>> -> memref<2332800xf32, #tpu.memory_space<hbm>>
        tpu.enqueue_indirect_dma source(%dma_start3A_3726 : memref<2332800xf32, #tpu.memory_space<hbm>>) target(%dma_start3A_3719 : memref<128xf32, #tpu.memory_space<vmem>>) offsets(%dma_start3A_3722 : memref<128xi32, #tpu.memory_space<vmem>>) semaphore(%arg14 : memref<!tpu.dma_semaphore, #tpu.memory_space<semaphore_mem>>)
        %dma_start3A_3727 = arith.constant 9 : i32
        %dma_start3A_3728 = arith.constant 0 : i32
        %dma_start3A_3729 = tpu.memref_slice %arg11[%dma_start3A_3727, %dma_start3A_3728] : memref<20x128xf32, #tpu.memory_space<vmem>> -> memref<1x128xf32, #tpu.memory_space<vmem>>
        %dma_start3A_3730 = tpu.memref_squeeze %dma_start3A_3729 : memref<1x128xf32, #tpu.memory_space<vmem>> -> memref<128xf32, #tpu.memory_space<vmem>>
        %dma_start3A_3731 = arith.constant 0 : i32
        %dma_start3A_3732 = tpu.memref_slice %arg8[%add3A_3627, %dma_start3A_3731] : memref<16x128xi32, #tpu.memory_space<vmem>> -> memref<1x128xi32, #tpu.memory_space<vmem>>
        %dma_start3A_3733 = tpu.memref_squeeze %dma_start3A_3732 : memref<1x128xi32, #tpu.memory_space<vmem>> -> memref<128xi32, #tpu.memory_space<vmem>>
        %dma_start3A_3734 = arith.constant 20995200 : i32
        %dma_start3A_3735 = tpu.memref_slice %arg4[%dma_start3A_3734] : memref<46656000xf32, #tpu.memory_space<hbm>> -> memref<2332800xf32, #tpu.memory_space<hbm>>
        %dma_start3A_3736 = arith.constant 0 : i32
        %dma_start3A_3737 = tpu.memref_slice %dma_start3A_3735[%dma_start3A_3736] : memref<2332800xf32, #tpu.memory_space<hbm>> -> memref<2332800xf32, #tpu.memory_space<hbm>>
        tpu.enqueue_indirect_dma source(%dma_start3A_3737 : memref<2332800xf32, #tpu.memory_space<hbm>>) target(%dma_start3A_3730 : memref<128xf32, #tpu.memory_space<vmem>>) offsets(%dma_start3A_3733 : memref<128xi32, #tpu.memory_space<vmem>>) semaphore(%arg14 : memref<!tpu.dma_semaphore, #tpu.memory_space<semaphore_mem>>)
        %dma_start3A_3738 = arith.constant 10 : i32
        %dma_start3A_3739 = arith.constant 0 : i32
        %dma_start3A_3740 = tpu.memref_slice %arg11[%dma_start3A_3738, %dma_start3A_3739] : memref<20x128xf32, #tpu.memory_space<vmem>> -> memref<1x128xf32, #tpu.memory_space<vmem>>
        %dma_start3A_3741 = tpu.memref_squeeze %dma_start3A_3740 : memref<1x128xf32, #tpu.memory_space<vmem>> -> memref<128xf32, #tpu.memory_space<vmem>>
        %dma_start3A_3742 = arith.constant 0 : i32
        %dma_start3A_3743 = tpu.memref_slice %arg8[%add3A_3627, %dma_start3A_3742] : memref<16x128xi32, #tpu.memory_space<vmem>> -> memref<1x128xi32, #tpu.memory_space<vmem>>
        %dma_start3A_3744 = tpu.memref_squeeze %dma_start3A_3743 : memref<1x128xi32, #tpu.memory_space<vmem>> -> memref<128xi32, #tpu.memory_space<vmem>>
        %dma_start3A_3745 = arith.constant 23328000 : i32
        %dma_start3A_3746 = tpu.memref_slice %arg4[%dma_start3A_3745] : memref<46656000xf32, #tpu.memory_space<hbm>> -> memref<2332800xf32, #tpu.memory_space<hbm>>
        %dma_start3A_3747 = arith.constant 0 : i32
        %dma_start3A_3748 = tpu.memref_slice %dma_start3A_3746[%dma_start3A_3747] : memref<2332800xf32, #tpu.memory_space<hbm>> -> memref<2332800xf32, #tpu.memory_space<hbm>>
        tpu.enqueue_indirect_dma source(%dma_start3A_3748 : memref<2332800xf32, #tpu.memory_space<hbm>>) target(%dma_start3A_3741 : memref<128xf32, #tpu.memory_space<vmem>>) offsets(%dma_start3A_3744 : memref<128xi32, #tpu.memory_space<vmem>>) semaphore(%arg14 : memref<!tpu.dma_semaphore, #tpu.memory_space<semaphore_mem>>)
        %dma_start3A_3749 = arith.constant 11 : i32
        %dma_start3A_3750 = arith.constant 0 : i32
        %dma_start3A_3751 = tpu.memref_slice %arg11[%dma_start3A_3749, %dma_start3A_3750] : memref<20x128xf32, #tpu.memory_space<vmem>> -> memref<1x128xf32, #tpu.memory_space<vmem>>
        %dma_start3A_3752 = tpu.memref_squeeze %dma_start3A_3751 : memref<1x128xf32, #tpu.memory_space<vmem>> -> memref<128xf32, #tpu.memory_space<vmem>>
        %dma_start3A_3753 = arith.constant 0 : i32
        %dma_start3A_3754 = tpu.memref_slice %arg8[%add3A_3627, %dma_start3A_3753] : memref<16x128xi32, #tpu.memory_space<vmem>> -> memref<1x128xi32, #tpu.memory_space<vmem>>
        %dma_start3A_3755 = tpu.memref_squeeze %dma_start3A_3754 : memref<1x128xi32, #tpu.memory_space<vmem>> -> memref<128xi32, #tpu.memory_space<vmem>>
        %dma_start3A_3756 = arith.constant 25660800 : i32
        %dma_start3A_3757 = tpu.memref_slice %arg4[%dma_start3A_3756] : memref<46656000xf32, #tpu.memory_space<hbm>> -> memref<2332800xf32, #tpu.memory_space<hbm>>
        %dma_start3A_3758 = arith.constant 0 : i32
        %dma_start3A_3759 = tpu.memref_slice %dma_start3A_3757[%dma_start3A_3758] : memref<2332800xf32, #tpu.memory_space<hbm>> -> memref<2332800xf32, #tpu.memory_space<hbm>>
        tpu.enqueue_indirect_dma source(%dma_start3A_3759 : memref<2332800xf32, #tpu.memory_space<hbm>>) target(%dma_start3A_3752 : memref<128xf32, #tpu.memory_space<vmem>>) offsets(%dma_start3A_3755 : memref<128xi32, #tpu.memory_space<vmem>>) semaphore(%arg14 : memref<!tpu.dma_semaphore, #tpu.memory_space<semaphore_mem>>)
        %dma_start3A_3760 = arith.constant 12 : i32
        %dma_start3A_3761 = arith.constant 0 : i32
        %dma_start3A_3762 = tpu.memref_slice %arg11[%dma_start3A_3760, %dma_start3A_3761] : memref<20x128xf32, #tpu.memory_space<vmem>> -> memref<1x128xf32, #tpu.memory_space<vmem>>
        %dma_start3A_3763 = tpu.memref_squeeze %dma_start3A_3762 : memref<1x128xf32, #tpu.memory_space<vmem>> -> memref<128xf32, #tpu.memory_space<vmem>>
        %dma_start3A_3764 = arith.constant 0 : i32
        %dma_start3A_3765 = tpu.memref_slice %arg8[%add3A_3627, %dma_start3A_3764] : memref<16x128xi32, #tpu.memory_space<vmem>> -> memref<1x128xi32, #tpu.memory_space<vmem>>
        %dma_start3A_3766 = tpu.memref_squeeze %dma_start3A_3765 : memref<1x128xi32, #tpu.memory_space<vmem>> -> memref<128xi32, #tpu.memory_space<vmem>>
        %dma_start3A_3767 = arith.constant 27993600 : i32
        %dma_start3A_3768 = tpu.memref_slice %arg4[%dma_start3A_3767] : memref<46656000xf32, #tpu.memory_space<hbm>> -> memref<2332800xf32, #tpu.memory_space<hbm>>
        %dma_start3A_3769 = arith.constant 0 : i32
        %dma_start3A_3770 = tpu.memref_slice %dma_start3A_3768[%dma_start3A_3769] : memref<2332800xf32, #tpu.memory_space<hbm>> -> memref<2332800xf32, #tpu.memory_space<hbm>>
        tpu.enqueue_indirect_dma source(%dma_start3A_3770 : memref<2332800xf32, #tpu.memory_space<hbm>>) target(%dma_start3A_3763 : memref<128xf32, #tpu.memory_space<vmem>>) offsets(%dma_start3A_3766 : memref<128xi32, #tpu.memory_space<vmem>>) semaphore(%arg14 : memref<!tpu.dma_semaphore, #tpu.memory_space<semaphore_mem>>)
        %dma_start3A_3771 = arith.constant 13 : i32
        %dma_start3A_3772 = arith.constant 0 : i32
        %dma_start3A_3773 = tpu.memref_slice %arg11[%dma_start3A_3771, %dma_start3A_3772] : memref<20x128xf32, #tpu.memory_space<vmem>> -> memref<1x128xf32, #tpu.memory_space<vmem>>
        %dma_start3A_3774 = tpu.memref_squeeze %dma_start3A_3773 : memref<1x128xf32, #tpu.memory_space<vmem>> -> memref<128xf32, #tpu.memory_space<vmem>>
        %dma_start3A_3775 = arith.constant 0 : i32
        %dma_start3A_3776 = tpu.memref_slice %arg8[%add3A_3627, %dma_start3A_3775] : memref<16x128xi32, #tpu.memory_space<vmem>> -> memref<1x128xi32, #tpu.memory_space<vmem>>
        %dma_start3A_3777 = tpu.memref_squeeze %dma_start3A_3776 : memref<1x128xi32, #tpu.memory_space<vmem>> -> memref<128xi32, #tpu.memory_space<vmem>>
        %dma_start3A_3778 = arith.constant 30326400 : i32
        %dma_start3A_3779 = tpu.memref_slice %arg4[%dma_start3A_3778] : memref<46656000xf32, #tpu.memory_space<hbm>> -> memref<2332800xf32, #tpu.memory_space<hbm>>
        %dma_start3A_3780 = arith.constant 0 : i32
        %dma_start3A_3781 = tpu.memref_slice %dma_start3A_3779[%dma_start3A_3780] : memref<2332800xf32, #tpu.memory_space<hbm>> -> memref<2332800xf32, #tpu.memory_space<hbm>>
        tpu.enqueue_indirect_dma source(%dma_start3A_3781 : memref<2332800xf32, #tpu.memory_space<hbm>>) target(%dma_start3A_3774 : memref<128xf32, #tpu.memory_space<vmem>>) offsets(%dma_start3A_3777 : memref<128xi32, #tpu.memory_space<vmem>>) semaphore(%arg14 : memref<!tpu.dma_semaphore, #tpu.memory_space<semaphore_mem>>)
        %dma_start3A_3782 = arith.constant 14 : i32
        %dma_start3A_3783 = arith.constant 0 : i32
        %dma_start3A_3784 = tpu.memref_slice %arg11[%dma_start3A_3782, %dma_start3A_3783] : memref<20x128xf32, #tpu.memory_space<vmem>> -> memref<1x128xf32, #tpu.memory_space<vmem>>
        %dma_start3A_3785 = tpu.memref_squeeze %dma_start3A_3784 : memref<1x128xf32, #tpu.memory_space<vmem>> -> memref<128xf32, #tpu.memory_space<vmem>>
        %dma_start3A_3786 = arith.constant 0 : i32
        %dma_start3A_3787 = tpu.memref_slice %arg8[%add3A_3627, %dma_start3A_3786] : memref<16x128xi32, #tpu.memory_space<vmem>> -> memref<1x128xi32, #tpu.memory_space<vmem>>
        %dma_start3A_3788 = tpu.memref_squeeze %dma_start3A_3787 : memref<1x128xi32, #tpu.memory_space<vmem>> -> memref<128xi32, #tpu.memory_space<vmem>>
        %dma_start3A_3789 = arith.constant 32659200 : i32
        %dma_start3A_3790 = tpu.memref_slice %arg4[%dma_start3A_3789] : memref<46656000xf32, #tpu.memory_space<hbm>> -> memref<2332800xf32, #tpu.memory_space<hbm>>
        %dma_start3A_3791 = arith.constant 0 : i32
        %dma_start3A_3792 = tpu.memref_slice %dma_start3A_3790[%dma_start3A_3791] : memref<2332800xf32, #tpu.memory_space<hbm>> -> memref<2332800xf32, #tpu.memory_space<hbm>>
        tpu.enqueue_indirect_dma source(%dma_start3A_3792 : memref<2332800xf32, #tpu.memory_space<hbm>>) target(%dma_start3A_3785 : memref<128xf32, #tpu.memory_space<vmem>>) offsets(%dma_start3A_3788 : memref<128xi32, #tpu.memory_space<vmem>>) semaphore(%arg14 : memref<!tpu.dma_semaphore, #tpu.memory_space<semaphore_mem>>)
        %dma_start3A_3793 = arith.constant 15 : i32
        %dma_start3A_3794 = arith.constant 0 : i32
        %dma_start3A_3795 = tpu.memref_slice %arg11[%dma_start3A_3793, %dma_start3A_3794] : memref<20x128xf32, #tpu.memory_space<vmem>> -> memref<1x128xf32, #tpu.memory_space<vmem>>
        %dma_start3A_3796 = tpu.memref_squeeze %dma_start3A_3795 : memref<1x128xf32, #tpu.memory_space<vmem>> -> memref<128xf32, #tpu.memory_space<vmem>>
        %dma_start3A_3797 = arith.constant 0 : i32
        %dma_start3A_3798 = tpu.memref_slice %arg8[%add3A_3627, %dma_start3A_3797] : memref<16x128xi32, #tpu.memory_space<vmem>> -> memref<1x128xi32, #tpu.memory_space<vmem>>
        %dma_start3A_3799 = tpu.memref_squeeze %dma_start3A_3798 : memref<1x128xi32, #tpu.memory_space<vmem>> -> memref<128xi32, #tpu.memory_space<vmem>>
        %dma_start3A_3800 = arith.constant 34992000 : i32
        %dma_start3A_3801 = tpu.memref_slice %arg4[%dma_start3A_3800] : memref<46656000xf32, #tpu.memory_space<hbm>> -> memref<2332800xf32, #tpu.memory_space<hbm>>
        %dma_start3A_3802 = arith.constant 0 : i32
        %dma_start3A_3803 = tpu.memref_slice %dma_start3A_3801[%dma_start3A_3802] : memref<2332800xf32, #tpu.memory_space<hbm>> -> memref<2332800xf32, #tpu.memory_space<hbm>>
        tpu.enqueue_indirect_dma source(%dma_start3A_3803 : memref<2332800xf32, #tpu.memory_space<hbm>>) target(%dma_start3A_3796 : memref<128xf32, #tpu.memory_space<vmem>>) offsets(%dma_start3A_3799 : memref<128xi32, #tpu.memory_space<vmem>>) semaphore(%arg14 : memref<!tpu.dma_semaphore, #tpu.memory_space<semaphore_mem>>)
        %dma_start3A_3804 = arith.constant 16 : i32
        %dma_start3A_3805 = arith.constant 0 : i32
        %dma_start3A_3806 = tpu.memref_slice %arg11[%dma_start3A_3804, %dma_start3A_3805] : memref<20x128xf32, #tpu.memory_space<vmem>> -> memref<1x128xf32, #tpu.memory_space<vmem>>
        %dma_start3A_3807 = tpu.memref_squeeze %dma_start3A_3806 : memref<1x128xf32, #tpu.memory_space<vmem>> -> memref<128xf32, #tpu.memory_space<vmem>>
        %dma_start3A_3808 = arith.constant 0 : i32
        %dma_start3A_3809 = tpu.memref_slice %arg8[%add3A_3627, %dma_start3A_3808] : memref<16x128xi32, #tpu.memory_space<vmem>> -> memref<1x128xi32, #tpu.memory_space<vmem>>
        %dma_start3A_3810 = tpu.memref_squeeze %dma_start3A_3809 : memref<1x128xi32, #tpu.memory_space<vmem>> -> memref<128xi32, #tpu.memory_space<vmem>>
        %dma_start3A_3811 = arith.constant 37324800 : i32
        %dma_start3A_3812 = tpu.memref_slice %arg4[%dma_start3A_3811] : memref<46656000xf32, #tpu.memory_space<hbm>> -> memref<2332800xf32, #tpu.memory_space<hbm>>
        %dma_start3A_3813 = arith.constant 0 : i32
        %dma_start3A_3814 = tpu.memref_slice %dma_start3A_3812[%dma_start3A_3813] : memref<2332800xf32, #tpu.memory_space<hbm>> -> memref<2332800xf32, #tpu.memory_space<hbm>>
        tpu.enqueue_indirect_dma source(%dma_start3A_3814 : memref<2332800xf32, #tpu.memory_space<hbm>>) target(%dma_start3A_3807 : memref<128xf32, #tpu.memory_space<vmem>>) offsets(%dma_start3A_3810 : memref<128xi32, #tpu.memory_space<vmem>>) semaphore(%arg14 : memref<!tpu.dma_semaphore, #tpu.memory_space<semaphore_mem>>)
        %dma_start3A_3815 = arith.constant 17 : i32
        %dma_start3A_3816 = arith.constant 0 : i32
        %dma_start3A_3817 = tpu.memref_slice %arg11[%dma_start3A_3815, %dma_start3A_3816] : memref<20x128xf32, #tpu.memory_space<vmem>> -> memref<1x128xf32, #tpu.memory_space<vmem>>
        %dma_start3A_3818 = tpu.memref_squeeze %dma_start3A_3817 : memref<1x128xf32, #tpu.memory_space<vmem>> -> memref<128xf32, #tpu.memory_space<vmem>>
        %dma_start3A_3819 = arith.constant 0 : i32
        %dma_start3A_3820 = tpu.memref_slice %arg8[%add3A_3627, %dma_start3A_3819] : memref<16x128xi32, #tpu.memory_space<vmem>> -> memref<1x128xi32, #tpu.memory_space<vmem>>
        %dma_start3A_3821 = tpu.memref_squeeze %dma_start3A_3820 : memref<1x128xi32, #tpu.memory_space<vmem>> -> memref<128xi32, #tpu.memory_space<vmem>>
        %dma_start3A_3822 = arith.constant 39657600 : i32
        %dma_start3A_3823 = tpu.memref_slice %arg4[%dma_start3A_3822] : memref<46656000xf32, #tpu.memory_space<hbm>> -> memref<2332800xf32, #tpu.memory_space<hbm>>
        %dma_start3A_3824 = arith.constant 0 : i32
        %dma_start3A_3825 = tpu.memref_slice %dma_start3A_3823[%dma_start3A_3824] : memref<2332800xf32, #tpu.memory_space<hbm>> -> memref<2332800xf32, #tpu.memory_space<hbm>>
        tpu.enqueue_indirect_dma source(%dma_start3A_3825 : memref<2332800xf32, #tpu.memory_space<hbm>>) target(%dma_start3A_3818 : memref<128xf32, #tpu.memory_space<vmem>>) offsets(%dma_start3A_3821 : memref<128xi32, #tpu.memory_space<vmem>>) semaphore(%arg14 : memref<!tpu.dma_semaphore, #tpu.memory_space<semaphore_mem>>)
        %dma_start3A_3826 = arith.constant 18 : i32
        %dma_start3A_3827 = arith.constant 0 : i32
        %dma_start3A_3828 = tpu.memref_slice %arg11[%dma_start3A_3826, %dma_start3A_3827] : memref<20x128xf32, #tpu.memory_space<vmem>> -> memref<1x128xf32, #tpu.memory_space<vmem>>
        %dma_start3A_3829 = tpu.memref_squeeze %dma_start3A_3828 : memref<1x128xf32, #tpu.memory_space<vmem>> -> memref<128xf32, #tpu.memory_space<vmem>>
        %dma_start3A_3830 = arith.constant 0 : i32
        %dma_start3A_3831 = tpu.memref_slice %arg8[%add3A_3627, %dma_start3A_3830] : memref<16x128xi32, #tpu.memory_space<vmem>> -> memref<1x128xi32, #tpu.memory_space<vmem>>
        %dma_start3A_3832 = tpu.memref_squeeze %dma_start3A_3831 : memref<1x128xi32, #tpu.memory_space<vmem>> -> memref<128xi32, #tpu.memory_space<vmem>>
        %dma_start3A_3833 = arith.constant 41990400 : i32
        %dma_start3A_3834 = tpu.memref_slice %arg4[%dma_start3A_3833] : memref<46656000xf32, #tpu.memory_space<hbm>> -> memref<2332800xf32, #tpu.memory_space<hbm>>
        %dma_start3A_3835 = arith.constant 0 : i32
        %dma_start3A_3836 = tpu.memref_slice %dma_start3A_3834[%dma_start3A_3835] : memref<2332800xf32, #tpu.memory_space<hbm>> -> memref<2332800xf32, #tpu.memory_space<hbm>>
        tpu.enqueue_indirect_dma source(%dma_start3A_3836 : memref<2332800xf32, #tpu.memory_space<hbm>>) target(%dma_start3A_3829 : memref<128xf32, #tpu.memory_space<vmem>>) offsets(%dma_start3A_3832 : memref<128xi32, #tpu.memory_space<vmem>>) semaphore(%arg14 : memref<!tpu.dma_semaphore, #tpu.memory_space<semaphore_mem>>)
        %dma_start3A_3837 = arith.constant 19 : i32
        %dma_start3A_3838 = arith.constant 0 : i32
        %dma_start3A_3839 = tpu.memref_slice %arg11[%dma_start3A_3837, %dma_start3A_3838] : memref<20x128xf32, #tpu.memory_space<vmem>> -> memref<1x128xf32, #tpu.memory_space<vmem>>
        %dma_start3A_3840 = tpu.memref_squeeze %dma_start3A_3839 : memref<1x128xf32, #tpu.memory_space<vmem>> -> memref<128xf32, #tpu.memory_space<vmem>>
        %dma_start3A_3841 = arith.constant 0 : i32
        %dma_start3A_3842 = tpu.memref_slice %arg8[%add3A_3627, %dma_start3A_3841] : memref<16x128xi32, #tpu.memory_space<vmem>> -> memref<1x128xi32, #tpu.memory_space<vmem>>
        %dma_start3A_3843 = tpu.memref_squeeze %dma_start3A_3842 : memref<1x128xi32, #tpu.memory_space<vmem>> -> memref<128xi32, #tpu.memory_space<vmem>>
        %dma_start3A_3844 = arith.constant 44323200 : i32
        %dma_start3A_3845 = tpu.memref_slice %arg4[%dma_start3A_3844] : memref<46656000xf32, #tpu.memory_space<hbm>> -> memref<2332800xf32, #tpu.memory_space<hbm>>
        %dma_start3A_3846 = arith.constant 0 : i32
        %dma_start3A_3847 = tpu.memref_slice %dma_start3A_3845[%dma_start3A_3846] : memref<2332800xf32, #tpu.memory_space<hbm>> -> memref<2332800xf32, #tpu.memory_space<hbm>>
        tpu.enqueue_indirect_dma source(%dma_start3A_3847 : memref<2332800xf32, #tpu.memory_space<hbm>>) target(%dma_start3A_3840 : memref<128xf32, #tpu.memory_space<vmem>>) offsets(%dma_start3A_3843 : memref<128xi32, #tpu.memory_space<vmem>>) semaphore(%arg14 : memref<!tpu.dma_semaphore, #tpu.memory_space<semaphore_mem>>)
      } else {
      }
    }
    %scan3A_492 = arith.constant 8 : i32
    "tpu.region"() ({
      %run_scoped3A = tpu.sem_alloc : memref<!tpu.dma_semaphore, #tpu.memory_space<semaphore_mem>>
      %dma_start3A_493 = arith.constant 0 : i32
      %dma_start3A_494 = tpu.memref_slice %arg5[%dma_start3A_493, %mul3A_2] : memref<20x16384xf32, #tpu.memory_space<hbm>> -> memref<20x512xf32, #tpu.memory_space<hbm>>
      %dma_start3A_495 = arith.constant 0 : i32
      %dma_start3A_496 = tpu.memref_slice %arg5[%dma_start3A_495, %mul3A_2] : memref<20x16384xf32, #tpu.memory_space<hbm>> -> memref<20x512xf32, #tpu.memory_space<hbm>>
      tpu.enqueue_dma source(%arg12 : memref<20x512xf32, #tpu.memory_space<vmem>>) target(%dma_start3A_496 : memref<20x512xf32, #tpu.memory_space<hbm>>) target_semaphore(%run_scoped3A : memref<!tpu.dma_semaphore, #tpu.memory_space<semaphore_mem>>)
      %dma_wait3A = arith.constant 0 : i32
      %dma_wait3A_497 = tpu.memref_slice %arg5[%dma_wait3A, %mul3A_2] : memref<20x16384xf32, #tpu.memory_space<hbm>> -> memref<20x512xf32, #tpu.memory_space<hbm>>
      %dma_wait3A_498 = arith.constant 0 : i32
      %dma_wait3A_499 = tpu.memref_slice %arg5[%dma_wait3A_498, %mul3A_2] : memref<20x16384xf32, #tpu.memory_space<hbm>> -> memref<20x512xf32, #tpu.memory_space<hbm>>
      tpu.wait_dma2 semaphore(%run_scoped3A : memref<!tpu.dma_semaphore, #tpu.memory_space<semaphore_mem>>) src(%arg12 : memref<20x512xf32, #tpu.memory_space<vmem>>) dst(%dma_wait3A_499 : memref<20x512xf32, #tpu.memory_space<hbm>>)
      tpu.yield
    }) : () -> ()
    return
  }
}

</mosaic_0001>

<sc_bundles>
// kernel: _sc_bilinear.3.cloned.1.call-start
scs
__scs_entry_jumppad:
0x0: {  	(pc) =	sbr.rel $0x88, $3  }
0x1: {  	(tag) =	ssettag $0x0;
	lr =	simm.s32 $0x1  }
0x2: {  	[smem:$0x3F9E] =	sst lr;
	_ =	strace $0xD0000000  }
0x3: {  	_ = 	snop  }
0x4: {  	_ = 	snop  }
0x5: {  	_ = 	snop  }
0x6: {  	_ = 	snop  }
0x7: {  	_ = 	snop  }
__scs_overlays_trampoline_lowered:
0x8: {  	[smem:$0x3FAD] =	sst s0  }
0x9: {  	[smem:$0x3FAE] =	sst s1  }
0xa: {  	[smem:$0x3FAF] =	sst s2  }
0xb: {  	[smem:$0x3FB0] =	sst s3  }
0xc: {  	[smem:$0x3FB1] =	sst s4  }
0xd: {  	[smem:$0x3FB2] =	sst s5  }
0xe: {  	[smem:$0x3FB3] =	sst s6  }
0xf: {  	[smem:$0x3FB4] =	sst s7  }
0x10: {  	[smem:$0x3FB5] =	sst s8  }
0x11: {  	[smem:$0x3FB6] =	sst s9;
	s0 =	simm.s32 @!p0 $0x0  }
0x12: {  	s1 =	sld [smem:$0x3F9C];
	s0 =	simm.s32 @p0 $0x1  }
0x13: {  	[smem:$0x3FB7] =	sst s0;
	s0 =	simm.s32 @!p1 $0x0  }
0x14: {  	s2 =	sld [smem:$0x3F9B];
	s0 =	simm.s32 @p1 $0x1  }
0x15: {  	[smem:$0x3FB8] =	sst s0;
	s0 =	simm.s32 @!p2 $0x0  }
0x16: {  	s3 =	sld [smem:$0x3FDB];
	s0 =	simm.s32 @p2 $0x1  }
0x17: {  	s4 =	simm.s32 $0x1BF5;
	[smem:$0x3FBA] =	sst s0  }
0x18: {  	s0 =	sld [smem:$0x3F9D];
	_ =	swait.ge [sflag:s4], $0x0  }
0x19: {  	s7 =	sld [smem:$0x3F9E]  }
0x1a: {  	s8 =	sadd.s32 $0xFFFFE003, lr  }
0x1b: {  	s9 =	sadd.s32 $0xFFFFFEF7, lr;
	s5 =	simm.s32 $0xFFFFFFFF;
	p2 =	slt.u32 s8, $0xFFFFF086  }
0x1c: {  	p1 =	slt.u32 s9, $0xF7A;
	s5 =	simm.s32 @!p2 $0x0  }
0x1d: {  	s5 =	simm.s32 @p1 $0x1;
	p0 =	seq.s32 s7, s2  }
0x1e: {  	s7 =	smul.u32 @!p0 $0xF7A, s2;
	p2 =	seq.s32 @!p0 s5, $0x0  }
0x1f: {  	s9 =	smul.u32 $0xF7A, s1;
	s8 =	simm.s32 @!p0 $0x1BF5;
	p2 =	por !p2, p0  }
0x20: {  	[sflag:s8] =	ssyncset.s32 @!p0 $0xFFFFF086;
	s6 =	sadd.s32 @!p0 s3, s7;
	s7 =	simm.s32 @!p0 $0x108  }
0x21: {  	s3 =	sadd.s32 s3, s9;
	s6 =	sadd.s32 @!p0 $0x88, s6;
	s7 =	simm.s32 @p2 $0x1082  }
0x22: {  	[simem:s7], [sflag:s8] =	dma.local @!p0 [hbm:s6], $0xF7A  }
0x23: {  	s9 =	sor.u32 $0xD0000000, s2;
	s6 =	simm.s32 $0x108;
	_ =	swait.ge @!p0 [sflag:s8], $0x0  }
0x24: {  	s3 =	sadd.s32 $0x88, s3;
	s6 =	simm.s32 @!p1 $0x1082;
	[sflag:s4] =	ssyncset.s32 $0xFFFFF086  }
0x25: {  	[simem:s6], [sflag:s4] =	dma.local [hbm:s3], $0xF7A  }
0x26: {  	[smem:$0x3F9E] =	sst s1;
	(tag) =	ssettag s2;
	_ =	strace s9  }
0x27: {  	s1 =	sld [smem:$0x3FAE]  }
0x28: {  	s2 =	sld [smem:$0x3FAF]  }
0x29: {  	s4 =	sld [smem:$0x3FB1]  }
0x2a: {  	p0 =	seq.s32 s5, $0x0;
	s5 =	sld [smem:$0x3FB2]  }
0x2b: {  	s6 =	sld [smem:$0x3FB3]  }
0x2c: {  	s7 =	sld [smem:$0x3FB4]  }
0x2d: {  	s3 =	simm.s32 $0x108;
	s8 =	sld [smem:$0x3FB5]  }
0x2e: {  	s3 =	simm.s32 @!p0 $0x1082;
	s9 =	sld [smem:$0x3FB6]  }
0x2f: {  	lr =	sadd.s32 s0, s3;
	s0 =	sld [smem:$0x3FAD]  }
0x30: {  	s3 =	sld [smem:$0x3FB0]  }
0x31: {  	[smem:$0x3FB9] =	sst s10  }
0x32: {  	s10 =	sld [smem:$0x3FB7];
	_ =	sdelay $0x3  }
0x33: {  	p0 =	seq.s32 s10, $0x1;
	s10 =	sld [smem:$0x3FB9];
	_ =	sdelay $0x3  }
0x34: {  	[smem:$0x3FB9] =	sst s10  }
0x35: {  	s10 =	sld [smem:$0x3FB8];
	_ =	sdelay $0x3  }
0x36: {  	p1 =	seq.s32 s10, $0x1;
	s10 =	sld [smem:$0x3FB9];
	_ =	sdelay $0x3  }
0x37: {  	[smem:$0x3FB9] =	sst s10  }
0x38: {  	s10 =	sld [smem:$0x3FBA]  }
0x39: {  	_ = 	snop;
	(pc) =	sbr.ind lr, $3  }
0x3a: {  	_ = 	snop  }
0x3b: {  	_ = 	snop  }
0x3c: {  	p2 =	seq.s32 s10, $0x1;
	s10 =	sld [smem:$0x3FB9]  }
0x3d: {  	_ =	shalt  }
0x3e: {  	_ =	shalt  }
0x3f: {  	_ =	shalt  }
0x40: {  	_ =	shalt  }
0x41: {  	_ =	shalt  }
0x42: {  	_ =	shalt  }
0x43: {  	_ =	shalt  }
0x44: {  	_ =	shalt  }
0x45: {  	_ =	shalt  }
0x46: {  	_ =	shalt  }
0x47: {  	_ =	shalt  }
0x48: {  	_ =	shalt  }
0x49: {  	_ =	shalt  }
0x4a: {  	_ =	shalt  }
0x4b: {  	_ =	shalt  }
0x4c: {  	_ =	shalt  }
0x4d: {  	_ =	shalt  }
0x4e: {  	_ =	shalt  }
0x4f: {  	_ =	shalt  }
0x50: {  	_ =	shalt  }
0x51: {  	_ =	shalt  }
0x52: {  	_ =	shalt  }
0x53: {  	_ =	shalt  }
0x54: {  	_ =	shalt  }
0x55: {  	_ =	shalt  }
0x56: {  	_ =	shalt  }
0x57: {  	_ =	shalt  }
0x58: {  	_ =	shalt  }
0x59: {  	_ =	shalt  }
0x5a: {  	_ =	shalt  }
0x5b: {  	_ =	shalt  }
0x5c: {  	_ =	shalt  }
0x5d: {  	_ =	shalt  }
0x5e: {  	_ =	shalt  }
0x5f: {  	_ =	shalt  }
0x60: {  	_ =	shalt  }
0x61: {  	_ =	shalt  }
0x62: {  	_ =	shalt  }
0x63: {  	_ =	shalt  }
0x64: {  	_ =	shalt  }
0x65: {  	_ =	shalt  }
0x66: {  	_ =	shalt  }
0x67: {  	_ =	shalt  }
0x68: {  	_ =	shalt  }
0x69: {  	_ =	shalt  }
0x6a: {  	_ =	shalt  }
0x6b: {  	_ =	shalt  }
0x6c: {  	_ =	shalt  }
0x6d: {  	_ =	shalt  }
0x6e: {  	_ =	shalt  }
0x6f: {  	_ =	shalt  }
0x70: {  	_ =	shalt  }
0x71: {  	_ =	shalt  }
0x72: {  	_ =	shalt  }
0x73: {  	_ =	shalt  }
0x74: {  	_ =	shalt  }
0x75: {  	_ =	shalt  }
0x76: {  	_ =	shalt  }
0x77: {  	_ =	shalt  }
0x78: {  	_ =	shalt  }
0x79: {  	_ =	shalt  }
0x7a: {  	_ =	shalt  }
0x7b: {  	_ =	shalt  }
0x7c: {  	_ =	shalt  }
0x7d: {  	_ =	shalt  }
0x7e: {  	_ =	shalt  }
0x7f: {  	_ =	shalt  }
0x80: {  	_ =	shalt  }
0x81: {  	_ =	shalt  }
0x82: {  	_ =	shalt  }
0x83: {  	_ =	shalt  }
0x84: {  	_ =	shalt  }
0x85: {  	_ =	shalt  }
0x86: {  	_ =	shalt  }
0x87: {  	_ =	shalt  }
.Lfunc_end0:
.L_simem_size_0:
called_computation_lowered:
.L_overlay_start_0:
0x88: {  	s2 =	sld [smem:$0x3FD9]  }
0x89: {  	s3 =	sld [smem:$0x3FFE];
	_ =	sdelay $0x1  }
0x8a: {  	s1 =	srdreg.scid  }
0x8b: {  	s0 =	sand.u32 $0x1, s1  }
0x8c: {  	s18 =	sshll.u32 s0, $0xA;
	s2 =	sadd.s32 s3, s2  }
0x8d: {  	s2 =	sadd.s32 s2, s18  }
0x8e: {  	[smem:$0x3FC5] =	sst s2  }
0x8f: {  	_ = 	snop  }
0x90: {  	s2 =	sld [smem:$0x3FC9]  }
0x91: {  	s19 =	sld [smem:$0x3FC8]  }
0x92: {  	s4 =	sld [smem:$0x3FC7]  }
0x93: {  	s5 =	sld [smem:$0x3FD0];
	(tm) =	ssettm $0x1  }
0x94: {  	s6 =	sld [smem:$0x3FFB];
	_ =	sdelay $0x3  }
0x95: {  	_ =	strace s6  }
0x96: {  	s6 =	sld [smem:$0x3FFC];
	_ =	sdelay $0x3  }
0x97: {  	_ =	strace s6  }
0x98: {  	s6 =	sld [smem:$0x3FFD];
	_ =	sdelay $0x3  }
0x99: {  	_ =	strace s6  }
0x9a: {  	_ =	strace $0x8FFFFFFF  }
0x9b: {  	s20 =	sld [smem:$0x3FDB];
	_ =	sdelay $0x1  }
0x9c: {  	s7 =	simm.s32 $_scs_section_size  }
0x9d: {  	s8 =	simm.s32 $_size__tile_overlayer_lowered;
	s9 =	simm.s32 $_tile_overlayer_lowered  }
0x9e: {  	s23 =	simm.s32 $0x1BFF;
	s22 =	sshll.u32 s9, $0x1;
	s6 =	sadd.s32 s7, s20  }
0x9f: {  	s10 =	simm.s32 $0x0;
	s21 =	sshll.u32 s8, $0x1;
	s8 =	sadd.s32 s22, s6  }
0xa0: {  	[timem:s10], [sflag:s23] =	dma.local [hbm:s8], s21  }
0xa1: {  	_ =	swait.ge [sflag:s23], s21  }
0xa2: {  	s7 =	ssub.s32 $0x0, s21;
	[sflag:s23] =	ssyncset.done $0x0  }
0xa3: {  	[sflag:s23] =	ssyncadd.s32 s7;
	_ =	sdelay $0x1  }
0xa4: {  	s24 =	simm.s32 $0x1B8B  }
0xa5: {  	_ =	swait.ge [sflag:s24], $0x1  }
0xa6: {  	[sflag:s24] =	ssyncset.done $0x0  }
0xa7: {  	s25 =	simm.s32 $0x1B8E;
	[sflag:s24] =	ssyncadd.s32 $0xFFFFFFFF  }
0xa8: {  	s26 =	simm.s32 $execute0_lowered;
	[smem:$0x3FD2] =	sst s25  }
0xa9: {  	s7 =	sshll.u32 s26, $0x1;
	_ =	strace $0x80000046;
	[dreg:$0x1] =	wrdreg $0xFFFFFFFF  }
0xaa: {  	s28 =	simm.s32 $_size_execute0_lowered;
	s6 =	sadd.s32 s6, s7;
	[dreg:$0x0] =	wrdreg $0x0  }
0xab: {  	s7 =	sshll.u32 s28, $0x1;
	[dreg:$0x2] =	wrdreg s6  }
0xac: {  	[dreg:$0x3] =	wrdreg s7  }
0xad: {  	[dreg:$0x4] =	wrdreg $0xC0  }
0xae: {  	_ =	task [dreg:s10], $0x5FFFF  }
0xaf: {  	[dreg:$0x1] =	wrdreg $0xFFFFFFFF  }
0xb0: {  	[dreg:$0x0] =	wrdreg $0x60  }
0xb1: {  	[dreg:$0x2] =	wrdreg s2  }
0xb2: {  	[dreg:$0x3] =	wrdreg s19  }
0xb3: {  	[dreg:$0x4] =	wrdreg s4  }
0xb4: {  	[dreg:$0x5] =	wrdreg s5  }
0xb5: {  	[dreg:$0x6] =	wrdreg $0x9  }
0xb6: {  	_ =	task.clear_ibuf [dreg:s10], $0x7FFFF;
	_ =	strace $0x90000046  }
0xb7: {  	s29 =	simm.s32 $0x9;
	_ =	strace $0x80000048  }
0xb8: {  	_ =	swait.ge [sflag:s29], $0x1  }
0xb9: {  	[sflag:s29] =	ssyncadd.s32 $0xFFFFFFFF  }
0xba: {  	_ =	strace $0x90000048  }
0xbb: {  	_ =	sfence  }
0xbc: {  	s30 =	sld [smem:$0x0];
	_ =	sdelay $0x2  }
0xbd: {  	s31 =	sshll.u32 s1, $0xD;
	s1 =	sshrl.u32 s1, $0x2  }
0xbe: {  	s3 =	sand.u32 $0x4000, s31;
	s1 =	sadd.s32 s1, s30  }
0xbf: {  	s0 =	sor.u32 s3, s0;
	s1 =	sshll.u32 s1, $0x11  }
0xc0: {  	s0 =	sor.u32 s1, s0  }
0xc1: {  	s0 =	sadd.s32 $0x8F2B, s0  }
0xc2: {  	[sflag:s0] =	ssyncadd.remote.s32 $0x1  }
0xc3: {  	_ =	sfence.sel $0xFFFF  }
0xc4: {  	[dreg:$0x0] =	wrdreg $0xFFFFFFFF;
	(pc) =	sbr.abs _section_cstart, $3  }
0xc5: {  	[dreg:$0x1] =	wrdreg $0xFFFFFFFF  }
0xc6: {  	_ =	task.clear_ibuf [dreg:s10], $0x2FFFF;
	_ =	strace $0x9FFFFFFF  }
0xc7: {  	(tm) =	ssettm $0x7FFFFFFF  }
tec
execute0_lowered:
.L_overlay_start_1:
0x0: {  	(tag) =	ssettag $0x1  }
0x1: {  	s0 =	rddreg [dreg:$0x0]  }
0x2: {  	s1 =	rddreg [dreg:$0x1]  }
0x3: {  	s8 =	rddreg [dreg:$0x2]  }
0x4: {  	s2 =	rddreg [dreg:$0x3];
	s4 =	simm.s32 $0x0  }
0x5: {  	[smem:$0x7FF] =	sst s4;
	s6 =	sadd.s32 $0x47310, s8  }
0x6: {  	s13 =	sadd.s32 $0x8E620, s8;
	_ =	strace $0x80000047;
	[dreg:$0x11] =	wrdreg s6  }
0x7: {  	s14 =	sadd.s32 $0xD5930, s8;
	[dreg:$0x12] =	wrdreg s13  }
0x8: {  	s15 =	sadd.s32 $0x11CC40, s8;
	[dreg:$0x13] =	wrdreg s14  }
0x9: {  	s16 =	sadd.s32 $0x163F50, s8;
	[dreg:$0x1f] =	wrdreg s15  }
0xa: {  	s7 =	sadd.s32 $0x1AB260, s8;
	[dreg:$0x14] =	wrdreg s16  }
0xb: {  	s18 =	sadd.s32 $0x1F2570, s8;
	[dreg:$0x15] =	wrdreg s7  }
0xc: {  	s19 =	sadd.s32 $0x239880, s8;
	[dreg:$0x16] =	wrdreg s18  }
0xd: {  	s20 =	sadd.s32 $0x280B90, s8;
	[dreg:$0x17] =	wrdreg s19  }
0xe: {  	s21 =	sadd.s32 $0x2C7EA0, s8;
	[dreg:$0x18] =	wrdreg s20  }
0xf: {  	s3 =	srdreg.scid;
	s22 =	sadd.s32 $0x30F1B0, s8;
	[dreg:$0x19] =	wrdreg s21  }
0x10: {  	s12 =	stileid.u32;
	v0 =	vimm.f32 $3.600000000e+02;
	s24 =	sadd.s32 $0x3564C0, s8;
	[dreg:$0x1a] =	wrdreg s22  }
0x11: {  	s3 =	sand.u32 $0x1, s3;
	s25 =	sadd.s32 $0x39D7D0, s8;
	[dreg:$0x5] =	wrdreg s24;
	(erf) = vrcp.f32 v0;
	v0 =	vimm.f32 $1.800000000e+02  }
0x12: {  	s4 =	sshll.u32 s12, $0xA;
	s26 =	sadd.s32 $0x3E4AE0, s8;
	[dreg:$0x1b] =	wrdreg s25;
	(erf) = vrcp.f32 v0;
	v0 =	vimm.f32 $2.000000000e+00  }
0x13: {  	s12 =	sadd.s32 $0x42BDF0, s8;
	s28 =	sadd.s32 $0x548A30, s8;
	[dreg:$0x1c] =	wrdreg s26;
	(erf) = vrcp.f32 v0  }
0x14: {  	s5 =	sshll.u32 s3, $0x9;
	s3 =	ssub.s32 $0x2, s3;
	[dreg:$0xd] =	wrdreg s28  }
0x15: {  	s13 =	sadd.s32 $0x473100, s8;
	s20 =	sadd.s32 $0x4BA410, s8;
	[dreg:$0xe] =	wrdreg s12  }
0x16: {  	s17 =	sshrl.u32 s3, $0x1;
	s4 =	sor.u32 s5, s4;
	[dreg:$0xb] =	wrdreg s20  }
0x17: {  	[dreg:$0xf] =	wrdreg s13;
	s23 =	sshrl.u32 s4, $0x3;
	s30 =	sadd.s32 s2, s4  }
.Ltmp0:
0x18: {  	s0 =	sadd.s32 s0, s23;
	[dreg:$0x8] =	wrdreg s30;
	(pc) =	sbr.rel .LBB2_1-.Ltmp0, $4  }
0x19: {  	s3 =	ssub.s32 s3, s17;
	s29 =	sadd.s32 s1, s23;
	[dreg:$0x6] =	wrdreg s0  }
0x1a: {  	s31 =	smax.u32 s3, $0x1;
	[dreg:$0x7] =	wrdreg s29;
	v0 =	vpop (erf)  }
0x1b: {  	s23 =	sadd.s32 $0x501720, s8;
	[dreg:$0x9] =	wrdreg s31;
	v1 =	vpop (erf)  }
0x1c: {  	v3 =	vimm.s32 $0x0;
	s3 =	simm.s32 $0x3;
	s1 =	simm.s32 $0x0;
	[dreg:$0xc] =	wrdreg s23;
	v2 =	vpop (erf)  }
.LBB2_6:
0x1d: {  	s0 =	rddreg [dreg:$0x8]  }
0x1e: {  	s1 =	simm.s32 $0x1000;
	s2 =	simm.s32 $0x20000;
	s3 =	simm.s32 $0x2C00  }
0x1f: {  	[hbm4b:s0+s1] =	stream.strided.scatter [tilespmem:s3], [sflag:$0x3], $0x3000, s2, s1, $0x38;
	[tilespmem:$0x5C00] =	vst v63  }
0x20: {  	s3 =	simm.s32 $0x3  }
0x21: {  	_ =	swait.ge [sflag:s3], $0x3000  }
0x22: {  	s30 =	rddreg [dreg:$0xa]  }
0x23: {  	s31 =	rddreg [dreg:$0x9];
	s1 =	sadd.s32 $0x1, s30  }
0x24: {  	p0 =	sne.s32 s1, s31  }
.Ltmp1:
0x25: {  	s12 =	rddreg [dreg:$0xe];
	(pc) =	sbr.rel @!p0 .LBB2_7-.Ltmp1, $4  }
0x26: {  	s13 =	rddreg [dreg:$0xf]  }
0x27: {  	s20 =	rddreg [dreg:$0xb]  }
0x28: {  	[sflag:s3] =	ssyncset.done $0x0;
	s23 =	rddreg [dreg:$0xc]  }
0x29: {  	s28 =	rddreg [dreg:$0xd];
	[sflag:s3] =	ssyncadd.s32 $0xFFFFD000  }
.LBB2_1:
0x2a: {  	[dreg:$0xa] =	wrdreg s1  }
0x2b: {  	s30 =	simm.s32 $0x0;
	s0 =	rddreg [dreg:$0x6]  }
0x2c: {  	[tilespmem:s30], [sflag:$0x3] =	stream.linear.gather [hbm4b:s0+s30], $0x200, $0x38;
	[tilespmem:$0x5C00] =	vst v63  }
0x2d: {  	_ =	swait.ge [sflag:s3], $0x200  }
0x2e: {  	[sflag:s3] =	ssyncset.done $0x0  }
0x2f: {  	s31 =	simm.s32 $0x200;
	s2 =	rddreg [dreg:$0x7];
	[sflag:s3] =	ssyncadd.s32 $0xFFFFFE00  }
0x30: {  	[tilespmem:s31], [sflag:$0x3] =	stream.linear.gather [hbm4b:s2+s30], $0x200, $0x38;
	[tilespmem:$0x5C00] =	vst v63  }
0x31: {  	_ =	swait.ge [sflag:s3], $0x200  }
0x32: {  	[sflag:s3] =	ssyncset.done $0x0  }
0x33: {  	[sflag:s3] =	ssyncadd.s32 $0xFFFFFE00  }
0x34: {  	v4 =	vld [tilespmem:s31+$0x0];
	_ =	sdelay $0x1  }
0x35: {  	v5 =	vld [tilespmem:s30+$0x0];
	_ =	sdelay $0x2  }
0x36: {  	v4 =	vadd.f32 $9.000000000e+01, v4;
	_ =	sdelay $0x1  }
0x37: {  	v5 =	vadd.f32 $1.800000000e+02, v5;
	v4 =	vmul.f32 v4, v1;
	_ =	sdelay $0x1  }
0x38: {  	v5 =	vmul.f32 v5, v0;
	v4 =	vadd.f32 v4, v4;
	_ =	sdelay $0x1  }
0x39: {  	v5 =	vadd.f32 v5, v5;
	v4 =	vadd.f32 $-1.000000000e+00, v4;
	_ =	sdelay $0x1  }
0x3a: {  	v5 =	vadd.f32 $-1.000000000e+00, v5;
	v4 =	vadd.f32 $1.000000000e+00, v4;
	_ =	sdelay $0x1  }
0x3b: {  	v5 =	vadd.f32 $1.000000000e+00, v5;
	v4 =	vmul.f32 v4, v2;
	_ =	sdelay $0x1  }
0x3c: {  	v5 =	vmul.f32 v5, v2;
	v4 =	vsub.f32 $1.000000000e+00, v4  }
0x3d: {  	s6 =	simm.s32 $0x10  }
0x3e: {  	s7 =	simm.s32 $0x210;
	s8 =	simm.s32 $0x200;
	s9 =	simm.s32 $0x10;
	v5 =	vmul.f32 $2.160000000e+03, v5;
	v6 =	vmul.f32 $1.080000000e+03, v4  }
0x3f: {  	s5 =	simm.s32 $0x0;
	s4 =	simm.s32 $0x0;
	s1 =	simm.s32 $0x10  }
0x40: {  	s0 =	simm.s32 $0x100;
	s2 =	simm.s32 $0x210;
	s3 =	simm.s32 $0x10;
	v4 =	vadd.f32 $-1.000000000e+00, v5;
	v5 =	vadd.f32 $-1.000000000e+00, v6  }
.LBB2_2:
0x41: {  	s6 =	sadd.s32 $0x10, s6;
	s9 =	sadd.s32 $0x10, s9;
	s7 =	sadd.s32 $0x10, s7  }
0x42: {  	p0 =	sne.s32 s8, $0x1F00;
	v6 =	vtrunc.f32 v4;
	s10 =	smov.u32 s8;
	s8 =	sadd.s32 $0x100, s8;
	v7 =	vtrunc.f32 v5  }
0x43: {  	v6 =	vcvt.f32.s32 v6;
	v7 =	vcvt.f32.s32 v7;
	_ =	sdelay $0x1  }
0x44: {  	v8 =	vcvt.s32.f32 v6;
	v9 =	vcvt.s32.f32 v7;
	_ =	sdelay $0x1  }
0x45: {  	v10 =	vadd.f32 $-1.000000000e+00, v8;
	vm0 =	vlt.f32 v5, v9;
	v11 =	vadd.f32 $-1.000000000e+00, v9  }
0x46: {  	vm1 =	vlt.f32 v4, v8;
	v12 =	vsel vm0, $0xFFFFFFFF, v3  }
0x47: {  	v8 =	vsel vm1, v10, v8;
	v7 =	vadd.s32 v7, v12;
	v9 =	vsel vm0, v11, v9  }
0x48: {  	v10 =	vsel vm1, $0xFFFFFFFF, v3;
	v4 =	vsub.f32 v4, v8;
	v5 =	vsub.f32 v5, v9  }
0x49: {  	v6 =	vadd.s32 v6, v10;
	vm0 =	vlt.s32 v7, $0x0;
	v8 =	vadd.s32 $0x438, v7  }
0x4a: {  	s11 =	sshrl.u32 s5, $0x2;
	s5 =	smov.u32 s0;
	s0 =	smov.u32 s10;
	v9 =	vadd.s32 $0x1, v6;
	v10 =	vsub.f32 $1.000000000e+00, v4;
	v11 =	vsub.f32 $1.000000000e+00, v5  }
0x4b: {  	s10 =	sand.u32 $0x10, s4;
	s11 =	sand.u32 $0x1FFFFF80, s11;
	s4 =	smov.u32 s1;
	v12 =	vadd.s32 $0x1, v7;
	vm1 =	vlt.s32 v9, $0x86F;
	v13 =	vmul.f32 v5, v4  }
0x4c: {  	s1 =	smov.u32 s6;
	s10 =	sor.u32 s10, s11;
	v14 =	vadd.s32 $0x870, v6;
	v15 =	vmul.f32 v11, v10;
	v4 =	vmul.f32 v11, v4  }
0x4d: {  	vm2 =	vlt.s32 v12, $0x437;
	v7 =	vsel vm0, v8, v7;
	v5 =	vmul.f32 v5, v10;
	[tilespmem:s10+$0xC60] =	vst v13  }
0x4e: {  	vm0 =	vlt.s32 v6, $0x0;
	v8 =	vnsel vm2, $0x437, v12;
	v7 =	vmul.u32 $0x870, v7;
	[tilespmem:s10+$0xC00] =	vst v15  }
0x4f: {  	v9 =	vnsel vm1, $0x86F, v9;
	v6 =	vsel vm0, v14, v6;
	v8 =	vmul.u32 $0x870, v8;
	[tilespmem:s10+$0xC40] =	vst v5  }
0x50: {  	v5 =	vadd.s32 v6, v7;
	v7 =	vadd.s32 v9, v7;
	[tilespmem:s10+$0xC20] =	vst v4  }
0x51: {  	v4 =	vadd.s32 v6, v8;
	v6 =	vadd.s32 v9, v8;
	[tilespmem:s10+$0x400] =	vst v5  }
0x52: {  	[tilespmem:s10+$0x440] =	vst v4  }
0x53: {  	[tilespmem:s10+$0x460] =	vst v6  }
0x54: {  	[tilespmem:s10+$0x420] =	vst v7  }
0x55: {  	v4 =	vld [tilespmem:s2+$0x0];
	s2 =	smov.u32 s7  }
0x56: {  	v5 =	vld [tilespmem:s3+$0x0];
	s3 =	smov.u32 s9;
	_ =	sdelay $0x3  }
0x57: {  	v4 =	vadd.f32 $9.000000000e+01, v4  }
0x58: {  	v5 =	vadd.f32 $1.800000000e+02, v5  }
0x59: {  	v4 =	vmul.f32 v4, v1  }
0x5a: {  	v5 =	vmul.f32 v5, v0  }
0x5b: {  	v4 =	vadd.f32 v4, v4  }
0x5c: {  	v5 =	vadd.f32 v5, v5  }
0x5d: {  	v4 =	vadd.f32 $-1.000000000e+00, v4  }
0x5e: {  	v5 =	vadd.f32 $-1.000000000e+00, v5  }
0x5f: {  	v4 =	vadd.f32 $1.000000000e+00, v4  }
0x60: {  	v5 =	vadd.f32 $1.000000000e+00, v5  }
0x61: {  	v4 =	vmul.f32 v4, v2  }
0x62: {  	v5 =	vmul.f32 v5, v2  }
.Ltmp2:
0x63: {  	v4 =	vsub.f32 $1.000000000e+00, v4;
	(pc) =	sbr.rel @p0 .LBB2_2-.Ltmp2, $4  }
0x64: {  	v5 =	vmul.f32 $2.160000000e+03, v5  }
0x65: {  	v6 =	vmul.f32 $1.080000000e+03, v4  }
0x66: {  	v4 =	vadd.f32 $-1.000000000e+00, v5  }
0x67: {  	v5 =	vadd.f32 $-1.000000000e+00, v6  }
0x68: {  	v6 =	vtrunc.f32 v4  }
0x69: {  	v7 =	vtrunc.f32 v5;
	v6 =	vcvt.f32.s32 v6  }
0x6a: {  	v7 =	vcvt.f32.s32 v7  }
0x6b: {  	v8 =	vcvt.s32.f32 v6  }
0x6c: {  	v9 =	vcvt.s32.f32 v7  }
0x6d: {  	v10 =	vadd.f32 $-1.000000000e+00, v8  }
0x6e: {  	vm1 =	vlt.f32 v4, v8;
	v11 =	vadd.f32 $-1.000000000e+00, v9  }
0x6f: {  	vm0 =	vlt.f32 v5, v9;
	v43 =	vsel vm1, $0xFFFFFFFF, v3;
	v8 =	vsel vm1, v10, v8  }
0x70: {  	v12 =	vsel vm0, $0xFFFFFFFF, v3;
	v9 =	vsel vm0, v11, v9;
	v4 =	vsub.f32 v4, v8  }
0x71: {  	v6 =	vadd.s32 v6, v43;
	v7 =	vadd.s32 v7, v12;
	v5 =	vsub.f32 v5, v9  }
0x72: {  	s5 =	sshrl.u32 s5, $0x2;
	v13 =	vadd.s32 $0x870, v6;
	vm8 =	vlt.s32 v6, $0x0;
	v8 =	vsub.f32 $1.000000000e+00, v4  }
0x73: {  	s4 =	sand.u32 $0x10, s4;
	s5 =	sand.u32 $0x1FFFFF80, s5;
	vm6 =	vlt.s32 v7, $0x0;
	v9 =	vsub.f32 $1.000000000e+00, v5;
	v46 =	vmul.f32 v5, v4  }
0x74: {  	s4 =	sor.u32 s4, s5;
	v44 =	vadd.s32 $0x438, v7;
	v45 =	vadd.s32 $0x1, v7;
	v5 =	vmul.f32 v5, v8  }
0x75: {  	vm7 =	vlt.s32 v45, $0x437;
	v7 =	vsel vm6, v44, v7;
	v14 =	vmul.f32 v9, v8;
	[tilespmem:s4+$0xC60] =	vst v46  }
0x76: {  	v47 =	vnsel vm7, $0x437, v45;
	v7 =	vmul.u32 $0x870, v7;
	v4 =	vmul.f32 v9, v4;
	[tilespmem:s4+$0xC40] =	vst v5  }
0x77: {  	v48 =	vadd.s32 $0x1, v6;
	v6 =	vsel vm8, v13, v6;
	v8 =	vmul.u32 $0x870, v47;
	[tilespmem:s4+$0xC00] =	vst v14  }
0x78: {  	vm9 =	vlt.s32 v48, $0x86F;
	v5 =	vadd.s32 v6, v7;
	[tilespmem:s4+$0xC20] =	vst v4  }
0x79: {  	v4 =	vnsel vm9, $0x86F, v48;
	v6 =	vadd.s32 v6, v8;
	[tilespmem:s4+$0x400] =	vst v5  }
0x7a: {  	v5 =	vadd.s32 v4, v8;
	[tilespmem:s4+$0x440] =	vst v6  }
0x7b: {  	v4 =	vadd.s32 v4, v7;
	[tilespmem:s4+$0x460] =	vst v5  }
0x7c: {  	[tilespmem:s4+$0x420] =	vst v4  }
0x7d: {  	v4 =	vld [tilespmem:s2+$0x0]  }
0x7e: {  	v5 =	vld [tilespmem:s3+$0x0];
	_ =	sdelay $0x3  }
0x7f: {  	v4 =	vadd.f32 $9.000000000e+01, v4  }
0x80: {  	v5 =	vadd.f32 $1.800000000e+02, v5  }
0x81: {  	v4 =	vmul.f32 v4, v1  }
0x82: {  	v5 =	vmul.f32 v5, v0  }
0x83: {  	v4 =	vadd.f32 v4, v4  }
0x84: {  	v5 =	vadd.f32 v5, v5  }
0x85: {  	v4 =	vadd.f32 $-1.000000000e+00, v4  }
0x86: {  	v5 =	vadd.f32 $-1.000000000e+00, v5  }
0x87: {  	v4 =	vadd.f32 $1.000000000e+00, v4  }
0x88: {  	v5 =	vadd.f32 $1.000000000e+00, v5  }
0x89: {  	v4 =	vmul.f32 v4, v2  }
0x8a: {  	v5 =	vmul.f32 v5, v2  }
0x8b: {  	v4 =	vsub.f32 $1.000000000e+00, v4  }
0x8c: {  	v5 =	vmul.f32 $2.160000000e+03, v5  }
0x8d: {  	v4 =	vmul.f32 $1.080000000e+03, v4  }
0x8e: {  	v5 =	vadd.f32 $-1.000000000e+00, v5  }
0x8f: {  	v4 =	vadd.f32 $-1.000000000e+00, v4  }
0x90: {  	v49 =	vtrunc.f32 v5  }
0x91: {  	v6 =	vcvt.f32.s32 v49;
	v50 =	vtrunc.f32 v4  }
0x92: {  	v7 =	vcvt.f32.s32 v50  }
0x93: {  	v51 =	vcvt.s32.f32 v6  }
0x94: {  	v52 =	vcvt.s32.f32 v7  }
0x95: {  	v53 =	vadd.f32 $-1.000000000e+00, v51;
	vm11 =	vlt.f32 v5, v51  }
0x96: {  	v56 =	vsel vm11, $0xFFFFFFFF, v3;
	v54 =	vadd.f32 $-1.000000000e+00, v52;
	vm10 =	vlt.f32 v4, v52  }
0x97: {  	v8 =	vsel vm11, v53, v51;
	v6 =	vadd.s32 v6, v56;
	v55 =	vsel vm10, $0xFFFFFFFF, v3  }
0x98: {  	v5 =	vsub.f32 v5, v8;
	v60 =	vadd.s32 $0x870, v6;
	v9 =	vsel vm10, v54, v52  }
0x99: {  	vm14 =	vlt.s32 v6, $0x0;
	v7 =	vadd.s32 v7, v55;
	v4 =	vsub.f32 v4, v9  }
0x9a: {  	s0 =	sshrl.u32 s0, $0x2;
	vm12 =	vlt.s32 v7, $0x0;
	v8 =	vsub.f32 $1.000000000e+00, v5;
	v57 =	vadd.s32 $0x438, v7  }
0x9b: {  	s1 =	sand.u32 $0x10, s1;
	s0 =	sand.u32 $0x1FFFFF80, s0;
	v58 =	vadd.s32 $0x1, v7;
	v7 =	vsel vm12, v57, v7;
	v59 =	vmul.f32 v4, v5  }
0x9c: {  	s0 =	sor.u32 s1, s0;
	v9 =	vsub.f32 $1.000000000e+00, v4;
	v4 =	vmul.f32 v4, v8;
	v7 =	vmul.u32 $0x870, v7  }
0x9d: {  	v63 =	vadd.s32 $0x1, v6;
	v6 =	vsel vm14, v60, v6;
	vm13 =	vlt.s32 v58, $0x437;
	[tilespmem:s0+$0xC60] =	vst v59  }
0x9e: {  	v62 =	vnsel vm13, $0x437, v58;
	v61 =	vmul.f32 v9, v8;
	[tilespmem:s0+$0xC40] =	vst v4;
	v4 =	vadd.s32 v6, v7  }
0x9f: {  	v5 =	vmul.f32 v9, v5;
	v8 =	vmul.u32 $0x870, v62;
	[tilespmem:s0+$0x400] =	vst v4  }
0xa0: {  	vm15 =	vlt.s32 v63, $0x86F;
	[tilespmem:s0+$0xC00] =	vst v61  }
0xa1: {  	[tilespmem:s0+$0xC20] =	vst v5;
	v5 =	vnsel vm15, $0x86F, v63;
	v6 =	vadd.s32 v6, v8  }
0xa2: {  	v4 =	vadd.s32 v5, v8;
	[tilespmem:s0+$0x440] =	vst v6  }
0xa3: {  	s11 =	simm.s32 $0x1400;
	v5 =	vadd.s32 v5, v7;
	[tilespmem:s0+$0x460] =	vst v4  }
0xa4: {  	s1 =	simm.s32 $0x400;
	s4 =	rddreg [dreg:$0x2];
	[tilespmem:s0+$0x420] =	vst v5;
	s0 =	simm.s32 $0x80  }
0xa5: {  	[tilespmem:s11], [sflag:$0x1] =	stream.indirect.gather [hbm4b:s4+s0], $0x1, s1, s0, $0xb8;
	[tilespmem:$0x5C00] =	vst v63  }
0xa6: {  	s14 =	simm.s32 $0x1480;
	s5 =	rddreg [dreg:$0x11]  }
0xa7: {  	[tilespmem:s14], [sflag:$0x1] =	stream.indirect.gather [hbm4b:s5+s0], $0x1, s1, s0, $0xb8;
	[tilespmem:$0x5C00] =	vst v63  }
0xa8: {  	s15 =	simm.s32 $0x1500;
	s6 =	rddreg [dreg:$0x12]  }
0xa9: {  	[tilespmem:s15], [sflag:$0x1] =	stream.indirect.gather [hbm4b:s6+s0], $0x1, s1, s0, $0xb8;
	[tilespmem:$0x5C00] =	vst v63  }
0xaa: {  	s16 =	simm.s32 $0x1580;
	s7 =	rddreg [dreg:$0x13]  }
0xab: {  	[tilespmem:s16], [sflag:$0x1] =	stream.indirect.gather [hbm4b:s7+s0], $0x1, s1, s0, $0xb8;
	[tilespmem:$0x5C00] =	vst v63  }
0xac: {  	s17 =	simm.s32 $0x1600;
	s3 =	rddreg [dreg:$0x1f]  }
0xad: {  	[tilespmem:s17], [sflag:$0x1] =	stream.indirect.gather [hbm4b:s3+s0], $0x1, s1, s0, $0xb8;
	[tilespmem:$0x5C00] =	vst v63  }
0xae: {  	s18 =	simm.s32 $0x1680;
	s8 =	rddreg [dreg:$0x14]  }
0xaf: {  	[tilespmem:s18], [sflag:$0x1] =	stream.indirect.gather [hbm4b:s8+s0], $0x1, s1, s0, $0xb8;
	[tilespmem:$0x5C00] =	vst v63  }
0xb0: {  	s19 =	simm.s32 $0x1700;
	s9 =	rddreg [dreg:$0x15]  }
0xb1: {  	[tilespmem:s19], [sflag:$0x1] =	stream.indirect.gather [hbm4b:s9+s0], $0x1, s1, s0, $0xb8;
	[tilespmem:$0x5C00] =	vst v63  }
0xb2: {  	s21 =	simm.s32 $0x1780;
	s10 =	rddreg [dreg:$0x16]  }
0xb3: {  	[tilespmem:s21], [sflag:$0x1] =	stream.indirect.gather [hbm4b:s10+s0], $0x1, s1, s0, $0xb8;
	[tilespmem:$0x5C00] =	vst v63  }
0xb4: {  	s22 =	simm.s32 $0x1800;
	s11 =	rddreg [dreg:$0x17]  }
0xb5: {  	[tilespmem:s22], [sflag:$0x1] =	stream.indirect.gather [hbm4b:s11+s0], $0x1, s1, s0, $0xb8;
	[tilespmem:$0x5C00] =	vst v63  }
0xb6: {  	s24 =	simm.s32 $0x1880;
	s14 =	rddreg [dreg:$0x18]  }
0xb7: {  	[tilespmem:s24], [sflag:$0x1] =	stream.indirect.gather [hbm4b:s14+s0], $0x1, s1, s0, $0xb8;
	[tilespmem:$0x5C00] =	vst v63  }
0xb8: {  	s25 =	simm.s32 $0x1900;
	s15 =	rddreg [dreg:$0x19]  }
0xb9: {  	[tilespmem:s25], [sflag:$0x1] =	stream.indirect.gather [hbm4b:s15+s0], $0x1, s1, s0, $0xb8;
	[tilespmem:$0x5C00] =	vst v63  }
0xba: {  	s26 =	simm.s32 $0x1980;
	s16 =	rddreg [dreg:$0x1a]  }
0xbb: {  	[tilespmem:s26], [sflag:$0x1] =	stream.indirect.gather [hbm4b:s16+s0], $0x1, s1, s0, $0xb8;
	[tilespmem:$0x5C00] =	vst v63  }
0xbc: {  	s29 =	simm.s32 $0x1A00;
	s19 =	rddreg [dreg:$0x5]  }
0xbd: {  	[tilespmem:s29], [sflag:$0x1] =	stream.indirect.gather [hbm4b:s19+s0], $0x1, s1, s0, $0xb8;
	[tilespmem:$0x5C00] =	vst v63  }
0xbe: {  	s30 =	simm.s32 $0x1A80;
	s17 =	rddreg [dreg:$0x1b]  }
0xbf: {  	[tilespmem:s30], [sflag:$0x1] =	stream.indirect.gather [hbm4b:s17+s0], $0x1, s1, s0, $0xb8;
	[tilespmem:$0x5C00] =	vst v63  }
0xc0: {  	s31 =	simm.s32 $0x1B00;
	s18 =	rddreg [dreg:$0x1c]  }
0xc1: {  	[tilespmem:s31], [sflag:$0x1] =	stream.indirect.gather [hbm4b:s18+s0], $0x1, s1, s0, $0xb8;
	[tilespmem:$0x5C00] =	vst v63  }
0xc2: {  	s21 =	simm.s32 $0x1B80  }
0xc3: {  	[tilespmem:s21], [sflag:$0x1] =	stream.indirect.gather [hbm4b:s12+s0], $0x1, s1, s0, $0xb8;
	[tilespmem:$0x5C00] =	vst v63  }
0xc4: {  	s22 =	simm.s32 $0x1C00  }
0xc5: {  	[tilespmem:s22], [sflag:$0x1] =	stream.indirect.gather [hbm4b:s13+s0], $0x1, s1, s0, $0xb8;
	[tilespmem:$0x5C00] =	vst v63  }
0xc6: {  	s24 =	simm.s32 $0x1C80  }
0xc7: {  	[tilespmem:s24], [sflag:$0x1] =	stream.indirect.gather [hbm4b:s20+s0], $0x1, s1, s0, $0xb8;
	[tilespmem:$0x5C00] =	vst v63  }
0xc8: {  	s25 =	simm.s32 $0x1D00  }
0xc9: {  	[tilespmem:s25], [sflag:$0x1] =	stream.indirect.gather [hbm4b:s23+s0], $0x1, s1, s0, $0xb8;
	[tilespmem:$0x5C00] =	vst v63  }
0xca: {  	s26 =	simm.s32 $0x1D80  }
0xcb: {  	[tilespmem:s26], [sflag:$0x1] =	stream.indirect.gather [hbm4b:s28+s0], $0x1, s1, s0, $0xb8;
	[tilespmem:$0x5C00] =	vst v63  }
0xcc: {  	s29 =	simm.s32 $0x2000;
	s1 =	simm.s32 $0x480  }
0xcd: {  	[tilespmem:s29], [sflag:$0x2] =	stream.indirect.gather [hbm4b:s4+s0], $0x1, s1, s0, $0xb8;
	[tilespmem:$0x5C00] =	vst v63  }
0xce: {  	s30 =	simm.s32 $0x2080  }
0xcf: {  	[tilespmem:s30], [sflag:$0x2] =	stream.indirect.gather [hbm4b:s5+s0], $0x1, s1, s0, $0xb8;
	[tilespmem:$0x5C00] =	vst v63  }
0xd0: {  	s31 =	simm.s32 $0x2100  }
0xd1: {  	[tilespmem:s31], [sflag:$0x2] =	stream.indirect.gather [hbm4b:s6+s0], $0x1, s1, s0, $0xb8;
	[tilespmem:$0x5C00] =	vst v63  }
0xd2: {  	s4 =	simm.s32 $0x2180  }
0xd3: {  	[tilespmem:s4], [sflag:$0x2] =	stream.indirect.gather [hbm4b:s7+s0], $0x1, s1, s0, $0xb8;
	[tilespmem:$0x5C00] =	vst v63  }
0xd4: {  	s5 =	simm.s32 $0x2200  }
0xd5: {  	[tilespmem:s5], [sflag:$0x2] =	stream.indirect.gather [hbm4b:s3+s0], $0x1, s1, s0, $0xb8;
	[tilespmem:$0x5C00] =	vst v63  }
0xd6: {  	s6 =	simm.s32 $0x2280  }
0xd7: {  	[tilespmem:s6], [sflag:$0x2] =	stream.indirect.gather [hbm4b:s8+s0], $0x1, s1, s0, $0xb8;
	[tilespmem:$0x5C00] =	vst v63  }
0xd8: {  	s7 =	simm.s32 $0x2300  }
0xd9: {  	[tilespmem:s7], [sflag:$0x2] =	stream.indirect.gather [hbm4b:s9+s0], $0x1, s1, s0, $0xb8;
	[tilespmem:$0x5C00] =	vst v63  }
0xda: {  	s8 =	simm.s32 $0x2380  }
0xdb: {  	[tilespmem:s8], [sflag:$0x2] =	stream.indirect.gather [hbm4b:s10+s0], $0x1, s1, s0, $0xb8;
	[tilespmem:$0x5C00] =	vst v63  }
0xdc: {  	s9 =	simm.s32 $0x2400  }
0xdd: {  	[tilespmem:s9], [sflag:$0x2] =	stream.indirect.gather [hbm4b:s11+s0], $0x1, s1, s0, $0xb8;
	[tilespmem:$0x5C00] =	vst v63  }
0xde: {  	s10 =	simm.s32 $0x2480  }
0xdf: {  	[tilespmem:s10], [sflag:$0x2] =	stream.indirect.gather [hbm4b:s14+s0], $0x1, s1, s0, $0xb8;
	[tilespmem:$0x5C00] =	vst v63  }
0xe0: {  	s11 =	simm.s32 $0x2500  }
0xe1: {  	[tilespmem:s11], [sflag:$0x2] =	stream.indirect.gather [hbm4b:s15+s0], $0x1, s1, s0, $0xb8;
	[tilespmem:$0x5C00] =	vst v63  }
0xe2: {  	s14 =	simm.s32 $0x2580  }
0xe3: {  	[tilespmem:s14], [sflag:$0x2] =	stream.indirect.gather [hbm4b:s16+s0], $0x1, s1, s0, $0xb8;
	[tilespmem:$0x5C00] =	vst v63  }
0xe4: {  	s15 =	simm.s32 $0x2600  }
0xe5: {  	[tilespmem:s15], [sflag:$0x2] =	stream.indirect.gather [hbm4b:s19+s0], $0x1, s1, s0, $0xb8;
	[tilespmem:$0x5C00] =	vst v63  }
0xe6: {  	s16 =	simm.s32 $0x2680  }
0xe7: {  	[tilespmem:s16], [sflag:$0x2] =	stream.indirect.gather [hbm4b:s17+s0], $0x1, s1, s0, $0xb8;
	[tilespmem:$0x5C00] =	vst v63  }
0xe8: {  	s19 =	simm.s32 $0x2700  }
0xe9: {  	[tilespmem:s19], [sflag:$0x2] =	stream.indirect.gather [hbm4b:s18+s0], $0x1, s1, s0, $0xb8;
	[tilespmem:$0x5C00] =	vst v63  }
0xea: {  	p0 =	por $0x0, $0x0;
	s21 =	simm.s32 $0x2780  }
0xeb: {  	[tilespmem:s21], [sflag:$0x2] =	stream.indirect.gather [hbm4b:s12+s0], $0x1, s1, s0, $0xb8;
	[tilespmem:$0x5C00] =	vst v63  }
0xec: {  	s22 =	simm.s32 $0x2800;
	s24 =	simm.s32 $0x2880;
	s29 =	simm.s32 $0x0  }
0xed: {  	[tilespmem:s22], [sflag:$0x2] =	stream.indirect.gather [hbm4b:s13+s0], $0x1, s1, s0, $0xb8;
	[tilespmem:$0x5C00] =	vst v63  }
0xee: {  	s25 =	simm.s32 $0x2900;
	[dreg:$0x10] =	wrdreg s29;
	s30 =	simm.s32 $0x0  }
0xef: {  	[tilespmem:s24], [sflag:$0x2] =	stream.indirect.gather [hbm4b:s20+s0], $0x1, s1, s0, $0xb8;
	[tilespmem:$0x5C00] =	vst v63  }
0xf0: {  	s26 =	simm.s32 $0x2980;
	[dreg:$0x1d] =	wrdreg s30;
	s31 =	simm.s32 $0x0  }
0xf1: {  	[tilespmem:s25], [sflag:$0x2] =	stream.indirect.gather [hbm4b:s23+s0], $0x1, s1, s0, $0xb8;
	[tilespmem:$0x5C00] =	vst v63  }
0xf2: {  	[dreg:$0x1e] =	wrdreg s31;
	s20 =	simm.s32 $0x500;
	s23 =	simm.s32 $0xC80  }
0xf3: {  	[tilespmem:s26], [sflag:$0x2] =	stream.indirect.gather [hbm4b:s28+s0], $0x1, s1, s0, $0xb8;
	[tilespmem:$0x5C00] =	vst v63  }
.LBB2_4:
0xf4: {  	s0 =	simm.s32 $0x1  }
0xf5: {  	_ =	swait.ge [sflag:s0], $0xA00  }
0xf6: {  	[sflag:s0] =	ssyncset.done $0x0  }
0xf7: {  	[sflag:s0] =	ssyncadd.s32 $0xFFFFF600  }
0xf8: {  	v5 =	vld [tilespmem:s23+$0xFFFFFF80]  }
0xf9: {  	v6 =	vld [tilespmem:s23+$0xFFFFFFA0]  }
0xfa: {  	v4 =	vld [tilespmem:$0x1400]  }
0xfb: {  	v7 =	vld [tilespmem:$0x1420]  }
0xfc: {  	v9 =	vld [tilespmem:s23+$0xFFFFFFC0]  }
0xfd: {  	v8 =	vld [tilespmem:$0x1440]  }
0xfe: {  	v10 =	vld [tilespmem:s23+$0xFFFFFFE0]  }
0xff: {  	v11 =	vld [tilespmem:$0x1460]  }
0x100: {  	v4 =	vmul.f32 v4, v5;
	v7 =	vmul.f32 v7, v6;
	_ =	sdelay $0x1  }
0x101: {  	v8 =	vmul.f32 v8, v9;
	v7 =	vadd.f32 v7, v4;
	_ =	sdelay $0x1  }
0x102: {  	s3 =	rddreg [dreg:$0x1e];
	v11 =	vmul.f32 v11, v10;
	v12 =	vadd.f32 v8, v7  }
0x103: {  	s14 =	rddreg [dreg:$0x10];
	s10 =	sand.u32 $0xC00, s3;
	v4 =	vld [tilespmem:s23+$0xFFFFFF90]  }
0x104: {  	s11 =	sand.u32 $0x40, s14;
	s28 =	sadd.s32 $0x2C00, s10;
	v7 =	vld [tilespmem:s23+$0xFFFFFFB0];
	v12 =	vadd.f32 v11, v12  }
0x105: {  	s18 =	sor.u32 s11, s28;
	v8 =	vld [tilespmem:s23+$0xFFFFFFD0]  }
0x106: {  	v11 =	vld [tilespmem:s23+$0xFFFFFFF0];
	[tilespmem:s18+$0x0] =	vst v12  }
0x107: {  	v12 =	vld [tilespmem:$0x1410]  }
0x108: {  	v13 =	vld [tilespmem:$0x1430];
	_ =	sdelay $0x1  }
0x109: {  	v14 =	vld [tilespmem:$0x1450];
	_ =	sdelay $0x1  }
0x10a: {  	v15 =	vld [tilespmem:$0x1470]  }
0x10b: {  	v12 =	vmul.f32 v12, v4;
	v13 =	vmul.f32 v13, v7;
	_ =	sdelay $0x1  }
0x10c: {  	v49 =	vmul.f32 v14, v8;
	v12 =	vadd.f32 v13, v12;
	_ =	sdelay $0x1  }
0x10d: {  	v50 =	vmul.f32 v15, v11;
	v12 =	vadd.f32 v49, v12;
	_ =	sdelay $0x1  }
0x10e: {  	s12 =	sor.u32 $0x10, s11;
	v12 =	vadd.f32 v50, v12  }
0x10f: {  	s1 =	sor.u32 s12, s28  }
0x110: {  	[tilespmem:s1+$0x0] =	vst v12  }
0x111: {  	v12 =	vld [tilespmem:$0x1480]  }
0x112: {  	v51 =	vld [tilespmem:$0x14A0];
	_ =	sdelay $0x1  }
0x113: {  	v52 =	vld [tilespmem:$0x14C0];
	_ =	sdelay $0x1  }
0x114: {  	v53 =	vld [tilespmem:$0x14E0]  }
0x115: {  	v12 =	vmul.f32 v12, v5;
	v13 =	vmul.f32 v51, v6;
	_ =	sdelay $0x1  }
0x116: {  	v54 =	vmul.f32 v52, v9;
	v12 =	vadd.f32 v13, v12;
	_ =	sdelay $0x1  }
0x117: {  	v55 =	vmul.f32 v53, v10;
	v12 =	vadd.f32 v54, v12;
	_ =	sdelay $0x1  }
0x118: {  	v12 =	vadd.f32 v55, v12;
	_ =	sdelay $0x1  }
0x119: {  	[tilespmem:s18+$0x80] =	vst v12  }
0x11a: {  	v12 =	vld [tilespmem:$0x1490]  }
0x11b: {  	v56 =	vld [tilespmem:$0x14B0];
	_ =	sdelay $0x1  }
0x11c: {  	v57 =	vld [tilespmem:$0x14D0];
	_ =	sdelay $0x1  }
0x11d: {  	v58 =	vld [tilespmem:$0x14F0]  }
0x11e: {  	v12 =	vmul.f32 v12, v4;
	v13 =	vmul.f32 v56, v7;
	_ =	sdelay $0x1  }
0x11f: {  	v59 =	vmul.f32 v57, v8;
	v12 =	vadd.f32 v13, v12;
	_ =	sdelay $0x1  }
0x120: {  	v60 =	vmul.f32 v58, v11;
	v12 =	vadd.f32 v59, v12;
	_ =	sdelay $0x1  }
0x121: {  	v12 =	vadd.f32 v60, v12;
	_ =	sdelay $0x1  }
0x122: {  	[tilespmem:s1+$0x80] =	vst v12  }
0x123: {  	v12 =	vld [tilespmem:$0x1500]  }
0x124: {  	v61 =	vld [tilespmem:$0x1520];
	_ =	sdelay $0x1  }
0x125: {  	v62 =	vld [tilespmem:$0x1540];
	_ =	sdelay $0x1  }
0x126: {  	v63 =	vld [tilespmem:$0x1560]  }
0x127: {  	v12 =	vmul.f32 v12, v5;
	v13 =	vmul.f32 v61, v6;
	_ =	sdelay $0x1  }
0x128: {  	v16 =	vmul.f32 v62, v9;
	v12 =	vadd.f32 v13, v12;
	_ =	sdelay $0x1  }
0x129: {  	v17 =	vmul.f32 v63, v10;
	v12 =	vadd.f32 v16, v12;
	_ =	sdelay $0x1  }
0x12a: {  	v12 =	vadd.f32 v17, v12;
	_ =	sdelay $0x1  }
0x12b: {  	[tilespmem:s18+$0x100] =	vst v12  }
0x12c: {  	v12 =	vld [tilespmem:$0x1510]  }
0x12d: {  	v18 =	vld [tilespmem:$0x1530];
	_ =	sdelay $0x1  }
0x12e: {  	v19 =	vld [tilespmem:$0x1550];
	_ =	sdelay $0x1  }
0x12f: {  	v20 =	vld [tilespmem:$0x1570]  }
0x130: {  	v12 =	vmul.f32 v12, v4;
	v13 =	vmul.f32 v18, v7;
	_ =	sdelay $0x1  }
0x131: {  	v21 =	vmul.f32 v19, v8;
	v12 =	vadd.f32 v13, v12;
	_ =	sdelay $0x1  }
0x132: {  	v22 =	vmul.f32 v20, v11;
	v12 =	vadd.f32 v21, v12;
	_ =	sdelay $0x1  }
0x133: {  	v12 =	vadd.f32 v22, v12;
	_ =	sdelay $0x1  }
0x134: {  	[tilespmem:s1+$0x100] =	vst v12  }
0x135: {  	v12 =	vld [tilespmem:$0x1580]  }
0x136: {  	v23 =	vld [tilespmem:$0x15A0];
	_ =	sdelay $0x1  }
0x137: {  	v24 =	vld [tilespmem:$0x15C0];
	_ =	sdelay $0x1  }
0x138: {  	v25 =	vld [tilespmem:$0x15E0]  }
0x139: {  	v12 =	vmul.f32 v12, v5;
	v13 =	vmul.f32 v23, v6;
	_ =	sdelay $0x1  }
0x13a: {  	v26 =	vmul.f32 v24, v9;
	v12 =	vadd.f32 v13, v12;
	_ =	sdelay $0x1  }
0x13b: {  	v27 =	vmul.f32 v25, v10;
	v12 =	vadd.f32 v26, v12;
	_ =	sdelay $0x1  }
0x13c: {  	v12 =	vadd.f32 v27, v12;
	_ =	sdelay $0x1  }
0x13d: {  	[tilespmem:s18+$0x180] =	vst v12  }
0x13e: {  	v12 =	vld [tilespmem:$0x1590]  }
0x13f: {  	v28 =	vld [tilespmem:$0x15B0];
	_ =	sdelay $0x1  }
0x140: {  	v29 =	vld [tilespmem:$0x15D0];
	_ =	sdelay $0x1  }
0x141: {  	v30 =	vld [tilespmem:$0x15F0]  }
0x142: {  	v12 =	vmul.f32 v12, v4;
	v13 =	vmul.f32 v28, v7;
	_ =	sdelay $0x1  }
0x143: {  	v31 =	vmul.f32 v29, v8;
	v12 =	vadd.f32 v13, v12;
	_ =	sdelay $0x1  }
0x144: {  	v32 =	vmul.f32 v30, v11;
	v12 =	vadd.f32 v31, v12;
	_ =	sdelay $0x1  }
0x145: {  	v12 =	vadd.f32 v32, v12;
	_ =	sdelay $0x1  }
0x146: {  	[tilespmem:s1+$0x180] =	vst v12  }
0x147: {  	v12 =	vld [tilespmem:$0x1600]  }
0x148: {  	v33 =	vld [tilespmem:$0x1620];
	_ =	sdelay $0x1  }
0x149: {  	v34 =	vld [tilespmem:$0x1640];
	_ =	sdelay $0x1  }
0x14a: {  	v35 =	vld [tilespmem:$0x1660]  }
0x14b: {  	v12 =	vmul.f32 v12, v5;
	v13 =	vmul.f32 v33, v6;
	_ =	sdelay $0x1  }
0x14c: {  	v36 =	vmul.f32 v34, v9;
	v12 =	vadd.f32 v13, v12  }
0x14d: {  	s0 =	simm.s32 $0x1  }
0x14e: {  	s0 =	simm.s32 @!p0 $0x0;
	v37 =	vmul.f32 v35, v10;
	v12 =	vadd.f32 v36, v12  }
0x14f: {  	s0 =	sshll.u32 s0, $0x6  }
0x150: {  	s19 =	sadd.s32 s0, s3;
	v12 =	vadd.f32 v37, v12  }
0x151: {  	s0 =	sor.u32 $0x200, s19  }
0x152: {  	[tilespmem:s0+$0x2C00] =	vst v12  }
0x153: {  	v12 =	vld [tilespmem:$0x1610]  }
0x154: {  	v38 =	vld [tilespmem:$0x1630];
	_ =	sdelay $0x1  }
0x155: {  	v39 =	vld [tilespmem:$0x1650];
	_ =	sdelay $0x1  }
0x156: {  	v40 =	vld [tilespmem:$0x1670]  }
0x157: {  	v12 =	vmul.f32 v12, v4;
	v13 =	vmul.f32 v38, v7;
	_ =	sdelay $0x1  }
0x158: {  	v41 =	vmul.f32 v39, v8;
	v12 =	vadd.f32 v13, v12;
	_ =	sdelay $0x1  }
0x159: {  	v42 =	vmul.f32 v40, v11;
	v12 =	vadd.f32 v41, v12;
	_ =	sdelay $0x1  }
0x15a: {  	s21 =	sadd.s32 $0x10, s19;
	v12 =	vadd.f32 v42, v12  }
0x15b: {  	s2 =	sor.u32 $0x200, s21  }
0x15c: {  	[tilespmem:s2+$0x2C00] =	vst v12  }
0x15d: {  	v12 =	vld [tilespmem:$0x1680]  }
0x15e: {  	v43 =	vld [tilespmem:$0x16A0];
	_ =	sdelay $0x1  }
0x15f: {  	v44 =	vld [tilespmem:$0x16C0];
	_ =	sdelay $0x1  }
0x160: {  	v45 =	vld [tilespmem:$0x16E0]  }
0x161: {  	v12 =	vmul.f32 v12, v5;
	v13 =	vmul.f32 v43, v6;
	_ =	sdelay $0x1  }
0x162: {  	v46 =	vmul.f32 v44, v9;
	v12 =	vadd.f32 v13, v12;
	_ =	sdelay $0x1  }
0x163: {  	v47 =	vmul.f32 v45, v10;
	v12 =	vadd.f32 v46, v12;
	_ =	sdelay $0x1  }
0x164: {  	v12 =	vadd.f32 v47, v12  }
0x165: {  	s22 =	sor.u32 $0x280, s19  }
0x166: {  	[tilespmem:s22+$0x2C00] =	vst v12  }
0x167: {  	v12 =	vld [tilespmem:$0x1690]  }
0x168: {  	v48 =	vld [tilespmem:$0x16B0];
	_ =	sdelay $0x1  }
0x169: {  	v49 =	vld [tilespmem:$0x16D0];
	_ =	sdelay $0x1  }
0x16a: {  	v50 =	vld [tilespmem:$0x16F0]  }
0x16b: {  	v12 =	vmul.f32 v12, v4;
	v13 =	vmul.f32 v48, v7;
	_ =	sdelay $0x1  }
0x16c: {  	v51 =	vmul.f32 v49, v8;
	v12 =	vadd.f32 v13, v12;
	_ =	sdelay $0x1  }
0x16d: {  	v52 =	vmul.f32 v50, v11;
	v12 =	vadd.f32 v51, v12;
	_ =	sdelay $0x1  }
0x16e: {  	v12 =	vadd.f32 v52, v12  }
0x16f: {  	s24 =	sor.u32 $0x280, s21  }
0x170: {  	[tilespmem:s24+$0x2C00] =	vst v12  }
0x171: {  	v12 =	vld [tilespmem:$0x1700]  }
0x172: {  	v53 =	vld [tilespmem:$0x1720];
	_ =	sdelay $0x1  }
0x173: {  	v54 =	vld [tilespmem:$0x1740];
	_ =	sdelay $0x1  }
0x174: {  	v55 =	vld [tilespmem:$0x1760]  }
0x175: {  	v12 =	vmul.f32 v12, v5;
	v13 =	vmul.f32 v53, v6;
	_ =	sdelay $0x1  }
0x176: {  	v56 =	vmul.f32 v54, v9;
	v12 =	vadd.f32 v13, v12;
	_ =	sdelay $0x1  }
0x177: {  	v57 =	vmul.f32 v55, v10;
	v12 =	vadd.f32 v56, v12;
	_ =	sdelay $0x1  }
0x178: {  	v12 =	vadd.f32 v57, v12  }
0x179: {  	s1 =	sor.u32 $0x300, s19  }
0x17a: {  	[tilespmem:s1+$0x2C00] =	vst v12  }
0x17b: {  	v12 =	vld [tilespmem:$0x1710]  }
0x17c: {  	v58 =	vld [tilespmem:$0x1730];
	_ =	sdelay $0x1  }
0x17d: {  	v59 =	vld [tilespmem:$0x1750];
	_ =	sdelay $0x1  }
0x17e: {  	v60 =	vld [tilespmem:$0x1770]  }
0x17f: {  	v12 =	vmul.f32 v12, v4;
	v13 =	vmul.f32 v58, v7;
	_ =	sdelay $0x1  }
0x180: {  	v61 =	vmul.f32 v59, v8;
	v12 =	vadd.f32 v13, v12;
	_ =	sdelay $0x1  }
0x181: {  	v62 =	vmul.f32 v60, v11;
	v12 =	vadd.f32 v61, v12;
	_ =	sdelay $0x1  }
0x182: {  	v12 =	vadd.f32 v62, v12  }
0x183: {  	s25 =	sor.u32 $0x300, s21  }
0x184: {  	[tilespmem:s25+$0x2C00] =	vst v12  }
0x185: {  	v12 =	vld [tilespmem:$0x1780]  }
0x186: {  	v63 =	vld [tilespmem:$0x17A0];
	_ =	sdelay $0x1  }
0x187: {  	v18 =	vld [tilespmem:$0x17C0];
	_ =	sdelay $0x1  }
0x188: {  	v19 =	vld [tilespmem:$0x17E0]  }
0x189: {  	v12 =	vmul.f32 v12, v5;
	v13 =	vmul.f32 v63, v6;
	_ =	sdelay $0x1  }
0x18a: {  	v20 =	vmul.f32 v18, v9;
	v12 =	vadd.f32 v13, v12;
	_ =	sdelay $0x1  }
0x18b: {  	v21 =	vmul.f32 v19, v10;
	v12 =	vadd.f32 v20, v12;
	_ =	sdelay $0x1  }
0x18c: {  	s26 =	sor.u32 s3, s14;
	v12 =	vadd.f32 v21, v12  }
0x18d: {  	s1 =	sor.u32 $0x380, s26  }
0x18e: {  	[tilespmem:s1+$0x2C00] =	vst v12  }
0x18f: {  	v12 =	vld [tilespmem:$0x1790]  }
0x190: {  	v22 =	vld [tilespmem:$0x17B0];
	_ =	sdelay $0x1  }
0x191: {  	v23 =	vld [tilespmem:$0x17D0];
	_ =	sdelay $0x1  }
0x192: {  	v24 =	vld [tilespmem:$0x17F0]  }
0x193: {  	v12 =	vmul.f32 v12, v4;
	v13 =	vmul.f32 v22, v7;
	_ =	sdelay $0x1  }
0x194: {  	v25 =	vmul.f32 v23, v8;
	v12 =	vadd.f32 v13, v12;
	_ =	sdelay $0x1  }
0x195: {  	v26 =	vmul.f32 v24, v11;
	v12 =	vadd.f32 v25, v12;
	_ =	sdelay $0x1  }
0x196: {  	v12 =	vadd.f32 v26, v12  }
0x197: {  	s0 =	sor.u32 $0x380, s21  }
0x198: {  	[tilespmem:s0+$0x2C00] =	vst v12  }
0x199: {  	v12 =	vld [tilespmem:$0x1800]  }
0x19a: {  	v27 =	vld [tilespmem:$0x1820];
	_ =	sdelay $0x1  }
0x19b: {  	v28 =	vld [tilespmem:$0x1840];
	_ =	sdelay $0x1  }
0x19c: {  	v29 =	vld [tilespmem:$0x1860]  }
0x19d: {  	v12 =	vmul.f32 v12, v5;
	v13 =	vmul.f32 v27, v6;
	_ =	sdelay $0x1  }
0x19e: {  	v30 =	vmul.f32 v28, v9;
	v12 =	vadd.f32 v13, v12;
	_ =	sdelay $0x1  }
0x19f: {  	v31 =	vmul.f32 v29, v10;
	v12 =	vadd.f32 v30, v12;
	_ =	sdelay $0x1  }
0x1a0: {  	s2 =	sadd.s32 $0x3C00, s10;
	v12 =	vadd.f32 v31, v12  }
0x1a1: {  	s4 =	sor.u32 s11, s2  }
0x1a2: {  	[tilespmem:s4+$0x0] =	vst v12  }
0x1a3: {  	v12 =	vld [tilespmem:$0x1810]  }
0x1a4: {  	v32 =	vld [tilespmem:$0x1830];
	_ =	sdelay $0x1  }
0x1a5: {  	v33 =	vld [tilespmem:$0x1850];
	_ =	sdelay $0x1  }
0x1a6: {  	v34 =	vld [tilespmem:$0x1870]  }
0x1a7: {  	v12 =	vmul.f32 v12, v4;
	v13 =	vmul.f32 v32, v7;
	_ =	sdelay $0x1  }
0x1a8: {  	v35 =	vmul.f32 v33, v8;
	v12 =	vadd.f32 v13, v12;
	_ =	sdelay $0x1  }
0x1a9: {  	v36 =	vmul.f32 v34, v11;
	v12 =	vadd.f32 v35, v12;
	_ =	sdelay $0x1  }
0x1aa: {  	v12 =	vadd.f32 v36, v12  }
0x1ab: {  	s5 =	sor.u32 s12, s2  }
0x1ac: {  	[tilespmem:s5+$0x0] =	vst v12  }
0x1ad: {  	v12 =	vld [tilespmem:$0x1880]  }
0x1ae: {  	v37 =	vld [tilespmem:$0x18A0];
	_ =	sdelay $0x1  }
0x1af: {  	v38 =	vld [tilespmem:$0x18C0];
	_ =	sdelay $0x1  }
0x1b0: {  	v39 =	vld [tilespmem:$0x18E0]  }
0x1b1: {  	v12 =	vmul.f32 v12, v5;
	v13 =	vmul.f32 v37, v6;
	_ =	sdelay $0x1  }
0x1b2: {  	v40 =	vmul.f32 v38, v9;
	v12 =	vadd.f32 v13, v12;
	_ =	sdelay $0x1  }
0x1b3: {  	v41 =	vmul.f32 v39, v10;
	v12 =	vadd.f32 v40, v12;
	_ =	sdelay $0x1  }
0x1b4: {  	[smem:$0x7F9] =	sst s2;
	s2 =	sadd.s32 $0x3C80, s10;
	v12 =	vadd.f32 v41, v12  }
0x1b5: {  	s6 =	sor.u32 s11, s2  }
0x1b6: {  	[tilespmem:s6+$0x0] =	vst v12  }
0x1b7: {  	v12 =	vld [tilespmem:$0x1890]  }
0x1b8: {  	v42 =	vld [tilespmem:$0x18B0];
	_ =	sdelay $0x1  }
0x1b9: {  	v43 =	vld [tilespmem:$0x18D0];
	_ =	sdelay $0x1  }
0x1ba: {  	v44 =	vld [tilespmem:$0x18F0]  }
0x1bb: {  	v12 =	vmul.f32 v12, v4;
	v13 =	vmul.f32 v42, v7;
	_ =	sdelay $0x1  }
0x1bc: {  	v45 =	vmul.f32 v43, v8;
	v12 =	vadd.f32 v13, v12;
	_ =	sdelay $0x1  }
0x1bd: {  	v46 =	vmul.f32 v44, v11;
	v12 =	vadd.f32 v45, v12;
	_ =	sdelay $0x1  }
0x1be: {  	v12 =	vadd.f32 v46, v12  }
0x1bf: {  	s7 =	sor.u32 s12, s2  }
0x1c0: {  	[tilespmem:s7+$0x0] =	vst v12  }
0x1c1: {  	v12 =	vld [tilespmem:$0x1900]  }
0x1c2: {  	v47 =	vld [tilespmem:$0x1920];
	_ =	sdelay $0x1  }
0x1c3: {  	v48 =	vld [tilespmem:$0x1940];
	_ =	sdelay $0x1  }
0x1c4: {  	v49 =	vld [tilespmem:$0x1960]  }
0x1c5: {  	v12 =	vmul.f32 v12, v5;
	v13 =	vmul.f32 v47, v6;
	_ =	sdelay $0x1  }
0x1c6: {  	v50 =	vmul.f32 v48, v9;
	v12 =	vadd.f32 v13, v12;
	_ =	sdelay $0x1  }
0x1c7: {  	v51 =	vmul.f32 v49, v10;
	v12 =	vadd.f32 v50, v12;
	_ =	sdelay $0x1  }
0x1c8: {  	s1 =	sadd.s32 $0x3D00, s10;
	v12 =	vadd.f32 v51, v12  }
0x1c9: {  	s8 =	sor.u32 s11, s1  }
0x1ca: {  	[tilespmem:s8+$0x0] =	vst v12  }
0x1cb: {  	v12 =	vld [tilespmem:$0x1910]  }
0x1cc: {  	v52 =	vld [tilespmem:$0x1930];
	_ =	sdelay $0x1  }
0x1cd: {  	v53 =	vld [tilespmem:$0x1950];
	_ =	sdelay $0x1  }
0x1ce: {  	v54 =	vld [tilespmem:$0x1970]  }
0x1cf: {  	v12 =	vmul.f32 v12, v4;
	v13 =	vmul.f32 v52, v7;
	_ =	sdelay $0x1  }
0x1d0: {  	v55 =	vmul.f32 v53, v8;
	v12 =	vadd.f32 v13, v12;
	_ =	sdelay $0x1  }
0x1d1: {  	v56 =	vmul.f32 v54, v11;
	v12 =	vadd.f32 v55, v12;
	_ =	sdelay $0x1  }
0x1d2: {  	v12 =	vadd.f32 v56, v12  }
0x1d3: {  	s9 =	sor.u32 s12, s1  }
0x1d4: {  	[tilespmem:s9+$0x0] =	vst v12  }
0x1d5: {  	v12 =	vld [tilespmem:$0x1980]  }
0x1d6: {  	v57 =	vld [tilespmem:$0x19A0];
	_ =	sdelay $0x1  }
0x1d7: {  	v58 =	vld [tilespmem:$0x19C0];
	_ =	sdelay $0x1  }
0x1d8: {  	v59 =	vld [tilespmem:$0x19E0]  }
0x1d9: {  	v12 =	vmul.f32 v12, v5;
	v13 =	vmul.f32 v57, v6;
	_ =	sdelay $0x1  }
0x1da: {  	v60 =	vmul.f32 v58, v9;
	v12 =	vadd.f32 v13, v12;
	_ =	sdelay $0x1  }
0x1db: {  	v61 =	vmul.f32 v59, v10;
	v12 =	vadd.f32 v60, v12;
	_ =	sdelay $0x1  }
0x1dc: {  	s4 =	sadd.s32 $0x3D80, s10;
	v12 =	vadd.f32 v61, v12  }
0x1dd: {  	s13 =	sor.u32 s11, s4  }
0x1de: {  	[tilespmem:s13+$0x0] =	vst v12  }
0x1df: {  	v12 =	vld [tilespmem:$0x1990]  }
0x1e0: {  	v62 =	vld [tilespmem:$0x19B0];
	_ =	sdelay $0x1  }
0x1e1: {  	v63 =	vld [tilespmem:$0x19D0];
	_ =	sdelay $0x1  }
0x1e2: {  	v18 =	vld [tilespmem:$0x19F0]  }
0x1e3: {  	v12 =	vmul.f32 v12, v4;
	v13 =	vmul.f32 v62, v7;
	_ =	sdelay $0x1  }
0x1e4: {  	v19 =	vmul.f32 v63, v8;
	v12 =	vadd.f32 v13, v12;
	_ =	sdelay $0x1  }
0x1e5: {  	v20 =	vmul.f32 v18, v11;
	v12 =	vadd.f32 v19, v12;
	_ =	sdelay $0x1  }
0x1e6: {  	v12 =	vadd.f32 v20, v12  }
0x1e7: {  	s15 =	sor.u32 s12, s4  }
0x1e8: {  	[tilespmem:s15+$0x0] =	vst v12  }
0x1e9: {  	v12 =	vld [tilespmem:$0x1A00]  }
0x1ea: {  	v21 =	vld [tilespmem:$0x1A20];
	_ =	sdelay $0x1  }
0x1eb: {  	v22 =	vld [tilespmem:$0x1A40];
	_ =	sdelay $0x1  }
0x1ec: {  	v23 =	vld [tilespmem:$0x1A60]  }
0x1ed: {  	v12 =	vmul.f32 v12, v5;
	v13 =	vmul.f32 v21, v6;
	_ =	sdelay $0x1  }
0x1ee: {  	v24 =	vmul.f32 v22, v9;
	v12 =	vadd.f32 v13, v12;
	_ =	sdelay $0x1  }
0x1ef: {  	v25 =	vmul.f32 v23, v10;
	v12 =	vadd.f32 v24, v12;
	_ =	sdelay $0x1  }
0x1f0: {  	s16 =	sadd.s32 $0x3E00, s10;
	v12 =	vadd.f32 v25, v12  }
0x1f1: {  	s17 =	sor.u32 s11, s16  }
0x1f2: {  	[tilespmem:s17+$0x0] =	vst v12  }
0x1f3: {  	v12 =	vld [tilespmem:$0x1A10]  }
0x1f4: {  	v26 =	vld [tilespmem:$0x1A30];
	_ =	sdelay $0x1  }
0x1f5: {  	v27 =	vld [tilespmem:$0x1A50];
	_ =	sdelay $0x1  }
0x1f6: {  	v28 =	vld [tilespmem:$0x1A70]  }
0x1f7: {  	v12 =	vmul.f32 v12, v4;
	v13 =	vmul.f32 v26, v7;
	_ =	sdelay $0x1  }
0x1f8: {  	v29 =	vmul.f32 v27, v8;
	v12 =	vadd.f32 v13, v12;
	_ =	sdelay $0x1  }
0x1f9: {  	v30 =	vmul.f32 v28, v11;
	v12 =	vadd.f32 v29, v12;
	_ =	sdelay $0x1  }
0x1fa: {  	v12 =	vadd.f32 v30, v12  }
0x1fb: {  	s18 =	sor.u32 s12, s16  }
0x1fc: {  	[tilespmem:s18+$0x0] =	vst v12  }
0x1fd: {  	v12 =	vld [tilespmem:$0x1A80]  }
0x1fe: {  	v31 =	vld [tilespmem:$0x1AA0];
	_ =	sdelay $0x1  }
0x1ff: {  	v32 =	vld [tilespmem:$0x1AC0];
	_ =	sdelay $0x1  }
0x200: {  	v33 =	vld [tilespmem:$0x1AE0]  }
0x201: {  	v12 =	vmul.f32 v12, v5;
	v13 =	vmul.f32 v31, v6;
	_ =	sdelay $0x1  }
0x202: {  	v34 =	vmul.f32 v32, v9;
	v12 =	vadd.f32 v13, v12;
	_ =	sdelay $0x1  }
0x203: {  	v35 =	vmul.f32 v33, v10;
	v12 =	vadd.f32 v34, v12;
	_ =	sdelay $0x1  }
0x204: {  	s19 =	sadd.s32 $0x3E80, s10;
	v12 =	vadd.f32 v35, v12  }
0x205: {  	s5 =	sor.u32 s11, s19  }
0x206: {  	[tilespmem:s5+$0x0] =	vst v12  }
0x207: {  	v12 =	vld [tilespmem:$0x1A90]  }
0x208: {  	v36 =	vld [tilespmem:$0x1AB0];
	_ =	sdelay $0x1  }
0x209: {  	v37 =	vld [tilespmem:$0x1AD0];
	_ =	sdelay $0x1  }
0x20a: {  	v38 =	vld [tilespmem:$0x1AF0]  }
0x20b: {  	v12 =	vmul.f32 v12, v4;
	v13 =	vmul.f32 v36, v7;
	_ =	sdelay $0x1  }
0x20c: {  	v39 =	vmul.f32 v37, v8;
	v12 =	vadd.f32 v13, v12;
	_ =	sdelay $0x1  }
0x20d: {  	v40 =	vmul.f32 v38, v11;
	v12 =	vadd.f32 v39, v12;
	_ =	sdelay $0x1  }
0x20e: {  	v12 =	vadd.f32 v40, v12  }
0x20f: {  	s21 =	sor.u32 s12, s19  }
0x210: {  	[tilespmem:s21+$0x0] =	vst v12  }
0x211: {  	v12 =	vld [tilespmem:$0x1B00]  }
0x212: {  	v41 =	vld [tilespmem:$0x1B20];
	_ =	sdelay $0x1  }
0x213: {  	v42 =	vld [tilespmem:$0x1B40];
	_ =	sdelay $0x1  }
0x214: {  	v43 =	vld [tilespmem:$0x1B60]  }
0x215: {  	v12 =	vmul.f32 v12, v5;
	v13 =	vmul.f32 v41, v6;
	_ =	sdelay $0x1  }
0x216: {  	v44 =	vmul.f32 v42, v9;
	v12 =	vadd.f32 v13, v12;
	_ =	sdelay $0x1  }
0x217: {  	v45 =	vmul.f32 v43, v10;
	v12 =	vadd.f32 v44, v12;
	_ =	sdelay $0x1  }
0x218: {  	s22 =	sadd.s32 $0x3F00, s10;
	v12 =	vadd.f32 v45, v12  }
0x219: {  	s6 =	sor.u32 s11, s22  }
0x21a: {  	[tilespmem:s6+$0x0] =	vst v12  }
0x21b: {  	v12 =	vld [tilespmem:$0x1B10]  }
0x21c: {  	v46 =	vld [tilespmem:$0x1B30];
	_ =	sdelay $0x1  }
0x21d: {  	v47 =	vld [tilespmem:$0x1B50];
	_ =	sdelay $0x1  }
0x21e: {  	v48 =	vld [tilespmem:$0x1B70]  }
0x21f: {  	v12 =	vmul.f32 v12, v4;
	v13 =	vmul.f32 v46, v7;
	_ =	sdelay $0x1  }
0x220: {  	v49 =	vmul.f32 v47, v8;
	v12 =	vadd.f32 v13, v12;
	_ =	sdelay $0x1  }
0x221: {  	v50 =	vmul.f32 v48, v11;
	v12 =	vadd.f32 v49, v12;
	_ =	sdelay $0x1  }
0x222: {  	v12 =	vadd.f32 v50, v12  }
0x223: {  	s24 =	sor.u32 s12, s22  }
0x224: {  	[tilespmem:s24+$0x0] =	vst v12  }
0x225: {  	v12 =	vld [tilespmem:$0x1B80]  }
0x226: {  	v51 =	vld [tilespmem:$0x1BA0];
	_ =	sdelay $0x1  }
0x227: {  	v52 =	vld [tilespmem:$0x1BC0];
	_ =	sdelay $0x1  }
0x228: {  	v53 =	vld [tilespmem:$0x1BE0]  }
0x229: {  	v12 =	vmul.f32 v12, v5;
	v13 =	vmul.f32 v51, v6;
	_ =	sdelay $0x1  }
0x22a: {  	v54 =	vmul.f32 v52, v9;
	v12 =	vadd.f32 v13, v12;
	_ =	sdelay $0x1  }
0x22b: {  	v55 =	vmul.f32 v53, v10;
	v12 =	vadd.f32 v54, v12;
	_ =	sdelay $0x1  }
0x22c: {  	s5 =	sadd.s32 $0x3F80, s10;
	v12 =	vadd.f32 v55, v12  }
0x22d: {  	s7 =	sor.u32 s11, s5  }
0x22e: {  	[tilespmem:s7+$0x0] =	vst v12  }
0x22f: {  	v12 =	vld [tilespmem:$0x1B90]  }
0x230: {  	v56 =	vld [tilespmem:$0x1BB0];
	_ =	sdelay $0x1  }
0x231: {  	v57 =	vld [tilespmem:$0x1BD0];
	_ =	sdelay $0x1  }
0x232: {  	v58 =	vld [tilespmem:$0x1BF0]  }
0x233: {  	v12 =	vmul.f32 v12, v4;
	v13 =	vmul.f32 v56, v7;
	_ =	sdelay $0x1  }
0x234: {  	v59 =	vmul.f32 v57, v8;
	v12 =	vadd.f32 v13, v12;
	_ =	sdelay $0x1  }
0x235: {  	v60 =	vmul.f32 v58, v11;
	v12 =	vadd.f32 v59, v12;
	_ =	sdelay $0x1  }
0x236: {  	v12 =	vadd.f32 v60, v12  }
0x237: {  	s25 =	sor.u32 s12, s5  }
0x238: {  	[tilespmem:s25+$0x0] =	vst v12  }
0x239: {  	v12 =	vld [tilespmem:$0x1C00]  }
0x23a: {  	v61 =	vld [tilespmem:$0x1C20];
	_ =	sdelay $0x1  }
0x23b: {  	v62 =	vld [tilespmem:$0x1C40];
	_ =	sdelay $0x1  }
0x23c: {  	v63 =	vld [tilespmem:$0x1C60]  }
0x23d: {  	v12 =	vmul.f32 v12, v5;
	v13 =	vmul.f32 v61, v6;
	_ =	sdelay $0x1  }
0x23e: {  	v18 =	vmul.f32 v62, v9;
	v12 =	vadd.f32 v13, v12;
	_ =	sdelay $0x1  }
0x23f: {  	v19 =	vmul.f32 v63, v10;
	v12 =	vadd.f32 v18, v12;
	_ =	sdelay $0x1  }
0x240: {  	s7 =	sadd.s32 $0x4C00, s10;
	v12 =	vadd.f32 v19, v12  }
0x241: {  	s8 =	sor.u32 s11, s7  }
0x242: {  	[tilespmem:s8+$0x0] =	vst v12  }
0x243: {  	v12 =	vld [tilespmem:$0x1C10]  }
0x244: {  	v20 =	vld [tilespmem:$0x1C30];
	_ =	sdelay $0x1  }
0x245: {  	v21 =	vld [tilespmem:$0x1C50];
	_ =	sdelay $0x1  }
0x246: {  	v22 =	vld [tilespmem:$0x1C70]  }
0x247: {  	v12 =	vmul.f32 v12, v4;
	v13 =	vmul.f32 v20, v7;
	_ =	sdelay $0x1  }
0x248: {  	v23 =	vmul.f32 v21, v8;
	v12 =	vadd.f32 v13, v12;
	_ =	sdelay $0x1  }
0x249: {  	v24 =	vmul.f32 v22, v11;
	v12 =	vadd.f32 v23, v12;
	_ =	sdelay $0x1  }
0x24a: {  	v12 =	vadd.f32 v24, v12  }
0x24b: {  	s26 =	sor.u32 s12, s7  }
0x24c: {  	[tilespmem:s26+$0x0] =	vst v12  }
0x24d: {  	v12 =	vld [tilespmem:$0x1C80]  }
0x24e: {  	v25 =	vld [tilespmem:$0x1CA0];
	_ =	sdelay $0x1  }
0x24f: {  	v26 =	vld [tilespmem:$0x1CC0];
	_ =	sdelay $0x1  }
0x250: {  	v27 =	vld [tilespmem:$0x1CE0]  }
0x251: {  	v12 =	vmul.f32 v12, v5;
	v13 =	vmul.f32 v25, v6;
	_ =	sdelay $0x1  }
0x252: {  	v28 =	vmul.f32 v26, v9;
	v12 =	vadd.f32 v13, v12;
	_ =	sdelay $0x1  }
0x253: {  	v29 =	vmul.f32 v27, v10;
	v12 =	vadd.f32 v28, v12;
	_ =	sdelay $0x1  }
0x254: {  	s8 =	sadd.s32 $0x4C80, s10;
	v12 =	vadd.f32 v29, v12  }
0x255: {  	s9 =	sor.u32 s11, s8  }
0x256: {  	[tilespmem:s9+$0x0] =	vst v12  }
0x257: {  	v12 =	vld [tilespmem:$0x1C90]  }
0x258: {  	v30 =	vld [tilespmem:$0x1CB0];
	_ =	sdelay $0x1  }
0x259: {  	v31 =	vld [tilespmem:$0x1CD0];
	_ =	sdelay $0x1  }
0x25a: {  	v32 =	vld [tilespmem:$0x1CF0]  }
0x25b: {  	v12 =	vmul.f32 v12, v4;
	v13 =	vmul.f32 v30, v7;
	_ =	sdelay $0x1  }
0x25c: {  	v33 =	vmul.f32 v31, v8;
	v12 =	vadd.f32 v13, v12;
	_ =	sdelay $0x1  }
0x25d: {  	v34 =	vmul.f32 v32, v11;
	v12 =	vadd.f32 v33, v12;
	_ =	sdelay $0x1  }
0x25e: {  	v12 =	vadd.f32 v34, v12  }
0x25f: {  	s0 =	sor.u32 s12, s8  }
0x260: {  	[tilespmem:s0+$0x0] =	vst v12  }
0x261: {  	v12 =	vld [tilespmem:$0x1D00]  }
0x262: {  	v35 =	vld [tilespmem:$0x1D20];
	_ =	sdelay $0x1  }
0x263: {  	v36 =	vld [tilespmem:$0x1D40];
	_ =	sdelay $0x1  }
0x264: {  	v37 =	vld [tilespmem:$0x1D60]  }
0x265: {  	v12 =	vmul.f32 v12, v5;
	v13 =	vmul.f32 v35, v6;
	_ =	sdelay $0x1  }
0x266: {  	v38 =	vmul.f32 v36, v9;
	v12 =	vadd.f32 v13, v12;
	_ =	sdelay $0x1  }
0x267: {  	v39 =	vmul.f32 v37, v10;
	v12 =	vadd.f32 v38, v12;
	_ =	sdelay $0x1  }
0x268: {  	s9 =	sadd.s32 $0x4D00, s10;
	v12 =	vadd.f32 v39, v12  }
0x269: {  	s13 =	sor.u32 s11, s9  }
0x26a: {  	[tilespmem:s13+$0x0] =	vst v12  }
0x26b: {  	v12 =	vld [tilespmem:$0x1D10]  }
0x26c: {  	v40 =	vld [tilespmem:$0x1D30];
	_ =	sdelay $0x1  }
0x26d: {  	v41 =	vld [tilespmem:$0x1D50];
	_ =	sdelay $0x1  }
0x26e: {  	v42 =	vld [tilespmem:$0x1D70]  }
0x26f: {  	v12 =	vmul.f32 v12, v4;
	v13 =	vmul.f32 v40, v7;
	_ =	sdelay $0x1  }
0x270: {  	v43 =	vmul.f32 v41, v8;
	v12 =	vadd.f32 v13, v12;
	_ =	sdelay $0x1  }
0x271: {  	v44 =	vmul.f32 v42, v11;
	v12 =	vadd.f32 v43, v12;
	_ =	sdelay $0x1  }
0x272: {  	v12 =	vadd.f32 v44, v12  }
0x273: {  	[smem:$0x7FA] =	sst s4;
	s4 =	sor.u32 s12, s9  }
0x274: {  	[tilespmem:s4+$0x0] =	vst v12  }
0x275: {  	v12 =	vld [tilespmem:$0x1D80]  }
0x276: {  	v45 =	vld [tilespmem:$0x1DA0];
	_ =	sdelay $0x1  }
0x277: {  	v46 =	vld [tilespmem:$0x1DC0];
	_ =	sdelay $0x1  }
0x278: {  	v47 =	vld [tilespmem:$0x1DE0]  }
0x279: {  	v5 =	vmul.f32 v12, v5;
	v6 =	vmul.f32 v45, v6;
	_ =	sdelay $0x1  }
0x27a: {  	v48 =	vmul.f32 v46, v9;
	v5 =	vadd.f32 v6, v5;
	_ =	sdelay $0x1  }
0x27b: {  	v49 =	vmul.f32 v47, v10;
	v5 =	vadd.f32 v48, v5;
	_ =	sdelay $0x1  }
0x27c: {  	s10 =	sadd.s32 $0x4D80, s10;
	v5 =	vadd.f32 v49, v5  }
0x27d: {  	s11 =	sor.u32 s11, s10  }
0x27e: {  	[tilespmem:s11+$0x0] =	vst v5  }
0x27f: {  	v5 =	vld [tilespmem:$0x1D90]  }
0x280: {  	v50 =	vld [tilespmem:$0x1DB0];
	_ =	sdelay $0x1  }
0x281: {  	v51 =	vld [tilespmem:$0x1DD0];
	_ =	sdelay $0x1  }
0x282: {  	v52 =	vld [tilespmem:$0x1DF0]  }
0x283: {  	v4 =	vmul.f32 v5, v4;
	v5 =	vmul.f32 v50, v7;
	_ =	sdelay $0x1  }
0x284: {  	v4 =	vadd.f32 v5, v4;
	v5 =	vmul.f32 v51, v8;
	_ =	sdelay $0x1  }
0x285: {  	v4 =	vadd.f32 v5, v4;
	v5 =	vmul.f32 v52, v11  }
0x286: {  	[smem:$0x7FB] =	sst s16  }
0x287: {  	s16 =	rddreg [dreg:$0x11];
	v4 =	vadd.f32 v5, v4  }
0x288: {  	p1 =	seq.s32 s3, $0xE00;
	[smem:$0x7FC] =	sst s19;
	s6 =	sor.u32 s12, s10  }
0x289: {  	s15 =	rddreg [dreg:$0x2];
	s12 =	simm.s32 @!p1 $0x1400;
	s11 =	simm.s32 @!p1 $0x80;
	[tilespmem:s6+$0x0] =	vst v4  }
0x28a: {  	[tilespmem:s12], [sflag:$0x1] =	stream.indirect.gather @!p1 [hbm4b:s15+s11], $0x1, s20, s11, $0xb8;
	[tilespmem:$0x5C00] =	vst v63  }
0x28b: {  	[smem:$0x7FD] =	sst s22;
	s12 =	simm.s32 @!p1 $0x1480  }
0x28c: {  	[tilespmem:s12], [sflag:$0x1] =	stream.indirect.gather @!p1 [hbm4b:s16+s11], $0x1, s20, s11, $0xb8;
	[tilespmem:$0x5C00] =	vst v63  }
0x28d: {  	s18 =	rddreg [dreg:$0x12];
	s12 =	simm.s32 @!p1 $0x1500  }
0x28e: {  	[tilespmem:s12], [sflag:$0x1] =	stream.indirect.gather @!p1 [hbm4b:s18+s11], $0x1, s20, s11, $0xb8;
	[tilespmem:$0x5C00] =	vst v63  }
0x28f: {  	s21 =	rddreg [dreg:$0x13];
	s12 =	simm.s32 @!p1 $0x1580  }
0x290: {  	[tilespmem:s12], [sflag:$0x1] =	stream.indirect.gather @!p1 [hbm4b:s21+s11], $0x1, s20, s11, $0xb8;
	[tilespmem:$0x5C00] =	vst v63  }
0x291: {  	s19 =	rddreg [dreg:$0x1f];
	s12 =	simm.s32 @!p1 $0x1600  }
0x292: {  	[tilespmem:s12], [sflag:$0x1] =	stream.indirect.gather @!p1 [hbm4b:s19+s11], $0x1, s20, s11, $0xb8;
	[tilespmem:$0x5C00] =	vst v63  }
0x293: {  	s22 =	rddreg [dreg:$0x14];
	s12 =	simm.s32 @!p1 $0x1680  }
0x294: {  	[tilespmem:s12], [sflag:$0x1] =	stream.indirect.gather @!p1 [hbm4b:s22+s11], $0x1, s20, s11, $0xb8;
	[tilespmem:$0x5C00] =	vst v63  }
0x295: {  	s24 =	rddreg [dreg:$0x15];
	s12 =	simm.s32 @!p1 $0x1700  }
0x296: {  	[tilespmem:s12], [sflag:$0x1] =	stream.indirect.gather @!p1 [hbm4b:s24+s11], $0x1, s20, s11, $0xb8;
	[tilespmem:$0x5C00] =	vst v63  }
0x297: {  	s26 =	rddreg [dreg:$0x16];
	s12 =	simm.s32 @!p1 $0x1780  }
0x298: {  	[tilespmem:s12], [sflag:$0x1] =	stream.indirect.gather @!p1 [hbm4b:s26+s11], $0x1, s20, s11, $0xb8;
	[tilespmem:$0x5C00] =	vst v63  }
0x299: {  	s25 =	rddreg [dreg:$0x17];
	s12 =	simm.s32 @!p1 $0x1800  }
0x29a: {  	[tilespmem:s12], [sflag:$0x1] =	stream.indirect.gather @!p1 [hbm4b:s25+s11], $0x1, s20, s11, $0xb8;
	[tilespmem:$0x5C00] =	vst v63  }
0x29b: {  	s17 =	rddreg [dreg:$0x18];
	s12 =	simm.s32 @!p1 $0x1880  }
0x29c: {  	[tilespmem:s12], [sflag:$0x1] =	stream.indirect.gather @!p1 [hbm4b:s17+s11], $0x1, s20, s11, $0xb8;
	[tilespmem:$0x5C00] =	vst v63  }
0x29d: {  	s29 =	rddreg [dreg:$0x19];
	s12 =	simm.s32 @!p1 $0x1900  }
0x29e: {  	[tilespmem:s12], [sflag:$0x1] =	stream.indirect.gather @!p1 [hbm4b:s29+s11], $0x1, s20, s11, $0xb8;
	[tilespmem:$0x5C00] =	vst v63  }
0x29f: {  	s30 =	rddreg [dreg:$0x1a];
	s12 =	simm.s32 @!p1 $0x1980  }
0x2a0: {  	[tilespmem:s12], [sflag:$0x1] =	stream.indirect.gather @!p1 [hbm4b:s30+s11], $0x1, s20, s11, $0xb8;
	[tilespmem:$0x5C00] =	vst v63  }
0x2a1: {  	s6 =	rddreg [dreg:$0x5];
	s12 =	simm.s32 @!p1 $0x1A00  }
0x2a2: {  	[tilespmem:s12], [sflag:$0x1] =	stream.indirect.gather @!p1 [hbm4b:s6+s11], $0x1, s20, s11, $0xb8;
	[tilespmem:$0x5C00] =	vst v63  }
0x2a3: {  	s31 =	rddreg [dreg:$0x1b];
	s12 =	simm.s32 @!p1 $0x1A80  }
0x2a4: {  	[tilespmem:s12], [sflag:$0x1] =	stream.indirect.gather @!p1 [hbm4b:s31+s11], $0x1, s20, s11, $0xb8;
	[tilespmem:$0x5C00] =	vst v63  }
0x2a5: {  	s0 =	rddreg [dreg:$0x1c];
	s12 =	simm.s32 @!p1 $0x1B00  }
0x2a6: {  	[tilespmem:s12], [sflag:$0x1] =	stream.indirect.gather @!p1 [hbm4b:s0+s11], $0x1, s20, s11, $0xb8;
	[tilespmem:$0x5C00] =	vst v63  }
0x2a7: {  	s4 =	rddreg [dreg:$0xe];
	s12 =	simm.s32 @!p1 $0x1B80  }
0x2a8: {  	[tilespmem:s12], [sflag:$0x1] =	stream.indirect.gather @!p1 [hbm4b:s4+s11], $0x1, s20, s11, $0xb8;
	[tilespmem:$0x5C00] =	vst v63  }
0x2a9: {  	s12 =	simm.s32 @!p1 $0x1C00;
	s4 =	rddreg [dreg:$0xf]  }
0x2aa: {  	[tilespmem:s12], [sflag:$0x1] =	stream.indirect.gather @!p1 [hbm4b:s4+s11], $0x1, s20, s11, $0xb8;
	[tilespmem:$0x5C00] =	vst v63  }
0x2ab: {  	s12 =	simm.s32 @!p1 $0x1C80;
	s4 =	rddreg [dreg:$0xb]  }
0x2ac: {  	[tilespmem:s12], [sflag:$0x1] =	stream.indirect.gather @!p1 [hbm4b:s4+s11], $0x1, s20, s11, $0xb8;
	[tilespmem:$0x5C00] =	vst v63  }
0x2ad: {  	s12 =	simm.s32 @!p1 $0x1D00;
	s4 =	rddreg [dreg:$0xc]  }
0x2ae: {  	[tilespmem:s12], [sflag:$0x1] =	stream.indirect.gather @!p1 [hbm4b:s4+s11], $0x1, s20, s11, $0xb8;
	[tilespmem:$0x5C00] =	vst v63  }
0x2af: {  	s12 =	simm.s32 @!p1 $0x1D80;
	s4 =	rddreg [dreg:$0xd]  }
0x2b0: {  	[tilespmem:s12], [sflag:$0x1] =	stream.indirect.gather @!p1 [hbm4b:s4+s11], $0x1, s20, s11, $0xb8;
	[tilespmem:$0x5C00] =	vst v63  }
0x2b1: {  	s12 =	simm.s32 $0x2  }
0x2b2: {  	_ =	swait.ge [sflag:s12], $0xA00  }
0x2b3: {  	[sflag:s12] =	ssyncset.done $0x0  }
0x2b4: {  	[sflag:s12] =	ssyncadd.s32 $0xFFFFF600  }
0x2b5: {  	v5 =	vld [tilespmem:s23+$0x0]  }
0x2b6: {  	v6 =	vld [tilespmem:s23+$0x20]  }
0x2b7: {  	v4 =	vld [tilespmem:$0x2000]  }
0x2b8: {  	v53 =	vld [tilespmem:$0x2020]  }
0x2b9: {  	v8 =	vld [tilespmem:s23+$0x40]  }
0x2ba: {  	v54 =	vld [tilespmem:$0x2040]  }
0x2bb: {  	v10 =	vld [tilespmem:s23+$0x60]  }
0x2bc: {  	v55 =	vld [tilespmem:$0x2060]  }
0x2bd: {  	v4 =	vmul.f32 v4, v5;
	v7 =	vmul.f32 v53, v6;
	_ =	sdelay $0x1  }
0x2be: {  	v9 =	vmul.f32 v54, v8;
	v7 =	vadd.f32 v7, v4;
	_ =	sdelay $0x1  }
0x2bf: {  	v11 =	vmul.f32 v55, v10;
	v56 =	vadd.f32 v9, v7  }
0x2c0: {  	s13 =	sadd.s32 $0x20, s14;
	v4 =	vld [tilespmem:s23+$0x10]  }
0x2c1: {  	s11 =	sand.u32 $0x60, s13;
	v7 =	vld [tilespmem:s23+$0x30];
	v12 =	vadd.f32 v11, v56  }
0x2c2: {  	s14 =	sadd.s32 s11, s28;
	v9 =	vld [tilespmem:s23+$0x50]  }
0x2c3: {  	v11 =	vld [tilespmem:s23+$0x70];
	[tilespmem:s14+$0x0] =	vst v12  }
0x2c4: {  	v12 =	vld [tilespmem:$0x2010]  }
0x2c5: {  	v57 =	vld [tilespmem:$0x2030];
	_ =	sdelay $0x1  }
0x2c6: {  	v58 =	vld [tilespmem:$0x2050];
	_ =	sdelay $0x1  }
0x2c7: {  	v59 =	vld [tilespmem:$0x2070]  }
0x2c8: {  	v12 =	vmul.f32 v12, v4;
	v13 =	vmul.f32 v57, v7;
	_ =	sdelay $0x1  }
0x2c9: {  	v60 =	vmul.f32 v58, v9;
	v12 =	vadd.f32 v13, v12;
	_ =	sdelay $0x1  }
0x2ca: {  	v61 =	vmul.f32 v59, v11;
	v12 =	vadd.f32 v60, v12;
	_ =	sdelay $0x1  }
0x2cb: {  	s12 =	sor.u32 $0x10, s11;
	v12 =	vadd.f32 v61, v12  }
0x2cc: {  	s28 =	sadd.s32 s12, s28  }
0x2cd: {  	[tilespmem:s28+$0x0] =	vst v12  }
0x2ce: {  	v12 =	vld [tilespmem:$0x2080]  }
0x2cf: {  	v62 =	vld [tilespmem:$0x20A0];
	_ =	sdelay $0x1  }
0x2d0: {  	v63 =	vld [tilespmem:$0x20C0];
	_ =	sdelay $0x1  }
0x2d1: {  	v18 =	vld [tilespmem:$0x20E0]  }
0x2d2: {  	v12 =	vmul.f32 v12, v5;
	v13 =	vmul.f32 v62, v6;
	_ =	sdelay $0x1  }
0x2d3: {  	v19 =	vmul.f32 v63, v8;
	v12 =	vadd.f32 v13, v12;
	_ =	sdelay $0x1  }
0x2d4: {  	v20 =	vmul.f32 v18, v10;
	v12 =	vadd.f32 v19, v12;
	_ =	sdelay $0x1  }
0x2d5: {  	v12 =	vadd.f32 v20, v12;
	_ =	sdelay $0x1  }
0x2d6: {  	[tilespmem:s14+$0x80] =	vst v12  }
0x2d7: {  	v12 =	vld [tilespmem:$0x2090]  }
0x2d8: {  	v21 =	vld [tilespmem:$0x20B0];
	_ =	sdelay $0x1  }
0x2d9: {  	v22 =	vld [tilespmem:$0x20D0];
	_ =	sdelay $0x1  }
0x2da: {  	v23 =	vld [tilespmem:$0x20F0]  }
0x2db: {  	v12 =	vmul.f32 v12, v4;
	v13 =	vmul.f32 v21, v7;
	_ =	sdelay $0x1  }
0x2dc: {  	v24 =	vmul.f32 v22, v9;
	v12 =	vadd.f32 v13, v12;
	_ =	sdelay $0x1  }
0x2dd: {  	v25 =	vmul.f32 v23, v11;
	v12 =	vadd.f32 v24, v12;
	_ =	sdelay $0x1  }
0x2de: {  	v12 =	vadd.f32 v25, v12;
	_ =	sdelay $0x1  }
0x2df: {  	[tilespmem:s28+$0x80] =	vst v12  }
0x2e0: {  	v12 =	vld [tilespmem:$0x2100]  }
0x2e1: {  	v26 =	vld [tilespmem:$0x2120];
	_ =	sdelay $0x1  }
0x2e2: {  	v27 =	vld [tilespmem:$0x2140];
	_ =	sdelay $0x1  }
0x2e3: {  	v28 =	vld [tilespmem:$0x2160]  }
0x2e4: {  	v12 =	vmul.f32 v12, v5;
	v13 =	vmul.f32 v26, v6;
	_ =	sdelay $0x1  }
0x2e5: {  	v29 =	vmul.f32 v27, v8;
	v12 =	vadd.f32 v13, v12;
	_ =	sdelay $0x1  }
0x2e6: {  	v30 =	vmul.f32 v28, v10;
	v12 =	vadd.f32 v29, v12;
	_ =	sdelay $0x1  }
0x2e7: {  	v12 =	vadd.f32 v30, v12;
	_ =	sdelay $0x1  }
0x2e8: {  	[tilespmem:s14+$0x100] =	vst v12  }
0x2e9: {  	v12 =	vld [tilespmem:$0x2110]  }
0x2ea: {  	v31 =	vld [tilespmem:$0x2130];
	_ =	sdelay $0x1  }
0x2eb: {  	v32 =	vld [tilespmem:$0x2150];
	_ =	sdelay $0x1  }
0x2ec: {  	v33 =	vld [tilespmem:$0x2170]  }
0x2ed: {  	v12 =	vmul.f32 v12, v4;
	v13 =	vmul.f32 v31, v7;
	_ =	sdelay $0x1  }
0x2ee: {  	v34 =	vmul.f32 v32, v9;
	v12 =	vadd.f32 v13, v12;
	_ =	sdelay $0x1  }
0x2ef: {  	v35 =	vmul.f32 v33, v11;
	v12 =	vadd.f32 v34, v12;
	_ =	sdelay $0x1  }
0x2f0: {  	v12 =	vadd.f32 v35, v12;
	_ =	sdelay $0x1  }
0x2f1: {  	[tilespmem:s28+$0x100] =	vst v12  }
0x2f2: {  	v12 =	vld [tilespmem:$0x2180]  }
0x2f3: {  	v36 =	vld [tilespmem:$0x21A0];
	_ =	sdelay $0x1  }
0x2f4: {  	v37 =	vld [tilespmem:$0x21C0];
	_ =	sdelay $0x1  }
0x2f5: {  	v38 =	vld [tilespmem:$0x21E0]  }
0x2f6: {  	v12 =	vmul.f32 v12, v5;
	v13 =	vmul.f32 v36, v6;
	_ =	sdelay $0x1  }
0x2f7: {  	v39 =	vmul.f32 v37, v8;
	v12 =	vadd.f32 v13, v12;
	_ =	sdelay $0x1  }
0x2f8: {  	v40 =	vmul.f32 v38, v10;
	v12 =	vadd.f32 v39, v12;
	_ =	sdelay $0x1  }
0x2f9: {  	v12 =	vadd.f32 v40, v12;
	_ =	sdelay $0x1  }
0x2fa: {  	[tilespmem:s14+$0x180] =	vst v12  }
0x2fb: {  	v12 =	vld [tilespmem:$0x2190]  }
0x2fc: {  	v41 =	vld [tilespmem:$0x21B0];
	_ =	sdelay $0x1  }
0x2fd: {  	v42 =	vld [tilespmem:$0x21D0];
	_ =	sdelay $0x1  }
0x2fe: {  	v43 =	vld [tilespmem:$0x21F0]  }
0x2ff: {  	v12 =	vmul.f32 v12, v4;
	v13 =	vmul.f32 v41, v7;
	_ =	sdelay $0x1  }
0x300: {  	v44 =	vmul.f32 v42, v9;
	v12 =	vadd.f32 v13, v12;
	_ =	sdelay $0x1  }
0x301: {  	v45 =	vmul.f32 v43, v11;
	v12 =	vadd.f32 v44, v12;
	_ =	sdelay $0x1  }
0x302: {  	v12 =	vadd.f32 v45, v12;
	_ =	sdelay $0x1  }
0x303: {  	[tilespmem:s28+$0x180] =	vst v12  }
0x304: {  	v12 =	vld [tilespmem:$0x2200]  }
0x305: {  	v46 =	vld [tilespmem:$0x2220];
	_ =	sdelay $0x1  }
0x306: {  	v47 =	vld [tilespmem:$0x2240];
	_ =	sdelay $0x1  }
0x307: {  	v48 =	vld [tilespmem:$0x2260]  }
0x308: {  	v12 =	vmul.f32 v12, v5;
	v13 =	vmul.f32 v46, v6;
	_ =	sdelay $0x1  }
0x309: {  	s28 =	rddreg [dreg:$0x1d];
	v49 =	vmul.f32 v47, v8;
	v12 =	vadd.f32 v13, v12  }
0x30a: {  	s4 =	sshll.u32 s28, $0x5  }
0x30b: {  	s13 =	sand.u32 $0x60, s4;
	v50 =	vmul.f32 v48, v10;
	v12 =	vadd.f32 v49, v12  }
0x30c: {  	s14 =	sadd.s32 $0x20, s13  }
0x30d: {  	s28 =	sadd.s32 s14, s3;
	v12 =	vadd.f32 v50, v12  }
0x30e: {  	s4 =	smov.u32 s0;
	s0 =	sor.u32 $0x200, s28  }
0x30f: {  	[tilespmem:s0+$0x2C00] =	vst v12  }
0x310: {  	v12 =	vld [tilespmem:$0x2210]  }
0x311: {  	v51 =	vld [tilespmem:$0x2230];
	_ =	sdelay $0x1  }
0x312: {  	v52 =	vld [tilespmem:$0x2250];
	_ =	sdelay $0x1  }
0x313: {  	v53 =	vld [tilespmem:$0x2270]  }
0x314: {  	v12 =	vmul.f32 v12, v4;
	v13 =	vmul.f32 v51, v7;
	_ =	sdelay $0x1  }
0x315: {  	v54 =	vmul.f32 v52, v9;
	v12 =	vadd.f32 v13, v12;
	_ =	sdelay $0x1  }
0x316: {  	v55 =	vmul.f32 v53, v11;
	v12 =	vadd.f32 v54, v12  }
0x317: {  	s13 =	sadd.s32 $0x30, s13  }
0x318: {  	s13 =	sadd.s32 s13, s3;
	v12 =	vadd.f32 v55, v12  }
0x319: {  	s0 =	sor.u32 $0x200, s13  }
0x31a: {  	[tilespmem:s0+$0x2C00] =	vst v12  }
0x31b: {  	v12 =	vld [tilespmem:$0x2280]  }
0x31c: {  	v56 =	vld [tilespmem:$0x22A0];
	_ =	sdelay $0x1  }
0x31d: {  	v57 =	vld [tilespmem:$0x22C0];
	_ =	sdelay $0x1  }
0x31e: {  	v58 =	vld [tilespmem:$0x22E0]  }
0x31f: {  	v12 =	vmul.f32 v12, v5;
	v13 =	vmul.f32 v56, v6;
	_ =	sdelay $0x1  }
0x320: {  	v59 =	vmul.f32 v57, v8;
	v12 =	vadd.f32 v13, v12;
	_ =	sdelay $0x1  }
0x321: {  	v60 =	vmul.f32 v58, v10;
	v12 =	vadd.f32 v59, v12;
	_ =	sdelay $0x1  }
0x322: {  	v12 =	vadd.f32 v60, v12  }
0x323: {  	s3 =	sor.u32 $0x280, s28  }
0x324: {  	[tilespmem:s3+$0x2C00] =	vst v12  }
0x325: {  	v12 =	vld [tilespmem:$0x2290]  }
0x326: {  	v61 =	vld [tilespmem:$0x22B0];
	_ =	sdelay $0x1  }
0x327: {  	v62 =	vld [tilespmem:$0x22D0];
	_ =	sdelay $0x1  }
0x328: {  	v63 =	vld [tilespmem:$0x22F0]  }
0x329: {  	v12 =	vmul.f32 v12, v4;
	v13 =	vmul.f32 v61, v7;
	_ =	sdelay $0x1  }
0x32a: {  	v16 =	vmul.f32 v62, v9;
	v12 =	vadd.f32 v13, v12;
	_ =	sdelay $0x1  }
0x32b: {  	v17 =	vmul.f32 v63, v11;
	v12 =	vadd.f32 v16, v12;
	_ =	sdelay $0x1  }
0x32c: {  	v12 =	vadd.f32 v17, v12  }
0x32d: {  	s0 =	sor.u32 $0x280, s13  }
0x32e: {  	[tilespmem:s0+$0x2C00] =	vst v12  }
0x32f: {  	v12 =	vld [tilespmem:$0x2300]  }
0x330: {  	v18 =	vld [tilespmem:$0x2320];
	_ =	sdelay $0x1  }
0x331: {  	v19 =	vld [tilespmem:$0x2340];
	_ =	sdelay $0x1  }
0x332: {  	v20 =	vld [tilespmem:$0x2360]  }
0x333: {  	v12 =	vmul.f32 v12, v5;
	v13 =	vmul.f32 v18, v6;
	_ =	sdelay $0x1  }
0x334: {  	v21 =	vmul.f32 v19, v8;
	v12 =	vadd.f32 v13, v12;
	_ =	sdelay $0x1  }
0x335: {  	v22 =	vmul.f32 v20, v10;
	v12 =	vadd.f32 v21, v12;
	_ =	sdelay $0x1  }
0x336: {  	v12 =	vadd.f32 v22, v12  }
0x337: {  	s3 =	sor.u32 $0x300, s28  }
0x338: {  	[tilespmem:s3+$0x2C00] =	vst v12  }
0x339: {  	v12 =	vld [tilespmem:$0x2310]  }
0x33a: {  	v23 =	vld [tilespmem:$0x2330];
	_ =	sdelay $0x1  }
0x33b: {  	v24 =	vld [tilespmem:$0x2350];
	_ =	sdelay $0x1  }
0x33c: {  	v25 =	vld [tilespmem:$0x2370]  }
0x33d: {  	v12 =	vmul.f32 v12, v4;
	v13 =	vmul.f32 v23, v7;
	_ =	sdelay $0x1  }
0x33e: {  	v26 =	vmul.f32 v24, v9;
	v12 =	vadd.f32 v13, v12;
	_ =	sdelay $0x1  }
0x33f: {  	v27 =	vmul.f32 v25, v11;
	v12 =	vadd.f32 v26, v12;
	_ =	sdelay $0x1  }
0x340: {  	v12 =	vadd.f32 v27, v12  }
0x341: {  	s0 =	sor.u32 $0x300, s13  }
0x342: {  	[tilespmem:s0+$0x2C00] =	vst v12  }
0x343: {  	v12 =	vld [tilespmem:$0x2380]  }
0x344: {  	v28 =	vld [tilespmem:$0x23A0];
	_ =	sdelay $0x1  }
0x345: {  	v29 =	vld [tilespmem:$0x23C0];
	_ =	sdelay $0x1  }
0x346: {  	v30 =	vld [tilespmem:$0x23E0]  }
0x347: {  	v12 =	vmul.f32 v12, v5;
	v13 =	vmul.f32 v28, v6;
	_ =	sdelay $0x1  }
0x348: {  	v31 =	vmul.f32 v29, v8;
	v12 =	vadd.f32 v13, v12;
	_ =	sdelay $0x1  }
0x349: {  	v32 =	vmul.f32 v30, v10;
	v12 =	vadd.f32 v31, v12;
	_ =	sdelay $0x1  }
0x34a: {  	v12 =	vadd.f32 v32, v12  }
0x34b: {  	s3 =	sor.u32 $0x380, s28  }
0x34c: {  	[tilespmem:s3+$0x2C00] =	vst v12  }
0x34d: {  	v12 =	vld [tilespmem:$0x2390]  }
0x34e: {  	v33 =	vld [tilespmem:$0x23B0];
	_ =	sdelay $0x1  }
0x34f: {  	v34 =	vld [tilespmem:$0x23D0];
	_ =	sdelay $0x1  }
0x350: {  	v35 =	vld [tilespmem:$0x23F0]  }
0x351: {  	v12 =	vmul.f32 v12, v4;
	v13 =	vmul.f32 v33, v7;
	_ =	sdelay $0x1  }
0x352: {  	v36 =	vmul.f32 v34, v9;
	v12 =	vadd.f32 v13, v12;
	_ =	sdelay $0x1  }
0x353: {  	v37 =	vmul.f32 v35, v11;
	v12 =	vadd.f32 v36, v12;
	_ =	sdelay $0x1  }
0x354: {  	v12 =	vadd.f32 v37, v12  }
0x355: {  	s13 =	sor.u32 $0x380, s13  }
0x356: {  	[tilespmem:s13+$0x2C00] =	vst v12  }
0x357: {  	v12 =	vld [tilespmem:$0x2400]  }
0x358: {  	v38 =	vld [tilespmem:$0x2420];
	_ =	sdelay $0x1  }
0x359: {  	v39 =	vld [tilespmem:$0x2440];
	_ =	sdelay $0x1  }
0x35a: {  	v40 =	vld [tilespmem:$0x2460]  }
0x35b: {  	v12 =	vmul.f32 v12, v5;
	v13 =	vmul.f32 v38, v6;
	_ =	sdelay $0x1  }
0x35c: {  	v41 =	vmul.f32 v39, v8;
	v12 =	vadd.f32 v13, v12;
	_ =	sdelay $0x1  }
0x35d: {  	s14 =	sld [smem:$0x7F9];
	v42 =	vmul.f32 v40, v10;
	v12 =	vadd.f32 v41, v12;
	_ =	sdelay $0x1  }
0x35e: {  	v12 =	vadd.f32 v42, v12  }
0x35f: {  	s28 =	sadd.s32 s11, s14  }
0x360: {  	[tilespmem:s28+$0x0] =	vst v12  }
0x361: {  	v12 =	vld [tilespmem:$0x2410]  }
0x362: {  	v43 =	vld [tilespmem:$0x2430];
	_ =	sdelay $0x1  }
0x363: {  	v44 =	vld [tilespmem:$0x2450];
	_ =	sdelay $0x1  }
0x364: {  	v45 =	vld [tilespmem:$0x2470]  }
0x365: {  	v12 =	vmul.f32 v12, v4;
	v13 =	vmul.f32 v43, v7;
	_ =	sdelay $0x1  }
0x366: {  	v46 =	vmul.f32 v44, v9;
	v12 =	vadd.f32 v13, v12;
	_ =	sdelay $0x1  }
0x367: {  	v47 =	vmul.f32 v45, v11;
	v12 =	vadd.f32 v46, v12;
	_ =	sdelay $0x1  }
0x368: {  	v12 =	vadd.f32 v47, v12  }
0x369: {  	s0 =	sadd.s32 s12, s14  }
0x36a: {  	[tilespmem:s0+$0x0] =	vst v12  }
0x36b: {  	v12 =	vld [tilespmem:$0x2480]  }
0x36c: {  	v48 =	vld [tilespmem:$0x24A0];
	_ =	sdelay $0x1  }
0x36d: {  	v49 =	vld [tilespmem:$0x24C0];
	_ =	sdelay $0x1  }
0x36e: {  	v50 =	vld [tilespmem:$0x24E0]  }
0x36f: {  	v12 =	vmul.f32 v12, v5;
	v13 =	vmul.f32 v48, v6;
	_ =	sdelay $0x1  }
0x370: {  	v51 =	vmul.f32 v49, v8;
	v12 =	vadd.f32 v13, v12;
	_ =	sdelay $0x1  }
0x371: {  	v52 =	vmul.f32 v50, v10;
	v12 =	vadd.f32 v51, v12;
	_ =	sdelay $0x1  }
0x372: {  	v12 =	vadd.f32 v52, v12  }
0x373: {  	s3 =	sadd.s32 s11, s2  }
0x374: {  	[tilespmem:s3+$0x0] =	vst v12  }
0x375: {  	v12 =	vld [tilespmem:$0x2490]  }
0x376: {  	v53 =	vld [tilespmem:$0x24B0];
	_ =	sdelay $0x1  }
0x377: {  	v54 =	vld [tilespmem:$0x24D0];
	_ =	sdelay $0x1  }
0x378: {  	v55 =	vld [tilespmem:$0x24F0]  }
0x379: {  	v12 =	vmul.f32 v12, v4;
	v13 =	vmul.f32 v53, v7;
	_ =	sdelay $0x1  }
0x37a: {  	v56 =	vmul.f32 v54, v9;
	v12 =	vadd.f32 v13, v12;
	_ =	sdelay $0x1  }
0x37b: {  	v57 =	vmul.f32 v55, v11;
	v12 =	vadd.f32 v56, v12;
	_ =	sdelay $0x1  }
0x37c: {  	v12 =	vadd.f32 v57, v12  }
0x37d: {  	s2 =	sadd.s32 s12, s2  }
0x37e: {  	[tilespmem:s2+$0x0] =	vst v12  }
0x37f: {  	v12 =	vld [tilespmem:$0x2500]  }
0x380: {  	v58 =	vld [tilespmem:$0x2520];
	_ =	sdelay $0x1  }
0x381: {  	v59 =	vld [tilespmem:$0x2540];
	_ =	sdelay $0x1  }
0x382: {  	v60 =	vld [tilespmem:$0x2560]  }
0x383: {  	v12 =	vmul.f32 v12, v5;
	v13 =	vmul.f32 v58, v6;
	_ =	sdelay $0x1  }
0x384: {  	v61 =	vmul.f32 v59, v8;
	v12 =	vadd.f32 v13, v12;
	_ =	sdelay $0x1  }
0x385: {  	v62 =	vmul.f32 v60, v10;
	v12 =	vadd.f32 v61, v12;
	_ =	sdelay $0x1  }
0x386: {  	v12 =	vadd.f32 v62, v12  }
0x387: {  	s13 =	sadd.s32 s11, s1  }
0x388: {  	[tilespmem:s13+$0x0] =	vst v12  }
0x389: {  	v12 =	vld [tilespmem:$0x2510]  }
0x38a: {  	v63 =	vld [tilespmem:$0x2530];
	_ =	sdelay $0x1  }
0x38b: {  	v18 =	vld [tilespmem:$0x2550];
	_ =	sdelay $0x1  }
0x38c: {  	v19 =	vld [tilespmem:$0x2570]  }
0x38d: {  	v12 =	vmul.f32 v12, v4;
	v13 =	vmul.f32 v63, v7;
	_ =	sdelay $0x1  }
0x38e: {  	v20 =	vmul.f32 v18, v9;
	v12 =	vadd.f32 v13, v12;
	_ =	sdelay $0x1  }
0x38f: {  	v21 =	vmul.f32 v19, v11;
	v12 =	vadd.f32 v20, v12;
	_ =	sdelay $0x1  }
0x390: {  	v12 =	vadd.f32 v21, v12  }
0x391: {  	s1 =	sadd.s32 s12, s1  }
0x392: {  	[tilespmem:s1+$0x0] =	vst v12  }
0x393: {  	v12 =	vld [tilespmem:$0x2580]  }
0x394: {  	v22 =	vld [tilespmem:$0x25A0];
	_ =	sdelay $0x1  }
0x395: {  	v23 =	vld [tilespmem:$0x25C0];
	_ =	sdelay $0x1  }
0x396: {  	v24 =	vld [tilespmem:$0x25E0]  }
0x397: {  	v12 =	vmul.f32 v12, v5;
	v13 =	vmul.f32 v22, v6;
	_ =	sdelay $0x1  }
0x398: {  	v25 =	vmul.f32 v23, v8;
	v12 =	vadd.f32 v13, v12;
	_ =	sdelay $0x1  }
0x399: {  	s14 =	sld [smem:$0x7FA];
	v26 =	vmul.f32 v24, v10;
	v12 =	vadd.f32 v25, v12;
	_ =	sdelay $0x1  }
0x39a: {  	v12 =	vadd.f32 v26, v12  }
0x39b: {  	s28 =	sadd.s32 s11, s14  }
0x39c: {  	[tilespmem:s28+$0x0] =	vst v12  }
0x39d: {  	v12 =	vld [tilespmem:$0x2590]  }
0x39e: {  	v27 =	vld [tilespmem:$0x25B0];
	_ =	sdelay $0x1  }
0x39f: {  	v28 =	vld [tilespmem:$0x25D0];
	_ =	sdelay $0x1  }
0x3a0: {  	v29 =	vld [tilespmem:$0x25F0]  }
0x3a1: {  	v12 =	vmul.f32 v12, v4;
	v13 =	vmul.f32 v27, v7;
	_ =	sdelay $0x1  }
0x3a2: {  	v30 =	vmul.f32 v28, v9;
	v12 =	vadd.f32 v13, v12;
	_ =	sdelay $0x1  }
0x3a3: {  	v31 =	vmul.f32 v29, v11;
	v12 =	vadd.f32 v30, v12;
	_ =	sdelay $0x1  }
0x3a4: {  	v12 =	vadd.f32 v31, v12  }
0x3a5: {  	s2 =	sadd.s32 s12, s14  }
0x3a6: {  	[tilespmem:s2+$0x0] =	vst v12  }
0x3a7: {  	v12 =	vld [tilespmem:$0x2600]  }
0x3a8: {  	v32 =	vld [tilespmem:$0x2620];
	_ =	sdelay $0x1  }
0x3a9: {  	v33 =	vld [tilespmem:$0x2640];
	_ =	sdelay $0x1  }
0x3aa: {  	v34 =	vld [tilespmem:$0x2660]  }
0x3ab: {  	v12 =	vmul.f32 v12, v5;
	v13 =	vmul.f32 v32, v6;
	_ =	sdelay $0x1  }
0x3ac: {  	v35 =	vmul.f32 v33, v8;
	v12 =	vadd.f32 v13, v12;
	_ =	sdelay $0x1  }
0x3ad: {  	s3 =	sld [smem:$0x7FB];
	v36 =	vmul.f32 v34, v10;
	v12 =	vadd.f32 v35, v12;
	_ =	sdelay $0x1  }
0x3ae: {  	v12 =	vadd.f32 v36, v12  }
0x3af: {  	s13 =	sadd.s32 s11, s3  }
0x3b0: {  	[tilespmem:s13+$0x0] =	vst v12  }
0x3b1: {  	v12 =	vld [tilespmem:$0x2610]  }
0x3b2: {  	v37 =	vld [tilespmem:$0x2630];
	_ =	sdelay $0x1  }
0x3b3: {  	v38 =	vld [tilespmem:$0x2650];
	_ =	sdelay $0x1  }
0x3b4: {  	v39 =	vld [tilespmem:$0x2670]  }
0x3b5: {  	v12 =	vmul.f32 v12, v4;
	v13 =	vmul.f32 v37, v7;
	_ =	sdelay $0x1  }
0x3b6: {  	v40 =	vmul.f32 v38, v9;
	v12 =	vadd.f32 v13, v12;
	_ =	sdelay $0x1  }
0x3b7: {  	v41 =	vmul.f32 v39, v11;
	v12 =	vadd.f32 v40, v12;
	_ =	sdelay $0x1  }
0x3b8: {  	v12 =	vadd.f32 v41, v12  }
0x3b9: {  	s0 =	sadd.s32 s12, s3  }
0x3ba: {  	[tilespmem:s0+$0x0] =	vst v12  }
0x3bb: {  	v12 =	vld [tilespmem:$0x2680]  }
0x3bc: {  	v42 =	vld [tilespmem:$0x26A0];
	_ =	sdelay $0x1  }
0x3bd: {  	v43 =	vld [tilespmem:$0x26C0];
	_ =	sdelay $0x1  }
0x3be: {  	v44 =	vld [tilespmem:$0x26E0]  }
0x3bf: {  	v12 =	vmul.f32 v12, v5;
	v13 =	vmul.f32 v42, v6;
	_ =	sdelay $0x1  }
0x3c0: {  	v45 =	vmul.f32 v43, v8;
	v12 =	vadd.f32 v13, v12;
	_ =	sdelay $0x1  }
0x3c1: {  	s14 =	sld [smem:$0x7FC];
	v46 =	vmul.f32 v44, v10;
	v12 =	vadd.f32 v45, v12;
	_ =	sdelay $0x1  }
0x3c2: {  	v12 =	vadd.f32 v46, v12  }
0x3c3: {  	s28 =	sadd.s32 s11, s14  }
0x3c4: {  	[tilespmem:s28+$0x0] =	vst v12  }
0x3c5: {  	v12 =	vld [tilespmem:$0x2690]  }
0x3c6: {  	v47 =	vld [tilespmem:$0x26B0];
	_ =	sdelay $0x1  }
0x3c7: {  	v48 =	vld [tilespmem:$0x26D0];
	_ =	sdelay $0x1  }
0x3c8: {  	v49 =	vld [tilespmem:$0x26F0]  }
0x3c9: {  	v12 =	vmul.f32 v12, v4;
	v13 =	vmul.f32 v47, v7;
	_ =	sdelay $0x1  }
0x3ca: {  	v50 =	vmul.f32 v48, v9;
	v12 =	vadd.f32 v13, v12;
	_ =	sdelay $0x1  }
0x3cb: {  	v51 =	vmul.f32 v49, v11;
	v12 =	vadd.f32 v50, v12;
	_ =	sdelay $0x1  }
0x3cc: {  	v12 =	vadd.f32 v51, v12  }
0x3cd: {  	s2 =	sadd.s32 s12, s14  }
0x3ce: {  	[tilespmem:s2+$0x0] =	vst v12  }
0x3cf: {  	v12 =	vld [tilespmem:$0x2700]  }
0x3d0: {  	v52 =	vld [tilespmem:$0x2720];
	_ =	sdelay $0x1  }
0x3d1: {  	v53 =	vld [tilespmem:$0x2740];
	_ =	sdelay $0x1  }
0x3d2: {  	v54 =	vld [tilespmem:$0x2760]  }
0x3d3: {  	v12 =	vmul.f32 v12, v5;
	v13 =	vmul.f32 v52, v6;
	_ =	sdelay $0x1  }
0x3d4: {  	v55 =	vmul.f32 v53, v8;
	v12 =	vadd.f32 v13, v12;
	_ =	sdelay $0x1  }
0x3d5: {  	s3 =	sld [smem:$0x7FD];
	v56 =	vmul.f32 v54, v10;
	v12 =	vadd.f32 v55, v12;
	_ =	sdelay $0x1  }
0x3d6: {  	v12 =	vadd.f32 v56, v12  }
0x3d7: {  	s13 =	sadd.s32 s11, s3  }
0x3d8: {  	[tilespmem:s13+$0x0] =	vst v12  }
0x3d9: {  	v12 =	vld [tilespmem:$0x2710]  }
0x3da: {  	v57 =	vld [tilespmem:$0x2730];
	_ =	sdelay $0x1  }
0x3db: {  	v58 =	vld [tilespmem:$0x2750];
	_ =	sdelay $0x1  }
0x3dc: {  	v59 =	vld [tilespmem:$0x2770]  }
0x3dd: {  	v12 =	vmul.f32 v12, v4;
	v13 =	vmul.f32 v57, v7;
	_ =	sdelay $0x1  }
0x3de: {  	v60 =	vmul.f32 v58, v9;
	v12 =	vadd.f32 v13, v12;
	_ =	sdelay $0x1  }
0x3df: {  	v61 =	vmul.f32 v59, v11;
	v12 =	vadd.f32 v60, v12;
	_ =	sdelay $0x1  }
0x3e0: {  	v12 =	vadd.f32 v61, v12  }
0x3e1: {  	s14 =	sadd.s32 s12, s3  }
0x3e2: {  	[tilespmem:s14+$0x0] =	vst v12  }
0x3e3: {  	v12 =	vld [tilespmem:$0x2780]  }
0x3e4: {  	v62 =	vld [tilespmem:$0x27A0];
	_ =	sdelay $0x1  }
0x3e5: {  	v63 =	vld [tilespmem:$0x27C0];
	_ =	sdelay $0x1  }
0x3e6: {  	v18 =	vld [tilespmem:$0x27E0]  }
0x3e7: {  	v12 =	vmul.f32 v12, v5;
	v13 =	vmul.f32 v62, v6;
	_ =	sdelay $0x1  }
0x3e8: {  	v19 =	vmul.f32 v63, v8;
	v12 =	vadd.f32 v13, v12;
	_ =	sdelay $0x1  }
0x3e9: {  	v20 =	vmul.f32 v18, v10;
	v12 =	vadd.f32 v19, v12;
	_ =	sdelay $0x1  }
0x3ea: {  	v12 =	vadd.f32 v20, v12  }
0x3eb: {  	s28 =	sadd.s32 s11, s5  }
0x3ec: {  	[tilespmem:s28+$0x0] =	vst v12  }
0x3ed: {  	v12 =	vld [tilespmem:$0x2790]  }
0x3ee: {  	v21 =	vld [tilespmem:$0x27B0];
	_ =	sdelay $0x1  }
0x3ef: {  	v22 =	vld [tilespmem:$0x27D0];
	_ =	sdelay $0x1  }
0x3f0: {  	v23 =	vld [tilespmem:$0x27F0]  }
0x3f1: {  	v12 =	vmul.f32 v12, v4;
	v13 =	vmul.f32 v21, v7;
	_ =	sdelay $0x1  }
0x3f2: {  	v24 =	vmul.f32 v22, v9;
	v12 =	vadd.f32 v13, v12;
	_ =	sdelay $0x1  }
0x3f3: {  	v25 =	vmul.f32 v23, v11;
	v12 =	vadd.f32 v24, v12;
	_ =	sdelay $0x1  }
0x3f4: {  	v12 =	vadd.f32 v25, v12  }
0x3f5: {  	s1 =	sadd.s32 s12, s5  }
0x3f6: {  	[tilespmem:s1+$0x0] =	vst v12  }
0x3f7: {  	v12 =	vld [tilespmem:$0x2800]  }
0x3f8: {  	v26 =	vld [tilespmem:$0x2820];
	_ =	sdelay $0x1  }
0x3f9: {  	v27 =	vld [tilespmem:$0x2840];
	_ =	sdelay $0x1  }
0x3fa: {  	v28 =	vld [tilespmem:$0x2860]  }
0x3fb: {  	v12 =	vmul.f32 v12, v5;
	v13 =	vmul.f32 v26, v6;
	_ =	sdelay $0x1  }
0x3fc: {  	v29 =	vmul.f32 v27, v8;
	v12 =	vadd.f32 v13, v12;
	_ =	sdelay $0x1  }
0x3fd: {  	v30 =	vmul.f32 v28, v10;
	v12 =	vadd.f32 v29, v12;
	_ =	sdelay $0x1  }
0x3fe: {  	v12 =	vadd.f32 v30, v12  }
0x3ff: {  	s2 =	sadd.s32 s11, s7  }
0x400: {  	[tilespmem:s2+$0x0] =	vst v12  }
0x401: {  	v12 =	vld [tilespmem:$0x2810]  }
0x402: {  	v31 =	vld [tilespmem:$0x2830];
	_ =	sdelay $0x1  }
0x403: {  	v32 =	vld [tilespmem:$0x2850];
	_ =	sdelay $0x1  }
0x404: {  	v33 =	vld [tilespmem:$0x2870]  }
0x405: {  	v12 =	vmul.f32 v12, v4;
	v13 =	vmul.f32 v31, v7;
	_ =	sdelay $0x1  }
0x406: {  	v34 =	vmul.f32 v32, v9;
	v12 =	vadd.f32 v13, v12;
	_ =	sdelay $0x1  }
0x407: {  	v35 =	vmul.f32 v33, v11;
	v12 =	vadd.f32 v34, v12;
	_ =	sdelay $0x1  }
0x408: {  	v12 =	vadd.f32 v35, v12  }
0x409: {  	s3 =	sadd.s32 s12, s7  }
0x40a: {  	[tilespmem:s3+$0x0] =	vst v12  }
0x40b: {  	v12 =	vld [tilespmem:$0x2880]  }
0x40c: {  	v36 =	vld [tilespmem:$0x28A0];
	_ =	sdelay $0x1  }
0x40d: {  	v37 =	vld [tilespmem:$0x28C0];
	_ =	sdelay $0x1  }
0x40e: {  	v38 =	vld [tilespmem:$0x28E0]  }
0x40f: {  	v12 =	vmul.f32 v12, v5;
	v13 =	vmul.f32 v36, v6;
	_ =	sdelay $0x1  }
0x410: {  	v39 =	vmul.f32 v37, v8;
	v12 =	vadd.f32 v13, v12;
	_ =	sdelay $0x1  }
0x411: {  	v40 =	vmul.f32 v38, v10;
	v12 =	vadd.f32 v39, v12;
	_ =	sdelay $0x1  }
0x412: {  	v12 =	vadd.f32 v40, v12  }
0x413: {  	s5 =	sadd.s32 s11, s8  }
0x414: {  	[tilespmem:s5+$0x0] =	vst v12  }
0x415: {  	v12 =	vld [tilespmem:$0x2890]  }
0x416: {  	v41 =	vld [tilespmem:$0x28B0];
	_ =	sdelay $0x1  }
0x417: {  	v42 =	vld [tilespmem:$0x28D0];
	_ =	sdelay $0x1  }
0x418: {  	v43 =	vld [tilespmem:$0x28F0]  }
0x419: {  	v12 =	vmul.f32 v12, v4;
	v13 =	vmul.f32 v41, v7;
	_ =	sdelay $0x1  }
0x41a: {  	v44 =	vmul.f32 v42, v9;
	v12 =	vadd.f32 v13, v12;
	_ =	sdelay $0x1  }
0x41b: {  	v45 =	vmul.f32 v43, v11;
	v12 =	vadd.f32 v44, v12;
	_ =	sdelay $0x1  }
0x41c: {  	v12 =	vadd.f32 v45, v12  }
0x41d: {  	s7 =	sadd.s32 s12, s8  }
0x41e: {  	[tilespmem:s7+$0x0] =	vst v12  }
0x41f: {  	v12 =	vld [tilespmem:$0x2900]  }
0x420: {  	v46 =	vld [tilespmem:$0x2920];
	_ =	sdelay $0x1  }
0x421: {  	v47 =	vld [tilespmem:$0x2940];
	_ =	sdelay $0x1  }
0x422: {  	v48 =	vld [tilespmem:$0x2960]  }
0x423: {  	v12 =	vmul.f32 v12, v5;
	v13 =	vmul.f32 v46, v6;
	_ =	sdelay $0x1  }
0x424: {  	v49 =	vmul.f32 v47, v8;
	v12 =	vadd.f32 v13, v12;
	_ =	sdelay $0x1  }
0x425: {  	v50 =	vmul.f32 v48, v10;
	v12 =	vadd.f32 v49, v12;
	_ =	sdelay $0x1  }
0x426: {  	v12 =	vadd.f32 v50, v12  }
0x427: {  	s8 =	sadd.s32 s11, s9  }
0x428: {  	[tilespmem:s8+$0x0] =	vst v12  }
0x429: {  	v12 =	vld [tilespmem:$0x2910]  }
0x42a: {  	v51 =	vld [tilespmem:$0x2930];
	_ =	sdelay $0x1  }
0x42b: {  	v52 =	vld [tilespmem:$0x2950];
	_ =	sdelay $0x1  }
0x42c: {  	v53 =	vld [tilespmem:$0x2970]  }
0x42d: {  	v12 =	vmul.f32 v12, v4;
	v13 =	vmul.f32 v51, v7;
	_ =	sdelay $0x1  }
0x42e: {  	v54 =	vmul.f32 v52, v9;
	v12 =	vadd.f32 v13, v12;
	_ =	sdelay $0x1  }
0x42f: {  	v55 =	vmul.f32 v53, v11;
	v12 =	vadd.f32 v54, v12;
	_ =	sdelay $0x1  }
0x430: {  	v12 =	vadd.f32 v55, v12  }
0x431: {  	s13 =	sadd.s32 s12, s9  }
0x432: {  	[tilespmem:s13+$0x0] =	vst v12  }
0x433: {  	v12 =	vld [tilespmem:$0x2980]  }
0x434: {  	v56 =	vld [tilespmem:$0x29A0];
	_ =	sdelay $0x1  }
0x435: {  	v57 =	vld [tilespmem:$0x29C0];
	_ =	sdelay $0x1  }
0x436: {  	v58 =	vld [tilespmem:$0x29E0]  }
0x437: {  	v5 =	vmul.f32 v12, v5;
	v6 =	vmul.f32 v56, v6;
	_ =	sdelay $0x1  }
0x438: {  	v59 =	vmul.f32 v57, v8;
	v5 =	vadd.f32 v6, v5;
	_ =	sdelay $0x1  }
0x439: {  	v60 =	vmul.f32 v58, v10;
	v5 =	vadd.f32 v59, v5;
	_ =	sdelay $0x1  }
0x43a: {  	v5 =	vadd.f32 v60, v5  }
0x43b: {  	s14 =	sadd.s32 s11, s10  }
0x43c: {  	[tilespmem:s14+$0x0] =	vst v5  }
0x43d: {  	v5 =	vld [tilespmem:$0x2990]  }
0x43e: {  	v61 =	vld [tilespmem:$0x29B0];
	_ =	sdelay $0x1  }
0x43f: {  	v62 =	vld [tilespmem:$0x29D0];
	_ =	sdelay $0x1  }
0x440: {  	v63 =	vld [tilespmem:$0x29F0]  }
0x441: {  	v4 =	vmul.f32 v5, v4;
	v5 =	vmul.f32 v61, v7;
	_ =	sdelay $0x1  }
0x442: {  	v4 =	vadd.f32 v5, v4;
	v5 =	vmul.f32 v62, v9;
	_ =	sdelay $0x1  }
.Ltmp3:
0x443: {  	v4 =	vadd.f32 v5, v4;
	v5 =	vmul.f32 v63, v11;
	(pc) =	sbr.rel @p1 .LBB2_6-.Ltmp3, $4  }
0x444: {  	_ = 	snop  }
0x445: {  	v4 =	vadd.f32 v5, v4  }
0x446: {  	s28 =	sadd.s32 s12, s10  }
0x447: {  	[tilespmem:s28+$0x0] =	vst v4  }
0x448: {  	s0 =	sadd.s32 $0x80, s20;
	s1 =	simm.s32 $0x80;
	s2 =	simm.s32 $0x2000  }
0x449: {  	[tilespmem:s2], [sflag:$0x2] =	stream.indirect.gather [hbm4b:s15+s1], $0x1, s0, s1, $0xb8;
	[tilespmem:$0x5C00] =	vst v63  }
0x44a: {  	s15 =	simm.s32 $0x2080  }
0x44b: {  	[tilespmem:s15], [sflag:$0x2] =	stream.indirect.gather [hbm4b:s16+s1], $0x1, s0, s1, $0xb8;
	[tilespmem:$0x5C00] =	vst v63  }
0x44c: {  	s28 =	simm.s32 $0x2100  }
0x44d: {  	[tilespmem:s28], [sflag:$0x2] =	stream.indirect.gather [hbm4b:s18+s1], $0x1, s0, s1, $0xb8;
	[tilespmem:$0x5C00] =	vst v63  }
0x44e: {  	s3 =	simm.s32 $0x2180  }
0x44f: {  	[tilespmem:s3], [sflag:$0x2] =	stream.indirect.gather [hbm4b:s21+s1], $0x1, s0, s1, $0xb8;
	[tilespmem:$0x5C00] =	vst v63  }
0x450: {  	s5 =	simm.s32 $0x2200  }
0x451: {  	[tilespmem:s5], [sflag:$0x2] =	stream.indirect.gather [hbm4b:s19+s1], $0x1, s0, s1, $0xb8;
	[tilespmem:$0x5C00] =	vst v63  }
0x452: {  	s7 =	simm.s32 $0x2280  }
0x453: {  	[tilespmem:s7], [sflag:$0x2] =	stream.indirect.gather [hbm4b:s22+s1], $0x1, s0, s1, $0xb8;
	[tilespmem:$0x5C00] =	vst v63  }
0x454: {  	s8 =	simm.s32 $0x2300  }
0x455: {  	[tilespmem:s8], [sflag:$0x2] =	stream.indirect.gather [hbm4b:s24+s1], $0x1, s0, s1, $0xb8;
	[tilespmem:$0x5C00] =	vst v63  }
0x456: {  	s9 =	simm.s32 $0x2380  }
0x457: {  	[tilespmem:s9], [sflag:$0x2] =	stream.indirect.gather [hbm4b:s26+s1], $0x1, s0, s1, $0xb8;
	[tilespmem:$0x5C00] =	vst v63  }
0x458: {  	s10 =	simm.s32 $0x2400  }
0x459: {  	[tilespmem:s10], [sflag:$0x2] =	stream.indirect.gather [hbm4b:s25+s1], $0x1, s0, s1, $0xb8;
	[tilespmem:$0x5C00] =	vst v63  }
0x45a: {  	s11 =	simm.s32 $0x2480  }
0x45b: {  	[tilespmem:s11], [sflag:$0x2] =	stream.indirect.gather [hbm4b:s17+s1], $0x1, s0, s1, $0xb8;
	[tilespmem:$0x5C00] =	vst v63  }
0x45c: {  	s12 =	simm.s32 $0x2500  }
0x45d: {  	[tilespmem:s12], [sflag:$0x2] =	stream.indirect.gather [hbm4b:s29+s1], $0x1, s0, s1, $0xb8;
	[tilespmem:$0x5C00] =	vst v63  }
0x45e: {  	s13 =	simm.s32 $0x2580  }
0x45f: {  	[tilespmem:s13], [sflag:$0x2] =	stream.indirect.gather [hbm4b:s30+s1], $0x1, s0, s1, $0xb8;
	[tilespmem:$0x5C00] =	vst v63  }
0x460: {  	s14 =	simm.s32 $0x2600  }
0x461: {  	[tilespmem:s14], [sflag:$0x2] =	stream.indirect.gather [hbm4b:s6+s1], $0x1, s0, s1, $0xb8;
	[tilespmem:$0x5C00] =	vst v63  }
0x462: {  	s15 =	simm.s32 $0x2680  }
0x463: {  	[tilespmem:s15], [sflag:$0x2] =	stream.indirect.gather [hbm4b:s31+s1], $0x1, s0, s1, $0xb8;
	[tilespmem:$0x5C00] =	vst v63  }
0x464: {  	s16 =	simm.s32 $0x2700;
	s28 =	rddreg [dreg:$0xd]  }
0x465: {  	[tilespmem:s16], [sflag:$0x2] =	stream.indirect.gather [hbm4b:s4+s1], $0x1, s0, s1, $0xb8;
	[tilespmem:$0x5C00] =	vst v63  }
0x466: {  	s5 =	rddreg [dreg:$0xe];
	s17 =	simm.s32 $0x2780  }
0x467: {  	[tilespmem:s17], [sflag:$0x2] =	stream.indirect.gather [hbm4b:s5+s1], $0x1, s0, s1, $0xb8;
	[tilespmem:$0x5C00] =	vst v63  }
0x468: {  	s18 =	simm.s32 $0x2800;
	s19 =	rddreg [dreg:$0xf]  }
0x469: {  	[tilespmem:s18], [sflag:$0x2] =	stream.indirect.gather [hbm4b:s19+s1], $0x1, s0, s1, $0xb8;
	[tilespmem:$0x5C00] =	vst v63  }
0x46a: {  	s21 =	simm.s32 $0x2880;
	s22 =	rddreg [dreg:$0xb]  }
0x46b: {  	[tilespmem:s21], [sflag:$0x2] =	stream.indirect.gather [hbm4b:s22+s1], $0x1, s0, s1, $0xb8;
	[tilespmem:$0x5C00] =	vst v63  }
0x46c: {  	s24 =	simm.s32 $0x2900;
	s25 =	rddreg [dreg:$0xc]  }
0x46d: {  	[tilespmem:s24], [sflag:$0x2] =	stream.indirect.gather [hbm4b:s25+s1], $0x1, s0, s1, $0xb8;
	[tilespmem:$0x5C00] =	vst v63  }
0x46e: {  	s26 =	simm.s32 $0x2980;
	s29 =	rddreg [dreg:$0x1e]  }
0x46f: {  	[tilespmem:s26], [sflag:$0x2] =	stream.indirect.gather [hbm4b:s28+s1], $0x1, s0, s1, $0xb8;
	[tilespmem:$0x5C00] =	vst v63  }
.Ltmp4:
0x470: {  	s30 =	rddreg [dreg:$0x1d];
	(pc) =	sbr.rel .LBB2_4-.Ltmp4, $4  }
0x471: {  	s31 =	rddreg [dreg:$0x10];
	s0 =	sadd.s32 $0x200, s29  }
0x472: {  	[dreg:$0x1e] =	wrdreg s0;
	s0 =	sadd.s32 $0x2, s30  }
0x473: {  	p0 =	por !p0, !p0;
	[dreg:$0x1d] =	wrdreg s0;
	s0 =	sadd.s32 $0x40, s31  }
0x474: {  	s20 =	sadd.s32 $0x100, s20;
	s23 =	sadd.s32 $0x100, s23;
	[dreg:$0x10] =	wrdreg s0  }
.LBB2_7:
0x475: {  	_ =	sfence.sel $0x180000  }
0x476: {  	[bflag:$0x0] =	sbarrier.arrive $0xFFFF  }
0x477: {  	_ =	strace $0x90000047  }
0x478: {  	s0 =	stileid.u32;
	[bflag:$0x2] =	sbarrier.arrive $0xFFFF  }
0x479: {  	p0 =	sne.s32 s0, $0x0;
	s0 =	rddreg [dreg:$0x4]  }
0x47a: {  	s0 =	sadd.s32 @!p0 $0x100000, s0  }
0x47b: {  	[sflag:s0] =	ssyncadd.tile.s32 @!p0 $0x1;
	_ =	shalt  }
.Lfunc_end2:
_tile_overlayer_lowered:
.L_overlay_start_2:
0x47c: {  	(tag) =	ssettag $0x2  }
0x47d: {  	s0 =	rddreg [dreg:$0x0];
	s2 =	stileid.u32  }
0x47e: {  	s1 =	rddreg [dreg:$0x1];
	p0 =	sne.s32 s2, $0x0  }
0x47f: {  	s3 =	rddreg [dreg:$0x2];
	[bflag:$0x3] =	sbarrier.arrive $0xFFFF;
	s2 =	simm.s32 @!p0 $0x1C03  }
0x480: {  	[timem:s3], [sflag:s2] =	dma.local @!p0 [hbm:s0], s1  }
0x481: {  	s0 =	simm.s32 @!p0 $0x3  }
0x482: {  	_ =	swait.ge @!p0 [sflag:s0], s1  }
0x483: {  	s1 =	ssub.s32 @!p0 $0x0, s1;
	[sflag:s0] =	ssyncset.done @!p0 $0x0  }
0x484: {  	[sflag:s0] =	ssyncadd.s32 @!p0 s1  }
0x485: {  	[bflag:$0x3] =	sbarrier.arrive $0xFFFF  }
0x486: {  	_ =	shalt  }

</sc_bundles>
